<compile_context>
chip_gen: v7x
topology: tpu7x:2x2x1
jax: 0.10.2.dev20260603
libtpu: 0.0.44.dev20260713+nightly
codegen_flags: <defaults>
</compile_context>

<pallas_src>
import dataclasses
import functools

import jax
import jax.numpy as jnp
from jax import lax
from jax.experimental import pallas as pl
from jax.experimental.pallas import tpu as pltpu
from jax.experimental.pallas import tpu_sc as plsc

B, S, D = 1, 2048, 768
E, K = 16, 2
H = 3072
HC = 768
T = S * B
P = K * T
BLK = 256
NPAD = 8192
NB = NPAD // BLK

_VMESH = plsc.VectorSubcoreMesh(core_axis_name="c", subcore_axis_name="s")

_SC_PARAMS = pltpu.CompilerParams()
if "needs_layout_passes" in pltpu.CompilerParams.__dataclass_fields__:
    _SC_PARAMS = dataclasses.replace(_SC_PARAMS, needs_layout_passes=False)



def _gate_kernel(x_ref, wg_ref, e1_ref, e2_ref, p1_ref, p2_ref, aux_ref,
                 xb_ref):
    xb = x_ref[...].astype(jnp.bfloat16)
    xb_ref[...] = xb
    wgb = wg_ref[...].astype(jnp.bfloat16)
    logits = lax.dot_general(
        wgb, xb, (((1,), (1,)), ((), ())),
        preferred_element_type=jnp.float32)
    m = jnp.max(logits, axis=0, keepdims=True)
    ex = jnp.exp(logits - m)
    probs = ex / jnp.sum(ex, axis=0, keepdims=True)

    row = lax.broadcasted_iota(jnp.int32, probs.shape, 0)
    m1 = jnp.max(probs, axis=0, keepdims=True)
    e1 = jnp.min(jnp.where(probs == m1, row, E), axis=0, keepdims=True)
    probs2 = jnp.where(row == e1, -1.0, probs)
    m2 = jnp.max(probs2, axis=0, keepdims=True)
    e2 = jnp.min(jnp.where(probs2 == m2, row, E), axis=0, keepdims=True)

    denom = m1 + m2
    e1_ref[...] = e1
    e2_ref[...] = e2
    p1_ref[...] = m1 / denom
    p2_ref[...] = m2 / denom

    t = jnp.float32(probs.shape[1])
    mean_prob = jnp.sum(probs, axis=1, keepdims=True) / t
    ind = (probs > m2).astype(jnp.float32)
    mean_ind = jnp.sum(ind, axis=1, keepdims=True) / t
    aux_ref[...] = jnp.sum(mean_prob * mean_ind, keepdims=True).reshape(1, 1) * E



def _route_kernel(eall_hbm, pall_hbm, rt_hbm, pos_hbm, blk_hbm, rowp_hbm,
                  evv, rankv, posv, tokv, pvv, cntv, zv, zvf, bev, camat,
                  basev, shared_counts, dma_sem):
    cid = lax.axis_index("c")
    tid = lax.axis_index("s")
    CH = P // 16
    L = 16

    @pl.when(cid == 0)
    def _():
        base = tid * CH
        pltpu.sync_copy(eall_hbm.at[pl.ds(base, CH)], evv)
        pltpu.sync_copy(pall_hbm.at[pl.ds(base, 128)], pvv.at[0])
        pltpu.sync_copy(pall_hbm.at[pl.ds(base + 128, 128)], pvv.at[1])
        cntv[...] = jnp.zeros((E,), jnp.int32)

        @pl.loop(0, CH // L)
        def _(i):
            v = evv[pl.ds(i * L, L)]
            chunk_base = plsc.load_gather(cntv, [v])
            r = jnp.zeros((L,), jnp.int32)
            hist = jnp.zeros((E,), jnp.int32)
            lane = lax.iota(jnp.int32, L)
            for e in range(E):
                mi = (v == e).astype(jnp.int32)
                cs = plsc.cumsum(mi)
                r = jnp.where(v == e, cs - 1, r)
                hist = jnp.where(lane == e, jnp.sum(mi), hist)
            rankv[pl.ds(i * L, L)] = chunk_base + r
            cntv[...] = cntv[...] + hist

        pltpu.sync_copy(cntv, shared_counts.at[tid])
        @pl.loop(0, NPAD // 16 // 16)
        def _(i):
            zv[pl.ds(i * 16, 16)] = jnp.zeros((16,), jnp.int32)
            zvf[pl.ds(i * 16, 16)] = jnp.zeros((16,), jnp.float32)
        pltpu.sync_copy(zv, rt_hbm.at[pl.ds(tid * (NPAD // 16), NPAD // 16)])
        pltpu.sync_copy(
            zvf, rowp_hbm.at[pl.ds(tid * (NPAD // 16), NPAD // 16)])

        plsc.subcore_barrier()
        pltpu.sync_copy(shared_counts, camat)

        tot = jnp.zeros((E,), jnp.int32)
        pre = jnp.zeros((E,), jnp.int32)
        for k in range(16):
            row = camat[k, :]
            tot = tot + row
            pre = pre + jnp.where(jnp.full((E,), k) < tid, row, 0)
        padded = ((tot + (BLK - 1)) >> 8) << 8
        start = plsc.cumsum(padded) - padded
        basev[...] = start + pre

        @pl.loop(0, CH // L)
        def _(i):
            v = evv[pl.ds(i * L, L)]
            pos = plsc.load_gather(basev, [v]) + rankv[pl.ds(i * L, L)]
            j = i >> 3
            col = (i & 7) * L
            posv[j, pl.ds(col, L)] = pos
            tokv[j, pl.ds(col, L)] = (base + i * L + lax.iota(jnp.int32, L)) & (T - 1)

        pltpu.sync_copy(posv, pos_hbm.at[pl.ds(2 * tid, 2)])
        for j in range(2):
            pltpu.async_copy(tokv.at[j], rt_hbm.at[posv.at[j]], dma_sem).wait()
            pltpu.async_copy(pvv.at[j], rowp_hbm.at[posv.at[j]], dma_sem).wait()

        @pl.when(tid == 0)
        def _():
            end = start + padded
            for kv in range(NB // 16):
                bpos = (lax.iota(jnp.int32, L) + kv * L) * BLK
                ans = jnp.zeros((L,), jnp.int32)
                for e in range(E):
                    hit = jnp.logical_and(bpos >= start[e], bpos < end[e])
                    ans = jnp.where(hit, e, ans)
                bev[pl.ds(kv * L, L)] = ans
            pltpu.sync_copy(bev, blk_hbm)



def _dispatch_kernel(x_hbm, rt2d_hbm, xs_hbm, idxv, buf, dma_sem):
    w = lax.axis_index("s") * 2 + lax.axis_index("c")
    pltpu.sync_copy(rt2d_hbm.at[pl.ds(w, 1)], idxv)
    pltpu.async_copy(x_hbm.at[idxv.at[0]], buf, dma_sem).wait()
    pltpu.sync_copy(buf, xs_hbm.at[pl.ds(w * 128, 128)])



def _ffn_kernel(blk_ref, xs_ref, w1_ref, b1_ref, w2_ref, b2_ref, rowp_ref,
                ys_ref):
    xb = xs_ref[...].astype(jnp.bfloat16)
    acc = jnp.zeros((BLK, D), jnp.float32)
    for hc in range(H // HC):
        w1c = w1_ref[0, hc * HC:(hc + 1) * HC, :]
        h = lax.dot_general(xb, w1c, (((1,), (1,)), ((), ())),
                            preferred_element_type=jnp.float32)
        h = h + b1_ref[0, 0, hc * HC:(hc + 1) * HC][None, :]
        h = jnp.maximum(h, 0.0).astype(jnp.bfloat16)
        w2c = w2_ref[0, :, hc * HC:(hc + 1) * HC]
        acc = acc + lax.dot_general(h, w2c, (((1,), (1,)), ((), ())),
                                    preferred_element_type=jnp.float32)
    ys_ref[...] = (acc + b2_ref[0, 0, :][None, :]) * rowp_ref[0, 0, :][:, None]



def _combine_kernel(ys_hbm, pos_hbm, out_hbm, idxv, r1, r2, ob, dma_sem):
    w = lax.axis_index("s") * 2 + lax.axis_index("c")
    for k in range(2):
        tb = w * 64 + k * 32
        pltpu.sync_copy(pos_hbm.at[pl.ds(tb, 32)], idxv.at[0])
        pltpu.sync_copy(pos_hbm.at[pl.ds(T + tb, 32)], idxv.at[1])
        pltpu.async_copy(ys_hbm.at[idxv.at[0]], r1, dma_sem).wait()
        pltpu.async_copy(ys_hbm.at[idxv.at[1]], r2, dma_sem).wait()

        @pl.loop(0, 32)
        def _(i):
            for c in range(D // 16):
                sl = pl.ds(c * 16, 16)
                ob[i, sl] = r1[i, sl] + r2[i, sl]

        pltpu.sync_copy(ob, out_hbm.at[pl.ds(tb, 32)])



def kernel(x, Wg, W1, b1, W2, b2):
    x_flat = x.reshape(T, D)

    e1, e2, p1, p2, aux, xb = pl.pallas_call(
        _gate_kernel,
        out_shape=(
            jax.ShapeDtypeStruct((1, T), jnp.int32),
            jax.ShapeDtypeStruct((1, T), jnp.int32),
            jax.ShapeDtypeStruct((1, T), jnp.float32),
            jax.ShapeDtypeStruct((1, T), jnp.float32),
            jax.ShapeDtypeStruct((1, 1), jnp.float32),
            jax.ShapeDtypeStruct((T, D), jnp.bfloat16),
        ),
    )(x_flat, Wg)

    eall = jnp.concatenate([e1.reshape(T), e2.reshape(T)])
    pall = jnp.concatenate([p1.reshape(T), p2.reshape(T)])

    cnt = jnp.zeros((E,), jnp.int32).at[eall].add(1)
    padded = (cnt + (BLK - 1)) // BLK * BLK
    startp = jnp.cumsum(padded) - padded
    startu = jnp.cumsum(cnt) - cnt
    order = jnp.argsort(eall, stable=True).astype(jnp.int32)
    se = eall[order]
    slot = startp[se] + (jnp.arange(P, dtype=jnp.int32) - startu[se])
    rt = jnp.zeros((NPAD,), jnp.int32).at[slot].set(order & (T - 1))
    rowp = jnp.zeros((NPAD,), jnp.float32).at[slot].set(pall[order])
    pos = jnp.zeros((P,), jnp.int32).at[order].set(slot)
    bpos = jnp.arange(NB, dtype=jnp.int32) * BLK
    ends = jnp.cumsum(padded)
    blk_e = jnp.minimum(
        jnp.searchsorted(ends, bpos, side="right"), E - 1).astype(jnp.int32)

    w1_bf = W1.astype(jnp.bfloat16)
    w2_bf = W2.astype(jnp.bfloat16)
    NH = NPAD // 2
    NBH = NB // 2

    dispatch = pl.kernel(
        _dispatch_kernel,
        out_type=jax.ShapeDtypeStruct((NH, D), jnp.float32),
        mesh=_VMESH,
        scratch_types=[
            pltpu.VMEM((1, 128), jnp.int32),
            pltpu.VMEM((128, D), jnp.float32),
            pltpu.SemaphoreType.DMA,
        ],
    )

    grid_spec = pltpu.PrefetchScalarGridSpec(
        num_scalar_prefetch=1,
        grid=(NBH,),
        in_specs=[
            pl.BlockSpec((BLK, D), lambda b, s: (b, 0)),
            pl.BlockSpec((1, H, D), lambda b, s: (s[b], 0, 0)),
            pl.BlockSpec((1, 1, H), lambda b, s: (s[b], 0, 0)),
            pl.BlockSpec((1, D, H), lambda b, s: (s[b], 0, 0)),
            pl.BlockSpec((1, 1, D), lambda b, s: (s[b], 0, 0)),
            pl.BlockSpec((1, 1, BLK), lambda b, s: (b, 0, 0)),
        ],
        out_specs=pl.BlockSpec((BLK, D), lambda b, s: (b, 0)),
    )
    rt2d = rt.reshape(NPAD // 128, 128)
    b1r = b1.reshape(E, 1, H)
    b2r = b2.reshape(E, 1, D)
    rowpr = rowp.reshape(NB, 1, BLK)

    ys_halves = []
    for h in range(2):
        xs_h = dispatch(x_flat, rt2d[h * (NH // 128):(h + 1) * (NH // 128)])
        ys_h = pl.pallas_call(
            _ffn_kernel,
            grid_spec=grid_spec,
            out_shape=jax.ShapeDtypeStruct((NH, D), jnp.float32),
        )(blk_e[h * NBH:(h + 1) * NBH], xs_h, w1_bf, b1r, w2_bf, b2r,
          rowpr[h * NBH:(h + 1) * NBH])
        ys_halves.append(ys_h)
    ys = jnp.concatenate(ys_halves)

    combine = pl.kernel(
        _combine_kernel,
        out_type=jax.ShapeDtypeStruct((T, D), jnp.float32),
        mesh=_VMESH,
        scratch_types=[
            pltpu.VMEM((2, 32), jnp.int32),
            pltpu.VMEM((32, D), jnp.float32),
            pltpu.VMEM((32, D), jnp.float32),
            pltpu.VMEM((32, D), jnp.float32),
            pltpu.SemaphoreType.DMA,
        ],
    )
    out = combine(ys, pos.reshape(P))

    return out.reshape(B, S, D), aux[0, 0]

# --- scband reference (transcript-rebuilt; emitter-appended) ---
"""Pipeline reference for scband-mo-elayer-20830591386389 (READ-ONLY COPY).

The authoritative reference and input builder live on the scoring server;
editing this copy changes nothing except your own understanding.
"""

import jax, jax.numpy as jnp
import numpy as np

B, S, D = 1, 2048, 768
E, K = 16, 2
H = 3072  # input_dim * mlp_ratio (4.0)


def setup_inputs(seed: int = 0) -> dict:
    key = jax.random.key(seed)
    ks = jax.random.split(key, 5)
    x = jax.random.normal(ks[0], (B, S, D), dtype=jnp.float32)
    # gate: nn.Linear(D, E, bias=False) -> weight [E, D]
    Wg = jax.random.normal(ks[1], (E, D), dtype=jnp.float32) * 0.05
    # experts: Linear(D,H) -> W1 [E,H,D], b1 [E,H]; Linear(H,D) -> W2 [E,D,H], b2 [E,D]
    W1 = jax.random.normal(ks[2], (E, H, D), dtype=jnp.float32) * 0.02
    b1 = jnp.zeros((E, H), dtype=jnp.float32)
    W2 = jax.random.normal(ks[3], (E, D, H), dtype=jnp.float32) * 0.02
    b2 = jnp.zeros((E, D), dtype=jnp.float32)
    return {"x": x, "Wg": Wg, "W1": W1, "b1": b1, "W2": W2, "b2": b2}


def _moe_forward(x, Wg, W1, b1, W2, b2):
    Bs, Ss, Ds = x.shape
    x_flat = x.reshape(-1, Ds)
    T = x_flat.shape[0]
    gate_logits = x_flat @ Wg.T
    gate_probs = jax.nn.softmax(gate_logits, axis=-1)
    topk_probs, topk_indices = jax.lax.top_k(gate_probs, K)
    topk_probs = topk_probs / jnp.sum(topk_probs, axis=-1, keepdims=True)
    # combine weights [T, E]: equivalent to the torch per-expert masked loop
    combine = jnp.zeros((T, E), dtype=x_flat.dtype)
    for i in range(K):
        combine = combine + topk_probs[:, i:i + 1] * jax.nn.one_hot(topk_indices[:, i], E, dtype=x_flat.dtype)
    # expert computation (dropout is identity in eval mode)
    output = jnp.zeros_like(x_flat)
    for e in range(E):
        h = jax.nn.relu(x_flat @ W1[e].T + b1[e])
        y = h @ W2[e].T + b2[e]
        output = output + combine[:, e:e + 1] * y
    # aux load-balancing loss
    mean_prob = gate_probs.mean(axis=0)
    kth_val = jax.lax.top_k(gate_probs, K)[0][:, -1:]
    mean_prob_topk = (gate_probs > kth_val).astype(jnp.float32).mean(axis=0)
    aux_loss = jnp.sum(mean_prob * mean_prob_topk) * E
    return output.reshape(Bs, Ss, Ds), aux_loss


def reference(x, Wg, W1, b1, W2, b2):
    return _moe_forward(x, Wg, W1, b1, W2, b2)

if __name__ == "__main__":
    import jax
    _d = setup_inputs()
    print(jax.jit(kernel)(*tuple(_d.values())))

</pallas_src>

<mosaic_0001>
#map = affine_map<(d0, d1) -> (0, 0)>
module attributes {stable_mosaic.version = 14 : i64} {
  func.func @_dispatch_kernel(%arg0: i32, %arg1: i32, %arg2: memref<2048x768xf32, #tpu.memory_space<hbm>>, %arg3: memref<32x128xi32, #tpu.memory_space<hbm>>, %arg4: memref<4096x768xf32, #tpu.memory_space<hbm>>, %arg5: memref<1x128xi32, #tpu.memory_space<vmem>>, %arg6: memref<128x768xf32, #tpu.memory_space<vmem>>, %arg7: memref<!tpu.dma_semaphore, #tpu.memory_space<semaphore_mem>>) attributes {dimension_semantics = [#tpu.dimension_semantics<core_parallel>, #tpu.dimension_semantics<subcore_parallel>], iteration_bounds = array<i64: 2, 16>, scalar_prefetch = 0 : i64, scratch_operands = 3 : i64, tpu.core_type = #tpu.core_type<sc_vector_subcore>, window_params = [{transform_indices = #map}, {transform_indices = #map}, {transform_indices = #map}]} {
    %mul3A = arith.constant 2 : i32
    %mul3A_0 = arith.muli %arg1, %mul3A : i32
    %add3A = arith.addi %mul3A_0, %arg0 : i32
    "tpu.region"() ({
      %run_scoped3A = tpu.sem_alloc : memref<!tpu.dma_semaphore, #tpu.memory_space<semaphore_mem>>
      %dma_start3A_15 = arith.constant 0 : i32
      %dma_start3A_16 = tpu.memref_slice %arg3[%add3A, %dma_start3A_15] : memref<32x128xi32, #tpu.memory_space<hbm>> -> memref<1x128xi32, #tpu.memory_space<hbm>>
      %dma_start3A_17 = arith.constant 0 : i32
      %dma_start3A_18 = tpu.memref_slice %arg3[%add3A, %dma_start3A_17] : memref<32x128xi32, #tpu.memory_space<hbm>> -> memref<1x128xi32, #tpu.memory_space<hbm>>
      tpu.enqueue_dma source(%dma_start3A_18 : memref<1x128xi32, #tpu.memory_space<hbm>>) target(%arg5 : memref<1x128xi32, #tpu.memory_space<vmem>>) target_semaphore(%run_scoped3A : memref<!tpu.dma_semaphore, #tpu.memory_space<semaphore_mem>>)
      %dma_wait3A_19 = arith.constant 0 : i32
      %dma_wait3A_20 = tpu.memref_slice %arg3[%add3A, %dma_wait3A_19] : memref<32x128xi32, #tpu.memory_space<hbm>> -> memref<1x128xi32, #tpu.memory_space<hbm>>
      %dma_wait3A_21 = arith.constant 0 : i32
      %dma_wait3A_22 = tpu.memref_slice %arg3[%add3A, %dma_wait3A_21] : memref<32x128xi32, #tpu.memory_space<hbm>> -> memref<1x128xi32, #tpu.memory_space<hbm>>
      tpu.wait_dma2 semaphore(%run_scoped3A : memref<!tpu.dma_semaphore, #tpu.memory_space<semaphore_mem>>) src(%dma_wait3A_22 : memref<1x128xi32, #tpu.memory_space<hbm>>) dst(%arg5 : memref<1x128xi32, #tpu.memory_space<vmem>>)
      tpu.yield
    }) : () -> ()
    %dma_start3A = arith.constant 0 : i32
    %dma_start3A_1 = arith.constant 0 : i32
    %dma_start3A_2 = tpu.memref_slice %arg5[%dma_start3A, %dma_start3A_1] : memref<1x128xi32, #tpu.memory_space<vmem>> -> memref<1x128xi32, #tpu.memory_space<vmem>>
    %dma_start3A_3 = tpu.memref_squeeze %dma_start3A_2 : memref<1x128xi32, #tpu.memory_space<vmem>> -> memref<128xi32, #tpu.memory_space<vmem>>
    %dma_start3A_4 = arith.constant 0 : i32
    %dma_start3A_5 = arith.constant 0 : i32
    %dma_start3A_6 = tpu.memref_slice %arg2[%dma_start3A_4, %dma_start3A_5] : memref<2048x768xf32, #tpu.memory_space<hbm>> -> memref<2048x768xf32, #tpu.memory_space<hbm>>
    tpu.enqueue_indirect_dma source(%dma_start3A_6 : memref<2048x768xf32, #tpu.memory_space<hbm>>) target(%arg6 : memref<128x768xf32, #tpu.memory_space<vmem>>) offsets(%dma_start3A_3 : memref<128xi32, #tpu.memory_space<vmem>>) semaphore(%arg7 : memref<!tpu.dma_semaphore, #tpu.memory_space<semaphore_mem>>)
    %dma_wait3A = arith.constant 0 : i32
    %dma_wait3A_7 = arith.constant 0 : i32
    %dma_wait3A_8 = tpu.memref_slice %arg5[%dma_wait3A, %dma_wait3A_7] : memref<1x128xi32, #tpu.memory_space<vmem>> -> memref<1x128xi32, #tpu.memory_space<vmem>>
    %dma_wait3A_9 = tpu.memref_squeeze %dma_wait3A_8 : memref<1x128xi32, #tpu.memory_space<vmem>> -> memref<128xi32, #tpu.memory_space<vmem>>
    %dma_wait3A_10 = arith.constant 0 : i32
    %dma_wait3A_11 = arith.constant 0 : i32
    %dma_wait3A_12 = tpu.memref_slice %arg2[%dma_wait3A_10, %dma_wait3A_11] : memref<2048x768xf32, #tpu.memory_space<hbm>> -> memref<2048x768xf32, #tpu.memory_space<hbm>>
    tpu.wait_indirect_dma semaphore(%arg7 : memref<!tpu.dma_semaphore, #tpu.memory_space<semaphore_mem>>) src(%dma_wait3A_12 : memref<2048x768xf32, #tpu.memory_space<hbm>>) dst(%arg6 : memref<128x768xf32, #tpu.memory_space<vmem>>)
    %mul3A_13 = arith.constant 128 : i32
    %mul3A_14 = arith.muli %add3A, %mul3A_13 : i32
    "tpu.region"() ({
      %run_scoped3A = tpu.sem_alloc : memref<!tpu.dma_semaphore, #tpu.memory_space<semaphore_mem>>
      %dma_start3A_15 = arith.constant 0 : i32
      %dma_start3A_16 = tpu.memref_slice %arg4[%mul3A_14, %dma_start3A_15] : memref<4096x768xf32, #tpu.memory_space<hbm>> -> memref<128x768xf32, #tpu.memory_space<hbm>>
      %dma_start3A_17 = arith.constant 0 : i32
      %dma_start3A_18 = tpu.memref_slice %arg4[%mul3A_14, %dma_start3A_17] : memref<4096x768xf32, #tpu.memory_space<hbm>> -> memref<128x768xf32, #tpu.memory_space<hbm>>
      tpu.enqueue_dma source(%arg6 : memref<128x768xf32, #tpu.memory_space<vmem>>) target(%dma_start3A_18 : memref<128x768xf32, #tpu.memory_space<hbm>>) target_semaphore(%run_scoped3A : memref<!tpu.dma_semaphore, #tpu.memory_space<semaphore_mem>>)
      %dma_wait3A_19 = arith.constant 0 : i32
      %dma_wait3A_20 = tpu.memref_slice %arg4[%mul3A_14, %dma_wait3A_19] : memref<4096x768xf32, #tpu.memory_space<hbm>> -> memref<128x768xf32, #tpu.memory_space<hbm>>
      %dma_wait3A_21 = arith.constant 0 : i32
      %dma_wait3A_22 = tpu.memref_slice %arg4[%mul3A_14, %dma_wait3A_21] : memref<4096x768xf32, #tpu.memory_space<hbm>> -> memref<128x768xf32, #tpu.memory_space<hbm>>
      tpu.wait_dma2 semaphore(%run_scoped3A : memref<!tpu.dma_semaphore, #tpu.memory_space<semaphore_mem>>) src(%arg6 : memref<128x768xf32, #tpu.memory_space<vmem>>) dst(%dma_wait3A_22 : memref<128x768xf32, #tpu.memory_space<hbm>>)
      tpu.yield
    }) : () -> ()
    return
  }
}

#map = affine_map<(d0, d1) -> (0, 0)>
#map1 = affine_map<(d0, d1) -> (0)>
module attributes {stable_mosaic.version = 14 : i64} {
  func.func @_combine_kernel(%arg0: i32, %arg1: i32, %arg2: memref<8192x768xf32, #tpu.memory_space<hbm>>, %arg3: memref<4096xi32, #tpu.memory_space<hbm>>, %arg4: memref<2048x768xf32, #tpu.memory_space<hbm>>, %arg5: memref<2x32xi32, #tpu.memory_space<vmem>>, %arg6: memref<32x768xf32, #tpu.memory_space<vmem>>, %arg7: memref<32x768xf32, #tpu.memory_space<vmem>>, %arg8: memref<32x768xf32, #tpu.memory_space<vmem>>, %arg9: memref<!tpu.dma_semaphore, #tpu.memory_space<semaphore_mem>>) attributes {dimension_semantics = [#tpu.dimension_semantics<core_parallel>, #tpu.dimension_semantics<subcore_parallel>], iteration_bounds = array<i64: 2, 16>, scalar_prefetch = 0 : i64, scratch_operands = 5 : i64, tpu.core_type = #tpu.core_type<sc_vector_subcore>, window_params = [{transform_indices = #map}, {transform_indices = #map1}, {transform_indices = #map}]} {
    %mul3A = arith.constant 2 : i32
    %mul3A_0 = arith.muli %arg1, %mul3A : i32
    %add3A = arith.addi %mul3A_0, %arg0 : i32
    %mul3A_1 = arith.constant 64 : i32
    %mul3A_2 = arith.muli %add3A, %mul3A_1 : i32
    %add3A_3 = arith.constant 0 : i32
    %add3A_4 = arith.addi %mul3A_2, %add3A_3 : i32
    %run_scoped3A = arith.constant 0 : i32
    "tpu.region"() ({
      %run_scoped3A_79 = tpu.sem_alloc : memref<!tpu.dma_semaphore, #tpu.memory_space<semaphore_mem>>
      %dma_start3A_80 = arith.constant 0 : i32
      %dma_start3A_81 = tpu.memref_slice %arg5[%run_scoped3A, %dma_start3A_80] : memref<2x32xi32, #tpu.memory_space<vmem>> -> memref<1x32xi32, #tpu.memory_space<vmem>>
      %dma_start3A_82 = tpu.memref_squeeze %dma_start3A_81 : memref<1x32xi32, #tpu.memory_space<vmem>> -> memref<32xi32, #tpu.memory_space<vmem>>
      %dma_start3A_83 = tpu.memref_slice %arg3[%add3A_4] : memref<4096xi32, #tpu.memory_space<hbm>> -> memref<32xi32, #tpu.memory_space<hbm>>
      %dma_start3A_84 = arith.constant 0 : i32
      %dma_start3A_85 = tpu.memref_slice %arg5[%run_scoped3A, %dma_start3A_84] : memref<2x32xi32, #tpu.memory_space<vmem>> -> memref<1x32xi32, #tpu.memory_space<vmem>>
      %dma_start3A_86 = tpu.memref_squeeze %dma_start3A_85 : memref<1x32xi32, #tpu.memory_space<vmem>> -> memref<32xi32, #tpu.memory_space<vmem>>
      %dma_start3A_87 = tpu.memref_slice %arg3[%add3A_4] : memref<4096xi32, #tpu.memory_space<hbm>> -> memref<32xi32, #tpu.memory_space<hbm>>
      tpu.enqueue_dma source(%dma_start3A_87 : memref<32xi32, #tpu.memory_space<hbm>>) target(%dma_start3A_86 : memref<32xi32, #tpu.memory_space<vmem>>) target_semaphore(%run_scoped3A_79 : memref<!tpu.dma_semaphore, #tpu.memory_space<semaphore_mem>>)
      %dma_wait3A_88 = arith.constant 0 : i32
      %dma_wait3A_89 = tpu.memref_slice %arg5[%run_scoped3A, %dma_wait3A_88] : memref<2x32xi32, #tpu.memory_space<vmem>> -> memref<1x32xi32, #tpu.memory_space<vmem>>
      %dma_wait3A_90 = tpu.memref_squeeze %dma_wait3A_89 : memref<1x32xi32, #tpu.memory_space<vmem>> -> memref<32xi32, #tpu.memory_space<vmem>>
      %dma_wait3A_91 = tpu.memref_slice %arg3[%add3A_4] : memref<4096xi32, #tpu.memory_space<hbm>> -> memref<32xi32, #tpu.memory_space<hbm>>
      %dma_wait3A_92 = arith.constant 0 : i32
      %dma_wait3A_93 = tpu.memref_slice %arg5[%run_scoped3A, %dma_wait3A_92] : memref<2x32xi32, #tpu.memory_space<vmem>> -> memref<1x32xi32, #tpu.memory_space<vmem>>
      %dma_wait3A_94 = tpu.memref_squeeze %dma_wait3A_93 : memref<1x32xi32, #tpu.memory_space<vmem>> -> memref<32xi32, #tpu.memory_space<vmem>>
      %dma_wait3A_95 = tpu.memref_slice %arg3[%add3A_4] : memref<4096xi32, #tpu.memory_space<hbm>> -> memref<32xi32, #tpu.memory_space<hbm>>
      tpu.wait_dma2 semaphore(%run_scoped3A_79 : memref<!tpu.dma_semaphore, #tpu.memory_space<semaphore_mem>>) src(%dma_wait3A_95 : memref<32xi32, #tpu.memory_space<hbm>>) dst(%dma_wait3A_94 : memref<32xi32, #tpu.memory_space<vmem>>)
      tpu.yield
    }) : () -> ()
    %add3A_5 = arith.constant 2048 : i32
    %add3A_6 = arith.addi %add3A_5, %add3A_4 : i32
    %run_scoped3A_7 = arith.constant 1 : i32
    "tpu.region"() ({
      %run_scoped3A_79 = tpu.sem_alloc : memref<!tpu.dma_semaphore, #tpu.memory_space<semaphore_mem>>
      %dma_start3A_80 = arith.constant 0 : i32
      %dma_start3A_81 = tpu.memref_slice %arg5[%run_scoped3A_7, %dma_start3A_80] : memref<2x32xi32, #tpu.memory_space<vmem>> -> memref<1x32xi32, #tpu.memory_space<vmem>>
      %dma_start3A_82 = tpu.memref_squeeze %dma_start3A_81 : memref<1x32xi32, #tpu.memory_space<vmem>> -> memref<32xi32, #tpu.memory_space<vmem>>
      %dma_start3A_83 = tpu.memref_slice %arg3[%add3A_6] : memref<4096xi32, #tpu.memory_space<hbm>> -> memref<32xi32, #tpu.memory_space<hbm>>
      %dma_start3A_84 = arith.constant 0 : i32
      %dma_start3A_85 = tpu.memref_slice %arg5[%run_scoped3A_7, %dma_start3A_84] : memref<2x32xi32, #tpu.memory_space<vmem>> -> memref<1x32xi32, #tpu.memory_space<vmem>>
      %dma_start3A_86 = tpu.memref_squeeze %dma_start3A_85 : memref<1x32xi32, #tpu.memory_space<vmem>> -> memref<32xi32, #tpu.memory_space<vmem>>
      %dma_start3A_87 = tpu.memref_slice %arg3[%add3A_6] : memref<4096xi32, #tpu.memory_space<hbm>> -> memref<32xi32, #tpu.memory_space<hbm>>
      tpu.enqueue_dma source(%dma_start3A_87 : memref<32xi32, #tpu.memory_space<hbm>>) target(%dma_start3A_86 : memref<32xi32, #tpu.memory_space<vmem>>) target_semaphore(%run_scoped3A_79 : memref<!tpu.dma_semaphore, #tpu.memory_space<semaphore_mem>>)
      %dma_wait3A_88 = arith.constant 0 : i32
      %dma_wait3A_89 = tpu.memref_slice %arg5[%run_scoped3A_7, %dma_wait3A_88] : memref<2x32xi32, #tpu.memory_space<vmem>> -> memref<1x32xi32, #tpu.memory_space<vmem>>
      %dma_wait3A_90 = tpu.memref_squeeze %dma_wait3A_89 : memref<1x32xi32, #tpu.memory_space<vmem>> -> memref<32xi32, #tpu.memory_space<vmem>>
      %dma_wait3A_91 = tpu.memref_slice %arg3[%add3A_6] : memref<4096xi32, #tpu.memory_space<hbm>> -> memref<32xi32, #tpu.memory_space<hbm>>
      %dma_wait3A_92 = arith.constant 0 : i32
      %dma_wait3A_93 = tpu.memref_slice %arg5[%run_scoped3A_7, %dma_wait3A_92] : memref<2x32xi32, #tpu.memory_space<vmem>> -> memref<1x32xi32, #tpu.memory_space<vmem>>
      %dma_wait3A_94 = tpu.memref_squeeze %dma_wait3A_93 : memref<1x32xi32, #tpu.memory_space<vmem>> -> memref<32xi32, #tpu.memory_space<vmem>>
      %dma_wait3A_95 = tpu.memref_slice %arg3[%add3A_6] : memref<4096xi32, #tpu.memory_space<hbm>> -> memref<32xi32, #tpu.memory_space<hbm>>
      tpu.wait_dma2 semaphore(%run_scoped3A_79 : memref<!tpu.dma_semaphore, #tpu.memory_space<semaphore_mem>>) src(%dma_wait3A_95 : memref<32xi32, #tpu.memory_space<hbm>>) dst(%dma_wait3A_94 : memref<32xi32, #tpu.memory_space<vmem>>)
      tpu.yield
    }) : () -> ()
    %dma_start3A = arith.constant 0 : i32
    %dma_start3A_8 = arith.constant 0 : i32
    %dma_start3A_9 = tpu.memref_slice %arg5[%dma_start3A, %dma_start3A_8] : memref<2x32xi32, #tpu.memory_space<vmem>> -> memref<1x32xi32, #tpu.memory_space<vmem>>
    %dma_start3A_10 = tpu.memref_squeeze %dma_start3A_9 : memref<1x32xi32, #tpu.memory_space<vmem>> -> memref<32xi32, #tpu.memory_space<vmem>>
    %dma_start3A_11 = arith.constant 0 : i32
    %dma_start3A_12 = arith.constant 0 : i32
    %dma_start3A_13 = tpu.memref_slice %arg2[%dma_start3A_11, %dma_start3A_12] : memref<8192x768xf32, #tpu.memory_space<hbm>> -> memref<8192x768xf32, #tpu.memory_space<hbm>>
    tpu.enqueue_indirect_dma source(%dma_start3A_13 : memref<8192x768xf32, #tpu.memory_space<hbm>>) target(%arg6 : memref<32x768xf32, #tpu.memory_space<vmem>>) offsets(%dma_start3A_10 : memref<32xi32, #tpu.memory_space<vmem>>) semaphore(%arg9 : memref<!tpu.dma_semaphore, #tpu.memory_space<semaphore_mem>>)
    %dma_wait3A = arith.constant 0 : i32
    %dma_wait3A_14 = arith.constant 0 : i32
    %dma_wait3A_15 = tpu.memref_slice %arg5[%dma_wait3A, %dma_wait3A_14] : memref<2x32xi32, #tpu.memory_space<vmem>> -> memref<1x32xi32, #tpu.memory_space<vmem>>
    %dma_wait3A_16 = tpu.memref_squeeze %dma_wait3A_15 : memref<1x32xi32, #tpu.memory_space<vmem>> -> memref<32xi32, #tpu.memory_space<vmem>>
    %dma_wait3A_17 = arith.constant 0 : i32
    %dma_wait3A_18 = arith.constant 0 : i32
    %dma_wait3A_19 = tpu.memref_slice %arg2[%dma_wait3A_17, %dma_wait3A_18] : memref<8192x768xf32, #tpu.memory_space<hbm>> -> memref<8192x768xf32, #tpu.memory_space<hbm>>
    tpu.wait_indirect_dma semaphore(%arg9 : memref<!tpu.dma_semaphore, #tpu.memory_space<semaphore_mem>>) src(%dma_wait3A_19 : memref<8192x768xf32, #tpu.memory_space<hbm>>) dst(%arg6 : memref<32x768xf32, #tpu.memory_space<vmem>>)
    %dma_start3A_20 = arith.constant 1 : i32
    %dma_start3A_21 = arith.constant 0 : i32
    %dma_start3A_22 = tpu.memref_slice %arg5[%dma_start3A_20, %dma_start3A_21] : memref<2x32xi32, #tpu.memory_space<vmem>> -> memref<1x32xi32, #tpu.memory_space<vmem>>
    %dma_start3A_23 = tpu.memref_squeeze %dma_start3A_22 : memref<1x32xi32, #tpu.memory_space<vmem>> -> memref<32xi32, #tpu.memory_space<vmem>>
    %dma_start3A_24 = arith.constant 0 : i32
    %dma_start3A_25 = arith.constant 0 : i32
    %dma_start3A_26 = tpu.memref_slice %arg2[%dma_start3A_24, %dma_start3A_25] : memref<8192x768xf32, #tpu.memory_space<hbm>> -> memref<8192x768xf32, #tpu.memory_space<hbm>>
    tpu.enqueue_indirect_dma source(%dma_start3A_26 : memref<8192x768xf32, #tpu.memory_space<hbm>>) target(%arg7 : memref<32x768xf32, #tpu.memory_space<vmem>>) offsets(%dma_start3A_23 : memref<32xi32, #tpu.memory_space<vmem>>) semaphore(%arg9 : memref<!tpu.dma_semaphore, #tpu.memory_space<semaphore_mem>>)
    %dma_wait3A_27 = arith.constant 1 : i32
    %dma_wait3A_28 = arith.constant 0 : i32
    %dma_wait3A_29 = tpu.memref_slice %arg5[%dma_wait3A_27, %dma_wait3A_28] : memref<2x32xi32, #tpu.memory_space<vmem>> -> memref<1x32xi32, #tpu.memory_space<vmem>>
    %dma_wait3A_30 = tpu.memref_squeeze %dma_wait3A_29 : memref<1x32xi32, #tpu.memory_space<vmem>> -> memref<32xi32, #tpu.memory_space<vmem>>
    %dma_wait3A_31 = arith.constant 0 : i32
    %dma_wait3A_32 = arith.constant 0 : i32
    %dma_wait3A_33 = tpu.memref_slice %arg2[%dma_wait3A_31, %dma_wait3A_32] : memref<8192x768xf32, #tpu.memory_space<hbm>> -> memref<8192x768xf32, #tpu.memory_space<hbm>>
    tpu.wait_indirect_dma semaphore(%arg9 : memref<!tpu.dma_semaphore, #tpu.memory_space<semaphore_mem>>) src(%dma_wait3A_33 : memref<8192x768xf32, #tpu.memory_space<hbm>>) dst(%arg7 : memref<32x768xf32, #tpu.memory_space<vmem>>)
    %scan3A = arith.constant 0 : i32
    %scan3A_34 = arith.constant 32 : i32
    %scan3A_35 = arith.addi %scan3A, %scan3A_34 : i32
    %scan3A_36 = arith.constant 1 : i32
    scf.for %scan3A_79 = %scan3A to %scan3A_35 step %scan3A_36  : i32 {
      %mul3A_80 = arith.constant 1 : i32
      %mul3A_81 = arith.muli %scan3A_79, %mul3A_80 : i32
      %add3A_82 = arith.constant 0 : i32
      %add3A_83 = arith.addi %add3A_82, %mul3A_81 : i32
      %get3A = arith.index_cast %add3A_83 : i32 to index
      %get3A_84 = arith.constant 0 : index
      %get3A_85 = tpu.vector_load %arg6[%get3A, %get3A_84] {strides = array<i32>} : memref<32x768xf32, #tpu.memory_space<vmem>>, vector<1x16xf32>,
      %get3A_86 = vector.shape_cast %get3A_85 : vector<1x16xf32> to vector<16xf32>
      %get3A_87 = arith.index_cast %add3A_83 : i32 to index
      %get3A_88 = arith.constant 0 : index
      %get3A_89 = tpu.vector_load %arg7[%get3A_87, %get3A_88] {strides = array<i32>} : memref<32x768xf32, #tpu.memory_space<vmem>>, vector<1x16xf32>,
      %get3A_90 = vector.shape_cast %get3A_89 : vector<1x16xf32> to vector<16xf32>
      %add3A_91 = arith.addf %get3A_86, %get3A_90 : vector<16xf32>
      %swap3A = arith.index_cast %add3A_83 : i32 to index
      %swap3A_92 = arith.constant 0 : index
      %swap3A_93 = tpu.vector_load %arg8[%swap3A, %swap3A_92] {strides = array<i32>} : memref<32x768xf32, #tpu.memory_space<vmem>>, vector<1x16xf32>,
      %swap3A_94 = vector.shape_cast %swap3A_93 : vector<1x16xf32> to vector<16xf32>
      %swap3A_95 = vector.shape_cast %add3A_91 : vector<16xf32> to vector<1x16xf32>
      tpu.vector_store %arg8[%swap3A, %swap3A_92], %swap3A_95 {strides = array<i32>} : memref<32x768xf32, #tpu.memory_space<vmem>>, vector<1x16xf32>,
      %get3A_96 = arith.index_cast %add3A_83 : i32 to index
      %get3A_97 = arith.constant 16 : index
      %get3A_98 = tpu.vector_load %arg6[%get3A_96, %get3A_97] {strides = array<i32>} : memref<32x768xf32, #tpu.memory_space<vmem>>, vector<1x16xf32>,
      %get3A_99 = vector.shape_cast %get3A_98 : vector<1x16xf32> to vector<16xf32>
      %get3A_100 = arith.index_cast %add3A_83 : i32 to index
      %get3A_101 = arith.constant 16 : index
      %get3A_102 = tpu.vector_load %arg7[%get3A_100, %get3A_101] {strides = array<i32>} : memref<32x768xf32, #tpu.memory_space<vmem>>, vector<1x16xf32>,
      %get3A_103 = vector.shape_cast %get3A_102 : vector<1x16xf32> to vector<16xf32>
      %add3A_104 = arith.addf %get3A_99, %get3A_103 : vector<16xf32>
      %swap3A_105 = arith.index_cast %add3A_83 : i32 to index
      %swap3A_106 = arith.constant 16 : index
      %swap3A_107 = tpu.vector_load %arg8[%swap3A_105, %swap3A_106] {strides = array<i32>} : memref<32x768xf32, #tpu.memory_space<vmem>>, vector<1x16xf32>,
      %swap3A_108 = vector.shape_cast %swap3A_107 : vector<1x16xf32> to vector<16xf32>
      %swap3A_109 = vector.shape_cast %add3A_104 : vector<16xf32> to vector<1x16xf32>
      tpu.vector_store %arg8[%swap3A_105, %swap3A_106], %swap3A_109 {strides = array<i32>} : memref<32x768xf32, #tpu.memory_space<vmem>>, vector<1x16xf32>,
      %get3A_110 = arith.index_cast %add3A_83 : i32 to index
      %get3A_111 = arith.constant 32 : index
      %get3A_112 = tpu.vector_load %arg6[%get3A_110, %get3A_111] {strides = array<i32>} : memref<32x768xf32, #tpu.memory_space<vmem>>, vector<1x16xf32>,
      %get3A_113 = vector.shape_cast %get3A_112 : vector<1x16xf32> to vector<16xf32>
      %get3A_114 = arith.index_cast %add3A_83 : i32 to index
      %get3A_115 = arith.constant 32 : index
      %get3A_116 = tpu.vector_load %arg7[%get3A_114, %get3A_115] {strides = array<i32>} : memref<32x768xf32, #tpu.memory_space<vmem>>, vector<1x16xf32>,
      %get3A_117 = vector.shape_cast %get3A_116 : vector<1x16xf32> to vector<16xf32>
      %add3A_118 = arith.addf %get3A_113, %get3A_117 : vector<16xf32>
      %swap3A_119 = arith.index_cast %add3A_83 : i32 to index
      %swap3A_120 = arith.constant 32 : index
      %swap3A_121 = tpu.vector_load %arg8[%swap3A_119, %swap3A_120] {strides = array<i32>} : memref<32x768xf32, #tpu.memory_space<vmem>>, vector<1x16xf32>,
      %swap3A_122 = vector.shape_cast %swap3A_121 : vector<1x16xf32> to vector<16xf32>
      %swap3A_123 = vector.shape_cast %add3A_118 : vector<16xf32> to vector<1x16xf32>
      tpu.vector_store %arg8[%swap3A_119, %swap3A_120], %swap3A_123 {strides = array<i32>} : memref<32x768xf32, #tpu.memory_space<vmem>>, vector<1x16xf32>,
      %get3A_124 = arith.index_cast %add3A_83 : i32 to index
      %get3A_125 = arith.constant 48 : index
      %get3A_126 = tpu.vector_load %arg6[%get3A_124, %get3A_125] {strides = array<i32>} : memref<32x768xf32, #tpu.memory_space<vmem>>, vector<1x16xf32>,
      %get3A_127 = vector.shape_cast %get3A_126 : vector<1x16xf32> to vector<16xf32>
      %get3A_128 = arith.index_cast %add3A_83 : i32 to index
      %get3A_129 = arith.constant 48 : index
      %get3A_130 = tpu.vector_load %arg7[%get3A_128, %get3A_129] {strides = array<i32>} : memref<32x768xf32, #tpu.memory_space<vmem>>, vector<1x16xf32>,
      %get3A_131 = vector.shape_cast %get3A_130 : vector<1x16xf32> to vector<16xf32>
      %add3A_132 = arith.addf %get3A_127, %get3A_131 : vector<16xf32>
      %swap3A_133 = arith.index_cast %add3A_83 : i32 to index
      %swap3A_134 = arith.constant 48 : index
      %swap3A_135 = tpu.vector_load %arg8[%swap3A_133, %swap3A_134] {strides = array<i32>} : memref<32x768xf32, #tpu.memory_space<vmem>>, vector<1x16xf32>,
      %swap3A_136 = vector.shape_cast %swap3A_135 : vector<1x16xf32> to vector<16xf32>
      %swap3A_137 = vector.shape_cast %add3A_132 : vector<16xf32> to vector<1x16xf32>
      tpu.vector_store %arg8[%swap3A_133, %swap3A_134], %swap3A_137 {strides = array<i32>} : memref<32x768xf32, #tpu.memory_space<vmem>>, vector<1x16xf32>,
      %get3A_138 = arith.index_cast %add3A_83 : i32 to index
      %get3A_139 = arith.constant 64 : index
      %get3A_140 = tpu.vector_load %arg6[%get3A_138, %get3A_139] {strides = array<i32>} : memref<32x768xf32, #tpu.memory_space<vmem>>, vector<1x16xf32>,
      %get3A_141 = vector.shape_cast %get3A_140 : vector<1x16xf32> to vector<16xf32>
      %get3A_142 = arith.index_cast %add3A_83 : i32 to index
      %get3A_143 = arith.constant 64 : index
      %get3A_144 = tpu.vector_load %arg7[%get3A_142, %get3A_143] {strides = array<i32>} : memref<32x768xf32, #tpu.memory_space<vmem>>, vector<1x16xf32>,
      %get3A_145 = vector.shape_cast %get3A_144 : vector<1x16xf32> to vector<16xf32>
      %add3A_146 = arith.addf %get3A_141, %get3A_145 : vector<16xf32>
      %swap3A_147 = arith.index_cast %add3A_83 : i32 to index
      %swap3A_148 = arith.constant 64 : index
      %swap3A_149 = tpu.vector_load %arg8[%swap3A_147, %swap3A_148] {strides = array<i32>} : memref<32x768xf32, #tpu.memory_space<vmem>>, vector<1x16xf32>,
      %swap3A_150 = vector.shape_cast %swap3A_149 : vector<1x16xf32> to vector<16xf32>
      %swap3A_151 = vector.shape_cast %add3A_146 : vector<16xf32> to vector<1x16xf32>
      tpu.vector_store %arg8[%swap3A_147, %swap3A_148], %swap3A_151 {strides = array<i32>} : memref<32x768xf32, #tpu.memory_space<vmem>>, vector<1x16xf32>,
      %get3A_152 = arith.index_cast %add3A_83 : i32 to index
      %get3A_153 = arith.constant 80 : index
      %get3A_154 = tpu.vector_load %arg6[%get3A_152, %get3A_153] {strides = array<i32>} : memref<32x768xf32, #tpu.memory_space<vmem>>, vector<1x16xf32>,
      %get3A_155 = vector.shape_cast %get3A_154 : vector<1x16xf32> to vector<16xf32>
      %get3A_156 = arith.index_cast %add3A_83 : i32 to index
      %get3A_157 = arith.constant 80 : index
      %get3A_158 = tpu.vector_load %arg7[%get3A_156, %get3A_157] {strides = array<i32>} : memref<32x768xf32, #tpu.memory_space<vmem>>, vector<1x16xf32>,
      %get3A_159 = vector.shape_cast %get3A_158 : vector<1x16xf32> to vector<16xf32>
      %add3A_160 = arith.addf %get3A_155, %get3A_159 : vector<16xf32>
      %swap3A_161 = arith.index_cast %add3A_83 : i32 to index
      %swap3A_162 = arith.constant 80 : index
      %swap3A_163 = tpu.vector_load %arg8[%swap3A_161, %swap3A_162] {strides = array<i32>} : memref<32x768xf32, #tpu.memory_space<vmem>>, vector<1x16xf32>,
      %swap3A_164 = vector.shape_cast %swap3A_163 : vector<1x16xf32> to vector<16xf32>
      %swap3A_165 = vector.shape_cast %add3A_160 : vector<16xf32> to vector<1x16xf32>
      tpu.vector_store %arg8[%swap3A_161, %swap3A_162], %swap3A_165 {strides = array<i32>} : memref<32x768xf32, #tpu.memory_space<vmem>>, vector<1x16xf32>,
      %get3A_166 = arith.index_cast %add3A_83 : i32 to index
      %get3A_167 = arith.constant 96 : index
      %get3A_168 = tpu.vector_load %arg6[%get3A_166, %get3A_167] {strides = array<i32>} : memref<32x768xf32, #tpu.memory_space<vmem>>, vector<1x16xf32>,
      %get3A_169 = vector.shape_cast %get3A_168 : vector<1x16xf32> to vector<16xf32>
      %get3A_170 = arith.index_cast %add3A_83 : i32 to index
      %get3A_171 = arith.constant 96 : index
      %get3A_172 = tpu.vector_load %arg7[%get3A_170, %get3A_171] {strides = array<i32>} : memref<32x768xf32, #tpu.memory_space<vmem>>, vector<1x16xf32>,
      %get3A_173 = vector.shape_cast %get3A_172 : vector<1x16xf32> to vector<16xf32>
      %add3A_174 = arith.addf %get3A_169, %get3A_173 : vector<16xf32>
      %swap3A_175 = arith.index_cast %add3A_83 : i32 to index
      %swap3A_176 = arith.constant 96 : index
      %swap3A_177 = tpu.vector_load %arg8[%swap3A_175, %swap3A_176] {strides = array<i32>} : memref<32x768xf32, #tpu.memory_space<vmem>>, vector<1x16xf32>,
      %swap3A_178 = vector.shape_cast %swap3A_177 : vector<1x16xf32> to vector<16xf32>
      %swap3A_179 = vector.shape_cast %add3A_174 : vector<16xf32> to vector<1x16xf32>
      tpu.vector_store %arg8[%swap3A_175, %swap3A_176], %swap3A_179 {strides = array<i32>} : memref<32x768xf32, #tpu.memory_space<vmem>>, vector<1x16xf32>,
      %get3A_180 = arith.index_cast %add3A_83 : i32 to index
      %get3A_181 = arith.constant 112 : index
      %get3A_182 = tpu.vector_load %arg6[%get3A_180, %get3A_181] {strides = array<i32>} : memref<32x768xf32, #tpu.memory_space<vmem>>, vector<1x16xf32>,
      %get3A_183 = vector.shape_cast %get3A_182 : vector<1x16xf32> to vector<16xf32>
      %get3A_184 = arith.index_cast %add3A_83 : i32 to index
      %get3A_185 = arith.constant 112 : index
      %get3A_186 = tpu.vector_load %arg7[%get3A_184, %get3A_185] {strides = array<i32>} : memref<32x768xf32, #tpu.memory_space<vmem>>, vector<1x16xf32>,
      %get3A_187 = vector.shape_cast %get3A_186 : vector<1x16xf32> to vector<16xf32>
      %add3A_188 = arith.addf %get3A_183, %get3A_187 : vector<16xf32>
      %swap3A_189 = arith.index_cast %add3A_83 : i32 to index
      %swap3A_190 = arith.constant 112 : index
      %swap3A_191 = tpu.vector_load %arg8[%swap3A_189, %swap3A_190] {strides = array<i32>} : memref<32x768xf32, #tpu.memory_space<vmem>>, vector<1x16xf32>,
      %swap3A_192 = vector.shape_cast %swap3A_191 : vector<1x16xf32> to vector<16xf32>
      %swap3A_193 = vector.shape_cast %add3A_188 : vector<16xf32> to vector<1x16xf32>
      tpu.vector_store %arg8[%swap3A_189, %swap3A_190], %swap3A_193 {strides = array<i32>} : memref<32x768xf32, #tpu.memory_space<vmem>>, vector<1x16xf32>,
      %get3A_194 = arith.index_cast %add3A_83 : i32 to index
      %get3A_195 = arith.constant 128 : index
      %get3A_196 = tpu.vector_load %arg6[%get3A_194, %get3A_195] {strides = array<i32>} : memref<32x768xf32, #tpu.memory_space<vmem>>, vector<1x16xf32>,
      %get3A_197 = vector.shape_cast %get3A_196 : vector<1x16xf32> to vector<16xf32>
      %get3A_198 = arith.index_cast %add3A_83 : i32 to index
      %get3A_199 = arith.constant 128 : index
      %get3A_200 = tpu.vector_load %arg7[%get3A_198, %get3A_199] {strides = array<i32>} : memref<32x768xf32, #tpu.memory_space<vmem>>, vector<1x16xf32>,
      %get3A_201 = vector.shape_cast %get3A_200 : vector<1x16xf32> to vector<16xf32>
      %add3A_202 = arith.addf %get3A_197, %get3A_201 : vector<16xf32>
      %swap3A_203 = arith.index_cast %add3A_83 : i32 to index
      %swap3A_204 = arith.constant 128 : index
      %swap3A_205 = tpu.vector_load %arg8[%swap3A_203, %swap3A_204] {strides = array<i32>} : memref<32x768xf32, #tpu.memory_space<vmem>>, vector<1x16xf32>,
      %swap3A_206 = vector.shape_cast %swap3A_205 : vector<1x16xf32> to vector<16xf32>
      %swap3A_207 = vector.shape_cast %add3A_202 : vector<16xf32> to vector<1x16xf32>
      tpu.vector_store %arg8[%swap3A_203, %swap3A_204], %swap3A_207 {strides = array<i32>} : memref<32x768xf32, #tpu.memory_space<vmem>>, vector<1x16xf32>,
      %get3A_208 = arith.index_cast %add3A_83 : i32 to index
      %get3A_209 = arith.constant 144 : index
      %get3A_210 = tpu.vector_load %arg6[%get3A_208, %get3A_209] {strides = array<i32>} : memref<32x768xf32, #tpu.memory_space<vmem>>, vector<1x16xf32>,
      %get3A_211 = vector.shape_cast %get3A_210 : vector<1x16xf32> to vector<16xf32>
      %get3A_212 = arith.index_cast %add3A_83 : i32 to index
      %get3A_213 = arith.constant 144 : index
      %get3A_214 = tpu.vector_load %arg7[%get3A_212, %get3A_213] {strides = array<i32>} : memref<32x768xf32, #tpu.memory_space<vmem>>, vector<1x16xf32>,
      %get3A_215 = vector.shape_cast %get3A_214 : vector<1x16xf32> to vector<16xf32>
      %add3A_216 = arith.addf %get3A_211, %get3A_215 : vector<16xf32>
      %swap3A_217 = arith.index_cast %add3A_83 : i32 to index
      %swap3A_218 = arith.constant 144 : index
      %swap3A_219 = tpu.vector_load %arg8[%swap3A_217, %swap3A_218] {strides = array<i32>} : memref<32x768xf32, #tpu.memory_space<vmem>>, vector<1x16xf32>,
      %swap3A_220 = vector.shape_cast %swap3A_219 : vector<1x16xf32> to vector<16xf32>
      %swap3A_221 = vector.shape_cast %add3A_216 : vector<16xf32> to vector<1x16xf32>
      tpu.vector_store %arg8[%swap3A_217, %swap3A_218], %swap3A_221 {strides = array<i32>} : memref<32x768xf32, #tpu.memory_space<vmem>>, vector<1x16xf32>,
      %get3A_222 = arith.index_cast %add3A_83 : i32 to index
      %get3A_223 = arith.constant 160 : index
      %get3A_224 = tpu.vector_load %arg6[%get3A_222, %get3A_223] {strides = array<i32>} : memref<32x768xf32, #tpu.memory_space<vmem>>, vector<1x16xf32>,
      %get3A_225 = vector.shape_cast %get3A_224 : vector<1x16xf32> to vector<16xf32>
      %get3A_226 = arith.index_cast %add3A_83 : i32 to index
      %get3A_227 = arith.constant 160 : index
      %get3A_228 = tpu.vector_load %arg7[%get3A_226, %get3A_227] {strides = array<i32>} : memref<32x768xf32, #tpu.memory_space<vmem>>, vector<1x16xf32>,
      %get3A_229 = vector.shape_cast %get3A_228 : vector<1x16xf32> to vector<16xf32>
      %add3A_230 = arith.addf %get3A_225, %get3A_229 : vector<16xf32>
      %swap3A_231 = arith.index_cast %add3A_83 : i32 to index
      %swap3A_232 = arith.constant 160 : index
      %swap3A_233 = tpu.vector_load %arg8[%swap3A_231, %swap3A_232] {strides = array<i32>} : memref<32x768xf32, #tpu.memory_space<vmem>>, vector<1x16xf32>,
      %swap3A_234 = vector.shape_cast %swap3A_233 : vector<1x16xf32> to vector<16xf32>
      %swap3A_235 = vector.shape_cast %add3A_230 : vector<16xf32> to vector<1x16xf32>
      tpu.vector_store %arg8[%swap3A_231, %swap3A_232], %swap3A_235 {strides = array<i32>} : memref<32x768xf32, #tpu.memory_space<vmem>>, vector<1x16xf32>,
      %get3A_236 = arith.index_cast %add3A_83 : i32 to index
      %get3A_237 = arith.constant 176 : index
      %get3A_238 = tpu.vector_load %arg6[%get3A_236, %get3A_237] {strides = array<i32>} : memref<32x768xf32, #tpu.memory_space<vmem>>, vector<1x16xf32>,
      %get3A_239 = vector.shape_cast %get3A_238 : vector<1x16xf32> to vector<16xf32>
      %get3A_240 = arith.index_cast %add3A_83 : i32 to index
      %get3A_241 = arith.constant 176 : index
      %get3A_242 = tpu.vector_load %arg7[%get3A_240, %get3A_241] {strides = array<i32>} : memref<32x768xf32, #tpu.memory_space<vmem>>, vector<1x16xf32>,
      %get3A_243 = vector.shape_cast %get3A_242 : vector<1x16xf32> to vector<16xf32>
      %add3A_244 = arith.addf %get3A_239, %get3A_243 : vector<16xf32>
      %swap3A_245 = arith.index_cast %add3A_83 : i32 to index
      %swap3A_246 = arith.constant 176 : index
      %swap3A_247 = tpu.vector_load %arg8[%swap3A_245, %swap3A_246] {strides = array<i32>} : memref<32x768xf32, #tpu.memory_space<vmem>>, vector<1x16xf32>,
      %swap3A_248 = vector.shape_cast %swap3A_247 : vector<1x16xf32> to vector<16xf32>
      %swap3A_249 = vector.shape_cast %add3A_244 : vector<16xf32> to vector<1x16xf32>
      tpu.vector_store %arg8[%swap3A_245, %swap3A_246], %swap3A_249 {strides = array<i32>} : memref<32x768xf32, #tpu.memory_space<vmem>>, vector<1x16xf32>,
      %get3A_250 = arith.index_cast %add3A_83 : i32 to index
      %get3A_251 = arith.constant 192 : index
      %get3A_252 = tpu.vector_load %arg6[%get3A_250, %get3A_251] {strides = array<i32>} : memref<32x768xf32, #tpu.memory_space<vmem>>, vector<1x16xf32>,
      %get3A_253 = vector.shape_cast %get3A_252 : vector<1x16xf32> to vector<16xf32>
      %get3A_254 = arith.index_cast %add3A_83 : i32 to index
      %get3A_255 = arith.constant 192 : index
      %get3A_256 = tpu.vector_load %arg7[%get3A_254, %get3A_255] {strides = array<i32>} : memref<32x768xf32, #tpu.memory_space<vmem>>, vector<1x16xf32>,
      %get3A_257 = vector.shape_cast %get3A_256 : vector<1x16xf32> to vector<16xf32>
      %add3A_258 = arith.addf %get3A_253, %get3A_257 : vector<16xf32>
      %swap3A_259 = arith.index_cast %add3A_83 : i32 to index
      %swap3A_260 = arith.constant 192 : index
      %swap3A_261 = tpu.vector_load %arg8[%swap3A_259, %swap3A_260] {strides = array<i32>} : memref<32x768xf32, #tpu.memory_space<vmem>>, vector<1x16xf32>,
      %swap3A_262 = vector.shape_cast %swap3A_261 : vector<1x16xf32> to vector<16xf32>
      %swap3A_263 = vector.shape_cast %add3A_258 : vector<16xf32> to vector<1x16xf32>
      tpu.vector_store %arg8[%swap3A_259, %swap3A_260], %swap3A_263 {strides = array<i32>} : memref<32x768xf32, #tpu.memory_space<vmem>>, vector<1x16xf32>,
      %get3A_264 = arith.index_cast %add3A_83 : i32 to index
      %get3A_265 = arith.constant 208 : index
      %get3A_266 = tpu.vector_load %arg6[%get3A_264, %get3A_265] {strides = array<i32>} : memref<32x768xf32, #tpu.memory_space<vmem>>, vector<1x16xf32>,
      %get3A_267 = vector.shape_cast %get3A_266 : vector<1x16xf32> to vector<16xf32>
      %get3A_268 = arith.index_cast %add3A_83 : i32 to index
      %get3A_269 = arith.constant 208 : index
      %get3A_270 = tpu.vector_load %arg7[%get3A_268, %get3A_269] {strides = array<i32>} : memref<32x768xf32, #tpu.memory_space<vmem>>, vector<1x16xf32>,
      %get3A_271 = vector.shape_cast %get3A_270 : vector<1x16xf32> to vector<16xf32>
      %add3A_272 = arith.addf %get3A_267, %get3A_271 : vector<16xf32>
      %swap3A_273 = arith.index_cast %add3A_83 : i32 to index
      %swap3A_274 = arith.constant 208 : index
      %swap3A_275 = tpu.vector_load %arg8[%swap3A_273, %swap3A_274] {strides = array<i32>} : memref<32x768xf32, #tpu.memory_space<vmem>>, vector<1x16xf32>,
      %swap3A_276 = vector.shape_cast %swap3A_275 : vector<1x16xf32> to vector<16xf32>
      %swap3A_277 = vector.shape_cast %add3A_272 : vector<16xf32> to vector<1x16xf32>
      tpu.vector_store %arg8[%swap3A_273, %swap3A_274], %swap3A_277 {strides = array<i32>} : memref<32x768xf32, #tpu.memory_space<vmem>>, vector<1x16xf32>,
      %get3A_278 = arith.index_cast %add3A_83 : i32 to index
      %get3A_279 = arith.constant 224 : index
      %get3A_280 = tpu.vector_load %arg6[%get3A_278, %get3A_279] {strides = array<i32>} : memref<32x768xf32, #tpu.memory_space<vmem>>, vector<1x16xf32>,
      %get3A_281 = vector.shape_cast %get3A_280 : vector<1x16xf32> to vector<16xf32>
      %get3A_282 = arith.index_cast %add3A_83 : i32 to index
      %get3A_283 = arith.constant 224 : index
      %get3A_284 = tpu.vector_load %arg7[%get3A_282, %get3A_283] {strides = array<i32>} : memref<32x768xf32, #tpu.memory_space<vmem>>, vector<1x16xf32>,
      %get3A_285 = vector.shape_cast %get3A_284 : vector<1x16xf32> to vector<16xf32>
      %add3A_286 = arith.addf %get3A_281, %get3A_285 : vector<16xf32>
      %swap3A_287 = arith.index_cast %add3A_83 : i32 to index
      %swap3A_288 = arith.constant 224 : index
      %swap3A_289 = tpu.vector_load %arg8[%swap3A_287, %swap3A_288] {strides = array<i32>} : memref<32x768xf32, #tpu.memory_space<vmem>>, vector<1x16xf32>,
      %swap3A_290 = vector.shape_cast %swap3A_289 : vector<1x16xf32> to vector<16xf32>
      %swap3A_291 = vector.shape_cast %add3A_286 : vector<16xf32> to vector<1x16xf32>
      tpu.vector_store %arg8[%swap3A_287, %swap3A_288], %swap3A_291 {strides = array<i32>} : memref<32x768xf32, #tpu.memory_space<vmem>>, vector<1x16xf32>,
      %get3A_292 = arith.index_cast %add3A_83 : i32 to index
      %get3A_293 = arith.constant 240 : index
      %get3A_294 = tpu.vector_load %arg6[%get3A_292, %get3A_293] {strides = array<i32>} : memref<32x768xf32, #tpu.memory_space<vmem>>, vector<1x16xf32>,
      %get3A_295 = vector.shape_cast %get3A_294 : vector<1x16xf32> to vector<16xf32>
      %get3A_296 = arith.index_cast %add3A_83 : i32 to index
      %get3A_297 = arith.constant 240 : index
      %get3A_298 = tpu.vector_load %arg7[%get3A_296, %get3A_297] {strides = array<i32>} : memref<32x768xf32, #tpu.memory_space<vmem>>, vector<1x16xf32>,
      %get3A_299 = vector.shape_cast %get3A_298 : vector<1x16xf32> to vector<16xf32>
      %add3A_300 = arith.addf %get3A_295, %get3A_299 : vector<16xf32>
      %swap3A_301 = arith.index_cast %add3A_83 : i32 to index
      %swap3A_302 = arith.constant 240 : index
      %swap3A_303 = tpu.vector_load %arg8[%swap3A_301, %swap3A_302] {strides = array<i32>} : memref<32x768xf32, #tpu.memory_space<vmem>>, vector<1x16xf32>,
      %swap3A_304 = vector.shape_cast %swap3A_303 : vector<1x16xf32> to vector<16xf32>
      %swap3A_305 = vector.shape_cast %add3A_300 : vector<16xf32> to vector<1x16xf32>
      tpu.vector_store %arg8[%swap3A_301, %swap3A_302], %swap3A_305 {strides = array<i32>} : memref<32x768xf32, #tpu.memory_space<vmem>>, vector<1x16xf32>,
      %get3A_306 = arith.index_cast %add3A_83 : i32 to index
      %get3A_307 = arith.constant 256 : index
      %get3A_308 = tpu.vector_load %arg6[%get3A_306, %get3A_307] {strides = array<i32>} : memref<32x768xf32, #tpu.memory_space<vmem>>, vector<1x16xf32>,
      %get3A_309 = vector.shape_cast %get3A_308 : vector<1x16xf32> to vector<16xf32>
      %get3A_310 = arith.index_cast %add3A_83 : i32 to index
      %get3A_311 = arith.constant 256 : index
      %get3A_312 = tpu.vector_load %arg7[%get3A_310, %get3A_311] {strides = array<i32>} : memref<32x768xf32, #tpu.memory_space<vmem>>, vector<1x16xf32>,
      %get3A_313 = vector.shape_cast %get3A_312 : vector<1x16xf32> to vector<16xf32>
      %add3A_314 = arith.addf %get3A_309, %get3A_313 : vector<16xf32>
      %swap3A_315 = arith.index_cast %add3A_83 : i32 to index
      %swap3A_316 = arith.constant 256 : index
      %swap3A_317 = tpu.vector_load %arg8[%swap3A_315, %swap3A_316] {strides = array<i32>} : memref<32x768xf32, #tpu.memory_space<vmem>>, vector<1x16xf32>,
      %swap3A_318 = vector.shape_cast %swap3A_317 : vector<1x16xf32> to vector<16xf32>
      %swap3A_319 = vector.shape_cast %add3A_314 : vector<16xf32> to vector<1x16xf32>
      tpu.vector_store %arg8[%swap3A_315, %swap3A_316], %swap3A_319 {strides = array<i32>} : memref<32x768xf32, #tpu.memory_space<vmem>>, vector<1x16xf32>,
      %get3A_320 = arith.index_cast %add3A_83 : i32 to index
      %get3A_321 = arith.constant 272 : index
      %get3A_322 = tpu.vector_load %arg6[%get3A_320, %get3A_321] {strides = array<i32>} : memref<32x768xf32, #tpu.memory_space<vmem>>, vector<1x16xf32>,
      %get3A_323 = vector.shape_cast %get3A_322 : vector<1x16xf32> to vector<16xf32>
      %get3A_324 = arith.index_cast %add3A_83 : i32 to index
      %get3A_325 = arith.constant 272 : index
      %get3A_326 = tpu.vector_load %arg7[%get3A_324, %get3A_325] {strides = array<i32>} : memref<32x768xf32, #tpu.memory_space<vmem>>, vector<1x16xf32>,
      %get3A_327 = vector.shape_cast %get3A_326 : vector<1x16xf32> to vector<16xf32>
      %add3A_328 = arith.addf %get3A_323, %get3A_327 : vector<16xf32>
      %swap3A_329 = arith.index_cast %add3A_83 : i32 to index
      %swap3A_330 = arith.constant 272 : index
      %swap3A_331 = tpu.vector_load %arg8[%swap3A_329, %swap3A_330] {strides = array<i32>} : memref<32x768xf32, #tpu.memory_space<vmem>>, vector<1x16xf32>,
      %swap3A_332 = vector.shape_cast %swap3A_331 : vector<1x16xf32> to vector<16xf32>
      %swap3A_333 = vector.shape_cast %add3A_328 : vector<16xf32> to vector<1x16xf32>
      tpu.vector_store %arg8[%swap3A_329, %swap3A_330], %swap3A_333 {strides = array<i32>} : memref<32x768xf32, #tpu.memory_space<vmem>>, vector<1x16xf32>,
      %get3A_334 = arith.index_cast %add3A_83 : i32 to index
      %get3A_335 = arith.constant 288 : index
      %get3A_336 = tpu.vector_load %arg6[%get3A_334, %get3A_335] {strides = array<i32>} : memref<32x768xf32, #tpu.memory_space<vmem>>, vector<1x16xf32>,
      %get3A_337 = vector.shape_cast %get3A_336 : vector<1x16xf32> to vector<16xf32>
      %get3A_338 = arith.index_cast %add3A_83 : i32 to index
      %get3A_339 = arith.constant 288 : index
      %get3A_340 = tpu.vector_load %arg7[%get3A_338, %get3A_339] {strides = array<i32>} : memref<32x768xf32, #tpu.memory_space<vmem>>, vector<1x16xf32>,
      %get3A_341 = vector.shape_cast %get3A_340 : vector<1x16xf32> to vector<16xf32>
      %add3A_342 = arith.addf %get3A_337, %get3A_341 : vector<16xf32>
      %swap3A_343 = arith.index_cast %add3A_83 : i32 to index
      %swap3A_344 = arith.constant 288 : index
      %swap3A_345 = tpu.vector_load %arg8[%swap3A_343, %swap3A_344] {strides = array<i32>} : memref<32x768xf32, #tpu.memory_space<vmem>>, vector<1x16xf32>,
      %swap3A_346 = vector.shape_cast %swap3A_345 : vector<1x16xf32> to vector<16xf32>
      %swap3A_347 = vector.shape_cast %add3A_342 : vector<16xf32> to vector<1x16xf32>
      tpu.vector_store %arg8[%swap3A_343, %swap3A_344], %swap3A_347 {strides = array<i32>} : memref<32x768xf32, #tpu.memory_space<vmem>>, vector<1x16xf32>,
      %get3A_348 = arith.index_cast %add3A_83 : i32 to index
      %get3A_349 = arith.constant 304 : index
      %get3A_350 = tpu.vector_load %arg6[%get3A_348, %get3A_349] {strides = array<i32>} : memref<32x768xf32, #tpu.memory_space<vmem>>, vector<1x16xf32>,
      %get3A_351 = vector.shape_cast %get3A_350 : vector<1x16xf32> to vector<16xf32>
      %get3A_352 = arith.index_cast %add3A_83 : i32 to index
      %get3A_353 = arith.constant 304 : index
      %get3A_354 = tpu.vector_load %arg7[%get3A_352, %get3A_353] {strides = array<i32>} : memref<32x768xf32, #tpu.memory_space<vmem>>, vector<1x16xf32>,
      %get3A_355 = vector.shape_cast %get3A_354 : vector<1x16xf32> to vector<16xf32>
      %add3A_356 = arith.addf %get3A_351, %get3A_355 : vector<16xf32>
      %swap3A_357 = arith.index_cast %add3A_83 : i32 to index
      %swap3A_358 = arith.constant 304 : index
      %swap3A_359 = tpu.vector_load %arg8[%swap3A_357, %swap3A_358] {strides = array<i32>} : memref<32x768xf32, #tpu.memory_space<vmem>>, vector<1x16xf32>,
      %swap3A_360 = vector.shape_cast %swap3A_359 : vector<1x16xf32> to vector<16xf32>
      %swap3A_361 = vector.shape_cast %add3A_356 : vector<16xf32> to vector<1x16xf32>
      tpu.vector_store %arg8[%swap3A_357, %swap3A_358], %swap3A_361 {strides = array<i32>} : memref<32x768xf32, #tpu.memory_space<vmem>>, vector<1x16xf32>,
      %get3A_362 = arith.index_cast %add3A_83 : i32 to index
      %get3A_363 = arith.constant 320 : index
      %get3A_364 = tpu.vector_load %arg6[%get3A_362, %get3A_363] {strides = array<i32>} : memref<32x768xf32, #tpu.memory_space<vmem>>, vector<1x16xf32>,
      %get3A_365 = vector.shape_cast %get3A_364 : vector<1x16xf32> to vector<16xf32>
      %get3A_366 = arith.index_cast %add3A_83 : i32 to index
      %get3A_367 = arith.constant 320 : index
      %get3A_368 = tpu.vector_load %arg7[%get3A_366, %get3A_367] {strides = array<i32>} : memref<32x768xf32, #tpu.memory_space<vmem>>, vector<1x16xf32>,
      %get3A_369 = vector.shape_cast %get3A_368 : vector<1x16xf32> to vector<16xf32>
      %add3A_370 = arith.addf %get3A_365, %get3A_369 : vector<16xf32>
      %swap3A_371 = arith.index_cast %add3A_83 : i32 to index
      %swap3A_372 = arith.constant 320 : index
      %swap3A_373 = tpu.vector_load %arg8[%swap3A_371, %swap3A_372] {strides = array<i32>} : memref<32x768xf32, #tpu.memory_space<vmem>>, vector<1x16xf32>,
      %swap3A_374 = vector.shape_cast %swap3A_373 : vector<1x16xf32> to vector<16xf32>
      %swap3A_375 = vector.shape_cast %add3A_370 : vector<16xf32> to vector<1x16xf32>
      tpu.vector_store %arg8[%swap3A_371, %swap3A_372], %swap3A_375 {strides = array<i32>} : memref<32x768xf32, #tpu.memory_space<vmem>>, vector<1x16xf32>,
      %get3A_376 = arith.index_cast %add3A_83 : i32 to index
      %get3A_377 = arith.constant 336 : index
      %get3A_378 = tpu.vector_load %arg6[%get3A_376, %get3A_377] {strides = array<i32>} : memref<32x768xf32, #tpu.memory_space<vmem>>, vector<1x16xf32>,
      %get3A_379 = vector.shape_cast %get3A_378 : vector<1x16xf32> to vector<16xf32>
      %get3A_380 = arith.index_cast %add3A_83 : i32 to index
      %get3A_381 = arith.constant 336 : index
      %get3A_382 = tpu.vector_load %arg7[%get3A_380, %get3A_381] {strides = array<i32>} : memref<32x768xf32, #tpu.memory_space<vmem>>, vector<1x16xf32>,
      %get3A_383 = vector.shape_cast %get3A_382 : vector<1x16xf32> to vector<16xf32>
      %add3A_384 = arith.addf %get3A_379, %get3A_383 : vector<16xf32>
      %swap3A_385 = arith.index_cast %add3A_83 : i32 to index
      %swap3A_386 = arith.constant 336 : index
      %swap3A_387 = tpu.vector_load %arg8[%swap3A_385, %swap3A_386] {strides = array<i32>} : memref<32x768xf32, #tpu.memory_space<vmem>>, vector<1x16xf32>,
      %swap3A_388 = vector.shape_cast %swap3A_387 : vector<1x16xf32> to vector<16xf32>
      %swap3A_389 = vector.shape_cast %add3A_384 : vector<16xf32> to vector<1x16xf32>
      tpu.vector_store %arg8[%swap3A_385, %swap3A_386], %swap3A_389 {strides = array<i32>} : memref<32x768xf32, #tpu.memory_space<vmem>>, vector<1x16xf32>,
      %get3A_390 = arith.index_cast %add3A_83 : i32 to index
      %get3A_391 = arith.constant 352 : index
      %get3A_392 = tpu.vector_load %arg6[%get3A_390, %get3A_391] {strides = array<i32>} : memref<32x768xf32, #tpu.memory_space<vmem>>, vector<1x16xf32>,
      %get3A_393 = vector.shape_cast %get3A_392 : vector<1x16xf32> to vector<16xf32>
      %get3A_394 = arith.index_cast %add3A_83 : i32 to index
      %get3A_395 = arith.constant 352 : index
      %get3A_396 = tpu.vector_load %arg7[%get3A_394, %get3A_395] {strides = array<i32>} : memref<32x768xf32, #tpu.memory_space<vmem>>, vector<1x16xf32>,
      %get3A_397 = vector.shape_cast %get3A_396 : vector<1x16xf32> to vector<16xf32>
      %add3A_398 = arith.addf %get3A_393, %get3A_397 : vector<16xf32>
      %swap3A_399 = arith.index_cast %add3A_83 : i32 to index
      %swap3A_400 = arith.constant 352 : index
      %swap3A_401 = tpu.vector_load %arg8[%swap3A_399, %swap3A_400] {strides = array<i32>} : memref<32x768xf32, #tpu.memory_space<vmem>>, vector<1x16xf32>,
      %swap3A_402 = vector.shape_cast %swap3A_401 : vector<1x16xf32> to vector<16xf32>
      %swap3A_403 = vector.shape_cast %add3A_398 : vector<16xf32> to vector<1x16xf32>
      tpu.vector_store %arg8[%swap3A_399, %swap3A_400], %swap3A_403 {strides = array<i32>} : memref<32x768xf32, #tpu.memory_space<vmem>>, vector<1x16xf32>,
      %get3A_404 = arith.index_cast %add3A_83 : i32 to index
      %get3A_405 = arith.constant 368 : index
      %get3A_406 = tpu.vector_load %arg6[%get3A_404, %get3A_405] {strides = array<i32>} : memref<32x768xf32, #tpu.memory_space<vmem>>, vector<1x16xf32>,
      %get3A_407 = vector.shape_cast %get3A_406 : vector<1x16xf32> to vector<16xf32>
      %get3A_408 = arith.index_cast %add3A_83 : i32 to index
      %get3A_409 = arith.constant 368 : index
      %get3A_410 = tpu.vector_load %arg7[%get3A_408, %get3A_409] {strides = array<i32>} : memref<32x768xf32, #tpu.memory_space<vmem>>, vector<1x16xf32>,
      %get3A_411 = vector.shape_cast %get3A_410 : vector<1x16xf32> to vector<16xf32>
      %add3A_412 = arith.addf %get3A_407, %get3A_411 : vector<16xf32>
      %swap3A_413 = arith.index_cast %add3A_83 : i32 to index
      %swap3A_414 = arith.constant 368 : index
      %swap3A_415 = tpu.vector_load %arg8[%swap3A_413, %swap3A_414] {strides = array<i32>} : memref<32x768xf32, #tpu.memory_space<vmem>>, vector<1x16xf32>,
      %swap3A_416 = vector.shape_cast %swap3A_415 : vector<1x16xf32> to vector<16xf32>
      %swap3A_417 = vector.shape_cast %add3A_412 : vector<16xf32> to vector<1x16xf32>
      tpu.vector_store %arg8[%swap3A_413, %swap3A_414], %swap3A_417 {strides = array<i32>} : memref<32x768xf32, #tpu.memory_space<vmem>>, vector<1x16xf32>,
      %get3A_418 = arith.index_cast %add3A_83 : i32 to index
      %get3A_419 = arith.constant 384 : index
      %get3A_420 = tpu.vector_load %arg6[%get3A_418, %get3A_419] {strides = array<i32>} : memref<32x768xf32, #tpu.memory_space<vmem>>, vector<1x16xf32>,
      %get3A_421 = vector.shape_cast %get3A_420 : vector<1x16xf32> to vector<16xf32>
      %get3A_422 = arith.index_cast %add3A_83 : i32 to index
      %get3A_423 = arith.constant 384 : index
      %get3A_424 = tpu.vector_load %arg7[%get3A_422, %get3A_423] {strides = array<i32>} : memref<32x768xf32, #tpu.memory_space<vmem>>, vector<1x16xf32>,
      %get3A_425 = vector.shape_cast %get3A_424 : vector<1x16xf32> to vector<16xf32>
      %add3A_426 = arith.addf %get3A_421, %get3A_425 : vector<16xf32>
      %swap3A_427 = arith.index_cast %add3A_83 : i32 to index
      %swap3A_428 = arith.constant 384 : index
      %swap3A_429 = tpu.vector_load %arg8[%swap3A_427, %swap3A_428] {strides = array<i32>} : memref<32x768xf32, #tpu.memory_space<vmem>>, vector<1x16xf32>,
      %swap3A_430 = vector.shape_cast %swap3A_429 : vector<1x16xf32> to vector<16xf32>
      %swap3A_431 = vector.shape_cast %add3A_426 : vector<16xf32> to vector<1x16xf32>
      tpu.vector_store %arg8[%swap3A_427, %swap3A_428], %swap3A_431 {strides = array<i32>} : memref<32x768xf32, #tpu.memory_space<vmem>>, vector<1x16xf32>,
      %get3A_432 = arith.index_cast %add3A_83 : i32 to index
      %get3A_433 = arith.constant 400 : index
      %get3A_434 = tpu.vector_load %arg6[%get3A_432, %get3A_433] {strides = array<i32>} : memref<32x768xf32, #tpu.memory_space<vmem>>, vector<1x16xf32>,
      %get3A_435 = vector.shape_cast %get3A_434 : vector<1x16xf32> to vector<16xf32>
      %get3A_436 = arith.index_cast %add3A_83 : i32 to index
      %get3A_437 = arith.constant 400 : index
      %get3A_438 = tpu.vector_load %arg7[%get3A_436, %get3A_437] {strides = array<i32>} : memref<32x768xf32, #tpu.memory_space<vmem>>, vector<1x16xf32>,
      %get3A_439 = vector.shape_cast %get3A_438 : vector<1x16xf32> to vector<16xf32>
      %add3A_440 = arith.addf %get3A_435, %get3A_439 : vector<16xf32>
      %swap3A_441 = arith.index_cast %add3A_83 : i32 to index
      %swap3A_442 = arith.constant 400 : index
      %swap3A_443 = tpu.vector_load %arg8[%swap3A_441, %swap3A_442] {strides = array<i32>} : memref<32x768xf32, #tpu.memory_space<vmem>>, vector<1x16xf32>,
      %swap3A_444 = vector.shape_cast %swap3A_443 : vector<1x16xf32> to vector<16xf32>
      %swap3A_445 = vector.shape_cast %add3A_440 : vector<16xf32> to vector<1x16xf32>
      tpu.vector_store %arg8[%swap3A_441, %swap3A_442], %swap3A_445 {strides = array<i32>} : memref<32x768xf32, #tpu.memory_space<vmem>>, vector<1x16xf32>,
      %get3A_446 = arith.index_cast %add3A_83 : i32 to index
      %get3A_447 = arith.constant 416 : index
      %get3A_448 = tpu.vector_load %arg6[%get3A_446, %get3A_447] {strides = array<i32>} : memref<32x768xf32, #tpu.memory_space<vmem>>, vector<1x16xf32>,
      %get3A_449 = vector.shape_cast %get3A_448 : vector<1x16xf32> to vector<16xf32>
      %get3A_450 = arith.index_cast %add3A_83 : i32 to index
      %get3A_451 = arith.constant 416 : index
      %get3A_452 = tpu.vector_load %arg7[%get3A_450, %get3A_451] {strides = array<i32>} : memref<32x768xf32, #tpu.memory_space<vmem>>, vector<1x16xf32>,
      %get3A_453 = vector.shape_cast %get3A_452 : vector<1x16xf32> to vector<16xf32>
      %add3A_454 = arith.addf %get3A_449, %get3A_453 : vector<16xf32>
      %swap3A_455 = arith.index_cast %add3A_83 : i32 to index
      %swap3A_456 = arith.constant 416 : index
      %swap3A_457 = tpu.vector_load %arg8[%swap3A_455, %swap3A_456] {strides = array<i32>} : memref<32x768xf32, #tpu.memory_space<vmem>>, vector<1x16xf32>,
      %swap3A_458 = vector.shape_cast %swap3A_457 : vector<1x16xf32> to vector<16xf32>
      %swap3A_459 = vector.shape_cast %add3A_454 : vector<16xf32> to vector<1x16xf32>
      tpu.vector_store %arg8[%swap3A_455, %swap3A_456], %swap3A_459 {strides = array<i32>} : memref<32x768xf32, #tpu.memory_space<vmem>>, vector<1x16xf32>,
      %get3A_460 = arith.index_cast %add3A_83 : i32 to index
      %get3A_461 = arith.constant 432 : index
      %get3A_462 = tpu.vector_load %arg6[%get3A_460, %get3A_461] {strides = array<i32>} : memref<32x768xf32, #tpu.memory_space<vmem>>, vector<1x16xf32>,
      %get3A_463 = vector.shape_cast %get3A_462 : vector<1x16xf32> to vector<16xf32>
      %get3A_464 = arith.index_cast %add3A_83 : i32 to index
      %get3A_465 = arith.constant 432 : index
      %get3A_466 = tpu.vector_load %arg7[%get3A_464, %get3A_465] {strides = array<i32>} : memref<32x768xf32, #tpu.memory_space<vmem>>, vector<1x16xf32>,
      %get3A_467 = vector.shape_cast %get3A_466 : vector<1x16xf32> to vector<16xf32>
      %add3A_468 = arith.addf %get3A_463, %get3A_467 : vector<16xf32>
      %swap3A_469 = arith.index_cast %add3A_83 : i32 to index
      %swap3A_470 = arith.constant 432 : index
      %swap3A_471 = tpu.vector_load %arg8[%swap3A_469, %swap3A_470] {strides = array<i32>} : memref<32x768xf32, #tpu.memory_space<vmem>>, vector<1x16xf32>,
      %swap3A_472 = vector.shape_cast %swap3A_471 : vector<1x16xf32> to vector<16xf32>
      %swap3A_473 = vector.shape_cast %add3A_468 : vector<16xf32> to vector<1x16xf32>
      tpu.vector_store %arg8[%swap3A_469, %swap3A_470], %swap3A_473 {strides = array<i32>} : memref<32x768xf32, #tpu.memory_space<vmem>>, vector<1x16xf32>,
      %get3A_474 = arith.index_cast %add3A_83 : i32 to index
      %get3A_475 = arith.constant 448 : index
      %get3A_476 = tpu.vector_load %arg6[%get3A_474, %get3A_475] {strides = array<i32>} : memref<32x768xf32, #tpu.memory_space<vmem>>, vector<1x16xf32>,
      %get3A_477 = vector.shape_cast %get3A_476 : vector<1x16xf32> to vector<16xf32>
      %get3A_478 = arith.index_cast %add3A_83 : i32 to index
      %get3A_479 = arith.constant 448 : index
      %get3A_480 = tpu.vector_load %arg7[%get3A_478, %get3A_479] {strides = array<i32>} : memref<32x768xf32, #tpu.memory_space<vmem>>, vector<1x16xf32>,
      %get3A_481 = vector.shape_cast %get3A_480 : vector<1x16xf32> to vector<16xf32>
      %add3A_482 = arith.addf %get3A_477, %get3A_481 : vector<16xf32>
      %swap3A_483 = arith.index_cast %add3A_83 : i32 to index
      %swap3A_484 = arith.constant 448 : index
      %swap3A_485 = tpu.vector_load %arg8[%swap3A_483, %swap3A_484] {strides = array<i32>} : memref<32x768xf32, #tpu.memory_space<vmem>>, vector<1x16xf32>,
      %swap3A_486 = vector.shape_cast %swap3A_485 : vector<1x16xf32> to vector<16xf32>
      %swap3A_487 = vector.shape_cast %add3A_482 : vector<16xf32> to vector<1x16xf32>
      tpu.vector_store %arg8[%swap3A_483, %swap3A_484], %swap3A_487 {strides = array<i32>} : memref<32x768xf32, #tpu.memory_space<vmem>>, vector<1x16xf32>,
      %get3A_488 = arith.index_cast %add3A_83 : i32 to index
      %get3A_489 = arith.constant 464 : index
      %get3A_490 = tpu.vector_load %arg6[%get3A_488, %get3A_489] {strides = array<i32>} : memref<32x768xf32, #tpu.memory_space<vmem>>, vector<1x16xf32>,
      %get3A_491 = vector.shape_cast %get3A_490 : vector<1x16xf32> to vector<16xf32>
      %get3A_492 = arith.index_cast %add3A_83 : i32 to index
      %get3A_493 = arith.constant 464 : index
      %get3A_494 = tpu.vector_load %arg7[%get3A_492, %get3A_493] {strides = array<i32>} : memref<32x768xf32, #tpu.memory_space<vmem>>, vector<1x16xf32>,
      %get3A_495 = vector.shape_cast %get3A_494 : vector<1x16xf32> to vector<16xf32>
      %add3A_496 = arith.addf %get3A_491, %get3A_495 : vector<16xf32>
      %swap3A_497 = arith.index_cast %add3A_83 : i32 to index
      %swap3A_498 = arith.constant 464 : index
      %swap3A_499 = tpu.vector_load %arg8[%swap3A_497, %swap3A_498] {strides = array<i32>} : memref<32x768xf32, #tpu.memory_space<vmem>>, vector<1x16xf32>,
      %swap3A_500 = vector.shape_cast %swap3A_499 : vector<1x16xf32> to vector<16xf32>
      %swap3A_501 = vector.shape_cast %add3A_496 : vector<16xf32> to vector<1x16xf32>
      tpu.vector_store %arg8[%swap3A_497, %swap3A_498], %swap3A_501 {strides = array<i32>} : memref<32x768xf32, #tpu.memory_space<vmem>>, vector<1x16xf32>,
      %get3A_502 = arith.index_cast %add3A_83 : i32 to index
      %get3A_503 = arith.constant 480 : index
      %get3A_504 = tpu.vector_load %arg6[%get3A_502, %get3A_503] {strides = array<i32>} : memref<32x768xf32, #tpu.memory_space<vmem>>, vector<1x16xf32>,
      %get3A_505 = vector.shape_cast %get3A_504 : vector<1x16xf32> to vector<16xf32>
      %get3A_506 = arith.index_cast %add3A_83 : i32 to index
      %get3A_507 = arith.constant 480 : index
      %get3A_508 = tpu.vector_load %arg7[%get3A_506, %get3A_507] {strides = array<i32>} : memref<32x768xf32, #tpu.memory_space<vmem>>, vector<1x16xf32>,
      %get3A_509 = vector.shape_cast %get3A_508 : vector<1x16xf32> to vector<16xf32>
      %add3A_510 = arith.addf %get3A_505, %get3A_509 : vector<16xf32>
      %swap3A_511 = arith.index_cast %add3A_83 : i32 to index
      %swap3A_512 = arith.constant 480 : index
      %swap3A_513 = tpu.vector_load %arg8[%swap3A_511, %swap3A_512] {strides = array<i32>} : memref<32x768xf32, #tpu.memory_space<vmem>>, vector<1x16xf32>,
      %swap3A_514 = vector.shape_cast %swap3A_513 : vector<1x16xf32> to vector<16xf32>
      %swap3A_515 = vector.shape_cast %add3A_510 : vector<16xf32> to vector<1x16xf32>
      tpu.vector_store %arg8[%swap3A_511, %swap3A_512], %swap3A_515 {strides = array<i32>} : memref<32x768xf32, #tpu.memory_space<vmem>>, vector<1x16xf32>,
      %get3A_516 = arith.index_cast %add3A_83 : i32 to index
      %get3A_517 = arith.constant 496 : index
      %get3A_518 = tpu.vector_load %arg6[%get3A_516, %get3A_517] {strides = array<i32>} : memref<32x768xf32, #tpu.memory_space<vmem>>, vector<1x16xf32>,
      %get3A_519 = vector.shape_cast %get3A_518 : vector<1x16xf32> to vector<16xf32>
      %get3A_520 = arith.index_cast %add3A_83 : i32 to index
      %get3A_521 = arith.constant 496 : index
      %get3A_522 = tpu.vector_load %arg7[%get3A_520, %get3A_521] {strides = array<i32>} : memref<32x768xf32, #tpu.memory_space<vmem>>, vector<1x16xf32>,
      %get3A_523 = vector.shape_cast %get3A_522 : vector<1x16xf32> to vector<16xf32>
      %add3A_524 = arith.addf %get3A_519, %get3A_523 : vector<16xf32>
      %swap3A_525 = arith.index_cast %add3A_83 : i32 to index
      %swap3A_526 = arith.constant 496 : index
      %swap3A_527 = tpu.vector_load %arg8[%swap3A_525, %swap3A_526] {strides = array<i32>} : memref<32x768xf32, #tpu.memory_space<vmem>>, vector<1x16xf32>,
      %swap3A_528 = vector.shape_cast %swap3A_527 : vector<1x16xf32> to vector<16xf32>
      %swap3A_529 = vector.shape_cast %add3A_524 : vector<16xf32> to vector<1x16xf32>
      tpu.vector_store %arg8[%swap3A_525, %swap3A_526], %swap3A_529 {strides = array<i32>} : memref<32x768xf32, #tpu.memory_space<vmem>>, vector<1x16xf32>,
      %get3A_530 = arith.index_cast %add3A_83 : i32 to index
      %get3A_531 = arith.constant 512 : index
      %get3A_532 = tpu.vector_load %arg6[%get3A_530, %get3A_531] {strides = array<i32>} : memref<32x768xf32, #tpu.memory_space<vmem>>, vector<1x16xf32>,
      %get3A_533 = vector.shape_cast %get3A_532 : vector<1x16xf32> to vector<16xf32>
      %get3A_534 = arith.index_cast %add3A_83 : i32 to index
      %get3A_535 = arith.constant 512 : index
      %get3A_536 = tpu.vector_load %arg7[%get3A_534, %get3A_535] {strides = array<i32>} : memref<32x768xf32, #tpu.memory_space<vmem>>, vector<1x16xf32>,
      %get3A_537 = vector.shape_cast %get3A_536 : vector<1x16xf32> to vector<16xf32>
      %add3A_538 = arith.addf %get3A_533, %get3A_537 : vector<16xf32>
      %swap3A_539 = arith.index_cast %add3A_83 : i32 to index
      %swap3A_540 = arith.constant 512 : index
      %swap3A_541 = tpu.vector_load %arg8[%swap3A_539, %swap3A_540] {strides = array<i32>} : memref<32x768xf32, #tpu.memory_space<vmem>>, vector<1x16xf32>,
      %swap3A_542 = vector.shape_cast %swap3A_541 : vector<1x16xf32> to vector<16xf32>
      %swap3A_543 = vector.shape_cast %add3A_538 : vector<16xf32> to vector<1x16xf32>
      tpu.vector_store %arg8[%swap3A_539, %swap3A_540], %swap3A_543 {strides = array<i32>} : memref<32x768xf32, #tpu.memory_space<vmem>>, vector<1x16xf32>,
      %get3A_544 = arith.index_cast %add3A_83 : i32 to index
      %get3A_545 = arith.constant 528 : index
      %get3A_546 = tpu.vector_load %arg6[%get3A_544, %get3A_545] {strides = array<i32>} : memref<32x768xf32, #tpu.memory_space<vmem>>, vector<1x16xf32>,
      %get3A_547 = vector.shape_cast %get3A_546 : vector<1x16xf32> to vector<16xf32>
      %get3A_548 = arith.index_cast %add3A_83 : i32 to index
      %get3A_549 = arith.constant 528 : index
      %get3A_550 = tpu.vector_load %arg7[%get3A_548, %get3A_549] {strides = array<i32>} : memref<32x768xf32, #tpu.memory_space<vmem>>, vector<1x16xf32>,
      %get3A_551 = vector.shape_cast %get3A_550 : vector<1x16xf32> to vector<16xf32>
      %add3A_552 = arith.addf %get3A_547, %get3A_551 : vector<16xf32>
      %swap3A_553 = arith.index_cast %add3A_83 : i32 to index
      %swap3A_554 = arith.constant 528 : index
      %swap3A_555 = tpu.vector_load %arg8[%swap3A_553, %swap3A_554] {strides = array<i32>} : memref<32x768xf32, #tpu.memory_space<vmem>>, vector<1x16xf32>,
      %swap3A_556 = vector.shape_cast %swap3A_555 : vector<1x16xf32> to vector<16xf32>
      %swap3A_557 = vector.shape_cast %add3A_552 : vector<16xf32> to vector<1x16xf32>
      tpu.vector_store %arg8[%swap3A_553, %swap3A_554], %swap3A_557 {strides = array<i32>} : memref<32x768xf32, #tpu.memory_space<vmem>>, vector<1x16xf32>,
      %get3A_558 = arith.index_cast %add3A_83 : i32 to index
      %get3A_559 = arith.constant 544 : index
      %get3A_560 = tpu.vector_load %arg6[%get3A_558, %get3A_559] {strides = array<i32>} : memref<32x768xf32, #tpu.memory_space<vmem>>, vector<1x16xf32>,
      %get3A_561 = vector.shape_cast %get3A_560 : vector<1x16xf32> to vector<16xf32>
      %get3A_562 = arith.index_cast %add3A_83 : i32 to index
      %get3A_563 = arith.constant 544 : index
      %get3A_564 = tpu.vector_load %arg7[%get3A_562, %get3A_563] {strides = array<i32>} : memref<32x768xf32, #tpu.memory_space<vmem>>, vector<1x16xf32>,
      %get3A_565 = vector.shape_cast %get3A_564 : vector<1x16xf32> to vector<16xf32>
      %add3A_566 = arith.addf %get3A_561, %get3A_565 : vector<16xf32>
      %swap3A_567 = arith.index_cast %add3A_83 : i32 to index
      %swap3A_568 = arith.constant 544 : index
      %swap3A_569 = tpu.vector_load %arg8[%swap3A_567, %swap3A_568] {strides = array<i32>} : memref<32x768xf32, #tpu.memory_space<vmem>>, vector<1x16xf32>,
      %swap3A_570 = vector.shape_cast %swap3A_569 : vector<1x16xf32> to vector<16xf32>
      %swap3A_571 = vector.shape_cast %add3A_566 : vector<16xf32> to vector<1x16xf32>
      tpu.vector_store %arg8[%swap3A_567, %swap3A_568], %swap3A_571 {strides = array<i32>} : memref<32x768xf32, #tpu.memory_space<vmem>>, vector<1x16xf32>,
      %get3A_572 = arith.index_cast %add3A_83 : i32 to index
      %get3A_573 = arith.constant 560 : index
      %get3A_574 = tpu.vector_load %arg6[%get3A_572, %get3A_573] {strides = array<i32>} : memref<32x768xf32, #tpu.memory_space<vmem>>, vector<1x16xf32>,
      %get3A_575 = vector.shape_cast %get3A_574 : vector<1x16xf32> to vector<16xf32>
      %get3A_576 = arith.index_cast %add3A_83 : i32 to index
      %get3A_577 = arith.constant 560 : index
      %get3A_578 = tpu.vector_load %arg7[%get3A_576, %get3A_577] {strides = array<i32>} : memref<32x768xf32, #tpu.memory_space<vmem>>, vector<1x16xf32>,
      %get3A_579 = vector.shape_cast %get3A_578 : vector<1x16xf32> to vector<16xf32>
      %add3A_580 = arith.addf %get3A_575, %get3A_579 : vector<16xf32>
      %swap3A_581 = arith.index_cast %add3A_83 : i32 to index
      %swap3A_582 = arith.constant 560 : index
      %swap3A_583 = tpu.vector_load %arg8[%swap3A_581, %swap3A_582] {strides = array<i32>} : memref<32x768xf32, #tpu.memory_space<vmem>>, vector<1x16xf32>,
      %swap3A_584 = vector.shape_cast %swap3A_583 : vector<1x16xf32> to vector<16xf32>
      %swap3A_585 = vector.shape_cast %add3A_580 : vector<16xf32> to vector<1x16xf32>
      tpu.vector_store %arg8[%swap3A_581, %swap3A_582], %swap3A_585 {strides = array<i32>} : memref<32x768xf32, #tpu.memory_space<vmem>>, vector<1x16xf32>,
      %get3A_586 = arith.index_cast %add3A_83 : i32 to index
      %get3A_587 = arith.constant 576 : index
      %get3A_588 = tpu.vector_load %arg6[%get3A_586, %get3A_587] {strides = array<i32>} : memref<32x768xf32, #tpu.memory_space<vmem>>, vector<1x16xf32>,
      %get3A_589 = vector.shape_cast %get3A_588 : vector<1x16xf32> to vector<16xf32>
      %get3A_590 = arith.index_cast %add3A_83 : i32 to index
      %get3A_591 = arith.constant 576 : index
      %get3A_592 = tpu.vector_load %arg7[%get3A_590, %get3A_591] {strides = array<i32>} : memref<32x768xf32, #tpu.memory_space<vmem>>, vector<1x16xf32>,
      %get3A_593 = vector.shape_cast %get3A_592 : vector<1x16xf32> to vector<16xf32>
      %add3A_594 = arith.addf %get3A_589, %get3A_593 : vector<16xf32>
      %swap3A_595 = arith.index_cast %add3A_83 : i32 to index
      %swap3A_596 = arith.constant 576 : index
      %swap3A_597 = tpu.vector_load %arg8[%swap3A_595, %swap3A_596] {strides = array<i32>} : memref<32x768xf32, #tpu.memory_space<vmem>>, vector<1x16xf32>,
      %swap3A_598 = vector.shape_cast %swap3A_597 : vector<1x16xf32> to vector<16xf32>
      %swap3A_599 = vector.shape_cast %add3A_594 : vector<16xf32> to vector<1x16xf32>
      tpu.vector_store %arg8[%swap3A_595, %swap3A_596], %swap3A_599 {strides = array<i32>} : memref<32x768xf32, #tpu.memory_space<vmem>>, vector<1x16xf32>,
      %get3A_600 = arith.index_cast %add3A_83 : i32 to index
      %get3A_601 = arith.constant 592 : index
      %get3A_602 = tpu.vector_load %arg6[%get3A_600, %get3A_601] {strides = array<i32>} : memref<32x768xf32, #tpu.memory_space<vmem>>, vector<1x16xf32>,
      %get3A_603 = vector.shape_cast %get3A_602 : vector<1x16xf32> to vector<16xf32>
      %get3A_604 = arith.index_cast %add3A_83 : i32 to index
      %get3A_605 = arith.constant 592 : index
      %get3A_606 = tpu.vector_load %arg7[%get3A_604, %get3A_605] {strides = array<i32>} : memref<32x768xf32, #tpu.memory_space<vmem>>, vector<1x16xf32>,
      %get3A_607 = vector.shape_cast %get3A_606 : vector<1x16xf32> to vector<16xf32>
      %add3A_608 = arith.addf %get3A_603, %get3A_607 : vector<16xf32>
      %swap3A_609 = arith.index_cast %add3A_83 : i32 to index
      %swap3A_610 = arith.constant 592 : index
      %swap3A_611 = tpu.vector_load %arg8[%swap3A_609, %swap3A_610] {strides = array<i32>} : memref<32x768xf32, #tpu.memory_space<vmem>>, vector<1x16xf32>,
      %swap3A_612 = vector.shape_cast %swap3A_611 : vector<1x16xf32> to vector<16xf32>
      %swap3A_613 = vector.shape_cast %add3A_608 : vector<16xf32> to vector<1x16xf32>
      tpu.vector_store %arg8[%swap3A_609, %swap3A_610], %swap3A_613 {strides = array<i32>} : memref<32x768xf32, #tpu.memory_space<vmem>>, vector<1x16xf32>,
      %get3A_614 = arith.index_cast %add3A_83 : i32 to index
      %get3A_615 = arith.constant 608 : index
      %get3A_616 = tpu.vector_load %arg6[%get3A_614, %get3A_615] {strides = array<i32>} : memref<32x768xf32, #tpu.memory_space<vmem>>, vector<1x16xf32>,
      %get3A_617 = vector.shape_cast %get3A_616 : vector<1x16xf32> to vector<16xf32>
      %get3A_618 = arith.index_cast %add3A_83 : i32 to index
      %get3A_619 = arith.constant 608 : index
      %get3A_620 = tpu.vector_load %arg7[%get3A_618, %get3A_619] {strides = array<i32>} : memref<32x768xf32, #tpu.memory_space<vmem>>, vector<1x16xf32>,
      %get3A_621 = vector.shape_cast %get3A_620 : vector<1x16xf32> to vector<16xf32>
      %add3A_622 = arith.addf %get3A_617, %get3A_621 : vector<16xf32>
      %swap3A_623 = arith.index_cast %add3A_83 : i32 to index
      %swap3A_624 = arith.constant 608 : index
      %swap3A_625 = tpu.vector_load %arg8[%swap3A_623, %swap3A_624] {strides = array<i32>} : memref<32x768xf32, #tpu.memory_space<vmem>>, vector<1x16xf32>,
      %swap3A_626 = vector.shape_cast %swap3A_625 : vector<1x16xf32> to vector<16xf32>
      %swap3A_627 = vector.shape_cast %add3A_622 : vector<16xf32> to vector<1x16xf32>
      tpu.vector_store %arg8[%swap3A_623, %swap3A_624], %swap3A_627 {strides = array<i32>} : memref<32x768xf32, #tpu.memory_space<vmem>>, vector<1x16xf32>,
      %get3A_628 = arith.index_cast %add3A_83 : i32 to index
      %get3A_629 = arith.constant 624 : index
      %get3A_630 = tpu.vector_load %arg6[%get3A_628, %get3A_629] {strides = array<i32>} : memref<32x768xf32, #tpu.memory_space<vmem>>, vector<1x16xf32>,
      %get3A_631 = vector.shape_cast %get3A_630 : vector<1x16xf32> to vector<16xf32>
      %get3A_632 = arith.index_cast %add3A_83 : i32 to index
      %get3A_633 = arith.constant 624 : index
      %get3A_634 = tpu.vector_load %arg7[%get3A_632, %get3A_633] {strides = array<i32>} : memref<32x768xf32, #tpu.memory_space<vmem>>, vector<1x16xf32>,
      %get3A_635 = vector.shape_cast %get3A_634 : vector<1x16xf32> to vector<16xf32>
      %add3A_636 = arith.addf %get3A_631, %get3A_635 : vector<16xf32>
      %swap3A_637 = arith.index_cast %add3A_83 : i32 to index
      %swap3A_638 = arith.constant 624 : index
      %swap3A_639 = tpu.vector_load %arg8[%swap3A_637, %swap3A_638] {strides = array<i32>} : memref<32x768xf32, #tpu.memory_space<vmem>>, vector<1x16xf32>,
      %swap3A_640 = vector.shape_cast %swap3A_639 : vector<1x16xf32> to vector<16xf32>
      %swap3A_641 = vector.shape_cast %add3A_636 : vector<16xf32> to vector<1x16xf32>
      tpu.vector_store %arg8[%swap3A_637, %swap3A_638], %swap3A_641 {strides = array<i32>} : memref<32x768xf32, #tpu.memory_space<vmem>>, vector<1x16xf32>,
      %get3A_642 = arith.index_cast %add3A_83 : i32 to index
      %get3A_643 = arith.constant 640 : index
      %get3A_644 = tpu.vector_load %arg6[%get3A_642, %get3A_643] {strides = array<i32>} : memref<32x768xf32, #tpu.memory_space<vmem>>, vector<1x16xf32>,
      %get3A_645 = vector.shape_cast %get3A_644 : vector<1x16xf32> to vector<16xf32>
      %get3A_646 = arith.index_cast %add3A_83 : i32 to index
      %get3A_647 = arith.constant 640 : index
      %get3A_648 = tpu.vector_load %arg7[%get3A_646, %get3A_647] {strides = array<i32>} : memref<32x768xf32, #tpu.memory_space<vmem>>, vector<1x16xf32>,
      %get3A_649 = vector.shape_cast %get3A_648 : vector<1x16xf32> to vector<16xf32>
      %add3A_650 = arith.addf %get3A_645, %get3A_649 : vector<16xf32>
      %swap3A_651 = arith.index_cast %add3A_83 : i32 to index
      %swap3A_652 = arith.constant 640 : index
      %swap3A_653 = tpu.vector_load %arg8[%swap3A_651, %swap3A_652] {strides = array<i32>} : memref<32x768xf32, #tpu.memory_space<vmem>>, vector<1x16xf32>,
      %swap3A_654 = vector.shape_cast %swap3A_653 : vector<1x16xf32> to vector<16xf32>
      %swap3A_655 = vector.shape_cast %add3A_650 : vector<16xf32> to vector<1x16xf32>
      tpu.vector_store %arg8[%swap3A_651, %swap3A_652], %swap3A_655 {strides = array<i32>} : memref<32x768xf32, #tpu.memory_space<vmem>>, vector<1x16xf32>,
      %get3A_656 = arith.index_cast %add3A_83 : i32 to index
      %get3A_657 = arith.constant 656 : index
      %get3A_658 = tpu.vector_load %arg6[%get3A_656, %get3A_657] {strides = array<i32>} : memref<32x768xf32, #tpu.memory_space<vmem>>, vector<1x16xf32>,
      %get3A_659 = vector.shape_cast %get3A_658 : vector<1x16xf32> to vector<16xf32>
      %get3A_660 = arith.index_cast %add3A_83 : i32 to index
      %get3A_661 = arith.constant 656 : index
      %get3A_662 = tpu.vector_load %arg7[%get3A_660, %get3A_661] {strides = array<i32>} : memref<32x768xf32, #tpu.memory_space<vmem>>, vector<1x16xf32>,
      %get3A_663 = vector.shape_cast %get3A_662 : vector<1x16xf32> to vector<16xf32>
      %add3A_664 = arith.addf %get3A_659, %get3A_663 : vector<16xf32>
      %swap3A_665 = arith.index_cast %add3A_83 : i32 to index
      %swap3A_666 = arith.constant 656 : index
      %swap3A_667 = tpu.vector_load %arg8[%swap3A_665, %swap3A_666] {strides = array<i32>} : memref<32x768xf32, #tpu.memory_space<vmem>>, vector<1x16xf32>,
      %swap3A_668 = vector.shape_cast %swap3A_667 : vector<1x16xf32> to vector<16xf32>
      %swap3A_669 = vector.shape_cast %add3A_664 : vector<16xf32> to vector<1x16xf32>
      tpu.vector_store %arg8[%swap3A_665, %swap3A_666], %swap3A_669 {strides = array<i32>} : memref<32x768xf32, #tpu.memory_space<vmem>>, vector<1x16xf32>,
      %get3A_670 = arith.index_cast %add3A_83 : i32 to index
      %get3A_671 = arith.constant 672 : index
      %get3A_672 = tpu.vector_load %arg6[%get3A_670, %get3A_671] {strides = array<i32>} : memref<32x768xf32, #tpu.memory_space<vmem>>, vector<1x16xf32>,
      %get3A_673 = vector.shape_cast %get3A_672 : vector<1x16xf32> to vector<16xf32>
      %get3A_674 = arith.index_cast %add3A_83 : i32 to index
      %get3A_675 = arith.constant 672 : index
      %get3A_676 = tpu.vector_load %arg7[%get3A_674, %get3A_675] {strides = array<i32>} : memref<32x768xf32, #tpu.memory_space<vmem>>, vector<1x16xf32>,
      %get3A_677 = vector.shape_cast %get3A_676 : vector<1x16xf32> to vector<16xf32>
      %add3A_678 = arith.addf %get3A_673, %get3A_677 : vector<16xf32>
      %swap3A_679 = arith.index_cast %add3A_83 : i32 to index
      %swap3A_680 = arith.constant 672 : index
      %swap3A_681 = tpu.vector_load %arg8[%swap3A_679, %swap3A_680] {strides = array<i32>} : memref<32x768xf32, #tpu.memory_space<vmem>>, vector<1x16xf32>,
      %swap3A_682 = vector.shape_cast %swap3A_681 : vector<1x16xf32> to vector<16xf32>
      %swap3A_683 = vector.shape_cast %add3A_678 : vector<16xf32> to vector<1x16xf32>
      tpu.vector_store %arg8[%swap3A_679, %swap3A_680], %swap3A_683 {strides = array<i32>} : memref<32x768xf32, #tpu.memory_space<vmem>>, vector<1x16xf32>,
      %get3A_684 = arith.index_cast %add3A_83 : i32 to index
      %get3A_685 = arith.constant 688 : index
      %get3A_686 = tpu.vector_load %arg6[%get3A_684, %get3A_685] {strides = array<i32>} : memref<32x768xf32, #tpu.memory_space<vmem>>, vector<1x16xf32>,
      %get3A_687 = vector.shape_cast %get3A_686 : vector<1x16xf32> to vector<16xf32>
      %get3A_688 = arith.index_cast %add3A_83 : i32 to index
      %get3A_689 = arith.constant 688 : index
      %get3A_690 = tpu.vector_load %arg7[%get3A_688, %get3A_689] {strides = array<i32>} : memref<32x768xf32, #tpu.memory_space<vmem>>, vector<1x16xf32>,
      %get3A_691 = vector.shape_cast %get3A_690 : vector<1x16xf32> to vector<16xf32>
      %add3A_692 = arith.addf %get3A_687, %get3A_691 : vector<16xf32>
      %swap3A_693 = arith.index_cast %add3A_83 : i32 to index
      %swap3A_694 = arith.constant 688 : index
      %swap3A_695 = tpu.vector_load %arg8[%swap3A_693, %swap3A_694] {strides = array<i32>} : memref<32x768xf32, #tpu.memory_space<vmem>>, vector<1x16xf32>,
      %swap3A_696 = vector.shape_cast %swap3A_695 : vector<1x16xf32> to vector<16xf32>
      %swap3A_697 = vector.shape_cast %add3A_692 : vector<16xf32> to vector<1x16xf32>
      tpu.vector_store %arg8[%swap3A_693, %swap3A_694], %swap3A_697 {strides = array<i32>} : memref<32x768xf32, #tpu.memory_space<vmem>>, vector<1x16xf32>,
      %get3A_698 = arith.index_cast %add3A_83 : i32 to index
      %get3A_699 = arith.constant 704 : index
      %get3A_700 = tpu.vector_load %arg6[%get3A_698, %get3A_699] {strides = array<i32>} : memref<32x768xf32, #tpu.memory_space<vmem>>, vector<1x16xf32>,
      %get3A_701 = vector.shape_cast %get3A_700 : vector<1x16xf32> to vector<16xf32>
      %get3A_702 = arith.index_cast %add3A_83 : i32 to index
      %get3A_703 = arith.constant 704 : index
      %get3A_704 = tpu.vector_load %arg7[%get3A_702, %get3A_703] {strides = array<i32>} : memref<32x768xf32, #tpu.memory_space<vmem>>, vector<1x16xf32>,
      %get3A_705 = vector.shape_cast %get3A_704 : vector<1x16xf32> to vector<16xf32>
      %add3A_706 = arith.addf %get3A_701, %get3A_705 : vector<16xf32>
      %swap3A_707 = arith.index_cast %add3A_83 : i32 to index
      %swap3A_708 = arith.constant 704 : index
      %swap3A_709 = tpu.vector_load %arg8[%swap3A_707, %swap3A_708] {strides = array<i32>} : memref<32x768xf32, #tpu.memory_space<vmem>>, vector<1x16xf32>,
      %swap3A_710 = vector.shape_cast %swap3A_709 : vector<1x16xf32> to vector<16xf32>
      %swap3A_711 = vector.shape_cast %add3A_706 : vector<16xf32> to vector<1x16xf32>
      tpu.vector_store %arg8[%swap3A_707, %swap3A_708], %swap3A_711 {strides = array<i32>} : memref<32x768xf32, #tpu.memory_space<vmem>>, vector<1x16xf32>,
      %get3A_712 = arith.index_cast %add3A_83 : i32 to index
      %get3A_713 = arith.constant 720 : index
      %get3A_714 = tpu.vector_load %arg6[%get3A_712, %get3A_713] {strides = array<i32>} : memref<32x768xf32, #tpu.memory_space<vmem>>, vector<1x16xf32>,
      %get3A_715 = vector.shape_cast %get3A_714 : vector<1x16xf32> to vector<16xf32>
      %get3A_716 = arith.index_cast %add3A_83 : i32 to index
      %get3A_717 = arith.constant 720 : index
      %get3A_718 = tpu.vector_load %arg7[%get3A_716, %get3A_717] {strides = array<i32>} : memref<32x768xf32, #tpu.memory_space<vmem>>, vector<1x16xf32>,
      %get3A_719 = vector.shape_cast %get3A_718 : vector<1x16xf32> to vector<16xf32>
      %add3A_720 = arith.addf %get3A_715, %get3A_719 : vector<16xf32>
      %swap3A_721 = arith.index_cast %add3A_83 : i32 to index
      %swap3A_722 = arith.constant 720 : index
      %swap3A_723 = tpu.vector_load %arg8[%swap3A_721, %swap3A_722] {strides = array<i32>} : memref<32x768xf32, #tpu.memory_space<vmem>>, vector<1x16xf32>,
      %swap3A_724 = vector.shape_cast %swap3A_723 : vector<1x16xf32> to vector<16xf32>
      %swap3A_725 = vector.shape_cast %add3A_720 : vector<16xf32> to vector<1x16xf32>
      tpu.vector_store %arg8[%swap3A_721, %swap3A_722], %swap3A_725 {strides = array<i32>} : memref<32x768xf32, #tpu.memory_space<vmem>>, vector<1x16xf32>,
      %get3A_726 = arith.index_cast %add3A_83 : i32 to index
      %get3A_727 = arith.constant 736 : index
      %get3A_728 = tpu.vector_load %arg6[%get3A_726, %get3A_727] {strides = array<i32>} : memref<32x768xf32, #tpu.memory_space<vmem>>, vector<1x16xf32>,
      %get3A_729 = vector.shape_cast %get3A_728 : vector<1x16xf32> to vector<16xf32>
      %get3A_730 = arith.index_cast %add3A_83 : i32 to index
      %get3A_731 = arith.constant 736 : index
      %get3A_732 = tpu.vector_load %arg7[%get3A_730, %get3A_731] {strides = array<i32>} : memref<32x768xf32, #tpu.memory_space<vmem>>, vector<1x16xf32>,
      %get3A_733 = vector.shape_cast %get3A_732 : vector<1x16xf32> to vector<16xf32>
      %add3A_734 = arith.addf %get3A_729, %get3A_733 : vector<16xf32>
      %swap3A_735 = arith.index_cast %add3A_83 : i32 to index
      %swap3A_736 = arith.constant 736 : index
      %swap3A_737 = tpu.vector_load %arg8[%swap3A_735, %swap3A_736] {strides = array<i32>} : memref<32x768xf32, #tpu.memory_space<vmem>>, vector<1x16xf32>,
      %swap3A_738 = vector.shape_cast %swap3A_737 : vector<1x16xf32> to vector<16xf32>
      %swap3A_739 = vector.shape_cast %add3A_734 : vector<16xf32> to vector<1x16xf32>
      tpu.vector_store %arg8[%swap3A_735, %swap3A_736], %swap3A_739 {strides = array<i32>} : memref<32x768xf32, #tpu.memory_space<vmem>>, vector<1x16xf32>,
      %get3A_740 = arith.index_cast %add3A_83 : i32 to index
      %get3A_741 = arith.constant 752 : index
      %get3A_742 = tpu.vector_load %arg6[%get3A_740, %get3A_741] {strides = array<i32>} : memref<32x768xf32, #tpu.memory_space<vmem>>, vector<1x16xf32>,
      %get3A_743 = vector.shape_cast %get3A_742 : vector<1x16xf32> to vector<16xf32>
      %get3A_744 = arith.index_cast %add3A_83 : i32 to index
      %get3A_745 = arith.constant 752 : index
      %get3A_746 = tpu.vector_load %arg7[%get3A_744, %get3A_745] {strides = array<i32>} : memref<32x768xf32, #tpu.memory_space<vmem>>, vector<1x16xf32>,
      %get3A_747 = vector.shape_cast %get3A_746 : vector<1x16xf32> to vector<16xf32>
      %add3A_748 = arith.addf %get3A_743, %get3A_747 : vector<16xf32>
      %swap3A_749 = arith.index_cast %add3A_83 : i32 to index
      %swap3A_750 = arith.constant 752 : index
      %swap3A_751 = tpu.vector_load %arg8[%swap3A_749, %swap3A_750] {strides = array<i32>} : memref<32x768xf32, #tpu.memory_space<vmem>>, vector<1x16xf32>,
      %swap3A_752 = vector.shape_cast %swap3A_751 : vector<1x16xf32> to vector<16xf32>
      %swap3A_753 = vector.shape_cast %add3A_748 : vector<16xf32> to vector<1x16xf32>
      tpu.vector_store %arg8[%swap3A_749, %swap3A_750], %swap3A_753 {strides = array<i32>} : memref<32x768xf32, #tpu.memory_space<vmem>>, vector<1x16xf32>,
    }
    %scan3A_37 = arith.constant 32 : i32
    "tpu.region"() ({
      %run_scoped3A_79 = tpu.sem_alloc : memref<!tpu.dma_semaphore, #tpu.memory_space<semaphore_mem>>
      %dma_start3A_80 = arith.constant 0 : i32
      %dma_start3A_81 = tpu.memref_slice %arg4[%add3A_4, %dma_start3A_80] : memref<2048x768xf32, #tpu.memory_space<hbm>> -> memref<32x768xf32, #tpu.memory_space<hbm>>
      %dma_start3A_82 = arith.constant 0 : i32
      %dma_start3A_83 = tpu.memref_slice %arg4[%add3A_4, %dma_start3A_82] : memref<2048x768xf32, #tpu.memory_space<hbm>> -> memref<32x768xf32, #tpu.memory_space<hbm>>
      tpu.enqueue_dma source(%arg8 : memref<32x768xf32, #tpu.memory_space<vmem>>) target(%dma_start3A_83 : memref<32x768xf32, #tpu.memory_space<hbm>>) target_semaphore(%run_scoped3A_79 : memref<!tpu.dma_semaphore, #tpu.memory_space<semaphore_mem>>)
      %dma_wait3A_84 = arith.constant 0 : i32
      %dma_wait3A_85 = tpu.memref_slice %arg4[%add3A_4, %dma_wait3A_84] : memref<2048x768xf32, #tpu.memory_space<hbm>> -> memref<32x768xf32, #tpu.memory_space<hbm>>
      %dma_wait3A_86 = arith.constant 0 : i32
      %dma_wait3A_87 = tpu.memref_slice %arg4[%add3A_4, %dma_wait3A_86] : memref<2048x768xf32, #tpu.memory_space<hbm>> -> memref<32x768xf32, #tpu.memory_space<hbm>>
      tpu.wait_dma2 semaphore(%run_scoped3A_79 : memref<!tpu.dma_semaphore, #tpu.memory_space<semaphore_mem>>) src(%arg8 : memref<32x768xf32, #tpu.memory_space<vmem>>) dst(%dma_wait3A_87 : memref<32x768xf32, #tpu.memory_space<hbm>>)
      tpu.yield
    }) : () -> ()
    %mul3A_38 = arith.constant 64 : i32
    %mul3A_39 = arith.muli %add3A, %mul3A_38 : i32
    %add3A_40 = arith.constant 32 : i32
    %add3A_41 = arith.addi %mul3A_39, %add3A_40 : i32
    %run_scoped3A_42 = arith.constant 0 : i32
    "tpu.region"() ({
      %run_scoped3A_79 = tpu.sem_alloc : memref<!tpu.dma_semaphore, #tpu.memory_space<semaphore_mem>>
      %dma_start3A_80 = arith.constant 0 : i32
      %dma_start3A_81 = tpu.memref_slice %arg5[%run_scoped3A_42, %dma_start3A_80] : memref<2x32xi32, #tpu.memory_space<vmem>> -> memref<1x32xi32, #tpu.memory_space<vmem>>
      %dma_start3A_82 = tpu.memref_squeeze %dma_start3A_81 : memref<1x32xi32, #tpu.memory_space<vmem>> -> memref<32xi32, #tpu.memory_space<vmem>>
      %dma_start3A_83 = tpu.memref_slice %arg3[%add3A_41] : memref<4096xi32, #tpu.memory_space<hbm>> -> memref<32xi32, #tpu.memory_space<hbm>>
      %dma_start3A_84 = arith.constant 0 : i32
      %dma_start3A_85 = tpu.memref_slice %arg5[%run_scoped3A_42, %dma_start3A_84] : memref<2x32xi32, #tpu.memory_space<vmem>> -> memref<1x32xi32, #tpu.memory_space<vmem>>
      %dma_start3A_86 = tpu.memref_squeeze %dma_start3A_85 : memref<1x32xi32, #tpu.memory_space<vmem>> -> memref<32xi32, #tpu.memory_space<vmem>>
      %dma_start3A_87 = tpu.memref_slice %arg3[%add3A_41] : memref<4096xi32, #tpu.memory_space<hbm>> -> memref<32xi32, #tpu.memory_space<hbm>>
      tpu.enqueue_dma source(%dma_start3A_87 : memref<32xi32, #tpu.memory_space<hbm>>) target(%dma_start3A_86 : memref<32xi32, #tpu.memory_space<vmem>>) target_semaphore(%run_scoped3A_79 : memref<!tpu.dma_semaphore, #tpu.memory_space<semaphore_mem>>)
      %dma_wait3A_88 = arith.constant 0 : i32
      %dma_wait3A_89 = tpu.memref_slice %arg5[%run_scoped3A_42, %dma_wait3A_88] : memref<2x32xi32, #tpu.memory_space<vmem>> -> memref<1x32xi32, #tpu.memory_space<vmem>>
      %dma_wait3A_90 = tpu.memref_squeeze %dma_wait3A_89 : memref<1x32xi32, #tpu.memory_space<vmem>> -> memref<32xi32, #tpu.memory_space<vmem>>
      %dma_wait3A_91 = tpu.memref_slice %arg3[%add3A_41] : memref<4096xi32, #tpu.memory_space<hbm>> -> memref<32xi32, #tpu.memory_space<hbm>>
      %dma_wait3A_92 = arith.constant 0 : i32
      %dma_wait3A_93 = tpu.memref_slice %arg5[%run_scoped3A_42, %dma_wait3A_92] : memref<2x32xi32, #tpu.memory_space<vmem>> -> memref<1x32xi32, #tpu.memory_space<vmem>>
      %dma_wait3A_94 = tpu.memref_squeeze %dma_wait3A_93 : memref<1x32xi32, #tpu.memory_space<vmem>> -> memref<32xi32, #tpu.memory_space<vmem>>
      %dma_wait3A_95 = tpu.memref_slice %arg3[%add3A_41] : memref<4096xi32, #tpu.memory_space<hbm>> -> memref<32xi32, #tpu.memory_space<hbm>>
      tpu.wait_dma2 semaphore(%run_scoped3A_79 : memref<!tpu.dma_semaphore, #tpu.memory_space<semaphore_mem>>) src(%dma_wait3A_95 : memref<32xi32, #tpu.memory_space<hbm>>) dst(%dma_wait3A_94 : memref<32xi32, #tpu.memory_space<vmem>>)
      tpu.yield
    }) : () -> ()
    %add3A_43 = arith.constant 2048 : i32
    %add3A_44 = arith.addi %add3A_43, %add3A_41 : i32
    %run_scoped3A_45 = arith.constant 1 : i32
    "tpu.region"() ({
      %run_scoped3A_79 = tpu.sem_alloc : memref<!tpu.dma_semaphore, #tpu.memory_space<semaphore_mem>>
      %dma_start3A_80 = arith.constant 0 : i32
      %dma_start3A_81 = tpu.memref_slice %arg5[%run_scoped3A_45, %dma_start3A_80] : memref<2x32xi32, #tpu.memory_space<vmem>> -> memref<1x32xi32, #tpu.memory_space<vmem>>
      %dma_start3A_82 = tpu.memref_squeeze %dma_start3A_81 : memref<1x32xi32, #tpu.memory_space<vmem>> -> memref<32xi32, #tpu.memory_space<vmem>>
      %dma_start3A_83 = tpu.memref_slice %arg3[%add3A_44] : memref<4096xi32, #tpu.memory_space<hbm>> -> memref<32xi32, #tpu.memory_space<hbm>>
      %dma_start3A_84 = arith.constant 0 : i32
      %dma_start3A_85 = tpu.memref_slice %arg5[%run_scoped3A_45, %dma_start3A_84] : memref<2x32xi32, #tpu.memory_space<vmem>> -> memref<1x32xi32, #tpu.memory_space<vmem>>
      %dma_start3A_86 = tpu.memref_squeeze %dma_start3A_85 : memref<1x32xi32, #tpu.memory_space<vmem>> -> memref<32xi32, #tpu.memory_space<vmem>>
      %dma_start3A_87 = tpu.memref_slice %arg3[%add3A_44] : memref<4096xi32, #tpu.memory_space<hbm>> -> memref<32xi32, #tpu.memory_space<hbm>>
      tpu.enqueue_dma source(%dma_start3A_87 : memref<32xi32, #tpu.memory_space<hbm>>) target(%dma_start3A_86 : memref<32xi32, #tpu.memory_space<vmem>>) target_semaphore(%run_scoped3A_79 : memref<!tpu.dma_semaphore, #tpu.memory_space<semaphore_mem>>)
      %dma_wait3A_88 = arith.constant 0 : i32
      %dma_wait3A_89 = tpu.memref_slice %arg5[%run_scoped3A_45, %dma_wait3A_88] : memref<2x32xi32, #tpu.memory_space<vmem>> -> memref<1x32xi32, #tpu.memory_space<vmem>>
      %dma_wait3A_90 = tpu.memref_squeeze %dma_wait3A_89 : memref<1x32xi32, #tpu.memory_space<vmem>> -> memref<32xi32, #tpu.memory_space<vmem>>
      %dma_wait3A_91 = tpu.memref_slice %arg3[%add3A_44] : memref<4096xi32, #tpu.memory_space<hbm>> -> memref<32xi32, #tpu.memory_space<hbm>>
      %dma_wait3A_92 = arith.constant 0 : i32
      %dma_wait3A_93 = tpu.memref_slice %arg5[%run_scoped3A_45, %dma_wait3A_92] : memref<2x32xi32, #tpu.memory_space<vmem>> -> memref<1x32xi32, #tpu.memory_space<vmem>>
      %dma_wait3A_94 = tpu.memref_squeeze %dma_wait3A_93 : memref<1x32xi32, #tpu.memory_space<vmem>> -> memref<32xi32, #tpu.memory_space<vmem>>
      %dma_wait3A_95 = tpu.memref_slice %arg3[%add3A_44] : memref<4096xi32, #tpu.memory_space<hbm>> -> memref<32xi32, #tpu.memory_space<hbm>>
      tpu.wait_dma2 semaphore(%run_scoped3A_79 : memref<!tpu.dma_semaphore, #tpu.memory_space<semaphore_mem>>) src(%dma_wait3A_95 : memref<32xi32, #tpu.memory_space<hbm>>) dst(%dma_wait3A_94 : memref<32xi32, #tpu.memory_space<vmem>>)
      tpu.yield
    }) : () -> ()
    %dma_start3A_46 = arith.constant 0 : i32
    %dma_start3A_47 = arith.constant 0 : i32
    %dma_start3A_48 = tpu.memref_slice %arg5[%dma_start3A_46, %dma_start3A_47] : memref<2x32xi32, #tpu.memory_space<vmem>> -> memref<1x32xi32, #tpu.memory_space<vmem>>
    %dma_start3A_49 = tpu.memref_squeeze %dma_start3A_48 : memref<1x32xi32, #tpu.memory_space<vmem>> -> memref<32xi32, #tpu.memory_space<vmem>>
    %dma_start3A_50 = arith.constant 0 : i32
    %dma_start3A_51 = arith.constant 0 : i32
    %dma_start3A_52 = tpu.memref_slice %arg2[%dma_start3A_50, %dma_start3A_51] : memref<8192x768xf32, #tpu.memory_space<hbm>> -> memref<8192x768xf32, #tpu.memory_space<hbm>>
    tpu.enqueue_indirect_dma source(%dma_start3A_52 : memref<8192x768xf32, #tpu.memory_space<hbm>>) target(%arg6 : memref<32x768xf32, #tpu.memory_space<vmem>>) offsets(%dma_start3A_49 : memref<32xi32, #tpu.memory_space<vmem>>) semaphore(%arg9 : memref<!tpu.dma_semaphore, #tpu.memory_space<semaphore_mem>>)
    %dma_wait3A_53 = arith.constant 0 : i32
    %dma_wait3A_54 = arith.constant 0 : i32
    %dma_wait3A_55 = tpu.memref_slice %arg5[%dma_wait3A_53, %dma_wait3A_54] : memref<2x32xi32, #tpu.memory_space<vmem>> -> memref<1x32xi32, #tpu.memory_space<vmem>>
    %dma_wait3A_56 = tpu.memref_squeeze %dma_wait3A_55 : memref<1x32xi32, #tpu.memory_space<vmem>> -> memref<32xi32, #tpu.memory_space<vmem>>
    %dma_wait3A_57 = arith.constant 0 : i32
    %dma_wait3A_58 = arith.constant 0 : i32
    %dma_wait3A_59 = tpu.memref_slice %arg2[%dma_wait3A_57, %dma_wait3A_58] : memref<8192x768xf32, #tpu.memory_space<hbm>> -> memref<8192x768xf32, #tpu.memory_space<hbm>>
    tpu.wait_indirect_dma semaphore(%arg9 : memref<!tpu.dma_semaphore, #tpu.memory_space<semaphore_mem>>) src(%dma_wait3A_59 : memref<8192x768xf32, #tpu.memory_space<hbm>>) dst(%arg6 : memref<32x768xf32, #tpu.memory_space<vmem>>)
    %dma_start3A_60 = arith.constant 1 : i32
    %dma_start3A_61 = arith.constant 0 : i32
    %dma_start3A_62 = tpu.memref_slice %arg5[%dma_start3A_60, %dma_start3A_61] : memref<2x32xi32, #tpu.memory_space<vmem>> -> memref<1x32xi32, #tpu.memory_space<vmem>>
    %dma_start3A_63 = tpu.memref_squeeze %dma_start3A_62 : memref<1x32xi32, #tpu.memory_space<vmem>> -> memref<32xi32, #tpu.memory_space<vmem>>
    %dma_start3A_64 = arith.constant 0 : i32
    %dma_start3A_65 = arith.constant 0 : i32
    %dma_start3A_66 = tpu.memref_slice %arg2[%dma_start3A_64, %dma_start3A_65] : memref<8192x768xf32, #tpu.memory_space<hbm>> -> memref<8192x768xf32, #tpu.memory_space<hbm>>
    tpu.enqueue_indirect_dma source(%dma_start3A_66 : memref<8192x768xf32, #tpu.memory_space<hbm>>) target(%arg7 : memref<32x768xf32, #tpu.memory_space<vmem>>) offsets(%dma_start3A_63 : memref<32xi32, #tpu.memory_space<vmem>>) semaphore(%arg9 : memref<!tpu.dma_semaphore, #tpu.memory_space<semaphore_mem>>)
    %dma_wait3A_67 = arith.constant 1 : i32
    %dma_wait3A_68 = arith.constant 0 : i32
    %dma_wait3A_69 = tpu.memref_slice %arg5[%dma_wait3A_67, %dma_wait3A_68] : memref<2x32xi32, #tpu.memory_space<vmem>> -> memref<1x32xi32, #tpu.memory_space<vmem>>
    %dma_wait3A_70 = tpu.memref_squeeze %dma_wait3A_69 : memref<1x32xi32, #tpu.memory_space<vmem>> -> memref<32xi32, #tpu.memory_space<vmem>>
    %dma_wait3A_71 = arith.constant 0 : i32
    %dma_wait3A_72 = arith.constant 0 : i32
    %dma_wait3A_73 = tpu.memref_slice %arg2[%dma_wait3A_71, %dma_wait3A_72] : memref<8192x768xf32, #tpu.memory_space<hbm>> -> memref<8192x768xf32, #tpu.memory_space<hbm>>
    tpu.wait_indirect_dma semaphore(%arg9 : memref<!tpu.dma_semaphore, #tpu.memory_space<semaphore_mem>>) src(%dma_wait3A_73 : memref<8192x768xf32, #tpu.memory_space<hbm>>) dst(%arg7 : memref<32x768xf32, #tpu.memory_space<vmem>>)
    %scan3A_74 = arith.constant 0 : i32
    %scan3A_75 = arith.constant 32 : i32
    %scan3A_76 = arith.addi %scan3A_74, %scan3A_75 : i32
    %scan3A_77 = arith.constant 1 : i32
    scf.for %scan3A_79 = %scan3A_74 to %scan3A_76 step %scan3A_77  : i32 {
      %mul3A_80 = arith.constant 1 : i32
      %mul3A_81 = arith.muli %scan3A_79, %mul3A_80 : i32
      %add3A_82 = arith.constant 0 : i32
      %add3A_83 = arith.addi %add3A_82, %mul3A_81 : i32
      %get3A = arith.index_cast %add3A_83 : i32 to index
      %get3A_84 = arith.constant 0 : index
      %get3A_85 = tpu.vector_load %arg6[%get3A, %get3A_84] {strides = array<i32>} : memref<32x768xf32, #tpu.memory_space<vmem>>, vector<1x16xf32>,
      %get3A_86 = vector.shape_cast %get3A_85 : vector<1x16xf32> to vector<16xf32>
      %get3A_87 = arith.index_cast %add3A_83 : i32 to index
      %get3A_88 = arith.constant 0 : index
      %get3A_89 = tpu.vector_load %arg7[%get3A_87, %get3A_88] {strides = array<i32>} : memref<32x768xf32, #tpu.memory_space<vmem>>, vector<1x16xf32>,
      %get3A_90 = vector.shape_cast %get3A_89 : vector<1x16xf32> to vector<16xf32>
      %add3A_91 = arith.addf %get3A_86, %get3A_90 : vector<16xf32>
      %swap3A = arith.index_cast %add3A_83 : i32 to index
      %swap3A_92 = arith.constant 0 : index
      %swap3A_93 = tpu.vector_load %arg8[%swap3A, %swap3A_92] {strides = array<i32>} : memref<32x768xf32, #tpu.memory_space<vmem>>, vector<1x16xf32>,
      %swap3A_94 = vector.shape_cast %swap3A_93 : vector<1x16xf32> to vector<16xf32>
      %swap3A_95 = vector.shape_cast %add3A_91 : vector<16xf32> to vector<1x16xf32>
      tpu.vector_store %arg8[%swap3A, %swap3A_92], %swap3A_95 {strides = array<i32>} : memref<32x768xf32, #tpu.memory_space<vmem>>, vector<1x16xf32>,
      %get3A_96 = arith.index_cast %add3A_83 : i32 to index
      %get3A_97 = arith.constant 16 : index
      %get3A_98 = tpu.vector_load %arg6[%get3A_96, %get3A_97] {strides = array<i32>} : memref<32x768xf32, #tpu.memory_space<vmem>>, vector<1x16xf32>,
      %get3A_99 = vector.shape_cast %get3A_98 : vector<1x16xf32> to vector<16xf32>
      %get3A_100 = arith.index_cast %add3A_83 : i32 to index
      %get3A_101 = arith.constant 16 : index
      %get3A_102 = tpu.vector_load %arg7[%get3A_100, %get3A_101] {strides = array<i32>} : memref<32x768xf32, #tpu.memory_space<vmem>>, vector<1x16xf32>,
      %get3A_103 = vector.shape_cast %get3A_102 : vector<1x16xf32> to vector<16xf32>
      %add3A_104 = arith.addf %get3A_99, %get3A_103 : vector<16xf32>
      %swap3A_105 = arith.index_cast %add3A_83 : i32 to index
      %swap3A_106 = arith.constant 16 : index
      %swap3A_107 = tpu.vector_load %arg8[%swap3A_105, %swap3A_106] {strides = array<i32>} : memref<32x768xf32, #tpu.memory_space<vmem>>, vector<1x16xf32>,
      %swap3A_108 = vector.shape_cast %swap3A_107 : vector<1x16xf32> to vector<16xf32>
      %swap3A_109 = vector.shape_cast %add3A_104 : vector<16xf32> to vector<1x16xf32>
      tpu.vector_store %arg8[%swap3A_105, %swap3A_106], %swap3A_109 {strides = array<i32>} : memref<32x768xf32, #tpu.memory_space<vmem>>, vector<1x16xf32>,
      %get3A_110 = arith.index_cast %add3A_83 : i32 to index
      %get3A_111 = arith.constant 32 : index
      %get3A_112 = tpu.vector_load %arg6[%get3A_110, %get3A_111] {strides = array<i32>} : memref<32x768xf32, #tpu.memory_space<vmem>>, vector<1x16xf32>,
      %get3A_113 = vector.shape_cast %get3A_112 : vector<1x16xf32> to vector<16xf32>
      %get3A_114 = arith.index_cast %add3A_83 : i32 to index
      %get3A_115 = arith.constant 32 : index
      %get3A_116 = tpu.vector_load %arg7[%get3A_114, %get3A_115] {strides = array<i32>} : memref<32x768xf32, #tpu.memory_space<vmem>>, vector<1x16xf32>,
      %get3A_117 = vector.shape_cast %get3A_116 : vector<1x16xf32> to vector<16xf32>
      %add3A_118 = arith.addf %get3A_113, %get3A_117 : vector<16xf32>
      %swap3A_119 = arith.index_cast %add3A_83 : i32 to index
      %swap3A_120 = arith.constant 32 : index
      %swap3A_121 = tpu.vector_load %arg8[%swap3A_119, %swap3A_120] {strides = array<i32>} : memref<32x768xf32, #tpu.memory_space<vmem>>, vector<1x16xf32>,
      %swap3A_122 = vector.shape_cast %swap3A_121 : vector<1x16xf32> to vector<16xf32>
      %swap3A_123 = vector.shape_cast %add3A_118 : vector<16xf32> to vector<1x16xf32>
      tpu.vector_store %arg8[%swap3A_119, %swap3A_120], %swap3A_123 {strides = array<i32>} : memref<32x768xf32, #tpu.memory_space<vmem>>, vector<1x16xf32>,
      %get3A_124 = arith.index_cast %add3A_83 : i32 to index
      %get3A_125 = arith.constant 48 : index
      %get3A_126 = tpu.vector_load %arg6[%get3A_124, %get3A_125] {strides = array<i32>} : memref<32x768xf32, #tpu.memory_space<vmem>>, vector<1x16xf32>,
      %get3A_127 = vector.shape_cast %get3A_126 : vector<1x16xf32> to vector<16xf32>
      %get3A_128 = arith.index_cast %add3A_83 : i32 to index
      %get3A_129 = arith.constant 48 : index
      %get3A_130 = tpu.vector_load %arg7[%get3A_128, %get3A_129] {strides = array<i32>} : memref<32x768xf32, #tpu.memory_space<vmem>>, vector<1x16xf32>,
      %get3A_131 = vector.shape_cast %get3A_130 : vector<1x16xf32> to vector<16xf32>
      %add3A_132 = arith.addf %get3A_127, %get3A_131 : vector<16xf32>
      %swap3A_133 = arith.index_cast %add3A_83 : i32 to index
      %swap3A_134 = arith.constant 48 : index
      %swap3A_135 = tpu.vector_load %arg8[%swap3A_133, %swap3A_134] {strides = array<i32>} : memref<32x768xf32, #tpu.memory_space<vmem>>, vector<1x16xf32>,
      %swap3A_136 = vector.shape_cast %swap3A_135 : vector<1x16xf32> to vector<16xf32>
      %swap3A_137 = vector.shape_cast %add3A_132 : vector<16xf32> to vector<1x16xf32>
      tpu.vector_store %arg8[%swap3A_133, %swap3A_134], %swap3A_137 {strides = array<i32>} : memref<32x768xf32, #tpu.memory_space<vmem>>, vector<1x16xf32>,
      %get3A_138 = arith.index_cast %add3A_83 : i32 to index
      %get3A_139 = arith.constant 64 : index
      %get3A_140 = tpu.vector_load %arg6[%get3A_138, %get3A_139] {strides = array<i32>} : memref<32x768xf32, #tpu.memory_space<vmem>>, vector<1x16xf32>,
      %get3A_141 = vector.shape_cast %get3A_140 : vector<1x16xf32> to vector<16xf32>
      %get3A_142 = arith.index_cast %add3A_83 : i32 to index
      %get3A_143 = arith.constant 64 : index
      %get3A_144 = tpu.vector_load %arg7[%get3A_142, %get3A_143] {strides = array<i32>} : memref<32x768xf32, #tpu.memory_space<vmem>>, vector<1x16xf32>,
      %get3A_145 = vector.shape_cast %get3A_144 : vector<1x16xf32> to vector<16xf32>
      %add3A_146 = arith.addf %get3A_141, %get3A_145 : vector<16xf32>
      %swap3A_147 = arith.index_cast %add3A_83 : i32 to index
      %swap3A_148 = arith.constant 64 : index
      %swap3A_149 = tpu.vector_load %arg8[%swap3A_147, %swap3A_148] {strides = array<i32>} : memref<32x768xf32, #tpu.memory_space<vmem>>, vector<1x16xf32>,
      %swap3A_150 = vector.shape_cast %swap3A_149 : vector<1x16xf32> to vector<16xf32>
      %swap3A_151 = vector.shape_cast %add3A_146 : vector<16xf32> to vector<1x16xf32>
      tpu.vector_store %arg8[%swap3A_147, %swap3A_148], %swap3A_151 {strides = array<i32>} : memref<32x768xf32, #tpu.memory_space<vmem>>, vector<1x16xf32>,
      %get3A_152 = arith.index_cast %add3A_83 : i32 to index
      %get3A_153 = arith.constant 80 : index
      %get3A_154 = tpu.vector_load %arg6[%get3A_152, %get3A_153] {strides = array<i32>} : memref<32x768xf32, #tpu.memory_space<vmem>>, vector<1x16xf32>,
      %get3A_155 = vector.shape_cast %get3A_154 : vector<1x16xf32> to vector<16xf32>
      %get3A_156 = arith.index_cast %add3A_83 : i32 to index
      %get3A_157 = arith.constant 80 : index
      %get3A_158 = tpu.vector_load %arg7[%get3A_156, %get3A_157] {strides = array<i32>} : memref<32x768xf32, #tpu.memory_space<vmem>>, vector<1x16xf32>,
      %get3A_159 = vector.shape_cast %get3A_158 : vector<1x16xf32> to vector<16xf32>
      %add3A_160 = arith.addf %get3A_155, %get3A_159 : vector<16xf32>
      %swap3A_161 = arith.index_cast %add3A_83 : i32 to index
      %swap3A_162 = arith.constant 80 : index
      %swap3A_163 = tpu.vector_load %arg8[%swap3A_161, %swap3A_162] {strides = array<i32>} : memref<32x768xf32, #tpu.memory_space<vmem>>, vector<1x16xf32>,
      %swap3A_164 = vector.shape_cast %swap3A_163 : vector<1x16xf32> to vector<16xf32>
      %swap3A_165 = vector.shape_cast %add3A_160 : vector<16xf32> to vector<1x16xf32>
      tpu.vector_store %arg8[%swap3A_161, %swap3A_162], %swap3A_165 {strides = array<i32>} : memref<32x768xf32, #tpu.memory_space<vmem>>, vector<1x16xf32>,
      %get3A_166 = arith.index_cast %add3A_83 : i32 to index
      %get3A_167 = arith.constant 96 : index
      %get3A_168 = tpu.vector_load %arg6[%get3A_166, %get3A_167] {strides = array<i32>} : memref<32x768xf32, #tpu.memory_space<vmem>>, vector<1x16xf32>,
      %get3A_169 = vector.shape_cast %get3A_168 : vector<1x16xf32> to vector<16xf32>
      %get3A_170 = arith.index_cast %add3A_83 : i32 to index
      %get3A_171 = arith.constant 96 : index
      %get3A_172 = tpu.vector_load %arg7[%get3A_170, %get3A_171] {strides = array<i32>} : memref<32x768xf32, #tpu.memory_space<vmem>>, vector<1x16xf32>,
      %get3A_173 = vector.shape_cast %get3A_172 : vector<1x16xf32> to vector<16xf32>
      %add3A_174 = arith.addf %get3A_169, %get3A_173 : vector<16xf32>
      %swap3A_175 = arith.index_cast %add3A_83 : i32 to index
      %swap3A_176 = arith.constant 96 : index
      %swap3A_177 = tpu.vector_load %arg8[%swap3A_175, %swap3A_176] {strides = array<i32>} : memref<32x768xf32, #tpu.memory_space<vmem>>, vector<1x16xf32>,
      %swap3A_178 = vector.shape_cast %swap3A_177 : vector<1x16xf32> to vector<16xf32>
      %swap3A_179 = vector.shape_cast %add3A_174 : vector<16xf32> to vector<1x16xf32>
      tpu.vector_store %arg8[%swap3A_175, %swap3A_176], %swap3A_179 {strides = array<i32>} : memref<32x768xf32, #tpu.memory_space<vmem>>, vector<1x16xf32>,
      %get3A_180 = arith.index_cast %add3A_83 : i32 to index
      %get3A_181 = arith.constant 112 : index
      %get3A_182 = tpu.vector_load %arg6[%get3A_180, %get3A_181] {strides = array<i32>} : memref<32x768xf32, #tpu.memory_space<vmem>>, vector<1x16xf32>,
      %get3A_183 = vector.shape_cast %get3A_182 : vector<1x16xf32> to vector<16xf32>
      %get3A_184 = arith.index_cast %add3A_83 : i32 to index
      %get3A_185 = arith.constant 112 : index
      %get3A_186 = tpu.vector_load %arg7[%get3A_184, %get3A_185] {strides = array<i32>} : memref<32x768xf32, #tpu.memory_space<vmem>>, vector<1x16xf32>,
      %get3A_187 = vector.shape_cast %get3A_186 : vector<1x16xf32> to vector<16xf32>
      %add3A_188 = arith.addf %get3A_183, %get3A_187 : vector<16xf32>
      %swap3A_189 = arith.index_cast %add3A_83 : i32 to index
      %swap3A_190 = arith.constant 112 : index
      %swap3A_191 = tpu.vector_load %arg8[%swap3A_189, %swap3A_190] {strides = array<i32>} : memref<32x768xf32, #tpu.memory_space<vmem>>, vector<1x16xf32>,
      %swap3A_192 = vector.shape_cast %swap3A_191 : vector<1x16xf32> to vector<16xf32>
      %swap3A_193 = vector.shape_cast %add3A_188 : vector<16xf32> to vector<1x16xf32>
      tpu.vector_store %arg8[%swap3A_189, %swap3A_190], %swap3A_193 {strides = array<i32>} : memref<32x768xf32, #tpu.memory_space<vmem>>, vector<1x16xf32>,
      %get3A_194 = arith.index_cast %add3A_83 : i32 to index
      %get3A_195 = arith.constant 128 : index
      %get3A_196 = tpu.vector_load %arg6[%get3A_194, %get3A_195] {strides = array<i32>} : memref<32x768xf32, #tpu.memory_space<vmem>>, vector<1x16xf32>,
      %get3A_197 = vector.shape_cast %get3A_196 : vector<1x16xf32> to vector<16xf32>
      %get3A_198 = arith.index_cast %add3A_83 : i32 to index
      %get3A_199 = arith.constant 128 : index
      %get3A_200 = tpu.vector_load %arg7[%get3A_198, %get3A_199] {strides = array<i32>} : memref<32x768xf32, #tpu.memory_space<vmem>>, vector<1x16xf32>,
      %get3A_201 = vector.shape_cast %get3A_200 : vector<1x16xf32> to vector<16xf32>
      %add3A_202 = arith.addf %get3A_197, %get3A_201 : vector<16xf32>
      %swap3A_203 = arith.index_cast %add3A_83 : i32 to index
      %swap3A_204 = arith.constant 128 : index
      %swap3A_205 = tpu.vector_load %arg8[%swap3A_203, %swap3A_204] {strides = array<i32>} : memref<32x768xf32, #tpu.memory_space<vmem>>, vector<1x16xf32>,
      %swap3A_206 = vector.shape_cast %swap3A_205 : vector<1x16xf32> to vector<16xf32>
      %swap3A_207 = vector.shape_cast %add3A_202 : vector<16xf32> to vector<1x16xf32>
      tpu.vector_store %arg8[%swap3A_203, %swap3A_204], %swap3A_207 {strides = array<i32>} : memref<32x768xf32, #tpu.memory_space<vmem>>, vector<1x16xf32>,
      %get3A_208 = arith.index_cast %add3A_83 : i32 to index
      %get3A_209 = arith.constant 144 : index
      %get3A_210 = tpu.vector_load %arg6[%get3A_208, %get3A_209] {strides = array<i32>} : memref<32x768xf32, #tpu.memory_space<vmem>>, vector<1x16xf32>,
      %get3A_211 = vector.shape_cast %get3A_210 : vector<1x16xf32> to vector<16xf32>
      %get3A_212 = arith.index_cast %add3A_83 : i32 to index
      %get3A_213 = arith.constant 144 : index
      %get3A_214 = tpu.vector_load %arg7[%get3A_212, %get3A_213] {strides = array<i32>} : memref<32x768xf32, #tpu.memory_space<vmem>>, vector<1x16xf32>,
      %get3A_215 = vector.shape_cast %get3A_214 : vector<1x16xf32> to vector<16xf32>
      %add3A_216 = arith.addf %get3A_211, %get3A_215 : vector<16xf32>
      %swap3A_217 = arith.index_cast %add3A_83 : i32 to index
      %swap3A_218 = arith.constant 144 : index
      %swap3A_219 = tpu.vector_load %arg8[%swap3A_217, %swap3A_218] {strides = array<i32>} : memref<32x768xf32, #tpu.memory_space<vmem>>, vector<1x16xf32>,
      %swap3A_220 = vector.shape_cast %swap3A_219 : vector<1x16xf32> to vector<16xf32>
      %swap3A_221 = vector.shape_cast %add3A_216 : vector<16xf32> to vector<1x16xf32>
      tpu.vector_store %arg8[%swap3A_217, %swap3A_218], %swap3A_221 {strides = array<i32>} : memref<32x768xf32, #tpu.memory_space<vmem>>, vector<1x16xf32>,
      %get3A_222 = arith.index_cast %add3A_83 : i32 to index
      %get3A_223 = arith.constant 160 : index
      %get3A_224 = tpu.vector_load %arg6[%get3A_222, %get3A_223] {strides = array<i32>} : memref<32x768xf32, #tpu.memory_space<vmem>>, vector<1x16xf32>,
      %get3A_225 = vector.shape_cast %get3A_224 : vector<1x16xf32> to vector<16xf32>
      %get3A_226 = arith.index_cast %add3A_83 : i32 to index
      %get3A_227 = arith.constant 160 : index
      %get3A_228 = tpu.vector_load %arg7[%get3A_226, %get3A_227] {strides = array<i32>} : memref<32x768xf32, #tpu.memory_space<vmem>>, vector<1x16xf32>,
      %get3A_229 = vector.shape_cast %get3A_228 : vector<1x16xf32> to vector<16xf32>
      %add3A_230 = arith.addf %get3A_225, %get3A_229 : vector<16xf32>
      %swap3A_231 = arith.index_cast %add3A_83 : i32 to index
      %swap3A_232 = arith.constant 160 : index
      %swap3A_233 = tpu.vector_load %arg8[%swap3A_231, %swap3A_232] {strides = array<i32>} : memref<32x768xf32, #tpu.memory_space<vmem>>, vector<1x16xf32>,
      %swap3A_234 = vector.shape_cast %swap3A_233 : vector<1x16xf32> to vector<16xf32>
      %swap3A_235 = vector.shape_cast %add3A_230 : vector<16xf32> to vector<1x16xf32>
      tpu.vector_store %arg8[%swap3A_231, %swap3A_232], %swap3A_235 {strides = array<i32>} : memref<32x768xf32, #tpu.memory_space<vmem>>, vector<1x16xf32>,
      %get3A_236 = arith.index_cast %add3A_83 : i32 to index
      %get3A_237 = arith.constant 176 : index
      %get3A_238 = tpu.vector_load %arg6[%get3A_236, %get3A_237] {strides = array<i32>} : memref<32x768xf32, #tpu.memory_space<vmem>>, vector<1x16xf32>,
      %get3A_239 = vector.shape_cast %get3A_238 : vector<1x16xf32> to vector<16xf32>
      %get3A_240 = arith.index_cast %add3A_83 : i32 to index
      %get3A_241 = arith.constant 176 : index
      %get3A_242 = tpu.vector_load %arg7[%get3A_240, %get3A_241] {strides = array<i32>} : memref<32x768xf32, #tpu.memory_space<vmem>>, vector<1x16xf32>,
      %get3A_243 = vector.shape_cast %get3A_242 : vector<1x16xf32> to vector<16xf32>
      %add3A_244 = arith.addf %get3A_239, %get3A_243 : vector<16xf32>
      %swap3A_245 = arith.index_cast %add3A_83 : i32 to index
      %swap3A_246 = arith.constant 176 : index
      %swap3A_247 = tpu.vector_load %arg8[%swap3A_245, %swap3A_246] {strides = array<i32>} : memref<32x768xf32, #tpu.memory_space<vmem>>, vector<1x16xf32>,
      %swap3A_248 = vector.shape_cast %swap3A_247 : vector<1x16xf32> to vector<16xf32>
      %swap3A_249 = vector.shape_cast %add3A_244 : vector<16xf32> to vector<1x16xf32>
      tpu.vector_store %arg8[%swap3A_245, %swap3A_246], %swap3A_249 {strides = array<i32>} : memref<32x768xf32, #tpu.memory_space<vmem>>, vector<1x16xf32>,
      %get3A_250 = arith.index_cast %add3A_83 : i32 to index
      %get3A_251 = arith.constant 192 : index
      %get3A_252 = tpu.vector_load %arg6[%get3A_250, %get3A_251] {strides = array<i32>} : memref<32x768xf32, #tpu.memory_space<vmem>>, vector<1x16xf32>,
      %get3A_253 = vector.shape_cast %get3A_252 : vector<1x16xf32> to vector<16xf32>
      %get3A_254 = arith.index_cast %add3A_83 : i32 to index
      %get3A_255 = arith.constant 192 : index
      %get3A_256 = tpu.vector_load %arg7[%get3A_254, %get3A_255] {strides = array<i32>} : memref<32x768xf32, #tpu.memory_space<vmem>>, vector<1x16xf32>,
      %get3A_257 = vector.shape_cast %get3A_256 : vector<1x16xf32> to vector<16xf32>
      %add3A_258 = arith.addf %get3A_253, %get3A_257 : vector<16xf32>
      %swap3A_259 = arith.index_cast %add3A_83 : i32 to index
      %swap3A_260 = arith.constant 192 : index
      %swap3A_261 = tpu.vector_load %arg8[%swap3A_259, %swap3A_260] {strides = array<i32>} : memref<32x768xf32, #tpu.memory_space<vmem>>, vector<1x16xf32>,
      %swap3A_262 = vector.shape_cast %swap3A_261 : vector<1x16xf32> to vector<16xf32>
      %swap3A_263 = vector.shape_cast %add3A_258 : vector<16xf32> to vector<1x16xf32>
      tpu.vector_store %arg8[%swap3A_259, %swap3A_260], %swap3A_263 {strides = array<i32>} : memref<32x768xf32, #tpu.memory_space<vmem>>, vector<1x16xf32>,
      %get3A_264 = arith.index_cast %add3A_83 : i32 to index
      %get3A_265 = arith.constant 208 : index
      %get3A_266 = tpu.vector_load %arg6[%get3A_264, %get3A_265] {strides = array<i32>} : memref<32x768xf32, #tpu.memory_space<vmem>>, vector<1x16xf32>,
      %get3A_267 = vector.shape_cast %get3A_266 : vector<1x16xf32> to vector<16xf32>
      %get3A_268 = arith.index_cast %add3A_83 : i32 to index
      %get3A_269 = arith.constant 208 : index
      %get3A_270 = tpu.vector_load %arg7[%get3A_268, %get3A_269] {strides = array<i32>} : memref<32x768xf32, #tpu.memory_space<vmem>>, vector<1x16xf32>,
      %get3A_271 = vector.shape_cast %get3A_270 : vector<1x16xf32> to vector<16xf32>
      %add3A_272 = arith.addf %get3A_267, %get3A_271 : vector<16xf32>
      %swap3A_273 = arith.index_cast %add3A_83 : i32 to index
      %swap3A_274 = arith.constant 208 : index
      %swap3A_275 = tpu.vector_load %arg8[%swap3A_273, %swap3A_274] {strides = array<i32>} : memref<32x768xf32, #tpu.memory_space<vmem>>, vector<1x16xf32>,
      %swap3A_276 = vector.shape_cast %swap3A_275 : vector<1x16xf32> to vector<16xf32>
      %swap3A_277 = vector.shape_cast %add3A_272 : vector<16xf32> to vector<1x16xf32>
      tpu.vector_store %arg8[%swap3A_273, %swap3A_274], %swap3A_277 {strides = array<i32>} : memref<32x768xf32, #tpu.memory_space<vmem>>, vector<1x16xf32>,
      %get3A_278 = arith.index_cast %add3A_83 : i32 to index
      %get3A_279 = arith.constant 224 : index
      %get3A_280 = tpu.vector_load %arg6[%get3A_278, %get3A_279] {strides = array<i32>} : memref<32x768xf32, #tpu.memory_space<vmem>>, vector<1x16xf32>,
      %get3A_281 = vector.shape_cast %get3A_280 : vector<1x16xf32> to vector<16xf32>
      %get3A_282 = arith.index_cast %add3A_83 : i32 to index
      %get3A_283 = arith.constant 224 : index
      %get3A_284 = tpu.vector_load %arg7[%get3A_282, %get3A_283] {strides = array<i32>} : memref<32x768xf32, #tpu.memory_space<vmem>>, vector<1x16xf32>,
      %get3A_285 = vector.shape_cast %get3A_284 : vector<1x16xf32> to vector<16xf32>
      %add3A_286 = arith.addf %get3A_281, %get3A_285 : vector<16xf32>
      %swap3A_287 = arith.index_cast %add3A_83 : i32 to index
      %swap3A_288 = arith.constant 224 : index
      %swap3A_289 = tpu.vector_load %arg8[%swap3A_287, %swap3A_288] {strides = array<i32>} : memref<32x768xf32, #tpu.memory_space<vmem>>, vector<1x16xf32>,
      %swap3A_290 = vector.shape_cast %swap3A_289 : vector<1x16xf32> to vector<16xf32>
      %swap3A_291 = vector.shape_cast %add3A_286 : vector<16xf32> to vector<1x16xf32>
      tpu.vector_store %arg8[%swap3A_287, %swap3A_288], %swap3A_291 {strides = array<i32>} : memref<32x768xf32, #tpu.memory_space<vmem>>, vector<1x16xf32>,
      %get3A_292 = arith.index_cast %add3A_83 : i32 to index
      %get3A_293 = arith.constant 240 : index
      %get3A_294 = tpu.vector_load %arg6[%get3A_292, %get3A_293] {strides = array<i32>} : memref<32x768xf32, #tpu.memory_space<vmem>>, vector<1x16xf32>,
      %get3A_295 = vector.shape_cast %get3A_294 : vector<1x16xf32> to vector<16xf32>
      %get3A_296 = arith.index_cast %add3A_83 : i32 to index
      %get3A_297 = arith.constant 240 : index
      %get3A_298 = tpu.vector_load %arg7[%get3A_296, %get3A_297] {strides = array<i32>} : memref<32x768xf32, #tpu.memory_space<vmem>>, vector<1x16xf32>,
      %get3A_299 = vector.shape_cast %get3A_298 : vector<1x16xf32> to vector<16xf32>
      %add3A_300 = arith.addf %get3A_295, %get3A_299 : vector<16xf32>
      %swap3A_301 = arith.index_cast %add3A_83 : i32 to index
      %swap3A_302 = arith.constant 240 : index
      %swap3A_303 = tpu.vector_load %arg8[%swap3A_301, %swap3A_302] {strides = array<i32>} : memref<32x768xf32, #tpu.memory_space<vmem>>, vector<1x16xf32>,
      %swap3A_304 = vector.shape_cast %swap3A_303 : vector<1x16xf32> to vector<16xf32>
      %swap3A_305 = vector.shape_cast %add3A_300 : vector<16xf32> to vector<1x16xf32>
      tpu.vector_store %arg8[%swap3A_301, %swap3A_302], %swap3A_305 {strides = array<i32>} : memref<32x768xf32, #tpu.memory_space<vmem>>, vector<1x16xf32>,
      %get3A_306 = arith.index_cast %add3A_83 : i32 to index
      %get3A_307 = arith.constant 256 : index
      %get3A_308 = tpu.vector_load %arg6[%get3A_306, %get3A_307] {strides = array<i32>} : memref<32x768xf32, #tpu.memory_space<vmem>>, vector<1x16xf32>,
      %get3A_309 = vector.shape_cast %get3A_308 : vector<1x16xf32> to vector<16xf32>
      %get3A_310 = arith.index_cast %add3A_83 : i32 to index
      %get3A_311 = arith.constant 256 : index
      %get3A_312 = tpu.vector_load %arg7[%get3A_310, %get3A_311] {strides = array<i32>} : memref<32x768xf32, #tpu.memory_space<vmem>>, vector<1x16xf32>,
      %get3A_313 = vector.shape_cast %get3A_312 : vector<1x16xf32> to vector<16xf32>
      %add3A_314 = arith.addf %get3A_309, %get3A_313 : vector<16xf32>
      %swap3A_315 = arith.index_cast %add3A_83 : i32 to index
      %swap3A_316 = arith.constant 256 : index
      %swap3A_317 = tpu.vector_load %arg8[%swap3A_315, %swap3A_316] {strides = array<i32>} : memref<32x768xf32, #tpu.memory_space<vmem>>, vector<1x16xf32>,
      %swap3A_318 = vector.shape_cast %swap3A_317 : vector<1x16xf32> to vector<16xf32>
      %swap3A_319 = vector.shape_cast %add3A_314 : vector<16xf32> to vector<1x16xf32>
      tpu.vector_store %arg8[%swap3A_315, %swap3A_316], %swap3A_319 {strides = array<i32>} : memref<32x768xf32, #tpu.memory_space<vmem>>, vector<1x16xf32>,
      %get3A_320 = arith.index_cast %add3A_83 : i32 to index
      %get3A_321 = arith.constant 272 : index
      %get3A_322 = tpu.vector_load %arg6[%get3A_320, %get3A_321] {strides = array<i32>} : memref<32x768xf32, #tpu.memory_space<vmem>>, vector<1x16xf32>,
      %get3A_323 = vector.shape_cast %get3A_322 : vector<1x16xf32> to vector<16xf32>
      %get3A_324 = arith.index_cast %add3A_83 : i32 to index
      %get3A_325 = arith.constant 272 : index
      %get3A_326 = tpu.vector_load %arg7[%get3A_324, %get3A_325] {strides = array<i32>} : memref<32x768xf32, #tpu.memory_space<vmem>>, vector<1x16xf32>,
      %get3A_327 = vector.shape_cast %get3A_326 : vector<1x16xf32> to vector<16xf32>
      %add3A_328 = arith.addf %get3A_323, %get3A_327 : vector<16xf32>
      %swap3A_329 = arith.index_cast %add3A_83 : i32 to index
      %swap3A_330 = arith.constant 272 : index
      %swap3A_331 = tpu.vector_load %arg8[%swap3A_329, %swap3A_330] {strides = array<i32>} : memref<32x768xf32, #tpu.memory_space<vmem>>, vector<1x16xf32>,
      %swap3A_332 = vector.shape_cast %swap3A_331 : vector<1x16xf32> to vector<16xf32>
      %swap3A_333 = vector.shape_cast %add3A_328 : vector<16xf32> to vector<1x16xf32>
      tpu.vector_store %arg8[%swap3A_329, %swap3A_330], %swap3A_333 {strides = array<i32>} : memref<32x768xf32, #tpu.memory_space<vmem>>, vector<1x16xf32>,
      %get3A_334 = arith.index_cast %add3A_83 : i32 to index
      %get3A_335 = arith.constant 288 : index
      %get3A_336 = tpu.vector_load %arg6[%get3A_334, %get3A_335] {strides = array<i32>} : memref<32x768xf32, #tpu.memory_space<vmem>>, vector<1x16xf32>,
      %get3A_337 = vector.shape_cast %get3A_336 : vector<1x16xf32> to vector<16xf32>
      %get3A_338 = arith.index_cast %add3A_83 : i32 to index
      %get3A_339 = arith.constant 288 : index
      %get3A_340 = tpu.vector_load %arg7[%get3A_338, %get3A_339] {strides = array<i32>} : memref<32x768xf32, #tpu.memory_space<vmem>>, vector<1x16xf32>,
      %get3A_341 = vector.shape_cast %get3A_340 : vector<1x16xf32> to vector<16xf32>
      %add3A_342 = arith.addf %get3A_337, %get3A_341 : vector<16xf32>
      %swap3A_343 = arith.index_cast %add3A_83 : i32 to index
      %swap3A_344 = arith.constant 288 : index
      %swap3A_345 = tpu.vector_load %arg8[%swap3A_343, %swap3A_344] {strides = array<i32>} : memref<32x768xf32, #tpu.memory_space<vmem>>, vector<1x16xf32>,
      %swap3A_346 = vector.shape_cast %swap3A_345 : vector<1x16xf32> to vector<16xf32>
      %swap3A_347 = vector.shape_cast %add3A_342 : vector<16xf32> to vector<1x16xf32>
      tpu.vector_store %arg8[%swap3A_343, %swap3A_344], %swap3A_347 {strides = array<i32>} : memref<32x768xf32, #tpu.memory_space<vmem>>, vector<1x16xf32>,
      %get3A_348 = arith.index_cast %add3A_83 : i32 to index
      %get3A_349 = arith.constant 304 : index
      %get3A_350 = tpu.vector_load %arg6[%get3A_348, %get3A_349] {strides = array<i32>} : memref<32x768xf32, #tpu.memory_space<vmem>>, vector<1x16xf32>,
      %get3A_351 = vector.shape_cast %get3A_350 : vector<1x16xf32> to vector<16xf32>
      %get3A_352 = arith.index_cast %add3A_83 : i32 to index
      %get3A_353 = arith.constant 304 : index
      %get3A_354 = tpu.vector_load %arg7[%get3A_352, %get3A_353] {strides = array<i32>} : memref<32x768xf32, #tpu.memory_space<vmem>>, vector<1x16xf32>,
      %get3A_355 = vector.shape_cast %get3A_354 : vector<1x16xf32> to vector<16xf32>
      %add3A_356 = arith.addf %get3A_351, %get3A_355 : vector<16xf32>
      %swap3A_357 = arith.index_cast %add3A_83 : i32 to index
      %swap3A_358 = arith.constant 304 : index
      %swap3A_359 = tpu.vector_load %arg8[%swap3A_357, %swap3A_358] {strides = array<i32>} : memref<32x768xf32, #tpu.memory_space<vmem>>, vector<1x16xf32>,
      %swap3A_360 = vector.shape_cast %swap3A_359 : vector<1x16xf32> to vector<16xf32>
      %swap3A_361 = vector.shape_cast %add3A_356 : vector<16xf32> to vector<1x16xf32>
      tpu.vector_store %arg8[%swap3A_357, %swap3A_358], %swap3A_361 {strides = array<i32>} : memref<32x768xf32, #tpu.memory_space<vmem>>, vector<1x16xf32>,
      %get3A_362 = arith.index_cast %add3A_83 : i32 to index
      %get3A_363 = arith.constant 320 : index
      %get3A_364 = tpu.vector_load %arg6[%get3A_362, %get3A_363] {strides = array<i32>} : memref<32x768xf32, #tpu.memory_space<vmem>>, vector<1x16xf32>,
      %get3A_365 = vector.shape_cast %get3A_364 : vector<1x16xf32> to vector<16xf32>
      %get3A_366 = arith.index_cast %add3A_83 : i32 to index
      %get3A_367 = arith.constant 320 : index
      %get3A_368 = tpu.vector_load %arg7[%get3A_366, %get3A_367] {strides = array<i32>} : memref<32x768xf32, #tpu.memory_space<vmem>>, vector<1x16xf32>,
      %get3A_369 = vector.shape_cast %get3A_368 : vector<1x16xf32> to vector<16xf32>
      %add3A_370 = arith.addf %get3A_365, %get3A_369 : vector<16xf32>
      %swap3A_371 = arith.index_cast %add3A_83 : i32 to index
      %swap3A_372 = arith.constant 320 : index
      %swap3A_373 = tpu.vector_load %arg8[%swap3A_371, %swap3A_372] {strides = array<i32>} : memref<32x768xf32, #tpu.memory_space<vmem>>, vector<1x16xf32>,
      %swap3A_374 = vector.shape_cast %swap3A_373 : vector<1x16xf32> to vector<16xf32>
      %swap3A_375 = vector.shape_cast %add3A_370 : vector<16xf32> to vector<1x16xf32>
      tpu.vector_store %arg8[%swap3A_371, %swap3A_372], %swap3A_375 {strides = array<i32>} : memref<32x768xf32, #tpu.memory_space<vmem>>, vector<1x16xf32>,
      %get3A_376 = arith.index_cast %add3A_83 : i32 to index
      %get3A_377 = arith.constant 336 : index
      %get3A_378 = tpu.vector_load %arg6[%get3A_376, %get3A_377] {strides = array<i32>} : memref<32x768xf32, #tpu.memory_space<vmem>>, vector<1x16xf32>,
      %get3A_379 = vector.shape_cast %get3A_378 : vector<1x16xf32> to vector<16xf32>
      %get3A_380 = arith.index_cast %add3A_83 : i32 to index
      %get3A_381 = arith.constant 336 : index
      %get3A_382 = tpu.vector_load %arg7[%get3A_380, %get3A_381] {strides = array<i32>} : memref<32x768xf32, #tpu.memory_space<vmem>>, vector<1x16xf32>,
      %get3A_383 = vector.shape_cast %get3A_382 : vector<1x16xf32> to vector<16xf32>
      %add3A_384 = arith.addf %get3A_379, %get3A_383 : vector<16xf32>
      %swap3A_385 = arith.index_cast %add3A_83 : i32 to index
      %swap3A_386 = arith.constant 336 : index
      %swap3A_387 = tpu.vector_load %arg8[%swap3A_385, %swap3A_386] {strides = array<i32>} : memref<32x768xf32, #tpu.memory_space<vmem>>, vector<1x16xf32>,
      %swap3A_388 = vector.shape_cast %swap3A_387 : vector<1x16xf32> to vector<16xf32>
      %swap3A_389 = vector.shape_cast %add3A_384 : vector<16xf32> to vector<1x16xf32>
      tpu.vector_store %arg8[%swap3A_385, %swap3A_386], %swap3A_389 {strides = array<i32>} : memref<32x768xf32, #tpu.memory_space<vmem>>, vector<1x16xf32>,
      %get3A_390 = arith.index_cast %add3A_83 : i32 to index
      %get3A_391 = arith.constant 352 : index
      %get3A_392 = tpu.vector_load %arg6[%get3A_390, %get3A_391] {strides = array<i32>} : memref<32x768xf32, #tpu.memory_space<vmem>>, vector<1x16xf32>,
      %get3A_393 = vector.shape_cast %get3A_392 : vector<1x16xf32> to vector<16xf32>
      %get3A_394 = arith.index_cast %add3A_83 : i32 to index
      %get3A_395 = arith.constant 352 : index
      %get3A_396 = tpu.vector_load %arg7[%get3A_394, %get3A_395] {strides = array<i32>} : memref<32x768xf32, #tpu.memory_space<vmem>>, vector<1x16xf32>,
      %get3A_397 = vector.shape_cast %get3A_396 : vector<1x16xf32> to vector<16xf32>
      %add3A_398 = arith.addf %get3A_393, %get3A_397 : vector<16xf32>
      %swap3A_399 = arith.index_cast %add3A_83 : i32 to index
      %swap3A_400 = arith.constant 352 : index
      %swap3A_401 = tpu.vector_load %arg8[%swap3A_399, %swap3A_400] {strides = array<i32>} : memref<32x768xf32, #tpu.memory_space<vmem>>, vector<1x16xf32>,
      %swap3A_402 = vector.shape_cast %swap3A_401 : vector<1x16xf32> to vector<16xf32>
      %swap3A_403 = vector.shape_cast %add3A_398 : vector<16xf32> to vector<1x16xf32>
      tpu.vector_store %arg8[%swap3A_399, %swap3A_400], %swap3A_403 {strides = array<i32>} : memref<32x768xf32, #tpu.memory_space<vmem>>, vector<1x16xf32>,
      %get3A_404 = arith.index_cast %add3A_83 : i32 to index
      %get3A_405 = arith.constant 368 : index
      %get3A_406 = tpu.vector_load %arg6[%get3A_404, %get3A_405] {strides = array<i32>} : memref<32x768xf32, #tpu.memory_space<vmem>>, vector<1x16xf32>,
      %get3A_407 = vector.shape_cast %get3A_406 : vector<1x16xf32> to vector<16xf32>
      %get3A_408 = arith.index_cast %add3A_83 : i32 to index
      %get3A_409 = arith.constant 368 : index
      %get3A_410 = tpu.vector_load %arg7[%get3A_408, %get3A_409] {strides = array<i32>} : memref<32x768xf32, #tpu.memory_space<vmem>>, vector<1x16xf32>,
      %get3A_411 = vector.shape_cast %get3A_410 : vector<1x16xf32> to vector<16xf32>
      %add3A_412 = arith.addf %get3A_407, %get3A_411 : vector<16xf32>
      %swap3A_413 = arith.index_cast %add3A_83 : i32 to index
      %swap3A_414 = arith.constant 368 : index
      %swap3A_415 = tpu.vector_load %arg8[%swap3A_413, %swap3A_414] {strides = array<i32>} : memref<32x768xf32, #tpu.memory_space<vmem>>, vector<1x16xf32>,
      %swap3A_416 = vector.shape_cast %swap3A_415 : vector<1x16xf32> to vector<16xf32>
      %swap3A_417 = vector.shape_cast %add3A_412 : vector<16xf32> to vector<1x16xf32>
      tpu.vector_store %arg8[%swap3A_413, %swap3A_414], %swap3A_417 {strides = array<i32>} : memref<32x768xf32, #tpu.memory_space<vmem>>, vector<1x16xf32>,
      %get3A_418 = arith.index_cast %add3A_83 : i32 to index
      %get3A_419 = arith.constant 384 : index
      %get3A_420 = tpu.vector_load %arg6[%get3A_418, %get3A_419] {strides = array<i32>} : memref<32x768xf32, #tpu.memory_space<vmem>>, vector<1x16xf32>,
      %get3A_421 = vector.shape_cast %get3A_420 : vector<1x16xf32> to vector<16xf32>
      %get3A_422 = arith.index_cast %add3A_83 : i32 to index
      %get3A_423 = arith.constant 384 : index
      %get3A_424 = tpu.vector_load %arg7[%get3A_422, %get3A_423] {strides = array<i32>} : memref<32x768xf32, #tpu.memory_space<vmem>>, vector<1x16xf32>,
      %get3A_425 = vector.shape_cast %get3A_424 : vector<1x16xf32> to vector<16xf32>
      %add3A_426 = arith.addf %get3A_421, %get3A_425 : vector<16xf32>
      %swap3A_427 = arith.index_cast %add3A_83 : i32 to index
      %swap3A_428 = arith.constant 384 : index
      %swap3A_429 = tpu.vector_load %arg8[%swap3A_427, %swap3A_428] {strides = array<i32>} : memref<32x768xf32, #tpu.memory_space<vmem>>, vector<1x16xf32>,
      %swap3A_430 = vector.shape_cast %swap3A_429 : vector<1x16xf32> to vector<16xf32>
      %swap3A_431 = vector.shape_cast %add3A_426 : vector<16xf32> to vector<1x16xf32>
      tpu.vector_store %arg8[%swap3A_427, %swap3A_428], %swap3A_431 {strides = array<i32>} : memref<32x768xf32, #tpu.memory_space<vmem>>, vector<1x16xf32>,
      %get3A_432 = arith.index_cast %add3A_83 : i32 to index
      %get3A_433 = arith.constant 400 : index
      %get3A_434 = tpu.vector_load %arg6[%get3A_432, %get3A_433] {strides = array<i32>} : memref<32x768xf32, #tpu.memory_space<vmem>>, vector<1x16xf32>,
      %get3A_435 = vector.shape_cast %get3A_434 : vector<1x16xf32> to vector<16xf32>
      %get3A_436 = arith.index_cast %add3A_83 : i32 to index
      %get3A_437 = arith.constant 400 : index
      %get3A_438 = tpu.vector_load %arg7[%get3A_436, %get3A_437] {strides = array<i32>} : memref<32x768xf32, #tpu.memory_space<vmem>>, vector<1x16xf32>,
      %get3A_439 = vector.shape_cast %get3A_438 : vector<1x16xf32> to vector<16xf32>
      %add3A_440 = arith.addf %get3A_435, %get3A_439 : vector<16xf32>
      %swap3A_441 = arith.index_cast %add3A_83 : i32 to index
      %swap3A_442 = arith.constant 400 : index
      %swap3A_443 = tpu.vector_load %arg8[%swap3A_441, %swap3A_442] {strides = array<i32>} : memref<32x768xf32, #tpu.memory_space<vmem>>, vector<1x16xf32>,
      %swap3A_444 = vector.shape_cast %swap3A_443 : vector<1x16xf32> to vector<16xf32>
      %swap3A_445 = vector.shape_cast %add3A_440 : vector<16xf32> to vector<1x16xf32>
      tpu.vector_store %arg8[%swap3A_441, %swap3A_442], %swap3A_445 {strides = array<i32>} : memref<32x768xf32, #tpu.memory_space<vmem>>, vector<1x16xf32>,
      %get3A_446 = arith.index_cast %add3A_83 : i32 to index
      %get3A_447 = arith.constant 416 : index
      %get3A_448 = tpu.vector_load %arg6[%get3A_446, %get3A_447] {strides = array<i32>} : memref<32x768xf32, #tpu.memory_space<vmem>>, vector<1x16xf32>,
      %get3A_449 = vector.shape_cast %get3A_448 : vector<1x16xf32> to vector<16xf32>
      %get3A_450 = arith.index_cast %add3A_83 : i32 to index
      %get3A_451 = arith.constant 416 : index
      %get3A_452 = tpu.vector_load %arg7[%get3A_450, %get3A_451] {strides = array<i32>} : memref<32x768xf32, #tpu.memory_space<vmem>>, vector<1x16xf32>,
      %get3A_453 = vector.shape_cast %get3A_452 : vector<1x16xf32> to vector<16xf32>
      %add3A_454 = arith.addf %get3A_449, %get3A_453 : vector<16xf32>
      %swap3A_455 = arith.index_cast %add3A_83 : i32 to index
      %swap3A_456 = arith.constant 416 : index
      %swap3A_457 = tpu.vector_load %arg8[%swap3A_455, %swap3A_456] {strides = array<i32>} : memref<32x768xf32, #tpu.memory_space<vmem>>, vector<1x16xf32>,
      %swap3A_458 = vector.shape_cast %swap3A_457 : vector<1x16xf32> to vector<16xf32>
      %swap3A_459 = vector.shape_cast %add3A_454 : vector<16xf32> to vector<1x16xf32>
      tpu.vector_store %arg8[%swap3A_455, %swap3A_456], %swap3A_459 {strides = array<i32>} : memref<32x768xf32, #tpu.memory_space<vmem>>, vector<1x16xf32>,
      %get3A_460 = arith.index_cast %add3A_83 : i32 to index
      %get3A_461 = arith.constant 432 : index
      %get3A_462 = tpu.vector_load %arg6[%get3A_460, %get3A_461] {strides = array<i32>} : memref<32x768xf32, #tpu.memory_space<vmem>>, vector<1x16xf32>,
      %get3A_463 = vector.shape_cast %get3A_462 : vector<1x16xf32> to vector<16xf32>
      %get3A_464 = arith.index_cast %add3A_83 : i32 to index
      %get3A_465 = arith.constant 432 : index
      %get3A_466 = tpu.vector_load %arg7[%get3A_464, %get3A_465] {strides = array<i32>} : memref<32x768xf32, #tpu.memory_space<vmem>>, vector<1x16xf32>,
      %get3A_467 = vector.shape_cast %get3A_466 : vector<1x16xf32> to vector<16xf32>
      %add3A_468 = arith.addf %get3A_463, %get3A_467 : vector<16xf32>
      %swap3A_469 = arith.index_cast %add3A_83 : i32 to index
      %swap3A_470 = arith.constant 432 : index
      %swap3A_471 = tpu.vector_load %arg8[%swap3A_469, %swap3A_470] {strides = array<i32>} : memref<32x768xf32, #tpu.memory_space<vmem>>, vector<1x16xf32>,
      %swap3A_472 = vector.shape_cast %swap3A_471 : vector<1x16xf32> to vector<16xf32>
      %swap3A_473 = vector.shape_cast %add3A_468 : vector<16xf32> to vector<1x16xf32>
      tpu.vector_store %arg8[%swap3A_469, %swap3A_470], %swap3A_473 {strides = array<i32>} : memref<32x768xf32, #tpu.memory_space<vmem>>, vector<1x16xf32>,
      %get3A_474 = arith.index_cast %add3A_83 : i32 to index
      %get3A_475 = arith.constant 448 : index
      %get3A_476 = tpu.vector_load %arg6[%get3A_474, %get3A_475] {strides = array<i32>} : memref<32x768xf32, #tpu.memory_space<vmem>>, vector<1x16xf32>,
      %get3A_477 = vector.shape_cast %get3A_476 : vector<1x16xf32> to vector<16xf32>
      %get3A_478 = arith.index_cast %add3A_83 : i32 to index
      %get3A_479 = arith.constant 448 : index
      %get3A_480 = tpu.vector_load %arg7[%get3A_478, %get3A_479] {strides = array<i32>} : memref<32x768xf32, #tpu.memory_space<vmem>>, vector<1x16xf32>,
      %get3A_481 = vector.shape_cast %get3A_480 : vector<1x16xf32> to vector<16xf32>
      %add3A_482 = arith.addf %get3A_477, %get3A_481 : vector<16xf32>
      %swap3A_483 = arith.index_cast %add3A_83 : i32 to index
      %swap3A_484 = arith.constant 448 : index
      %swap3A_485 = tpu.vector_load %arg8[%swap3A_483, %swap3A_484] {strides = array<i32>} : memref<32x768xf32, #tpu.memory_space<vmem>>, vector<1x16xf32>,
      %swap3A_486 = vector.shape_cast %swap3A_485 : vector<1x16xf32> to vector<16xf32>
      %swap3A_487 = vector.shape_cast %add3A_482 : vector<16xf32> to vector<1x16xf32>
      tpu.vector_store %arg8[%swap3A_483, %swap3A_484], %swap3A_487 {strides = array<i32>} : memref<32x768xf32, #tpu.memory_space<vmem>>, vector<1x16xf32>,
      %get3A_488 = arith.index_cast %add3A_83 : i32 to index
      %get3A_489 = arith.constant 464 : index
      %get3A_490 = tpu.vector_load %arg6[%get3A_488, %get3A_489] {strides = array<i32>} : memref<32x768xf32, #tpu.memory_space<vmem>>, vector<1x16xf32>,
      %get3A_491 = vector.shape_cast %get3A_490 : vector<1x16xf32> to vector<16xf32>
      %get3A_492 = arith.index_cast %add3A_83 : i32 to index
      %get3A_493 = arith.constant 464 : index
      %get3A_494 = tpu.vector_load %arg7[%get3A_492, %get3A_493] {strides = array<i32>} : memref<32x768xf32, #tpu.memory_space<vmem>>, vector<1x16xf32>,
      %get3A_495 = vector.shape_cast %get3A_494 : vector<1x16xf32> to vector<16xf32>
      %add3A_496 = arith.addf %get3A_491, %get3A_495 : vector<16xf32>
      %swap3A_497 = arith.index_cast %add3A_83 : i32 to index
      %swap3A_498 = arith.constant 464 : index
      %swap3A_499 = tpu.vector_load %arg8[%swap3A_497, %swap3A_498] {strides = array<i32>} : memref<32x768xf32, #tpu.memory_space<vmem>>, vector<1x16xf32>,
      %swap3A_500 = vector.shape_cast %swap3A_499 : vector<1x16xf32> to vector<16xf32>
      %swap3A_501 = vector.shape_cast %add3A_496 : vector<16xf32> to vector<1x16xf32>
      tpu.vector_store %arg8[%swap3A_497, %swap3A_498], %swap3A_501 {strides = array<i32>} : memref<32x768xf32, #tpu.memory_space<vmem>>, vector<1x16xf32>,
      %get3A_502 = arith.index_cast %add3A_83 : i32 to index
      %get3A_503 = arith.constant 480 : index
      %get3A_504 = tpu.vector_load %arg6[%get3A_502, %get3A_503] {strides = array<i32>} : memref<32x768xf32, #tpu.memory_space<vmem>>, vector<1x16xf32>,
      %get3A_505 = vector.shape_cast %get3A_504 : vector<1x16xf32> to vector<16xf32>
      %get3A_506 = arith.index_cast %add3A_83 : i32 to index
      %get3A_507 = arith.constant 480 : index
      %get3A_508 = tpu.vector_load %arg7[%get3A_506, %get3A_507] {strides = array<i32>} : memref<32x768xf32, #tpu.memory_space<vmem>>, vector<1x16xf32>,
      %get3A_509 = vector.shape_cast %get3A_508 : vector<1x16xf32> to vector<16xf32>
      %add3A_510 = arith.addf %get3A_505, %get3A_509 : vector<16xf32>
      %swap3A_511 = arith.index_cast %add3A_83 : i32 to index
      %swap3A_512 = arith.constant 480 : index
      %swap3A_513 = tpu.vector_load %arg8[%swap3A_511, %swap3A_512] {strides = array<i32>} : memref<32x768xf32, #tpu.memory_space<vmem>>, vector<1x16xf32>,
      %swap3A_514 = vector.shape_cast %swap3A_513 : vector<1x16xf32> to vector<16xf32>
      %swap3A_515 = vector.shape_cast %add3A_510 : vector<16xf32> to vector<1x16xf32>
      tpu.vector_store %arg8[%swap3A_511, %swap3A_512], %swap3A_515 {strides = array<i32>} : memref<32x768xf32, #tpu.memory_space<vmem>>, vector<1x16xf32>,
      %get3A_516 = arith.index_cast %add3A_83 : i32 to index
      %get3A_517 = arith.constant 496 : index
      %get3A_518 = tpu.vector_load %arg6[%get3A_516, %get3A_517] {strides = array<i32>} : memref<32x768xf32, #tpu.memory_space<vmem>>, vector<1x16xf32>,
      %get3A_519 = vector.shape_cast %get3A_518 : vector<1x16xf32> to vector<16xf32>
      %get3A_520 = arith.index_cast %add3A_83 : i32 to index
      %get3A_521 = arith.constant 496 : index
      %get3A_522 = tpu.vector_load %arg7[%get3A_520, %get3A_521] {strides = array<i32>} : memref<32x768xf32, #tpu.memory_space<vmem>>, vector<1x16xf32>,
      %get3A_523 = vector.shape_cast %get3A_522 : vector<1x16xf32> to vector<16xf32>
      %add3A_524 = arith.addf %get3A_519, %get3A_523 : vector<16xf32>
      %swap3A_525 = arith.index_cast %add3A_83 : i32 to index
      %swap3A_526 = arith.constant 496 : index
      %swap3A_527 = tpu.vector_load %arg8[%swap3A_525, %swap3A_526] {strides = array<i32>} : memref<32x768xf32, #tpu.memory_space<vmem>>, vector<1x16xf32>,
      %swap3A_528 = vector.shape_cast %swap3A_527 : vector<1x16xf32> to vector<16xf32>
      %swap3A_529 = vector.shape_cast %add3A_524 : vector<16xf32> to vector<1x16xf32>
      tpu.vector_store %arg8[%swap3A_525, %swap3A_526], %swap3A_529 {strides = array<i32>} : memref<32x768xf32, #tpu.memory_space<vmem>>, vector<1x16xf32>,
      %get3A_530 = arith.index_cast %add3A_83 : i32 to index
      %get3A_531 = arith.constant 512 : index
      %get3A_532 = tpu.vector_load %arg6[%get3A_530, %get3A_531] {strides = array<i32>} : memref<32x768xf32, #tpu.memory_space<vmem>>, vector<1x16xf32>,
      %get3A_533 = vector.shape_cast %get3A_532 : vector<1x16xf32> to vector<16xf32>
      %get3A_534 = arith.index_cast %add3A_83 : i32 to index
      %get3A_535 = arith.constant 512 : index
      %get3A_536 = tpu.vector_load %arg7[%get3A_534, %get3A_535] {strides = array<i32>} : memref<32x768xf32, #tpu.memory_space<vmem>>, vector<1x16xf32>,
      %get3A_537 = vector.shape_cast %get3A_536 : vector<1x16xf32> to vector<16xf32>
      %add3A_538 = arith.addf %get3A_533, %get3A_537 : vector<16xf32>
      %swap3A_539 = arith.index_cast %add3A_83 : i32 to index
      %swap3A_540 = arith.constant 512 : index
      %swap3A_541 = tpu.vector_load %arg8[%swap3A_539, %swap3A_540] {strides = array<i32>} : memref<32x768xf32, #tpu.memory_space<vmem>>, vector<1x16xf32>,
      %swap3A_542 = vector.shape_cast %swap3A_541 : vector<1x16xf32> to vector<16xf32>
      %swap3A_543 = vector.shape_cast %add3A_538 : vector<16xf32> to vector<1x16xf32>
      tpu.vector_store %arg8[%swap3A_539, %swap3A_540], %swap3A_543 {strides = array<i32>} : memref<32x768xf32, #tpu.memory_space<vmem>>, vector<1x16xf32>,
      %get3A_544 = arith.index_cast %add3A_83 : i32 to index
      %get3A_545 = arith.constant 528 : index
      %get3A_546 = tpu.vector_load %arg6[%get3A_544, %get3A_545] {strides = array<i32>} : memref<32x768xf32, #tpu.memory_space<vmem>>, vector<1x16xf32>,
      %get3A_547 = vector.shape_cast %get3A_546 : vector<1x16xf32> to vector<16xf32>
      %get3A_548 = arith.index_cast %add3A_83 : i32 to index
      %get3A_549 = arith.constant 528 : index
      %get3A_550 = tpu.vector_load %arg7[%get3A_548, %get3A_549] {strides = array<i32>} : memref<32x768xf32, #tpu.memory_space<vmem>>, vector<1x16xf32>,
      %get3A_551 = vector.shape_cast %get3A_550 : vector<1x16xf32> to vector<16xf32>
      %add3A_552 = arith.addf %get3A_547, %get3A_551 : vector<16xf32>
      %swap3A_553 = arith.index_cast %add3A_83 : i32 to index
      %swap3A_554 = arith.constant 528 : index
      %swap3A_555 = tpu.vector_load %arg8[%swap3A_553, %swap3A_554] {strides = array<i32>} : memref<32x768xf32, #tpu.memory_space<vmem>>, vector<1x16xf32>,
      %swap3A_556 = vector.shape_cast %swap3A_555 : vector<1x16xf32> to vector<16xf32>
      %swap3A_557 = vector.shape_cast %add3A_552 : vector<16xf32> to vector<1x16xf32>
      tpu.vector_store %arg8[%swap3A_553, %swap3A_554], %swap3A_557 {strides = array<i32>} : memref<32x768xf32, #tpu.memory_space<vmem>>, vector<1x16xf32>,
      %get3A_558 = arith.index_cast %add3A_83 : i32 to index
      %get3A_559 = arith.constant 544 : index
      %get3A_560 = tpu.vector_load %arg6[%get3A_558, %get3A_559] {strides = array<i32>} : memref<32x768xf32, #tpu.memory_space<vmem>>, vector<1x16xf32>,
      %get3A_561 = vector.shape_cast %get3A_560 : vector<1x16xf32> to vector<16xf32>
      %get3A_562 = arith.index_cast %add3A_83 : i32 to index
      %get3A_563 = arith.constant 544 : index
      %get3A_564 = tpu.vector_load %arg7[%get3A_562, %get3A_563] {strides = array<i32>} : memref<32x768xf32, #tpu.memory_space<vmem>>, vector<1x16xf32>,
      %get3A_565 = vector.shape_cast %get3A_564 : vector<1x16xf32> to vector<16xf32>
      %add3A_566 = arith.addf %get3A_561, %get3A_565 : vector<16xf32>
      %swap3A_567 = arith.index_cast %add3A_83 : i32 to index
      %swap3A_568 = arith.constant 544 : index
      %swap3A_569 = tpu.vector_load %arg8[%swap3A_567, %swap3A_568] {strides = array<i32>} : memref<32x768xf32, #tpu.memory_space<vmem>>, vector<1x16xf32>,
      %swap3A_570 = vector.shape_cast %swap3A_569 : vector<1x16xf32> to vector<16xf32>
      %swap3A_571 = vector.shape_cast %add3A_566 : vector<16xf32> to vector<1x16xf32>
      tpu.vector_store %arg8[%swap3A_567, %swap3A_568], %swap3A_571 {strides = array<i32>} : memref<32x768xf32, #tpu.memory_space<vmem>>, vector<1x16xf32>,
      %get3A_572 = arith.index_cast %add3A_83 : i32 to index
      %get3A_573 = arith.constant 560 : index
      %get3A_574 = tpu.vector_load %arg6[%get3A_572, %get3A_573] {strides = array<i32>} : memref<32x768xf32, #tpu.memory_space<vmem>>, vector<1x16xf32>,
      %get3A_575 = vector.shape_cast %get3A_574 : vector<1x16xf32> to vector<16xf32>
      %get3A_576 = arith.index_cast %add3A_83 : i32 to index
      %get3A_577 = arith.constant 560 : index
      %get3A_578 = tpu.vector_load %arg7[%get3A_576, %get3A_577] {strides = array<i32>} : memref<32x768xf32, #tpu.memory_space<vmem>>, vector<1x16xf32>,
      %get3A_579 = vector.shape_cast %get3A_578 : vector<1x16xf32> to vector<16xf32>
      %add3A_580 = arith.addf %get3A_575, %get3A_579 : vector<16xf32>
      %swap3A_581 = arith.index_cast %add3A_83 : i32 to index
      %swap3A_582 = arith.constant 560 : index
      %swap3A_583 = tpu.vector_load %arg8[%swap3A_581, %swap3A_582] {strides = array<i32>} : memref<32x768xf32, #tpu.memory_space<vmem>>, vector<1x16xf32>,
      %swap3A_584 = vector.shape_cast %swap3A_583 : vector<1x16xf32> to vector<16xf32>
      %swap3A_585 = vector.shape_cast %add3A_580 : vector<16xf32> to vector<1x16xf32>
      tpu.vector_store %arg8[%swap3A_581, %swap3A_582], %swap3A_585 {strides = array<i32>} : memref<32x768xf32, #tpu.memory_space<vmem>>, vector<1x16xf32>,
      %get3A_586 = arith.index_cast %add3A_83 : i32 to index
      %get3A_587 = arith.constant 576 : index
      %get3A_588 = tpu.vector_load %arg6[%get3A_586, %get3A_587] {strides = array<i32>} : memref<32x768xf32, #tpu.memory_space<vmem>>, vector<1x16xf32>,
      %get3A_589 = vector.shape_cast %get3A_588 : vector<1x16xf32> to vector<16xf32>
      %get3A_590 = arith.index_cast %add3A_83 : i32 to index
      %get3A_591 = arith.constant 576 : index
      %get3A_592 = tpu.vector_load %arg7[%get3A_590, %get3A_591] {strides = array<i32>} : memref<32x768xf32, #tpu.memory_space<vmem>>, vector<1x16xf32>,
      %get3A_593 = vector.shape_cast %get3A_592 : vector<1x16xf32> to vector<16xf32>
      %add3A_594 = arith.addf %get3A_589, %get3A_593 : vector<16xf32>
      %swap3A_595 = arith.index_cast %add3A_83 : i32 to index
      %swap3A_596 = arith.constant 576 : index
      %swap3A_597 = tpu.vector_load %arg8[%swap3A_595, %swap3A_596] {strides = array<i32>} : memref<32x768xf32, #tpu.memory_space<vmem>>, vector<1x16xf32>,
      %swap3A_598 = vector.shape_cast %swap3A_597 : vector<1x16xf32> to vector<16xf32>
      %swap3A_599 = vector.shape_cast %add3A_594 : vector<16xf32> to vector<1x16xf32>
      tpu.vector_store %arg8[%swap3A_595, %swap3A_596], %swap3A_599 {strides = array<i32>} : memref<32x768xf32, #tpu.memory_space<vmem>>, vector<1x16xf32>,
      %get3A_600 = arith.index_cast %add3A_83 : i32 to index
      %get3A_601 = arith.constant 592 : index
      %get3A_602 = tpu.vector_load %arg6[%get3A_600, %get3A_601] {strides = array<i32>} : memref<32x768xf32, #tpu.memory_space<vmem>>, vector<1x16xf32>,
      %get3A_603 = vector.shape_cast %get3A_602 : vector<1x16xf32> to vector<16xf32>
      %get3A_604 = arith.index_cast %add3A_83 : i32 to index
      %get3A_605 = arith.constant 592 : index
      %get3A_606 = tpu.vector_load %arg7[%get3A_604, %get3A_605] {strides = array<i32>} : memref<32x768xf32, #tpu.memory_space<vmem>>, vector<1x16xf32>,
      %get3A_607 = vector.shape_cast %get3A_606 : vector<1x16xf32> to vector<16xf32>
      %add3A_608 = arith.addf %get3A_603, %get3A_607 : vector<16xf32>
      %swap3A_609 = arith.index_cast %add3A_83 : i32 to index
      %swap3A_610 = arith.constant 592 : index
      %swap3A_611 = tpu.vector_load %arg8[%swap3A_609, %swap3A_610] {strides = array<i32>} : memref<32x768xf32, #tpu.memory_space<vmem>>, vector<1x16xf32>,
      %swap3A_612 = vector.shape_cast %swap3A_611 : vector<1x16xf32> to vector<16xf32>
      %swap3A_613 = vector.shape_cast %add3A_608 : vector<16xf32> to vector<1x16xf32>
      tpu.vector_store %arg8[%swap3A_609, %swap3A_610], %swap3A_613 {strides = array<i32>} : memref<32x768xf32, #tpu.memory_space<vmem>>, vector<1x16xf32>,
      %get3A_614 = arith.index_cast %add3A_83 : i32 to index
      %get3A_615 = arith.constant 608 : index
      %get3A_616 = tpu.vector_load %arg6[%get3A_614, %get3A_615] {strides = array<i32>} : memref<32x768xf32, #tpu.memory_space<vmem>>, vector<1x16xf32>,
      %get3A_617 = vector.shape_cast %get3A_616 : vector<1x16xf32> to vector<16xf32>
      %get3A_618 = arith.index_cast %add3A_83 : i32 to index
      %get3A_619 = arith.constant 608 : index
      %get3A_620 = tpu.vector_load %arg7[%get3A_618, %get3A_619] {strides = array<i32>} : memref<32x768xf32, #tpu.memory_space<vmem>>, vector<1x16xf32>,
      %get3A_621 = vector.shape_cast %get3A_620 : vector<1x16xf32> to vector<16xf32>
      %add3A_622 = arith.addf %get3A_617, %get3A_621 : vector<16xf32>
      %swap3A_623 = arith.index_cast %add3A_83 : i32 to index
      %swap3A_624 = arith.constant 608 : index
      %swap3A_625 = tpu.vector_load %arg8[%swap3A_623, %swap3A_624] {strides = array<i32>} : memref<32x768xf32, #tpu.memory_space<vmem>>, vector<1x16xf32>,
      %swap3A_626 = vector.shape_cast %swap3A_625 : vector<1x16xf32> to vector<16xf32>
      %swap3A_627 = vector.shape_cast %add3A_622 : vector<16xf32> to vector<1x16xf32>
      tpu.vector_store %arg8[%swap3A_623, %swap3A_624], %swap3A_627 {strides = array<i32>} : memref<32x768xf32, #tpu.memory_space<vmem>>, vector<1x16xf32>,
      %get3A_628 = arith.index_cast %add3A_83 : i32 to index
      %get3A_629 = arith.constant 624 : index
      %get3A_630 = tpu.vector_load %arg6[%get3A_628, %get3A_629] {strides = array<i32>} : memref<32x768xf32, #tpu.memory_space<vmem>>, vector<1x16xf32>,
      %get3A_631 = vector.shape_cast %get3A_630 : vector<1x16xf32> to vector<16xf32>
      %get3A_632 = arith.index_cast %add3A_83 : i32 to index
      %get3A_633 = arith.constant 624 : index
      %get3A_634 = tpu.vector_load %arg7[%get3A_632, %get3A_633] {strides = array<i32>} : memref<32x768xf32, #tpu.memory_space<vmem>>, vector<1x16xf32>,
      %get3A_635 = vector.shape_cast %get3A_634 : vector<1x16xf32> to vector<16xf32>
      %add3A_636 = arith.addf %get3A_631, %get3A_635 : vector<16xf32>
      %swap3A_637 = arith.index_cast %add3A_83 : i32 to index
      %swap3A_638 = arith.constant 624 : index
      %swap3A_639 = tpu.vector_load %arg8[%swap3A_637, %swap3A_638] {strides = array<i32>} : memref<32x768xf32, #tpu.memory_space<vmem>>, vector<1x16xf32>,
      %swap3A_640 = vector.shape_cast %swap3A_639 : vector<1x16xf32> to vector<16xf32>
      %swap3A_641 = vector.shape_cast %add3A_636 : vector<16xf32> to vector<1x16xf32>
      tpu.vector_store %arg8[%swap3A_637, %swap3A_638], %swap3A_641 {strides = array<i32>} : memref<32x768xf32, #tpu.memory_space<vmem>>, vector<1x16xf32>,
      %get3A_642 = arith.index_cast %add3A_83 : i32 to index
      %get3A_643 = arith.constant 640 : index
      %get3A_644 = tpu.vector_load %arg6[%get3A_642, %get3A_643] {strides = array<i32>} : memref<32x768xf32, #tpu.memory_space<vmem>>, vector<1x16xf32>,
      %get3A_645 = vector.shape_cast %get3A_644 : vector<1x16xf32> to vector<16xf32>
      %get3A_646 = arith.index_cast %add3A_83 : i32 to index
      %get3A_647 = arith.constant 640 : index
      %get3A_648 = tpu.vector_load %arg7[%get3A_646, %get3A_647] {strides = array<i32>} : memref<32x768xf32, #tpu.memory_space<vmem>>, vector<1x16xf32>,
      %get3A_649 = vector.shape_cast %get3A_648 : vector<1x16xf32> to vector<16xf32>
      %add3A_650 = arith.addf %get3A_645, %get3A_649 : vector<16xf32>
      %swap3A_651 = arith.index_cast %add3A_83 : i32 to index
      %swap3A_652 = arith.constant 640 : index
      %swap3A_653 = tpu.vector_load %arg8[%swap3A_651, %swap3A_652] {strides = array<i32>} : memref<32x768xf32, #tpu.memory_space<vmem>>, vector<1x16xf32>,
      %swap3A_654 = vector.shape_cast %swap3A_653 : vector<1x16xf32> to vector<16xf32>
      %swap3A_655 = vector.shape_cast %add3A_650 : vector<16xf32> to vector<1x16xf32>
      tpu.vector_store %arg8[%swap3A_651, %swap3A_652], %swap3A_655 {strides = array<i32>} : memref<32x768xf32, #tpu.memory_space<vmem>>, vector<1x16xf32>,
      %get3A_656 = arith.index_cast %add3A_83 : i32 to index
      %get3A_657 = arith.constant 656 : index
      %get3A_658 = tpu.vector_load %arg6[%get3A_656, %get3A_657] {strides = array<i32>} : memref<32x768xf32, #tpu.memory_space<vmem>>, vector<1x16xf32>,
      %get3A_659 = vector.shape_cast %get3A_658 : vector<1x16xf32> to vector<16xf32>
      %get3A_660 = arith.index_cast %add3A_83 : i32 to index
      %get3A_661 = arith.constant 656 : index
      %get3A_662 = tpu.vector_load %arg7[%get3A_660, %get3A_661] {strides = array<i32>} : memref<32x768xf32, #tpu.memory_space<vmem>>, vector<1x16xf32>,
      %get3A_663 = vector.shape_cast %get3A_662 : vector<1x16xf32> to vector<16xf32>
      %add3A_664 = arith.addf %get3A_659, %get3A_663 : vector<16xf32>
      %swap3A_665 = arith.index_cast %add3A_83 : i32 to index
      %swap3A_666 = arith.constant 656 : index
      %swap3A_667 = tpu.vector_load %arg8[%swap3A_665, %swap3A_666] {strides = array<i32>} : memref<32x768xf32, #tpu.memory_space<vmem>>, vector<1x16xf32>,
      %swap3A_668 = vector.shape_cast %swap3A_667 : vector<1x16xf32> to vector<16xf32>
      %swap3A_669 = vector.shape_cast %add3A_664 : vector<16xf32> to vector<1x16xf32>
      tpu.vector_store %arg8[%swap3A_665, %swap3A_666], %swap3A_669 {strides = array<i32>} : memref<32x768xf32, #tpu.memory_space<vmem>>, vector<1x16xf32>,
      %get3A_670 = arith.index_cast %add3A_83 : i32 to index
      %get3A_671 = arith.constant 672 : index
      %get3A_672 = tpu.vector_load %arg6[%get3A_670, %get3A_671] {strides = array<i32>} : memref<32x768xf32, #tpu.memory_space<vmem>>, vector<1x16xf32>,
      %get3A_673 = vector.shape_cast %get3A_672 : vector<1x16xf32> to vector<16xf32>
      %get3A_674 = arith.index_cast %add3A_83 : i32 to index
      %get3A_675 = arith.constant 672 : index
      %get3A_676 = tpu.vector_load %arg7[%get3A_674, %get3A_675] {strides = array<i32>} : memref<32x768xf32, #tpu.memory_space<vmem>>, vector<1x16xf32>,
      %get3A_677 = vector.shape_cast %get3A_676 : vector<1x16xf32> to vector<16xf32>
      %add3A_678 = arith.addf %get3A_673, %get3A_677 : vector<16xf32>
      %swap3A_679 = arith.index_cast %add3A_83 : i32 to index
      %swap3A_680 = arith.constant 672 : index
      %swap3A_681 = tpu.vector_load %arg8[%swap3A_679, %swap3A_680] {strides = array<i32>} : memref<32x768xf32, #tpu.memory_space<vmem>>, vector<1x16xf32>,
      %swap3A_682 = vector.shape_cast %swap3A_681 : vector<1x16xf32> to vector<16xf32>
      %swap3A_683 = vector.shape_cast %add3A_678 : vector<16xf32> to vector<1x16xf32>
      tpu.vector_store %arg8[%swap3A_679, %swap3A_680], %swap3A_683 {strides = array<i32>} : memref<32x768xf32, #tpu.memory_space<vmem>>, vector<1x16xf32>,
      %get3A_684 = arith.index_cast %add3A_83 : i32 to index
      %get3A_685 = arith.constant 688 : index
      %get3A_686 = tpu.vector_load %arg6[%get3A_684, %get3A_685] {strides = array<i32>} : memref<32x768xf32, #tpu.memory_space<vmem>>, vector<1x16xf32>,
      %get3A_687 = vector.shape_cast %get3A_686 : vector<1x16xf32> to vector<16xf32>
      %get3A_688 = arith.index_cast %add3A_83 : i32 to index
      %get3A_689 = arith.constant 688 : index
      %get3A_690 = tpu.vector_load %arg7[%get3A_688, %get3A_689] {strides = array<i32>} : memref<32x768xf32, #tpu.memory_space<vmem>>, vector<1x16xf32>,
      %get3A_691 = vector.shape_cast %get3A_690 : vector<1x16xf32> to vector<16xf32>
      %add3A_692 = arith.addf %get3A_687, %get3A_691 : vector<16xf32>
      %swap3A_693 = arith.index_cast %add3A_83 : i32 to index
      %swap3A_694 = arith.constant 688 : index
      %swap3A_695 = tpu.vector_load %arg8[%swap3A_693, %swap3A_694] {strides = array<i32>} : memref<32x768xf32, #tpu.memory_space<vmem>>, vector<1x16xf32>,
      %swap3A_696 = vector.shape_cast %swap3A_695 : vector<1x16xf32> to vector<16xf32>
      %swap3A_697 = vector.shape_cast %add3A_692 : vector<16xf32> to vector<1x16xf32>
      tpu.vector_store %arg8[%swap3A_693, %swap3A_694], %swap3A_697 {strides = array<i32>} : memref<32x768xf32, #tpu.memory_space<vmem>>, vector<1x16xf32>,
      %get3A_698 = arith.index_cast %add3A_83 : i32 to index
      %get3A_699 = arith.constant 704 : index
      %get3A_700 = tpu.vector_load %arg6[%get3A_698, %get3A_699] {strides = array<i32>} : memref<32x768xf32, #tpu.memory_space<vmem>>, vector<1x16xf32>,
      %get3A_701 = vector.shape_cast %get3A_700 : vector<1x16xf32> to vector<16xf32>
      %get3A_702 = arith.index_cast %add3A_83 : i32 to index
      %get3A_703 = arith.constant 704 : index
      %get3A_704 = tpu.vector_load %arg7[%get3A_702, %get3A_703] {strides = array<i32>} : memref<32x768xf32, #tpu.memory_space<vmem>>, vector<1x16xf32>,
      %get3A_705 = vector.shape_cast %get3A_704 : vector<1x16xf32> to vector<16xf32>
      %add3A_706 = arith.addf %get3A_701, %get3A_705 : vector<16xf32>
      %swap3A_707 = arith.index_cast %add3A_83 : i32 to index
      %swap3A_708 = arith.constant 704 : index
      %swap3A_709 = tpu.vector_load %arg8[%swap3A_707, %swap3A_708] {strides = array<i32>} : memref<32x768xf32, #tpu.memory_space<vmem>>, vector<1x16xf32>,
      %swap3A_710 = vector.shape_cast %swap3A_709 : vector<1x16xf32> to vector<16xf32>
      %swap3A_711 = vector.shape_cast %add3A_706 : vector<16xf32> to vector<1x16xf32>
      tpu.vector_store %arg8[%swap3A_707, %swap3A_708], %swap3A_711 {strides = array<i32>} : memref<32x768xf32, #tpu.memory_space<vmem>>, vector<1x16xf32>,
      %get3A_712 = arith.index_cast %add3A_83 : i32 to index
      %get3A_713 = arith.constant 720 : index
      %get3A_714 = tpu.vector_load %arg6[%get3A_712, %get3A_713] {strides = array<i32>} : memref<32x768xf32, #tpu.memory_space<vmem>>, vector<1x16xf32>,
      %get3A_715 = vector.shape_cast %get3A_714 : vector<1x16xf32> to vector<16xf32>
      %get3A_716 = arith.index_cast %add3A_83 : i32 to index
      %get3A_717 = arith.constant 720 : index
      %get3A_718 = tpu.vector_load %arg7[%get3A_716, %get3A_717] {strides = array<i32>} : memref<32x768xf32, #tpu.memory_space<vmem>>, vector<1x16xf32>,
      %get3A_719 = vector.shape_cast %get3A_718 : vector<1x16xf32> to vector<16xf32>
      %add3A_720 = arith.addf %get3A_715, %get3A_719 : vector<16xf32>
      %swap3A_721 = arith.index_cast %add3A_83 : i32 to index
      %swap3A_722 = arith.constant 720 : index
      %swap3A_723 = tpu.vector_load %arg8[%swap3A_721, %swap3A_722] {strides = array<i32>} : memref<32x768xf32, #tpu.memory_space<vmem>>, vector<1x16xf32>,
      %swap3A_724 = vector.shape_cast %swap3A_723 : vector<1x16xf32> to vector<16xf32>
      %swap3A_725 = vector.shape_cast %add3A_720 : vector<16xf32> to vector<1x16xf32>
      tpu.vector_store %arg8[%swap3A_721, %swap3A_722], %swap3A_725 {strides = array<i32>} : memref<32x768xf32, #tpu.memory_space<vmem>>, vector<1x16xf32>,
      %get3A_726 = arith.index_cast %add3A_83 : i32 to index
      %get3A_727 = arith.constant 736 : index
      %get3A_728 = tpu.vector_load %arg6[%get3A_726, %get3A_727] {strides = array<i32>} : memref<32x768xf32, #tpu.memory_space<vmem>>, vector<1x16xf32>,
      %get3A_729 = vector.shape_cast %get3A_728 : vector<1x16xf32> to vector<16xf32>
      %get3A_730 = arith.index_cast %add3A_83 : i32 to index
      %get3A_731 = arith.constant 736 : index
      %get3A_732 = tpu.vector_load %arg7[%get3A_730, %get3A_731] {strides = array<i32>} : memref<32x768xf32, #tpu.memory_space<vmem>>, vector<1x16xf32>,
      %get3A_733 = vector.shape_cast %get3A_732 : vector<1x16xf32> to vector<16xf32>
      %add3A_734 = arith.addf %get3A_729, %get3A_733 : vector<16xf32>
      %swap3A_735 = arith.index_cast %add3A_83 : i32 to index
      %swap3A_736 = arith.constant 736 : index
      %swap3A_737 = tpu.vector_load %arg8[%swap3A_735, %swap3A_736] {strides = array<i32>} : memref<32x768xf32, #tpu.memory_space<vmem>>, vector<1x16xf32>,
      %swap3A_738 = vector.shape_cast %swap3A_737 : vector<1x16xf32> to vector<16xf32>
      %swap3A_739 = vector.shape_cast %add3A_734 : vector<16xf32> to vector<1x16xf32>
      tpu.vector_store %arg8[%swap3A_735, %swap3A_736], %swap3A_739 {strides = array<i32>} : memref<32x768xf32, #tpu.memory_space<vmem>>, vector<1x16xf32>,
      %get3A_740 = arith.index_cast %add3A_83 : i32 to index
      %get3A_741 = arith.constant 752 : index
      %get3A_742 = tpu.vector_load %arg6[%get3A_740, %get3A_741] {strides = array<i32>} : memref<32x768xf32, #tpu.memory_space<vmem>>, vector<1x16xf32>,
      %get3A_743 = vector.shape_cast %get3A_742 : vector<1x16xf32> to vector<16xf32>
      %get3A_744 = arith.index_cast %add3A_83 : i32 to index
      %get3A_745 = arith.constant 752 : index
      %get3A_746 = tpu.vector_load %arg7[%get3A_744, %get3A_745] {strides = array<i32>} : memref<32x768xf32, #tpu.memory_space<vmem>>, vector<1x16xf32>,
      %get3A_747 = vector.shape_cast %get3A_746 : vector<1x16xf32> to vector<16xf32>
      %add3A_748 = arith.addf %get3A_743, %get3A_747 : vector<16xf32>
      %swap3A_749 = arith.index_cast %add3A_83 : i32 to index
      %swap3A_750 = arith.constant 752 : index
      %swap3A_751 = tpu.vector_load %arg8[%swap3A_749, %swap3A_750] {strides = array<i32>} : memref<32x768xf32, #tpu.memory_space<vmem>>, vector<1x16xf32>,
      %swap3A_752 = vector.shape_cast %swap3A_751 : vector<1x16xf32> to vector<16xf32>
      %swap3A_753 = vector.shape_cast %add3A_748 : vector<16xf32> to vector<1x16xf32>
      tpu.vector_store %arg8[%swap3A_749, %swap3A_750], %swap3A_753 {strides = array<i32>} : memref<32x768xf32, #tpu.memory_space<vmem>>, vector<1x16xf32>,
    }
    %scan3A_78 = arith.constant 32 : i32
    "tpu.region"() ({
      %run_scoped3A_79 = tpu.sem_alloc : memref<!tpu.dma_semaphore, #tpu.memory_space<semaphore_mem>>
      %dma_start3A_80 = arith.constant 0 : i32
      %dma_start3A_81 = tpu.memref_slice %arg4[%add3A_41, %dma_start3A_80] : memref<2048x768xf32, #tpu.memory_space<hbm>> -> memref<32x768xf32, #tpu.memory_space<hbm>>
      %dma_start3A_82 = arith.constant 0 : i32
      %dma_start3A_83 = tpu.memref_slice %arg4[%add3A_41, %dma_start3A_82] : memref<2048x768xf32, #tpu.memory_space<hbm>> -> memref<32x768xf32, #tpu.memory_space<hbm>>
      tpu.enqueue_dma source(%arg8 : memref<32x768xf32, #tpu.memory_space<vmem>>) target(%dma_start3A_83 : memref<32x768xf32, #tpu.memory_space<hbm>>) target_semaphore(%run_scoped3A_79 : memref<!tpu.dma_semaphore, #tpu.memory_space<semaphore_mem>>)
      %dma_wait3A_84 = arith.constant 0 : i32
      %dma_wait3A_85 = tpu.memref_slice %arg4[%add3A_41, %dma_wait3A_84] : memref<2048x768xf32, #tpu.memory_space<hbm>> -> memref<32x768xf32, #tpu.memory_space<hbm>>
      %dma_wait3A_86 = arith.constant 0 : i32
      %dma_wait3A_87 = tpu.memref_slice %arg4[%add3A_41, %dma_wait3A_86] : memref<2048x768xf32, #tpu.memory_space<hbm>> -> memref<32x768xf32, #tpu.memory_space<hbm>>
      tpu.wait_dma2 semaphore(%run_scoped3A_79 : memref<!tpu.dma_semaphore, #tpu.memory_space<semaphore_mem>>) src(%arg8 : memref<32x768xf32, #tpu.memory_space<vmem>>) dst(%dma_wait3A_87 : memref<32x768xf32, #tpu.memory_space<hbm>>)
      tpu.yield
    }) : () -> ()
    return
  }
}

#map = affine_map<(d0, d1) -> (0, 0)>
module attributes {stable_mosaic.version = 14 : i64} {
  func.func @_dispatch_kernel(%arg0: i32, %arg1: i32, %arg2: memref<2048x768xf32, #tpu.memory_space<hbm>>, %arg3: memref<32x128xi32, #tpu.memory_space<hbm>>, %arg4: memref<4096x768xf32, #tpu.memory_space<hbm>>, %arg5: memref<1x128xi32, #tpu.memory_space<vmem>>, %arg6: memref<128x768xf32, #tpu.memory_space<vmem>>, %arg7: memref<!tpu.dma_semaphore, #tpu.memory_space<semaphore_mem>>) attributes {dimension_semantics = [#tpu.dimension_semantics<core_parallel>, #tpu.dimension_semantics<subcore_parallel>], iteration_bounds = array<i64: 2, 16>, scalar_prefetch = 0 : i64, scratch_operands = 3 : i64, tpu.core_type = #tpu.core_type<sc_vector_subcore>, window_params = [{transform_indices = #map}, {transform_indices = #map}, {transform_indices = #map}]} {
    %mul3A = arith.constant 2 : i32
    %mul3A_0 = arith.muli %arg1, %mul3A : i32
    %add3A = arith.addi %mul3A_0, %arg0 : i32
    "tpu.region"() ({
      %run_scoped3A = tpu.sem_alloc : memref<!tpu.dma_semaphore, #tpu.memory_space<semaphore_mem>>
      %dma_start3A_15 = arith.constant 0 : i32
      %dma_start3A_16 = tpu.memref_slice %arg3[%add3A, %dma_start3A_15] : memref<32x128xi32, #tpu.memory_space<hbm>> -> memref<1x128xi32, #tpu.memory_space<hbm>>
      %dma_start3A_17 = arith.constant 0 : i32
      %dma_start3A_18 = tpu.memref_slice %arg3[%add3A, %dma_start3A_17] : memref<32x128xi32, #tpu.memory_space<hbm>> -> memref<1x128xi32, #tpu.memory_space<hbm>>
      tpu.enqueue_dma source(%dma_start3A_18 : memref<1x128xi32, #tpu.memory_space<hbm>>) target(%arg5 : memref<1x128xi32, #tpu.memory_space<vmem>>) target_semaphore(%run_scoped3A : memref<!tpu.dma_semaphore, #tpu.memory_space<semaphore_mem>>)
      %dma_wait3A_19 = arith.constant 0 : i32
      %dma_wait3A_20 = tpu.memref_slice %arg3[%add3A, %dma_wait3A_19] : memref<32x128xi32, #tpu.memory_space<hbm>> -> memref<1x128xi32, #tpu.memory_space<hbm>>
      %dma_wait3A_21 = arith.constant 0 : i32
      %dma_wait3A_22 = tpu.memref_slice %arg3[%add3A, %dma_wait3A_21] : memref<32x128xi32, #tpu.memory_space<hbm>> -> memref<1x128xi32, #tpu.memory_space<hbm>>
      tpu.wait_dma2 semaphore(%run_scoped3A : memref<!tpu.dma_semaphore, #tpu.memory_space<semaphore_mem>>) src(%dma_wait3A_22 : memref<1x128xi32, #tpu.memory_space<hbm>>) dst(%arg5 : memref<1x128xi32, #tpu.memory_space<vmem>>)
      tpu.yield
    }) : () -> ()
    %dma_start3A = arith.constant 0 : i32
    %dma_start3A_1 = arith.constant 0 : i32
    %dma_start3A_2 = tpu.memref_slice %arg5[%dma_start3A, %dma_start3A_1] : memref<1x128xi32, #tpu.memory_space<vmem>> -> memref<1x128xi32, #tpu.memory_space<vmem>>
    %dma_start3A_3 = tpu.memref_squeeze %dma_start3A_2 : memref<1x128xi32, #tpu.memory_space<vmem>> -> memref<128xi32, #tpu.memory_space<vmem>>
    %dma_start3A_4 = arith.constant 0 : i32
    %dma_start3A_5 = arith.constant 0 : i32
    %dma_start3A_6 = tpu.memref_slice %arg2[%dma_start3A_4, %dma_start3A_5] : memref<2048x768xf32, #tpu.memory_space<hbm>> -> memref<2048x768xf32, #tpu.memory_space<hbm>>
    tpu.enqueue_indirect_dma source(%dma_start3A_6 : memref<2048x768xf32, #tpu.memory_space<hbm>>) target(%arg6 : memref<128x768xf32, #tpu.memory_space<vmem>>) offsets(%dma_start3A_3 : memref<128xi32, #tpu.memory_space<vmem>>) semaphore(%arg7 : memref<!tpu.dma_semaphore, #tpu.memory_space<semaphore_mem>>)
    %dma_wait3A = arith.constant 0 : i32
    %dma_wait3A_7 = arith.constant 0 : i32
    %dma_wait3A_8 = tpu.memref_slice %arg5[%dma_wait3A, %dma_wait3A_7] : memref<1x128xi32, #tpu.memory_space<vmem>> -> memref<1x128xi32, #tpu.memory_space<vmem>>
    %dma_wait3A_9 = tpu.memref_squeeze %dma_wait3A_8 : memref<1x128xi32, #tpu.memory_space<vmem>> -> memref<128xi32, #tpu.memory_space<vmem>>
    %dma_wait3A_10 = arith.constant 0 : i32
    %dma_wait3A_11 = arith.constant 0 : i32
    %dma_wait3A_12 = tpu.memref_slice %arg2[%dma_wait3A_10, %dma_wait3A_11] : memref<2048x768xf32, #tpu.memory_space<hbm>> -> memref<2048x768xf32, #tpu.memory_space<hbm>>
    tpu.wait_indirect_dma semaphore(%arg7 : memref<!tpu.dma_semaphore, #tpu.memory_space<semaphore_mem>>) src(%dma_wait3A_12 : memref<2048x768xf32, #tpu.memory_space<hbm>>) dst(%arg6 : memref<128x768xf32, #tpu.memory_space<vmem>>)
    %mul3A_13 = arith.constant 128 : i32
    %mul3A_14 = arith.muli %add3A, %mul3A_13 : i32
    "tpu.region"() ({
      %run_scoped3A = tpu.sem_alloc : memref<!tpu.dma_semaphore, #tpu.memory_space<semaphore_mem>>
      %dma_start3A_15 = arith.constant 0 : i32
      %dma_start3A_16 = tpu.memref_slice %arg4[%mul3A_14, %dma_start3A_15] : memref<4096x768xf32, #tpu.memory_space<hbm>> -> memref<128x768xf32, #tpu.memory_space<hbm>>
      %dma_start3A_17 = arith.constant 0 : i32
      %dma_start3A_18 = tpu.memref_slice %arg4[%mul3A_14, %dma_start3A_17] : memref<4096x768xf32, #tpu.memory_space<hbm>> -> memref<128x768xf32, #tpu.memory_space<hbm>>
      tpu.enqueue_dma source(%arg6 : memref<128x768xf32, #tpu.memory_space<vmem>>) target(%dma_start3A_18 : memref<128x768xf32, #tpu.memory_space<hbm>>) target_semaphore(%run_scoped3A : memref<!tpu.dma_semaphore, #tpu.memory_space<semaphore_mem>>)
      %dma_wait3A_19 = arith.constant 0 : i32
      %dma_wait3A_20 = tpu.memref_slice %arg4[%mul3A_14, %dma_wait3A_19] : memref<4096x768xf32, #tpu.memory_space<hbm>> -> memref<128x768xf32, #tpu.memory_space<hbm>>
      %dma_wait3A_21 = arith.constant 0 : i32
      %dma_wait3A_22 = tpu.memref_slice %arg4[%mul3A_14, %dma_wait3A_21] : memref<4096x768xf32, #tpu.memory_space<hbm>> -> memref<128x768xf32, #tpu.memory_space<hbm>>
      tpu.wait_dma2 semaphore(%run_scoped3A : memref<!tpu.dma_semaphore, #tpu.memory_space<semaphore_mem>>) src(%arg6 : memref<128x768xf32, #tpu.memory_space<vmem>>) dst(%dma_wait3A_22 : memref<128x768xf32, #tpu.memory_space<hbm>>)
      tpu.yield
    }) : () -> ()
    return
  }
}

module attributes {stable_mosaic.version = 14 : i64} {
  func.func @_gate_kernel(%arg0: memref<2048x768xf32, #tpu.memory_space<vmem>>, %arg1: memref<16x768xf32, #tpu.memory_space<vmem>>, %arg2: memref<1x2048xi32, #tpu.memory_space<vmem>>, %arg3: memref<1x2048xi32, #tpu.memory_space<vmem>>, %arg4: memref<1x2048xf32, #tpu.memory_space<vmem>>, %arg5: memref<1x2048xf32, #tpu.memory_space<vmem>>, %arg6: memref<1x1xf32, #tpu.memory_space<vmem>>, %arg7: memref<2048x768xbf16, #tpu.memory_space<vmem>>) attributes {dimension_semantics = [], scalar_prefetch = 0 : i64, scratch_operands = 0 : i64, tpu.core_type = #tpu.core_type<tc>} {
    %get3A = arith.constant 0 : index
    %get3A_0 = arith.constant 0 : index
    %get3A_1 = vector.load %arg0[%get3A, %get3A_0] : memref<2048x768xf32, #tpu.memory_space<vmem>>, vector<2048x768xf32>
    %convert_element_type3A = arith.truncf %get3A_1 : vector<2048x768xf32> to vector<2048x768xbf16>
    %swap3A = arith.constant 0 : index
    %swap3A_2 = arith.constant 0 : index
    %swap3A_3 = vector.load %arg7[%swap3A, %swap3A_2] : memref<2048x768xbf16, #tpu.memory_space<vmem>>, vector<2048x768xbf16>
    tpu.vector_store %arg7[%swap3A, %swap3A_2], %convert_element_type3A {strides = array<i32>} : memref<2048x768xbf16, #tpu.memory_space<vmem>>, vector<2048x768xbf16>,
    %get3A_4 = arith.constant 0 : index
    %get3A_5 = arith.constant 0 : index
    %get3A_6 = vector.load %arg1[%get3A_4, %get3A_5] : memref<16x768xf32, #tpu.memory_space<vmem>>, vector<16x768xf32>
    %convert_element_type3A_7 = arith.truncf %get3A_6 : vector<16x768xf32> to vector<16x768xbf16>
    %dot_general3A = arith.constant dense<0.000000e+00> : vector<16x2048xf32>
    %dot_general3A_8 = tpu.matmul %convert_element_type3A_7, %convert_element_type3A, %dot_general3A {dimension_numbers = #tpu.dot_dimension_numbers<[1], [1], [0], [0], [0, 0, 1, 0], [], []>, transpose_lhs_hint = false} : vector<16x768xbf16>, vector<2048x768xbf16>, vector<16x2048xf32> -> vector<16x2048xf32>
    %reduce_max3A = arith.constant dense<0xFF800000> : vector<2048xf32>
    %reduce_max3A_9 = vector.multi_reduction <maximumf>, %dot_general3A_8, %reduce_max3A [0] : vector<16x2048xf32> to vector<2048xf32>
    %broadcast_in_dim3A = vector.shape_cast %reduce_max3A_9 : vector<2048xf32> to vector<1x2048xf32>
    %sub3A = vector.broadcast %broadcast_in_dim3A : vector<1x2048xf32> to vector<16x2048xf32>
    %sub3A_10 = arith.subf %dot_general3A_8, %sub3A : vector<16x2048xf32>
    %exp3A = math.exp %sub3A_10 : vector<16x2048xf32>
    %reduce_sum3A = arith.constant dense<0.000000e+00> : vector<2048xf32>
    %reduce_sum3A_11 = vector.multi_reduction <add>, %exp3A, %reduce_sum3A [0] : vector<16x2048xf32> to vector<2048xf32>
    %broadcast_in_dim3A_12 = vector.shape_cast %reduce_sum3A_11 : vector<2048xf32> to vector<1x2048xf32>
    %div3A = vector.broadcast %broadcast_in_dim3A_12 : vector<1x2048xf32> to vector<16x2048xf32>
    %div3A_13 = arith.divf %exp3A, %div3A : vector<16x2048xf32>
    %iota3A = tpu.iota {dimensions = array<i32: 0>} : vector<16x2048xi32>
    %reduce_max3A_14 = arith.constant dense<0xFF800000> : vector<2048xf32>
    %reduce_max3A_15 = vector.multi_reduction <maximumf>, %div3A_13, %reduce_max3A_14 [0] : vector<16x2048xf32> to vector<2048xf32>
    %broadcast_in_dim3A_16 = vector.shape_cast %reduce_max3A_15 : vector<2048xf32> to vector<1x2048xf32>
    %eq3A = vector.broadcast %broadcast_in_dim3A_16 : vector<1x2048xf32> to vector<16x2048xf32>
    %eq3A_17 = arith.cmpf oeq, %div3A_13, %eq3A : vector<16x2048xf32>
    %jit3A = arith.constant 16 : i32
    %broadcast_in_dim3A_18 = vector.broadcast %jit3A : i32 to vector<16x2048xi32>
    %select_n3A = arith.select %eq3A_17, %iota3A, %broadcast_in_dim3A_18 : vector<16x2048xi1>, vector<16x2048xi32>
    %reduce_min3A = arith.constant dense<2147483647> : vector<2048xi32>
    %reduce_min3A_19 = vector.multi_reduction <minsi>, %select_n3A, %reduce_min3A [0] : vector<16x2048xi32> to vector<2048xi32>
    %broadcast_in_dim3A_20 = vector.shape_cast %reduce_min3A_19 : vector<2048xi32> to vector<1x2048xi32>
    %eq3A_21 = vector.broadcast %broadcast_in_dim3A_20 : vector<1x2048xi32> to vector<16x2048xi32>
    %eq3A_22 = arith.cmpi eq, %iota3A, %eq3A_21 : vector<16x2048xi32>
    %jit3A_23 = arith.constant -1.000000e+00 : f32
    %broadcast_in_dim3A_24 = vector.broadcast %jit3A_23 : f32 to vector<16x2048xf32>
    %select_n3A_25 = arith.select %eq3A_22, %broadcast_in_dim3A_24, %div3A_13 : vector<16x2048xi1>, vector<16x2048xf32>
    %reduce_max3A_26 = arith.constant dense<0xFF800000> : vector<2048xf32>
    %reduce_max3A_27 = vector.multi_reduction <maximumf>, %select_n3A_25, %reduce_max3A_26 [0] : vector<16x2048xf32> to vector<2048xf32>
    %broadcast_in_dim3A_28 = vector.shape_cast %reduce_max3A_27 : vector<2048xf32> to vector<1x2048xf32>
    %eq3A_29 = vector.broadcast %broadcast_in_dim3A_28 : vector<1x2048xf32> to vector<16x2048xf32>
    %eq3A_30 = arith.cmpf oeq, %select_n3A_25, %eq3A_29 : vector<16x2048xf32>
    %jit3A_31 = arith.constant 16 : i32
    %broadcast_in_dim3A_32 = vector.broadcast %jit3A_31 : i32 to vector<16x2048xi32>
    %select_n3A_33 = arith.select %eq3A_30, %iota3A, %broadcast_in_dim3A_32 : vector<16x2048xi1>, vector<16x2048xi32>
    %reduce_min3A_34 = arith.constant dense<2147483647> : vector<2048xi32>
    %reduce_min3A_35 = vector.multi_reduction <minsi>, %select_n3A_33, %reduce_min3A_34 [0] : vector<16x2048xi32> to vector<2048xi32>
    %broadcast_in_dim3A_36 = vector.shape_cast %reduce_min3A_35 : vector<2048xi32> to vector<1x2048xi32>
    %add3A = arith.addf %broadcast_in_dim3A_16, %broadcast_in_dim3A_28 : vector<1x2048xf32>
    %swap3A_37 = arith.constant 0 : index
    %swap3A_38 = arith.constant 0 : index
    %swap3A_39 = vector.load %arg2[%swap3A_37, %swap3A_38] : memref<1x2048xi32, #tpu.memory_space<vmem>>, vector<1x2048xi32>
    tpu.vector_store %arg2[%swap3A_37, %swap3A_38], %broadcast_in_dim3A_20 {strides = array<i32>} : memref<1x2048xi32, #tpu.memory_space<vmem>>, vector<1x2048xi32>,
    %swap3A_40 = arith.constant 0 : index
    %swap3A_41 = arith.constant 0 : index
    %swap3A_42 = vector.load %arg3[%swap3A_40, %swap3A_41] : memref<1x2048xi32, #tpu.memory_space<vmem>>, vector<1x2048xi32>
    tpu.vector_store %arg3[%swap3A_40, %swap3A_41], %broadcast_in_dim3A_36 {strides = array<i32>} : memref<1x2048xi32, #tpu.memory_space<vmem>>, vector<1x2048xi32>,
    %div3A_43 = arith.divf %broadcast_in_dim3A_16, %add3A : vector<1x2048xf32>
    %swap3A_44 = arith.constant 0 : index
    %swap3A_45 = arith.constant 0 : index
    %swap3A_46 = vector.load %arg4[%swap3A_44, %swap3A_45] : memref<1x2048xf32, #tpu.memory_space<vmem>>, vector<1x2048xf32>
    tpu.vector_store %arg4[%swap3A_44, %swap3A_45], %div3A_43 {strides = array<i32>} : memref<1x2048xf32, #tpu.memory_space<vmem>>, vector<1x2048xf32>,
    %div3A_47 = arith.divf %broadcast_in_dim3A_28, %add3A : vector<1x2048xf32>
    %swap3A_48 = arith.constant 0 : index
    %swap3A_49 = arith.constant 0 : index
    %swap3A_50 = vector.load %arg5[%swap3A_48, %swap3A_49] : memref<1x2048xf32, #tpu.memory_space<vmem>>, vector<1x2048xf32>
    tpu.vector_store %arg5[%swap3A_48, %swap3A_49], %div3A_47 {strides = array<i32>} : memref<1x2048xf32, #tpu.memory_space<vmem>>, vector<1x2048xf32>,
    %reduce_sum3A_51 = arith.constant dense<0.000000e+00> : vector<16xf32>
    %reduce_sum3A_52 = vector.multi_reduction <add>, %div3A_13, %reduce_sum3A_51 [1] : vector<16x2048xf32> to vector<16xf32>
    %broadcast_in_dim3A_53 = vector.shape_cast %reduce_sum3A_52 : vector<16xf32> to vector<16x1xf32>
    %div3A_54 = arith.constant 2.048000e+03 : f32
    %div3A_55 = vector.broadcast %div3A_54 : f32 to vector<16x1xf32>
    %div3A_56 = arith.divf %broadcast_in_dim3A_53, %div3A_55 : vector<16x1xf32>
    %gt3A = vector.broadcast %broadcast_in_dim3A_28 : vector<1x2048xf32> to vector<16x2048xf32>
    %gt3A_57 = arith.cmpf ogt, %div3A_13, %gt3A : vector<16x2048xf32>
    %convert_element_type3A_58 = arith.extui %gt3A_57 : vector<16x2048xi1> to vector<16x2048xi32>
    %convert_element_type3A_59 = arith.sitofp %convert_element_type3A_58 : vector<16x2048xi32> to vector<16x2048xf32>
    %reduce_sum3A_60 = arith.constant dense<0.000000e+00> : vector<16xf32>
    %reduce_sum3A_61 = vector.multi_reduction <add>, %convert_element_type3A_59, %reduce_sum3A_60 [1] : vector<16x2048xf32> to vector<16xf32>
    %broadcast_in_dim3A_62 = vector.shape_cast %reduce_sum3A_61 : vector<16xf32> to vector<16x1xf32>
    %div3A_63 = arith.constant 2.048000e+03 : f32
    %div3A_64 = vector.broadcast %div3A_63 : f32 to vector<16x1xf32>
    %div3A_65 = arith.divf %broadcast_in_dim3A_62, %div3A_64 : vector<16x1xf32>
    %mul3A = arith.mulf %div3A_56, %div3A_65 : vector<16x1xf32>
    %reduce_sum3A_66 = vector.shape_cast %mul3A : vector<16x1xf32> to vector<1x16x1xf32>
    %reduce_sum3A_67 = arith.constant dense<0.000000e+00> : vector<1xf32>
    %reduce_sum3A_68 = vector.multi_reduction <add>, %reduce_sum3A_66, %reduce_sum3A_67 [1, 2] : vector<1x16x1xf32> to vector<1xf32>
    %reduce_sum3A_69 = vector.shape_cast %reduce_sum3A_68 : vector<1xf32> to vector<1x1x1xf32>
    %reduce_sum3A_70 = vector.extract %reduce_sum3A_69[0, 0, 0] : f32 from vector<1x1x1xf32>
    %broadcast_in_dim3A_71 = vector.broadcast %reduce_sum3A_70 : f32 to vector<1x1xf32>
    %mul3A_72 = arith.constant 1.600000e+01 : f32
    %mul3A_73 = vector.broadcast %mul3A_72 : f32 to vector<1x1xf32>
    %mul3A_74 = arith.mulf %broadcast_in_dim3A_71, %mul3A_73 : vector<1x1xf32>
    %swap3A_75 = arith.constant 0 : index
    %swap3A_76 = arith.constant 0 : index
    %swap3A_77 = vector.load %arg6[%swap3A_75, %swap3A_76] : memref<1x1xf32, #tpu.memory_space<vmem>>, vector<1x1xf32>
    tpu.vector_store %arg6[%swap3A_75, %swap3A_76], %mul3A_74 {strides = array<i32>} : memref<1x1xf32, #tpu.memory_space<vmem>>, vector<1x1xf32>,
    return
  }
}

module attributes {stable_mosaic.version = 14 : i64} {
  func.func @_ffn_kernel(%arg0: i32, %arg1: memref<16xi32, #tpu.memory_space<smem>>, %arg2: memref<256x768xf32, #tpu.memory_space<vmem>>, %arg3: memref<1x3072x768xbf16, #tpu.memory_space<vmem>>, %arg4: memref<1x1x3072xf32, #tpu.memory_space<vmem>>, %arg5: memref<1x768x3072xbf16, #tpu.memory_space<vmem>>, %arg6: memref<1x1x768xf32, #tpu.memory_space<vmem>>, %arg7: memref<1x1x256xf32, #tpu.memory_space<vmem>>, %arg8: memref<256x768xf32, #tpu.memory_space<vmem>>) attributes {dimension_semantics = [#tpu.dimension_semantics<arbitrary>], iteration_bounds = array<i64: 16>, scalar_prefetch = 1 : i64, scratch_operands = 0 : i64, tpu.core_type = #tpu.core_type<tc>, window_params = [{transform_indices = @transform_0, window_bounds = array<i64: 256, 768>}, {transform_indices = @transform_1, window_bounds = array<i64: 1, 3072, 768>}, {transform_indices = @transform_2, window_bounds = array<i64: 1, 1, 3072>}, {transform_indices = @transform_3, window_bounds = array<i64: 1, 768, 3072>}, {transform_indices = @transform_4, window_bounds = array<i64: 1, 1, 768>}, {transform_indices = @transform_5, window_bounds = array<i64: 1, 1, 256>}, {transform_indices = @transform_6, window_bounds = array<i64: 256, 768>}]} {
    %get3A = arith.constant 0 : index
    %get3A_0 = arith.constant 0 : index
    %get3A_1 = vector.load %arg2[%get3A, %get3A_0] : memref<256x768xf32, #tpu.memory_space<vmem>>, vector<256x768xf32>
    %convert_element_type3A = arith.truncf %get3A_1 : vector<256x768xf32> to vector<256x768xbf16>
    %broadcast_in_dim3A = arith.constant 0.000000e+00 : f32
    %broadcast_in_dim3A_2 = vector.broadcast %broadcast_in_dim3A : f32 to vector<256x768xf32>
    %get3A_3 = arith.constant 0 : index
    %get3A_4 = arith.constant 0 : index
    %get3A_5 = arith.constant 0 : index
    %get3A_6 = vector.load %arg3[%get3A_3, %get3A_4, %get3A_5] : memref<1x3072x768xbf16, #tpu.memory_space<vmem>>, vector<1x768x768xbf16>
    %get3A_7 = vector.shape_cast %get3A_6 : vector<1x768x768xbf16> to vector<768x768xbf16>
    %dot_general3A = arith.constant dense<0.000000e+00> : vector<256x768xf32>
    %dot_general3A_8 = tpu.matmul %convert_element_type3A, %get3A_7, %dot_general3A {dimension_numbers = #tpu.dot_dimension_numbers<[1], [1], [0], [0], [0, 0, 1, 0], [], []>, transpose_lhs_hint = false} : vector<256x768xbf16>, vector<768x768xbf16>, vector<256x768xf32> -> vector<256x768xf32>
    %get3A_9 = arith.constant 0 : index
    %get3A_10 = arith.constant 0 : index
    %get3A_11 = arith.constant 0 : index
    %get3A_12 = vector.load %arg4[%get3A_9, %get3A_10, %get3A_11] : memref<1x1x3072xf32, #tpu.memory_space<vmem>>, vector<1x1x768xf32>
    %get3A_13 = vector.shape_cast %get3A_12 : vector<1x1x768xf32> to vector<768xf32>
    %broadcast_in_dim3A_14 = vector.shape_cast %get3A_13 : vector<768xf32> to vector<1x768xf32>
    %add3A = vector.broadcast %broadcast_in_dim3A_14 : vector<1x768xf32> to vector<256x768xf32>
    %add3A_15 = arith.addf %dot_general3A_8, %add3A : vector<256x768xf32>
    %max3A = arith.constant 0.000000e+00 : f32
    %max3A_16 = vector.broadcast %max3A : f32 to vector<256x768xf32>
    %max3A_17 = arith.maximumf %add3A_15, %max3A_16 : vector<256x768xf32>
    %convert_element_type3A_18 = arith.truncf %max3A_17 : vector<256x768xf32> to vector<256x768xbf16>
    %get3A_19 = arith.constant 0 : index
    %get3A_20 = arith.constant 0 : index
    %get3A_21 = arith.constant 0 : index
    %get3A_22 = vector.load %arg5[%get3A_19, %get3A_20, %get3A_21] : memref<1x768x3072xbf16, #tpu.memory_space<vmem>>, vector<1x768x768xbf16>
    %get3A_23 = vector.shape_cast %get3A_22 : vector<1x768x768xbf16> to vector<768x768xbf16>
    %dot_general3A_24 = arith.constant dense<0.000000e+00> : vector<256x768xf32>
    %dot_general3A_25 = tpu.matmul %convert_element_type3A_18, %get3A_23, %dot_general3A_24 {dimension_numbers = #tpu.dot_dimension_numbers<[1], [1], [0], [0], [0, 0, 1, 0], [], []>, transpose_lhs_hint = false} : vector<256x768xbf16>, vector<768x768xbf16>, vector<256x768xf32> -> vector<256x768xf32>
    %add3A_26 = arith.addf %broadcast_in_dim3A_2, %dot_general3A_25 : vector<256x768xf32>
    %get3A_27 = arith.constant 0 : index
    %get3A_28 = arith.constant 768 : index
    %get3A_29 = arith.constant 0 : index
    %get3A_30 = vector.load %arg3[%get3A_27, %get3A_28, %get3A_29] : memref<1x3072x768xbf16, #tpu.memory_space<vmem>>, vector<1x768x768xbf16>
    %get3A_31 = vector.shape_cast %get3A_30 : vector<1x768x768xbf16> to vector<768x768xbf16>
    %dot_general3A_32 = arith.constant dense<0.000000e+00> : vector<256x768xf32>
    %dot_general3A_33 = tpu.matmul %convert_element_type3A, %get3A_31, %dot_general3A_32 {dimension_numbers = #tpu.dot_dimension_numbers<[1], [1], [0], [0], [0, 0, 1, 0], [], []>, transpose_lhs_hint = false} : vector<256x768xbf16>, vector<768x768xbf16>, vector<256x768xf32> -> vector<256x768xf32>
    %get3A_34 = arith.constant 0 : index
    %get3A_35 = arith.constant 0 : index
    %get3A_36 = arith.constant 768 : index
    %get3A_37 = vector.load %arg4[%get3A_34, %get3A_35, %get3A_36] : memref<1x1x3072xf32, #tpu.memory_space<vmem>>, vector<1x1x768xf32>
    %get3A_38 = vector.shape_cast %get3A_37 : vector<1x1x768xf32> to vector<768xf32>
    %broadcast_in_dim3A_39 = vector.shape_cast %get3A_38 : vector<768xf32> to vector<1x768xf32>
    %add3A_40 = vector.broadcast %broadcast_in_dim3A_39 : vector<1x768xf32> to vector<256x768xf32>
    %add3A_41 = arith.addf %dot_general3A_33, %add3A_40 : vector<256x768xf32>
    %max3A_42 = arith.constant 0.000000e+00 : f32
    %max3A_43 = vector.broadcast %max3A_42 : f32 to vector<256x768xf32>
    %max3A_44 = arith.maximumf %add3A_41, %max3A_43 : vector<256x768xf32>
    %convert_element_type3A_45 = arith.truncf %max3A_44 : vector<256x768xf32> to vector<256x768xbf16>
    %get3A_46 = arith.constant 0 : index
    %get3A_47 = arith.constant 0 : index
    %get3A_48 = arith.constant 768 : index
    %get3A_49 = vector.load %arg5[%get3A_46, %get3A_47, %get3A_48] : memref<1x768x3072xbf16, #tpu.memory_space<vmem>>, vector<1x768x768xbf16>
    %get3A_50 = vector.shape_cast %get3A_49 : vector<1x768x768xbf16> to vector<768x768xbf16>
    %dot_general3A_51 = arith.constant dense<0.000000e+00> : vector<256x768xf32>
    %dot_general3A_52 = tpu.matmul %convert_element_type3A_45, %get3A_50, %dot_general3A_51 {dimension_numbers = #tpu.dot_dimension_numbers<[1], [1], [0], [0], [0, 0, 1, 0], [], []>, transpose_lhs_hint = false} : vector<256x768xbf16>, vector<768x768xbf16>, vector<256x768xf32> -> vector<256x768xf32>
    %add3A_53 = arith.addf %add3A_26, %dot_general3A_52 : vector<256x768xf32>
    %get3A_54 = arith.constant 0 : index
    %get3A_55 = arith.constant 1536 : index
    %get3A_56 = arith.constant 0 : index
    %get3A_57 = vector.load %arg3[%get3A_54, %get3A_55, %get3A_56] : memref<1x3072x768xbf16, #tpu.memory_space<vmem>>, vector<1x768x768xbf16>
    %get3A_58 = vector.shape_cast %get3A_57 : vector<1x768x768xbf16> to vector<768x768xbf16>
    %dot_general3A_59 = arith.constant dense<0.000000e+00> : vector<256x768xf32>
    %dot_general3A_60 = tpu.matmul %convert_element_type3A, %get3A_58, %dot_general3A_59 {dimension_numbers = #tpu.dot_dimension_numbers<[1], [1], [0], [0], [0, 0, 1, 0], [], []>, transpose_lhs_hint = false} : vector<256x768xbf16>, vector<768x768xbf16>, vector<256x768xf32> -> vector<256x768xf32>
    %get3A_61 = arith.constant 0 : index
    %get3A_62 = arith.constant 0 : index
    %get3A_63 = arith.constant 1536 : index
    %get3A_64 = vector.load %arg4[%get3A_61, %get3A_62, %get3A_63] : memref<1x1x3072xf32, #tpu.memory_space<vmem>>, vector<1x1x768xf32>
    %get3A_65 = vector.shape_cast %get3A_64 : vector<1x1x768xf32> to vector<768xf32>
    %broadcast_in_dim3A_66 = vector.shape_cast %get3A_65 : vector<768xf32> to vector<1x768xf32>
    %add3A_67 = vector.broadcast %broadcast_in_dim3A_66 : vector<1x768xf32> to vector<256x768xf32>
    %add3A_68 = arith.addf %dot_general3A_60, %add3A_67 : vector<256x768xf32>
    %max3A_69 = arith.constant 0.000000e+00 : f32
    %max3A_70 = vector.broadcast %max3A_69 : f32 to vector<256x768xf32>
    %max3A_71 = arith.maximumf %add3A_68, %max3A_70 : vector<256x768xf32>
    %convert_element_type3A_72 = arith.truncf %max3A_71 : vector<256x768xf32> to vector<256x768xbf16>
    %get3A_73 = arith.constant 0 : index
    %get3A_74 = arith.constant 0 : index
    %get3A_75 = arith.constant 1536 : index
    %get3A_76 = vector.load %arg5[%get3A_73, %get3A_74, %get3A_75] : memref<1x768x3072xbf16, #tpu.memory_space<vmem>>, vector<1x768x768xbf16>
    %get3A_77 = vector.shape_cast %get3A_76 : vector<1x768x768xbf16> to vector<768x768xbf16>
    %dot_general3A_78 = arith.constant dense<0.000000e+00> : vector<256x768xf32>
    %dot_general3A_79 = tpu.matmul %convert_element_type3A_72, %get3A_77, %dot_general3A_78 {dimension_numbers = #tpu.dot_dimension_numbers<[1], [1], [0], [0], [0, 0, 1, 0], [], []>, transpose_lhs_hint = false} : vector<256x768xbf16>, vector<768x768xbf16>, vector<256x768xf32> -> vector<256x768xf32>
    %add3A_80 = arith.addf %add3A_53, %dot_general3A_79 : vector<256x768xf32>
    %get3A_81 = arith.constant 0 : index
    %get3A_82 = arith.constant 2304 : index
    %get3A_83 = arith.constant 0 : index
    %get3A_84 = vector.load %arg3[%get3A_81, %get3A_82, %get3A_83] : memref<1x3072x768xbf16, #tpu.memory_space<vmem>>, vector<1x768x768xbf16>
    %get3A_85 = vector.shape_cast %get3A_84 : vector<1x768x768xbf16> to vector<768x768xbf16>
    %dot_general3A_86 = arith.constant dense<0.000000e+00> : vector<256x768xf32>
    %dot_general3A_87 = tpu.matmul %convert_element_type3A, %get3A_85, %dot_general3A_86 {dimension_numbers = #tpu.dot_dimension_numbers<[1], [1], [0], [0], [0, 0, 1, 0], [], []>, transpose_lhs_hint = false} : vector<256x768xbf16>, vector<768x768xbf16>, vector<256x768xf32> -> vector<256x768xf32>
    %get3A_88 = arith.constant 0 : index
    %get3A_89 = arith.constant 0 : index
    %get3A_90 = arith.constant 2304 : index
    %get3A_91 = vector.load %arg4[%get3A_88, %get3A_89, %get3A_90] : memref<1x1x3072xf32, #tpu.memory_space<vmem>>, vector<1x1x768xf32>
    %get3A_92 = vector.shape_cast %get3A_91 : vector<1x1x768xf32> to vector<768xf32>
    %broadcast_in_dim3A_93 = vector.shape_cast %get3A_92 : vector<768xf32> to vector<1x768xf32>
    %add3A_94 = vector.broadcast %broadcast_in_dim3A_93 : vector<1x768xf32> to vector<256x768xf32>
    %add3A_95 = arith.addf %dot_general3A_87, %add3A_94 : vector<256x768xf32>
    %max3A_96 = arith.constant 0.000000e+00 : f32
    %max3A_97 = vector.broadcast %max3A_96 : f32 to vector<256x768xf32>
    %max3A_98 = arith.maximumf %add3A_95, %max3A_97 : vector<256x768xf32>
    %convert_element_type3A_99 = arith.truncf %max3A_98 : vector<256x768xf32> to vector<256x768xbf16>
    %get3A_100 = arith.constant 0 : index
    %get3A_101 = arith.constant 0 : index
    %get3A_102 = arith.constant 2304 : index
    %get3A_103 = vector.load %arg5[%get3A_100, %get3A_101, %get3A_102] : memref<1x768x3072xbf16, #tpu.memory_space<vmem>>, vector<1x768x768xbf16>
    %get3A_104 = vector.shape_cast %get3A_103 : vector<1x768x768xbf16> to vector<768x768xbf16>
    %dot_general3A_105 = arith.constant dense<0.000000e+00> : vector<256x768xf32>
    %dot_general3A_106 = tpu.matmul %convert_element_type3A_99, %get3A_104, %dot_general3A_105 {dimension_numbers = #tpu.dot_dimension_numbers<[1], [1], [0], [0], [0, 0, 1, 0], [], []>, transpose_lhs_hint = false} : vector<256x768xbf16>, vector<768x768xbf16>, vector<256x768xf32> -> vector<256x768xf32>
    %add3A_107 = arith.addf %add3A_80, %dot_general3A_106 : vector<256x768xf32>
    %get3A_108 = arith.constant 0 : index
    %get3A_109 = arith.constant 0 : index
    %get3A_110 = arith.constant 0 : index
    %get3A_111 = vector.load %arg6[%get3A_108, %get3A_109, %get3A_110] : memref<1x1x768xf32, #tpu.memory_space<vmem>>, vector<1x1x768xf32>
    %get3A_112 = vector.shape_cast %get3A_111 : vector<1x1x768xf32> to vector<768xf32>
    %broadcast_in_dim3A_113 = vector.shape_cast %get3A_112 : vector<768xf32> to vector<1x768xf32>
    %add3A_114 = vector.broadcast %broadcast_in_dim3A_113 : vector<1x768xf32> to vector<256x768xf32>
    %add3A_115 = arith.addf %add3A_107, %add3A_114 : vector<256x768xf32>
    %get3A_116 = arith.constant 0 : index
    %get3A_117 = arith.constant 0 : index
    %get3A_118 = arith.constant 0 : index
    %get3A_119 = vector.load %arg7[%get3A_116, %get3A_117, %get3A_118] : memref<1x1x256xf32, #tpu.memory_space<vmem>>, vector<1x1x256xf32>
    %get3A_120 = vector.shape_cast %get3A_119 : vector<1x1x256xf32> to vector<256xf32>
    %broadcast_in_dim3A_121 = vector.shape_cast %get3A_120 : vector<256xf32> to vector<256x1xf32>
    %mul3A = vector.broadcast %broadcast_in_dim3A_121 : vector<256x1xf32> to vector<256x768xf32>
    %mul3A_122 = arith.mulf %add3A_115, %mul3A : vector<256x768xf32>
    %swap3A = arith.constant 0 : index
    %swap3A_123 = arith.constant 0 : index
    %swap3A_124 = vector.load %arg8[%swap3A, %swap3A_123] : memref<256x768xf32, #tpu.memory_space<vmem>>, vector<256x768xf32>
    tpu.vector_store %arg8[%swap3A, %swap3A_123], %mul3A_122 {strides = array<i32>} : memref<256x768xf32, #tpu.memory_space<vmem>>, vector<256x768xf32>,
    return
  }
  func.func @transform_0(%arg0: i32, %arg1: memref<16xi32, #tpu.memory_space<smem>>) -> (i32, i32) {
    %c0_i32 = arith.constant 0 : i32
    %c0_i32_0 = arith.constant 0 : i32
    return %arg0, %c0_i32 : i32, i32
  }
  func.func @transform_1(%arg0: i32, %arg1: memref<16xi32, #tpu.memory_space<smem>>) -> (i32, i32, i32) {
    %get3A = arith.index_cast %arg0 : i32 to index
    %get3A_0 = memref.load %arg1[%get3A] : memref<16xi32, #tpu.memory_space<smem>>
    %c0_i32 = arith.constant 0 : i32
    %c0_i32_1 = arith.constant 0 : i32
    %c0_i32_2 = arith.constant 0 : i32
    return %get3A_0, %c0_i32, %c0_i32_1 : i32, i32, i32
  }
  func.func @transform_2(%arg0: i32, %arg1: memref<16xi32, #tpu.memory_space<smem>>) -> (i32, i32, i32) {
    %get3A = arith.index_cast %arg0 : i32 to index
    %get3A_0 = memref.load %arg1[%get3A] : memref<16xi32, #tpu.memory_space<smem>>
    %c0_i32 = arith.constant 0 : i32
    %c0_i32_1 = arith.constant 0 : i32
    %c0_i32_2 = arith.constant 0 : i32
    return %get3A_0, %c0_i32, %c0_i32_1 : i32, i32, i32
  }
  func.func @transform_3(%arg0: i32, %arg1: memref<16xi32, #tpu.memory_space<smem>>) -> (i32, i32, i32) {
    %get3A = arith.index_cast %arg0 : i32 to index
    %get3A_0 = memref.load %arg1[%get3A] : memref<16xi32, #tpu.memory_space<smem>>
    %c0_i32 = arith.constant 0 : i32
    %c0_i32_1 = arith.constant 0 : i32
    %c0_i32_2 = arith.constant 0 : i32
    return %get3A_0, %c0_i32, %c0_i32_1 : i32, i32, i32
  }
  func.func @transform_4(%arg0: i32, %arg1: memref<16xi32, #tpu.memory_space<smem>>) -> (i32, i32, i32) {
    %get3A = arith.index_cast %arg0 : i32 to index
    %get3A_0 = memref.load %arg1[%get3A] : memref<16xi32, #tpu.memory_space<smem>>
    %c0_i32 = arith.constant 0 : i32
    %c0_i32_1 = arith.constant 0 : i32
    %c0_i32_2 = arith.constant 0 : i32
    return %get3A_0, %c0_i32, %c0_i32_1 : i32, i32, i32
  }
  func.func @transform_5(%arg0: i32, %arg1: memref<16xi32, #tpu.memory_space<smem>>) -> (i32, i32, i32) {
    %c0_i32 = arith.constant 0 : i32
    %c0_i32_0 = arith.constant 0 : i32
    %c0_i32_1 = arith.constant 0 : i32
    return %arg0, %c0_i32, %c0_i32_0 : i32, i32, i32
  }
  func.func @transform_6(%arg0: i32, %arg1: memref<16xi32, #tpu.memory_space<smem>>) -> (i32, i32) {
    %c0_i32 = arith.constant 0 : i32
    %c0_i32_0 = arith.constant 0 : i32
    return %arg0, %c0_i32 : i32, i32
  }
}

</mosaic_0001>

<sc_bundles>
// kernel: gather_offload_async_start.1
scs
__scs_entry_jumppad:
0x0: {  	(pc) =	sbr.rel $0x88, $3  }
0x1: {  	(tag) =	ssettag $0x0;
	lr =	simm.s32 $0x1  }
0x2: {  	[smem:$0x3F9B] =	sst lr;
	_ =	strace $0xD0000000  }
0x3: {  	_ = 	snop  }
0x4: {  	_ = 	snop  }
0x5: {  	_ = 	snop  }
0x6: {  	_ = 	snop  }
0x7: {  	_ = 	snop  }
__scs_overlays_trampoline_lowered:
0x8: {  	[smem:$0x3FAA] =	sst s0  }
0x9: {  	[smem:$0x3FAB] =	sst s1  }
0xa: {  	[smem:$0x3FAC] =	sst s2  }
0xb: {  	[smem:$0x3FAD] =	sst s3  }
0xc: {  	[smem:$0x3FAE] =	sst s4  }
0xd: {  	[smem:$0x3FAF] =	sst s5  }
0xe: {  	[smem:$0x3FB0] =	sst s6  }
0xf: {  	[smem:$0x3FB1] =	sst s7  }
0x10: {  	[smem:$0x3FB2] =	sst s8  }
0x11: {  	[smem:$0x3FB3] =	sst s9;
	s0 =	simm.s32 @!p0 $0x0  }
0x12: {  	s1 =	sld [smem:$0x3F99];
	s0 =	simm.s32 @p0 $0x1  }
0x13: {  	[smem:$0x3FB4] =	sst s0;
	s0 =	simm.s32 @!p1 $0x0  }
0x14: {  	s2 =	sld [smem:$0x3F98];
	s0 =	simm.s32 @p1 $0x1  }
0x15: {  	[smem:$0x3FB5] =	sst s0;
	s0 =	simm.s32 @!p2 $0x0  }
0x16: {  	s3 =	sld [smem:$0x3FDB];
	s0 =	simm.s32 @p2 $0x1  }
0x17: {  	s4 =	simm.s32 $0x1BF5;
	[smem:$0x3FB7] =	sst s0  }
0x18: {  	s0 =	sld [smem:$0x3F9A];
	_ =	swait.ge [sflag:s4], $0x0  }
0x19: {  	s7 =	sld [smem:$0x3F9B]  }
0x1a: {  	s8 =	sadd.s32 $0xFFFFE003, lr  }
0x1b: {  	s9 =	sadd.s32 $0xFFFFFEF7, lr;
	s5 =	simm.s32 $0xFFFFFFFF;
	p2 =	slt.u32 s8, $0xFFFFF086  }
0x1c: {  	p1 =	slt.u32 s9, $0xF7A;
	s5 =	simm.s32 @!p2 $0x0  }
0x1d: {  	s5 =	simm.s32 @p1 $0x1;
	p0 =	seq.s32 s7, s2  }
0x1e: {  	s7 =	smul.u32 @!p0 $0xF7A, s2;
	p2 =	seq.s32 @!p0 s5, $0x0  }
0x1f: {  	s9 =	smul.u32 $0xF7A, s1;
	s8 =	simm.s32 @!p0 $0x1BF5;
	p2 =	por !p2, p0  }
0x20: {  	[sflag:s8] =	ssyncset.s32 @!p0 $0xFFFFF086;
	s6 =	sadd.s32 @!p0 s3, s7;
	s7 =	simm.s32 @!p0 $0x108  }
0x21: {  	s3 =	sadd.s32 s3, s9;
	s6 =	sadd.s32 @!p0 $0x88, s6;
	s7 =	simm.s32 @p2 $0x1082  }
0x22: {  	[simem:s7], [sflag:s8] =	dma.local @!p0 [hbm:s6], $0xF7A  }
0x23: {  	s9 =	sor.u32 $0xD0000000, s2;
	s6 =	simm.s32 $0x108;
	_ =	swait.ge @!p0 [sflag:s8], $0x0  }
0x24: {  	s3 =	sadd.s32 $0x88, s3;
	s6 =	simm.s32 @!p1 $0x1082;
	[sflag:s4] =	ssyncset.s32 $0xFFFFF086  }
0x25: {  	[simem:s6], [sflag:s4] =	dma.local [hbm:s3], $0xF7A  }
0x26: {  	[smem:$0x3F9B] =	sst s1;
	(tag) =	ssettag s2;
	_ =	strace s9  }
0x27: {  	s1 =	sld [smem:$0x3FAB]  }
0x28: {  	s2 =	sld [smem:$0x3FAC]  }
0x29: {  	s4 =	sld [smem:$0x3FAE]  }
0x2a: {  	p0 =	seq.s32 s5, $0x0;
	s5 =	sld [smem:$0x3FAF]  }
0x2b: {  	s6 =	sld [smem:$0x3FB0]  }
0x2c: {  	s7 =	sld [smem:$0x3FB1]  }
0x2d: {  	s3 =	simm.s32 $0x108;
	s8 =	sld [smem:$0x3FB2]  }
0x2e: {  	s3 =	simm.s32 @!p0 $0x1082;
	s9 =	sld [smem:$0x3FB3]  }
0x2f: {  	lr =	sadd.s32 s0, s3;
	s0 =	sld [smem:$0x3FAA]  }
0x30: {  	s3 =	sld [smem:$0x3FAD]  }
0x31: {  	[smem:$0x3FB6] =	sst s10  }
0x32: {  	s10 =	sld [smem:$0x3FB4];
	_ =	sdelay $0x3  }
0x33: {  	p0 =	seq.s32 s10, $0x1;
	s10 =	sld [smem:$0x3FB6];
	_ =	sdelay $0x3  }
0x34: {  	[smem:$0x3FB6] =	sst s10  }
0x35: {  	s10 =	sld [smem:$0x3FB5];
	_ =	sdelay $0x3  }
0x36: {  	p1 =	seq.s32 s10, $0x1;
	s10 =	sld [smem:$0x3FB6];
	_ =	sdelay $0x3  }
0x37: {  	[smem:$0x3FB6] =	sst s10  }
0x38: {  	s10 =	sld [smem:$0x3FB7]  }
0x39: {  	_ = 	snop;
	(pc) =	sbr.ind lr, $3  }
0x3a: {  	_ = 	snop  }
0x3b: {  	_ = 	snop  }
0x3c: {  	p2 =	seq.s32 s10, $0x1;
	s10 =	sld [smem:$0x3FB6]  }
0x3d: {  	_ =	shalt  }
0x3e: {  	_ =	shalt  }
0x3f: {  	_ =	shalt  }
0x40: {  	_ =	shalt  }
0x41: {  	_ =	shalt  }
0x42: {  	_ =	shalt  }
0x43: {  	_ =	shalt  }
0x44: {  	_ =	shalt  }
0x45: {  	_ =	shalt  }
0x46: {  	_ =	shalt  }
0x47: {  	_ =	shalt  }
0x48: {  	_ =	shalt  }
0x49: {  	_ =	shalt  }
0x4a: {  	_ =	shalt  }
0x4b: {  	_ =	shalt  }
0x4c: {  	_ =	shalt  }
0x4d: {  	_ =	shalt  }
0x4e: {  	_ =	shalt  }
0x4f: {  	_ =	shalt  }
0x50: {  	_ =	shalt  }
0x51: {  	_ =	shalt  }
0x52: {  	_ =	shalt  }
0x53: {  	_ =	shalt  }
0x54: {  	_ =	shalt  }
0x55: {  	_ =	shalt  }
0x56: {  	_ =	shalt  }
0x57: {  	_ =	shalt  }
0x58: {  	_ =	shalt  }
0x59: {  	_ =	shalt  }
0x5a: {  	_ =	shalt  }
0x5b: {  	_ =	shalt  }
0x5c: {  	_ =	shalt  }
0x5d: {  	_ =	shalt  }
0x5e: {  	_ =	shalt  }
0x5f: {  	_ =	shalt  }
0x60: {  	_ =	shalt  }
0x61: {  	_ =	shalt  }
0x62: {  	_ =	shalt  }
0x63: {  	_ =	shalt  }
0x64: {  	_ =	shalt  }
0x65: {  	_ =	shalt  }
0x66: {  	_ =	shalt  }
0x67: {  	_ =	shalt  }
0x68: {  	_ =	shalt  }
0x69: {  	_ =	shalt  }
0x6a: {  	_ =	shalt  }
0x6b: {  	_ =	shalt  }
0x6c: {  	_ =	shalt  }
0x6d: {  	_ =	shalt  }
0x6e: {  	_ =	shalt  }
0x6f: {  	_ =	shalt  }
0x70: {  	_ =	shalt  }
0x71: {  	_ =	shalt  }
0x72: {  	_ =	shalt  }
0x73: {  	_ =	shalt  }
0x74: {  	_ =	shalt  }
0x75: {  	_ =	shalt  }
0x76: {  	_ =	shalt  }
0x77: {  	_ =	shalt  }
0x78: {  	_ =	shalt  }
0x79: {  	_ =	shalt  }
0x7a: {  	_ =	shalt  }
0x7b: {  	_ =	shalt  }
0x7c: {  	_ =	shalt  }
0x7d: {  	_ =	shalt  }
0x7e: {  	_ =	shalt  }
0x7f: {  	_ =	shalt  }
0x80: {  	_ =	shalt  }
0x81: {  	_ =	shalt  }
0x82: {  	_ =	shalt  }
0x83: {  	_ =	shalt  }
0x84: {  	_ =	shalt  }
0x85: {  	_ =	shalt  }
0x86: {  	_ =	shalt  }
0x87: {  	_ =	shalt  }
.Lfunc_end0:
.L_simem_size_0:
called_computation.2_lowered:
.L_overlay_start_0:
0x88: {  	s2 =	sld [smem:$0x3FD9]  }
0x89: {  	s3 =	sld [smem:$0x3FFE];
	_ =	sdelay $0x1  }
0x8a: {  	s1 =	srdreg.scid  }
0x8b: {  	s0 =	sand.u32 $0x1, s1  }
0x8c: {  	s16 =	sshll.u32 s0, $0xA;
	s2 =	sadd.s32 s3, s2  }
0x8d: {  	s2 =	sadd.s32 s2, s16  }
0x8e: {  	[smem:$0x3FC2] =	sst s2  }
0x8f: {  	_ = 	snop  }
0x90: {  	(tm) =	ssettm $0x1  }
0x91: {  	s17 =	sld [smem:$0x3FFB];
	_ =	sdelay $0x3  }
0x92: {  	_ =	strace s17  }
0x93: {  	s2 =	sld [smem:$0x3FFC];
	_ =	sdelay $0x3  }
0x94: {  	_ =	strace s2  }
0x95: {  	s2 =	sld [smem:$0x3FFD];
	_ =	sdelay $0x3  }
0x96: {  	_ =	strace s2  }
0x97: {  	_ =	strace $0x8FFFFFFF  }
0x98: {  	s18 =	sld [smem:$0x3FDB];
	_ =	sdelay $0x1  }
0x99: {  	s19 =	simm.s32 $_scs_section_size  }
0x9a: {  	s4 =	simm.s32 $_size__tile_overlayer_lowered;
	s5 =	simm.s32 $_tile_overlayer_lowered  }
0x9b: {  	s22 =	simm.s32 $0x1BFF;
	s21 =	sshll.u32 s5, $0x1;
	s2 =	sadd.s32 s19, s18  }
0x9c: {  	s6 =	simm.s32 $0x0;
	s20 =	sshll.u32 s4, $0x1;
	s4 =	sadd.s32 s21, s2  }
0x9d: {  	[timem:s6], [sflag:s22] =	dma.local [hbm:s4], s20  }
0x9e: {  	_ =	swait.ge [sflag:s22], s20  }
0x9f: {  	s3 =	ssub.s32 $0x0, s20;
	[sflag:s22] =	ssyncset.done $0x0  }
0xa0: {  	[sflag:s22] =	ssyncadd.s32 s3;
	_ =	sdelay $0x1  }
0xa1: {  	s23 =	simm.s32 $0x1B8B  }
0xa2: {  	_ =	swait.ge [sflag:s23], $0x1  }
0xa3: {  	[sflag:s23] =	ssyncset.done $0x0  }
0xa4: {  	s25 =	simm.s32 $0x1B8E;
	s24 =	sld [smem:$0x3FFE];
	[sflag:s23] =	ssyncadd.s32 $0xFFFFFFFF  }
0xa5: {  	s26 =	simm.s32 $execute0_lowered;
	[smem:$0x3FD2] =	sst s25  }
0xa6: {  	s4 =	sshll.u32 s26, $0x1;
	_ =	strace $0x8000004C;
	[dreg:$0x1] =	wrdreg $0xFFFFFFFF  }
0xa7: {  	s28 =	simm.s32 $_size_execute0_lowered;
	s2 =	sadd.s32 s2, s4;
	[dreg:$0x0] =	wrdreg $0x0  }
0xa8: {  	s4 =	sshll.u32 s28, $0x1;
	[dreg:$0x2] =	wrdreg s2  }
0xa9: {  	[dreg:$0x3] =	wrdreg s4  }
0xaa: {  	[dreg:$0x4] =	wrdreg $0xC0  }
0xab: {  	_ =	task [dreg:s6], $0x5FFFF  }
0xac: {  	[dreg:$0x1] =	wrdreg $0xFFFFFFFF  }
0xad: {  	[dreg:$0x0] =	wrdreg $0x60  }
0xae: {  	[dreg:$0x2] =	wrdreg s24  }
0xaf: {  	[dreg:$0x3] =	wrdreg $0x9  }
0xb0: {  	_ =	task.clear_ibuf [dreg:s6], $0x4FFFF;
	_ =	strace $0x9000004C  }
0xb1: {  	s29 =	simm.s32 $0x9;
	_ =	strace $0x8000004E  }
0xb2: {  	_ =	swait.ge [sflag:s29], $0x1  }
0xb3: {  	[sflag:s29] =	ssyncadd.s32 $0xFFFFFFFF  }
0xb4: {  	_ =	strace $0x9000004E  }
0xb5: {  	_ =	sfence  }
0xb6: {  	s30 =	sld [smem:$0x0];
	_ =	sdelay $0x2  }
0xb7: {  	s31 =	sshll.u32 s1, $0xD;
	s1 =	sshrl.u32 s1, $0x2  }
0xb8: {  	s3 =	sand.u32 $0x4000, s31;
	s1 =	sadd.s32 s1, s30  }
0xb9: {  	s0 =	sor.u32 s3, s0;
	s1 =	sshll.u32 s1, $0x11  }
0xba: {  	s0 =	sor.u32 s1, s0  }
0xbb: {  	s0 =	sadd.s32 $0x8F2B, s0  }
0xbc: {  	[sflag:s0] =	ssyncadd.remote.s32 $0x1  }
0xbd: {  	_ =	sfence.sel $0xFFFF  }
0xbe: {  	[dreg:$0x0] =	wrdreg $0xFFFFFFFF;
	(pc) =	sbr.abs _section_cstart, $3  }
0xbf: {  	[dreg:$0x1] =	wrdreg $0xFFFFFFFF  }
0xc0: {  	_ =	task.clear_ibuf [dreg:s6], $0x2FFFF;
	_ =	strace $0x9FFFFFFF  }
0xc1: {  	(tm) =	ssettm $0x7FFFFFFF  }
tec
execute0_lowered:
.L_overlay_start_1:
0x0: {  	(tag) =	ssettag $0x1  }
0x1: {  	s0 =	srdreg.scid;
	s5 =	rddreg [dreg:$0x0]  }
0x2: {  	s1 =	stileid.u32;
	s6 =	simm.s32 $0x1;
	s9 =	simm.s32 $0x1  }
0x3: {  	s10 =	simm.s32 $0x3;
	s13 =	simm.s32 $0x0;
	s2 =	sshll.u32 s0, $0x6  }
0x4: {  	s12 =	simm.s32 $0x0;
	s3 =	sshll.u32 s1, $0x7;
	s2 =	sand.u32 $0x40, s2  }
0x5: {  	s0 =	rddreg [dreg:$0x1];
	_ =	strace $0x8000004D;
	s2 =	sor.u32 s3, s2  }
0x6: {  	s4 =	sadd.s32 $0x200, s5;
	[sflag:s6] =	ssyncpa.u1 $0x0;
	s8 =	ssub.s32 $0x1000, s2  }
.Ltmp0:
0x7: {  	s3 =	sadd.s32 $0xA00, s5;
	s7 =	sand.u32 $0x7C0, s8;
	(pc) =	sbr.rel .LBB2_1-.Ltmp0, $4  }
0x8: {  	s5 =	sadd.s32 $0x600, s5;
	s11 =	smov.u32 s2;
	p0 =	sne.s32 s7, $0x0  }
0x9: {  	s8 =	sshrl.u32 s8, $0xB;
	s7 =	simm.s32 $0x2;
	s9 =	simm.s32 @!p0 $0x0  }
0xa: {  	[sflag:s7] =	ssyncpa.u1 $0x0;
	p0 =	por $0x0, $0x0;
	s8 =	sadd.s32 s9, s8  }
0xb: {  	vm0 =	vmmov $0xffff;
	[sflag:s10] =	ssyncpa.u1 $0x0;
	s10 =	simm.s32 $0x0;
	s9 =	sadd.s32 $0x1, s8  }
.LBB2_4:
0xc: {  	v2 =	vnsel vm1, $0x0, v2  }
0xd: {  	vm1 =	vgt.s32 v0, $0x0;
	v2 =	vmin.u32 v2, $0xFFF  }
0xe: {  	v0 =	vnsel vm1, $0x0, v0  }
0xf: {  	v0 =	vmin.u32 v0, $0xFFF  }
0x10: {  	[tilespmem:s15], [sflag:$0x1] =	stream.indirect_vreg.gather [hbm4b:s3+s10], $0x1, v1, vm0, $0x4038;
	[tilespmem:$0x100] =	vst v63  }
0x11: {  	(ifvalue) =	ssetifvalue $0x7FFFFFFF  }
0x12: {  	[tilespmem:s16], [sflag:$0x1] =	stream.indirect_vreg.gather [hbm4b:s3+s10], $0x1, v2, vm0, $0x4038;
	[tilespmem:$0x100] =	vst v63  }
0x13: {  	s29 =	sadd.s32 $0x10, s16;
	(ifvalue) =	ssetifvalue $0x7FFFFFFF  }
0x14: {  	[tilespmem:s29], [sflag:$0x1] =	stream.indirect_vreg.gather [hbm4b:s3+s10], $0x1, v0, vm0, $0x4038;
	[tilespmem:$0x100] =	vst v63  }
0x15: {  	_ =	swait.ge [sflag:s6], $0x40  }
0x16: {  	s30 =	sshrl.u32 s13, $0x3;
	[sflag:s6] =	ssyncset.done $0x0  }
0x17: {  	s31 =	sand.u32 $0x7, s13;
	s15 =	sadd.s32 s5, s30;
	[sflag:s6] =	ssyncadd.s32 $0xFFFFFFC0  }
0x18: {  	[hbm4b:s15+s31] =	stream.linear.scatter [tilespmem:s14], [sflag:$0x3], $0x40, $0x38;
	[tilespmem:$0x100] =	vst v63  }
.LBB2_5:
0x19: {  	s15 =	sadd.s32 $0x800, s11  }
0x1a: {  	p2 =	sgt.s32 s15, $0xFFF  }
0x1b: {  	s15 =	smov.u32 @p2 s2;
	p2 =	sne.s32 s12, s9  }
.Ltmp1:
0x1c: {  	p1 =	slt.u32 s12, $0x2;
	(pc) =	sbr.rel @!p2 .LBB2_6-.Ltmp1, $4  }
0x1d: {  	s14 =	simm.s32 @!p1 $0x3  }
0x1e: {  	s16 =	sadd.s32 $0x1, s12;
	_ =	swait.ge @!p1 [sflag:s14], $0x40  }
0x1f: {  	s13 =	smov.u32 s11;
	p0 =	por !p0, !p0;
	[sflag:s14] =	ssyncset.done @!p1 $0x0  }
0x20: {  	s12 =	smov.u32 s16;
	s11 =	smov.u32 s15;
	[sflag:s14] =	ssyncadd.s32 @!p1 $0xFFFFFFC0  }
.LBB2_1:
0x21: {  	p1 =	sge.u32 s12, s8  }
0x22: {  	s14 =	sxor.u32 @!p1 $0xFFFFFFFF, s12  }
0x23: {  	s31 =	sadd.s32 $0xFFFFFFFF, s12;
	s15 =	sshrl.u32 @!p1 s11, $0x3;
	s14 =	sshll.u32 @!p1 s14, $0x6  }
0x24: {  	s16 =	sand.u32 @!p1 $0x7, s11;
	s15 =	sadd.s32 @!p1 s4, s15;
	s14 =	sand.u32 @!p1 $0x40, s14  }
0x25: {  	[tilespmem:s14], [sflag:$0x2] =	stream.linear.gather @!p1 [hbm4b:s15+s16], $0x40, $0x38;
	[tilespmem:$0x100] =	vst v63  }
0x26: {  	p1 =	sge.u32 s31, s8  }
.Ltmp2:
0x27: {  	_ = 	snop;
	(pc) =	sbr.rel @p1 .LBB2_5-.Ltmp2, $1  }
0x28: {  	_ =	sdelay $0x3  }
0x29: {  	s14 =	simm.s32 $0x1  }
0x2a: {  	_ =	swait.ge [sflag:s7], $0x40;
	s14 =	simm.s32 @!p0 $0x0  }
0x2b: {  	[sflag:s7] =	ssyncset.done $0x0;
	s14 =	sshll.u32 s14, $0x6  }
0x2c: {  	[sflag:s7] =	ssyncadd.s32 $0xFFFFFFC0;
	(ifvalue) =	ssetifvalue $0x7FFFFFFF;
	v0 =	vld.msk [tilespmem:s14+$0x0 ss:$0x1], $0xffff;
	_ =	sdelay $0x4  }
0x2d: {  	s15 =	sadd.s32 $0x10, s14;
	vm1 =	vgt.s32 v0, $0x0  }
0x2e: {  	v2 =	vld.msk [tilespmem:s15+$0x0 ss:$0x1], $0xffff;
	v1 =	vnsel vm1, $0x0, v0  }
0x2f: {  	v1 =	vmin.u32 v1, $0xFFF;
	_ =	sdelay $0x1  }
0x30: {  	s16 =	sshll.u32 s12, $0x6;
	s18 =	simm.s32 $0x20  }
0x31: {  	s16 =	sand.u32 $0x40, s16;
	s17 =	sadd.s32 $0x10, s15;
	s15 =	sor.u32 $0x80, s14  }
0x32: {  	s14 =	sor.u32 $0x80, s16;
	s16 =	sadd.s32 $0x10, s15;
	v0 =	vld.msk [tilespmem:s17+$0x0 ss:$0x1], $0xffff;
	vm1 =	vgt.s32 v2, $0x0;
	(ifvalue) =	ssetifvalue $0x7FFFFFFF  }
.LBB2_3:
0x33: {  	[tilespmem:s15], [sflag:$0x1] =	stream.indirect_vreg.gather [hbm4b:s3+s10], $0x1, v1, vm0, $0x4038;
	[tilespmem:$0x100] =	vst v63  }
0x34: {  	s18 =	sadd.s32 $0x10, s18  }
0x35: {  	v2 =	vnsel vm1, $0x0, v2;
	p1 =	slt.u32 s18, $0x30  }
.Ltmp3:
0x36: {  	s15 =	smov.u32 s16;
	v1 =	vmin.u32 v2, $0xFFF;
	(pc) =	sbr.rel @p1 .LBB2_3-.Ltmp3, $3  }
0x37: {  	_ =	sdelay $0x1  }
0x38: {  	s17 =	sadd.s32 $0x10, s17  }
0x39: {  	vm1 =	vgt.s32 v0, $0x0;
	s16 =	sadd.s32 $0x10, s16;
	v2 =	vmov v0;
	(ifvalue) =	ssetifvalue $0x7FFFFFFF;
	v0 =	vld.msk [tilespmem:s17+$0x0 ss:$0x1], $0xffff  }
.Ltmp4:
0x3a: {  	_ = 	snop;
	(pc) =	sbr.rel .LBB2_4-.Ltmp4, $1  }
0x3b: {  	_ =	sdelay $0x3  }
.LBB2_6:
0x3c: {  	_ =	sfence.sel $0x180000  }
0x3d: {  	s2 =	simm.s32 $0x2;
	[bflag:$0x0] =	sbarrier.arrive $0xFFFF  }
0x3e: {  	s30 =	simm.s32 $0x3;
	[sflag:s2] =	ssyncpa.u1 $0x1  }
0x3f: {  	s31 =	simm.s32 $0x1;
	[sflag:s30] =	ssyncpa.u1 $0x1  }
0x40: {  	[sflag:s31] =	ssyncpa.u1 $0x1  }
0x41: {  	p0 =	sne.s32 s1, $0x0;
	_ =	strace $0x9000004D  }
0x42: {  	s0 =	sadd.s32 @!p0 $0x100000, s0;
	[bflag:$0x2] =	sbarrier.arrive $0xFFFF  }
0x43: {  	[sflag:s0] =	ssyncadd.tile.s32 @!p0 $0x1;
	_ =	shalt  }
.Lfunc_end2:
_tile_overlayer_lowered:
.L_overlay_start_2:
0x44: {  	(tag) =	ssettag $0x2  }
0x45: {  	s0 =	rddreg [dreg:$0x0];
	s2 =	stileid.u32  }
0x46: {  	s1 =	rddreg [dreg:$0x1];
	p0 =	sne.s32 s2, $0x0  }
0x47: {  	s3 =	rddreg [dreg:$0x2];
	[bflag:$0x3] =	sbarrier.arrive $0xFFFF;
	s2 =	simm.s32 @!p0 $0x1C01  }
0x48: {  	[timem:s3], [sflag:s2] =	dma.local @!p0 [hbm:s0], s1  }
0x49: {  	s0 =	simm.s32 @!p0 $0x1  }
0x4a: {  	_ =	swait.ge @!p0 [sflag:s0], s1  }
0x4b: {  	s1 =	ssub.s32 @!p0 $0x0, s1;
	[sflag:s0] =	ssyncset.done @!p0 $0x0  }
0x4c: {  	[sflag:s0] =	ssyncadd.s32 @!p0 s1  }
0x4d: {  	[bflag:$0x3] =	sbarrier.arrive $0xFFFF  }
0x4e: {  	_ =	shalt  }

// kernel: gather_offload_async_start
scs
__scs_entry_jumppad:
0x0: {  	(pc) =	sbr.rel $0x88, $3  }
0x1: {  	(tag) =	ssettag $0x0;
	lr =	simm.s32 $0x1  }
0x2: {  	[smem:$0x3F9B] =	sst lr;
	_ =	strace $0xD0000000  }
0x3: {  	_ = 	snop  }
0x4: {  	_ = 	snop  }
0x5: {  	_ = 	snop  }
0x6: {  	_ = 	snop  }
0x7: {  	_ = 	snop  }
__scs_overlays_trampoline_lowered:
0x8: {  	[smem:$0x3FAA] =	sst s0  }
0x9: {  	[smem:$0x3FAB] =	sst s1  }
0xa: {  	[smem:$0x3FAC] =	sst s2  }
0xb: {  	[smem:$0x3FAD] =	sst s3  }
0xc: {  	[smem:$0x3FAE] =	sst s4  }
0xd: {  	[smem:$0x3FAF] =	sst s5  }
0xe: {  	[smem:$0x3FB0] =	sst s6  }
0xf: {  	[smem:$0x3FB1] =	sst s7  }
0x10: {  	[smem:$0x3FB2] =	sst s8  }
0x11: {  	[smem:$0x3FB3] =	sst s9;
	s0 =	simm.s32 @!p0 $0x0  }
0x12: {  	s1 =	sld [smem:$0x3F99];
	s0 =	simm.s32 @p0 $0x1  }
0x13: {  	[smem:$0x3FB4] =	sst s0;
	s0 =	simm.s32 @!p1 $0x0  }
0x14: {  	s2 =	sld [smem:$0x3F98];
	s0 =	simm.s32 @p1 $0x1  }
0x15: {  	[smem:$0x3FB5] =	sst s0;
	s0 =	simm.s32 @!p2 $0x0  }
0x16: {  	s3 =	sld [smem:$0x3FDB];
	s0 =	simm.s32 @p2 $0x1  }
0x17: {  	s4 =	simm.s32 $0x1BF5;
	[smem:$0x3FB7] =	sst s0  }
0x18: {  	s0 =	sld [smem:$0x3F9A];
	_ =	swait.ge [sflag:s4], $0x0  }
0x19: {  	s7 =	sld [smem:$0x3F9B]  }
0x1a: {  	s8 =	sadd.s32 $0xFFFFE003, lr  }
0x1b: {  	s9 =	sadd.s32 $0xFFFFFEF7, lr;
	s5 =	simm.s32 $0xFFFFFFFF;
	p2 =	slt.u32 s8, $0xFFFFF086  }
0x1c: {  	p1 =	slt.u32 s9, $0xF7A;
	s5 =	simm.s32 @!p2 $0x0  }
0x1d: {  	s5 =	simm.s32 @p1 $0x1;
	p0 =	seq.s32 s7, s2  }
0x1e: {  	s7 =	smul.u32 @!p0 $0xF7A, s2;
	p2 =	seq.s32 @!p0 s5, $0x0  }
0x1f: {  	s9 =	smul.u32 $0xF7A, s1;
	s8 =	simm.s32 @!p0 $0x1BF5;
	p2 =	por !p2, p0  }
0x20: {  	[sflag:s8] =	ssyncset.s32 @!p0 $0xFFFFF086;
	s6 =	sadd.s32 @!p0 s3, s7;
	s7 =	simm.s32 @!p0 $0x108  }
0x21: {  	s3 =	sadd.s32 s3, s9;
	s6 =	sadd.s32 @!p0 $0x88, s6;
	s7 =	simm.s32 @p2 $0x1082  }
0x22: {  	[simem:s7], [sflag:s8] =	dma.local @!p0 [hbm:s6], $0xF7A  }
0x23: {  	s9 =	sor.u32 $0xD0000000, s2;
	s6 =	simm.s32 $0x108;
	_ =	swait.ge @!p0 [sflag:s8], $0x0  }
0x24: {  	s3 =	sadd.s32 $0x88, s3;
	s6 =	simm.s32 @!p1 $0x1082;
	[sflag:s4] =	ssyncset.s32 $0xFFFFF086  }
0x25: {  	[simem:s6], [sflag:s4] =	dma.local [hbm:s3], $0xF7A  }
0x26: {  	[smem:$0x3F9B] =	sst s1;
	(tag) =	ssettag s2;
	_ =	strace s9  }
0x27: {  	s1 =	sld [smem:$0x3FAB]  }
0x28: {  	s2 =	sld [smem:$0x3FAC]  }
0x29: {  	s4 =	sld [smem:$0x3FAE]  }
0x2a: {  	p0 =	seq.s32 s5, $0x0;
	s5 =	sld [smem:$0x3FAF]  }
0x2b: {  	s6 =	sld [smem:$0x3FB0]  }
0x2c: {  	s7 =	sld [smem:$0x3FB1]  }
0x2d: {  	s3 =	simm.s32 $0x108;
	s8 =	sld [smem:$0x3FB2]  }
0x2e: {  	s3 =	simm.s32 @!p0 $0x1082;
	s9 =	sld [smem:$0x3FB3]  }
0x2f: {  	lr =	sadd.s32 s0, s3;
	s0 =	sld [smem:$0x3FAA]  }
0x30: {  	s3 =	sld [smem:$0x3FAD]  }
0x31: {  	[smem:$0x3FB6] =	sst s10  }
0x32: {  	s10 =	sld [smem:$0x3FB4];
	_ =	sdelay $0x3  }
0x33: {  	p0 =	seq.s32 s10, $0x1;
	s10 =	sld [smem:$0x3FB6];
	_ =	sdelay $0x3  }
0x34: {  	[smem:$0x3FB6] =	sst s10  }
0x35: {  	s10 =	sld [smem:$0x3FB5];
	_ =	sdelay $0x3  }
0x36: {  	p1 =	seq.s32 s10, $0x1;
	s10 =	sld [smem:$0x3FB6];
	_ =	sdelay $0x3  }
0x37: {  	[smem:$0x3FB6] =	sst s10  }
0x38: {  	s10 =	sld [smem:$0x3FB7]  }
0x39: {  	_ = 	snop;
	(pc) =	sbr.ind lr, $3  }
0x3a: {  	_ = 	snop  }
0x3b: {  	_ = 	snop  }
0x3c: {  	p2 =	seq.s32 s10, $0x1;
	s10 =	sld [smem:$0x3FB6]  }
0x3d: {  	_ =	shalt  }
0x3e: {  	_ =	shalt  }
0x3f: {  	_ =	shalt  }
0x40: {  	_ =	shalt  }
0x41: {  	_ =	shalt  }
0x42: {  	_ =	shalt  }
0x43: {  	_ =	shalt  }
0x44: {  	_ =	shalt  }
0x45: {  	_ =	shalt  }
0x46: {  	_ =	shalt  }
0x47: {  	_ =	shalt  }
0x48: {  	_ =	shalt  }
0x49: {  	_ =	shalt  }
0x4a: {  	_ =	shalt  }
0x4b: {  	_ =	shalt  }
0x4c: {  	_ =	shalt  }
0x4d: {  	_ =	shalt  }
0x4e: {  	_ =	shalt  }
0x4f: {  	_ =	shalt  }
0x50: {  	_ =	shalt  }
0x51: {  	_ =	shalt  }
0x52: {  	_ =	shalt  }
0x53: {  	_ =	shalt  }
0x54: {  	_ =	shalt  }
0x55: {  	_ =	shalt  }
0x56: {  	_ =	shalt  }
0x57: {  	_ =	shalt  }
0x58: {  	_ =	shalt  }
0x59: {  	_ =	shalt  }
0x5a: {  	_ =	shalt  }
0x5b: {  	_ =	shalt  }
0x5c: {  	_ =	shalt  }
0x5d: {  	_ =	shalt  }
0x5e: {  	_ =	shalt  }
0x5f: {  	_ =	shalt  }
0x60: {  	_ =	shalt  }
0x61: {  	_ =	shalt  }
0x62: {  	_ =	shalt  }
0x63: {  	_ =	shalt  }
0x64: {  	_ =	shalt  }
0x65: {  	_ =	shalt  }
0x66: {  	_ =	shalt  }
0x67: {  	_ =	shalt  }
0x68: {  	_ =	shalt  }
0x69: {  	_ =	shalt  }
0x6a: {  	_ =	shalt  }
0x6b: {  	_ =	shalt  }
0x6c: {  	_ =	shalt  }
0x6d: {  	_ =	shalt  }
0x6e: {  	_ =	shalt  }
0x6f: {  	_ =	shalt  }
0x70: {  	_ =	shalt  }
0x71: {  	_ =	shalt  }
0x72: {  	_ =	shalt  }
0x73: {  	_ =	shalt  }
0x74: {  	_ =	shalt  }
0x75: {  	_ =	shalt  }
0x76: {  	_ =	shalt  }
0x77: {  	_ =	shalt  }
0x78: {  	_ =	shalt  }
0x79: {  	_ =	shalt  }
0x7a: {  	_ =	shalt  }
0x7b: {  	_ =	shalt  }
0x7c: {  	_ =	shalt  }
0x7d: {  	_ =	shalt  }
0x7e: {  	_ =	shalt  }
0x7f: {  	_ =	shalt  }
0x80: {  	_ =	shalt  }
0x81: {  	_ =	shalt  }
0x82: {  	_ =	shalt  }
0x83: {  	_ =	shalt  }
0x84: {  	_ =	shalt  }
0x85: {  	_ =	shalt  }
0x86: {  	_ =	shalt  }
0x87: {  	_ =	shalt  }
.Lfunc_end0:
.L_simem_size_0:
called_computation.1_lowered:
.L_overlay_start_0:
0x88: {  	s2 =	sld [smem:$0x3FD9]  }
0x89: {  	s3 =	sld [smem:$0x3FFE];
	_ =	sdelay $0x1  }
0x8a: {  	s1 =	srdreg.scid  }
0x8b: {  	s0 =	sand.u32 $0x1, s1  }
0x8c: {  	s14 =	sshll.u32 s0, $0xA;
	s2 =	sadd.s32 s3, s2  }
0x8d: {  	s2 =	sadd.s32 s2, s14  }
0x8e: {  	[smem:$0x3FC2] =	sst s2  }
0x8f: {  	_ = 	snop  }
0x90: {  	s2 =	sld [smem:$0x3FD0];
	_ =	sdelay $0x2  }
0x91: {  	s15 =	simm.s32 $0xC;
	s4 =	simm.s32 $0x10  }
0x92: {  	[smem:s4], [sflag:s15] =	dma.local [hbm:s2], $0x1  }
0x93: {  	_ =	swait.eq [sflag:s15], $0x1  }
0x94: {  	[sflag:s15] =	ssyncset.done $0x0  }
0x95: {  	[sflag:s15] =	ssyncadd.s32 $0xFFFFFFFF  }
0x96: {  	s16 =	sld [smem:$0x10];
	(tm) =	ssettm $0x1  }
0x97: {  	s17 =	sld [smem:$0x3FFB];
	_ =	sdelay $0x3  }
0x98: {  	_ =	strace s17  }
0x99: {  	s3 =	sld [smem:$0x3FFC];
	_ =	sdelay $0x3  }
0x9a: {  	_ =	strace s3  }
0x9b: {  	s3 =	sld [smem:$0x3FFD];
	_ =	sdelay $0x3  }
0x9c: {  	_ =	strace s3  }
0x9d: {  	_ =	strace $0x8FFFFFFF  }
0x9e: {  	s18 =	sld [smem:$0x3FDB];
	_ =	sdelay $0x1  }
0x9f: {  	s19 =	simm.s32 $_scs_section_size  }
0xa0: {  	s5 =	simm.s32 $_size__tile_overlayer_lowered;
	s6 =	simm.s32 $_tile_overlayer_lowered  }
0xa1: {  	s22 =	simm.s32 $0x1BFF;
	s21 =	sshll.u32 s6, $0x1;
	s3 =	sadd.s32 s19, s18  }
0xa2: {  	s7 =	simm.s32 $0x0;
	s20 =	sshll.u32 s5, $0x1;
	s5 =	sadd.s32 s21, s3  }
0xa3: {  	[timem:s7], [sflag:s22] =	dma.local [hbm:s5], s20  }
0xa4: {  	_ =	swait.ge [sflag:s22], s20  }
0xa5: {  	s4 =	ssub.s32 $0x0, s20;
	[sflag:s22] =	ssyncset.done $0x0  }
0xa6: {  	[sflag:s22] =	ssyncadd.s32 s4;
	_ =	sdelay $0x1  }
0xa7: {  	s23 =	simm.s32 $0x1B8B  }
0xa8: {  	_ =	swait.ge [sflag:s23], $0x1  }
0xa9: {  	[sflag:s23] =	ssyncset.done $0x0  }
0xaa: {  	s25 =	simm.s32 $0x1B8E;
	s24 =	sld [smem:$0x3FFE];
	[sflag:s23] =	ssyncadd.s32 $0xFFFFFFFF  }
0xab: {  	s26 =	simm.s32 $execute0_lowered;
	[smem:$0x3FD2] =	sst s25  }
0xac: {  	s5 =	sshll.u32 s26, $0x1;
	_ =	strace $0x80000049;
	[dreg:$0x1] =	wrdreg $0xFFFFFFFF  }
0xad: {  	s28 =	simm.s32 $_size_execute0_lowered;
	s3 =	sadd.s32 s3, s5;
	[dreg:$0x0] =	wrdreg $0x0  }
0xae: {  	s5 =	sshll.u32 s28, $0x1;
	[dreg:$0x2] =	wrdreg s3  }
0xaf: {  	[dreg:$0x3] =	wrdreg s5  }
0xb0: {  	[dreg:$0x4] =	wrdreg $0xC0  }
0xb1: {  	_ =	task [dreg:s7], $0x5FFFF  }
0xb2: {  	[dreg:$0x1] =	wrdreg $0xFFFFFFFF  }
0xb3: {  	[dreg:$0x0] =	wrdreg $0x60  }
0xb4: {  	[dreg:$0x2] =	wrdreg s24  }
0xb5: {  	[dreg:$0x3] =	wrdreg s16  }
0xb6: {  	[dreg:$0x4] =	wrdreg $0x9  }
0xb7: {  	_ =	task.clear_ibuf [dreg:s7], $0x5FFFF;
	_ =	strace $0x90000049  }
0xb8: {  	s29 =	simm.s32 $0x9;
	_ =	strace $0x8000004B  }
0xb9: {  	_ =	swait.ge [sflag:s29], $0x1  }
0xba: {  	[sflag:s29] =	ssyncadd.s32 $0xFFFFFFFF  }
0xbb: {  	_ =	strace $0x9000004B  }
0xbc: {  	_ =	sfence  }
0xbd: {  	s30 =	sld [smem:$0x0];
	_ =	sdelay $0x2  }
0xbe: {  	s31 =	sshll.u32 s1, $0xD;
	s1 =	sshrl.u32 s1, $0x2  }
0xbf: {  	s3 =	sand.u32 $0x4000, s31;
	s1 =	sadd.s32 s1, s30  }
0xc0: {  	s0 =	sor.u32 s3, s0;
	s1 =	sshll.u32 s1, $0x11  }
0xc1: {  	s0 =	sor.u32 s1, s0  }
0xc2: {  	s0 =	sadd.s32 $0x8F2B, s0  }
0xc3: {  	[sflag:s0] =	ssyncadd.remote.s32 $0x1  }
0xc4: {  	_ =	sfence.sel $0xFFFF  }
0xc5: {  	[dreg:$0x0] =	wrdreg $0xFFFFFFFF;
	(pc) =	sbr.abs _section_cstart, $3  }
0xc6: {  	[dreg:$0x1] =	wrdreg $0xFFFFFFFF  }
0xc7: {  	_ =	task.clear_ibuf [dreg:s7], $0x2FFFF;
	_ =	strace $0x9FFFFFFF  }
0xc8: {  	(tm) =	ssettm $0x7FFFFFFF  }
0xc9: {  	_ =	shalt  }
tec
execute0_lowered:
.L_overlay_start_1:
0x0: {  	(tag) =	ssettag $0x1  }
0x1: {  	s1 =	srdreg.scid;
	s2 =	rddreg [dreg:$0x0]  }
0x2: {  	s0 =	stileid.u32;
	s3 =	rddreg [dreg:$0x1]  }
0x3: {  	s6 =	simm.s32 $0x1;
	s9 =	simm.s32 $0x1;
	s1 =	sshll.u32 s1, $0x6  }
0x4: {  	s10 =	simm.s32 $0x3;
	s4 =	sshll.u32 s0, $0x7;
	s5 =	sand.u32 $0x40, s1  }
0x5: {  	s13 =	simm.s32 $0x0;
	s12 =	simm.s32 $0x0;
	s4 =	sor.u32 s4, s5  }
0x6: {  	s1 =	rddreg [dreg:$0x2];
	_ =	strace $0x8000004A;
	s8 =	ssub.s32 $0x1000, s4  }
.Ltmp0:
0x7: {  	s5 =	sadd.s32 $0x200, s2;
	s7 =	sand.u32 $0x7C0, s8;
	(pc) =	sbr.rel .LBB2_1-.Ltmp0, $4  }
0x8: {  	[sflag:s6] =	ssyncpa.u1 $0x0;
	s11 =	smov.u32 s4;
	p0 =	sne.s32 s7, $0x0  }
0x9: {  	s8 =	sshrl.u32 s8, $0xB;
	s7 =	simm.s32 $0x2;
	s9 =	simm.s32 @!p0 $0x0  }
0xa: {  	[sflag:s7] =	ssyncpa.u1 $0x0;
	p0 =	por $0x0, $0x0;
	s8 =	sadd.s32 s9, s8  }
0xb: {  	vm0 =	vmmov $0xffff;
	[sflag:s10] =	ssyncpa.u1 $0x0;
	s10 =	simm.s32 $0x0;
	s9 =	sadd.s32 $0x1, s8  }
.LBB2_4:
0xc: {  	v2 =	vnsel vm1, $0x0, v2  }
0xd: {  	vm1 =	vgt.s32 v0, $0x0;
	v2 =	vmin.u32 v2, $0xFFF  }
0xe: {  	v0 =	vnsel vm1, $0x0, v0  }
0xf: {  	v0 =	vmin.u32 v0, $0xFFF  }
0x10: {  	[tilespmem:s15], [sflag:$0x1] =	stream.indirect_vreg.gather [hbm4b:s2+s10], $0x1, v1, vm0, $0x4038;
	[tilespmem:$0x100] =	vst v63  }
0x11: {  	(ifvalue) =	ssetifvalue $0x7FFFFFFF  }
0x12: {  	[tilespmem:s16], [sflag:$0x1] =	stream.indirect_vreg.gather [hbm4b:s2+s10], $0x1, v2, vm0, $0x4038;
	[tilespmem:$0x100] =	vst v63  }
0x13: {  	s29 =	sadd.s32 $0x10, s16;
	(ifvalue) =	ssetifvalue $0x7FFFFFFF  }
0x14: {  	[tilespmem:s29], [sflag:$0x1] =	stream.indirect_vreg.gather [hbm4b:s2+s10], $0x1, v0, vm0, $0x4038;
	[tilespmem:$0x100] =	vst v63  }
0x15: {  	_ =	swait.ge [sflag:s6], $0x40  }
0x16: {  	s30 =	sshrl.u32 s13, $0x3;
	[sflag:s6] =	ssyncset.done $0x0  }
0x17: {  	s31 =	sand.u32 $0x7, s13;
	s15 =	sadd.s32 s3, s30;
	[sflag:s6] =	ssyncadd.s32 $0xFFFFFFC0  }
0x18: {  	[hbm4b:s15+s31] =	stream.linear.scatter [tilespmem:s14], [sflag:$0x3], $0x40, $0x38;
	[tilespmem:$0x100] =	vst v63  }
.LBB2_5:
0x19: {  	s15 =	sadd.s32 $0x800, s11  }
0x1a: {  	p2 =	sgt.s32 s15, $0xFFF  }
0x1b: {  	s15 =	smov.u32 @p2 s4;
	p2 =	sne.s32 s12, s9  }
.Ltmp1:
0x1c: {  	p1 =	slt.u32 s12, $0x2;
	(pc) =	sbr.rel @!p2 .LBB2_6-.Ltmp1, $4  }
0x1d: {  	s14 =	simm.s32 @!p1 $0x3  }
0x1e: {  	s16 =	sadd.s32 $0x1, s12;
	_ =	swait.ge @!p1 [sflag:s14], $0x40  }
0x1f: {  	s13 =	smov.u32 s11;
	p0 =	por !p0, !p0;
	[sflag:s14] =	ssyncset.done @!p1 $0x0  }
0x20: {  	s12 =	smov.u32 s16;
	s11 =	smov.u32 s15;
	[sflag:s14] =	ssyncadd.s32 @!p1 $0xFFFFFFC0  }
.LBB2_1:
0x21: {  	p1 =	sge.u32 s12, s8  }
0x22: {  	s14 =	sxor.u32 @!p1 $0xFFFFFFFF, s12  }
0x23: {  	s31 =	sadd.s32 $0xFFFFFFFF, s12;
	s15 =	sshrl.u32 @!p1 s11, $0x3;
	s14 =	sshll.u32 @!p1 s14, $0x6  }
0x24: {  	s16 =	sand.u32 @!p1 $0x7, s11;
	s15 =	sadd.s32 @!p1 s5, s15;
	s14 =	sand.u32 @!p1 $0x40, s14  }
0x25: {  	[tilespmem:s14], [sflag:$0x2] =	stream.linear.gather @!p1 [hbm4b:s15+s16], $0x40, $0x38;
	[tilespmem:$0x100] =	vst v63  }
0x26: {  	p1 =	sge.u32 s31, s8  }
.Ltmp2:
0x27: {  	_ = 	snop;
	(pc) =	sbr.rel @p1 .LBB2_5-.Ltmp2, $1  }
0x28: {  	_ =	sdelay $0x3  }
0x29: {  	s14 =	simm.s32 $0x1  }
0x2a: {  	_ =	swait.ge [sflag:s7], $0x40;
	s14 =	simm.s32 @!p0 $0x0  }
0x2b: {  	[sflag:s7] =	ssyncset.done $0x0;
	s14 =	sshll.u32 s14, $0x6  }
0x2c: {  	[sflag:s7] =	ssyncadd.s32 $0xFFFFFFC0;
	(ifvalue) =	ssetifvalue $0x7FFFFFFF;
	v0 =	vld.msk [tilespmem:s14+$0x0 ss:$0x1], $0xffff;
	_ =	sdelay $0x4  }
0x2d: {  	s15 =	sadd.s32 $0x10, s14;
	vm1 =	vgt.s32 v0, $0x0  }
0x2e: {  	v2 =	vld.msk [tilespmem:s15+$0x0 ss:$0x1], $0xffff;
	v1 =	vnsel vm1, $0x0, v0  }
0x2f: {  	v1 =	vmin.u32 v1, $0xFFF;
	_ =	sdelay $0x1  }
0x30: {  	s16 =	sshll.u32 s12, $0x6;
	s18 =	simm.s32 $0x20  }
0x31: {  	s16 =	sand.u32 $0x40, s16;
	s17 =	sadd.s32 $0x10, s15;
	s15 =	sor.u32 $0x80, s14  }
0x32: {  	s14 =	sor.u32 $0x80, s16;
	s16 =	sadd.s32 $0x10, s15;
	v0 =	vld.msk [tilespmem:s17+$0x0 ss:$0x1], $0xffff;
	vm1 =	vgt.s32 v2, $0x0;
	(ifvalue) =	ssetifvalue $0x7FFFFFFF  }
.LBB2_3:
0x33: {  	[tilespmem:s15], [sflag:$0x1] =	stream.indirect_vreg.gather [hbm4b:s2+s10], $0x1, v1, vm0, $0x4038;
	[tilespmem:$0x100] =	vst v63  }
0x34: {  	s18 =	sadd.s32 $0x10, s18  }
0x35: {  	v2 =	vnsel vm1, $0x0, v2;
	p1 =	slt.u32 s18, $0x30  }
.Ltmp3:
0x36: {  	s15 =	smov.u32 s16;
	v1 =	vmin.u32 v2, $0xFFF;
	(pc) =	sbr.rel @p1 .LBB2_3-.Ltmp3, $3  }
0x37: {  	_ =	sdelay $0x1  }
0x38: {  	s17 =	sadd.s32 $0x10, s17  }
0x39: {  	vm1 =	vgt.s32 v0, $0x0;
	s16 =	sadd.s32 $0x10, s16;
	v2 =	vmov v0;
	(ifvalue) =	ssetifvalue $0x7FFFFFFF;
	v0 =	vld.msk [tilespmem:s17+$0x0 ss:$0x1], $0xffff  }
.Ltmp4:
0x3a: {  	_ = 	snop;
	(pc) =	sbr.rel .LBB2_4-.Ltmp4, $1  }
0x3b: {  	_ =	sdelay $0x3  }
.LBB2_6:
0x3c: {  	_ =	sfence.sel $0x180000  }
0x3d: {  	s2 =	simm.s32 $0x2;
	[bflag:$0x0] =	sbarrier.arrive $0xFFFF  }
0x3e: {  	s30 =	simm.s32 $0x3;
	[sflag:s2] =	ssyncpa.u1 $0x1  }
0x3f: {  	s31 =	simm.s32 $0x1;
	[sflag:s30] =	ssyncpa.u1 $0x1  }
0x40: {  	[sflag:s31] =	ssyncpa.u1 $0x1  }
0x41: {  	p0 =	sne.s32 s0, $0x0;
	_ =	strace $0x9000004A  }
0x42: {  	s0 =	sadd.s32 @!p0 $0x100000, s1;
	[bflag:$0x2] =	sbarrier.arrive $0xFFFF  }
0x43: {  	[sflag:s0] =	ssyncadd.tile.s32 @!p0 $0x1;
	_ =	shalt  }
.Lfunc_end2:
_tile_overlayer_lowered:
.L_overlay_start_2:
0x44: {  	(tag) =	ssettag $0x2  }
0x45: {  	s0 =	rddreg [dreg:$0x0];
	s2 =	stileid.u32  }
0x46: {  	s1 =	rddreg [dreg:$0x1];
	p0 =	sne.s32 s2, $0x0  }
0x47: {  	s3 =	rddreg [dreg:$0x2];
	[bflag:$0x3] =	sbarrier.arrive $0xFFFF;
	s2 =	simm.s32 @!p0 $0x1C01  }
0x48: {  	[timem:s3], [sflag:s2] =	dma.local @!p0 [hbm:s0], s1  }
0x49: {  	s0 =	simm.s32 @!p0 $0x1  }
0x4a: {  	_ =	swait.ge @!p0 [sflag:s0], s1  }
0x4b: {  	s1 =	ssub.s32 @!p0 $0x0, s1;
	[sflag:s0] =	ssyncset.done @!p0 $0x0  }
0x4c: {  	[sflag:s0] =	ssyncadd.s32 @!p0 s1  }
0x4d: {  	[bflag:$0x3] =	sbarrier.arrive $0xFFFF  }
0x4e: {  	_ =	shalt  }

// kernel: kernel.11.cloned.1.call-start
scs
__scs_entry_jumppad:
0x0: {  	(pc) =	sbr.rel $0x88, $3  }
0x1: {  	(tag) =	ssettag $0x0;
	lr =	simm.s32 $0x1  }
0x2: {  	[smem:$0x3F9B] =	sst lr;
	_ =	strace $0xD0000000  }
0x3: {  	_ = 	snop  }
0x4: {  	_ = 	snop  }
0x5: {  	_ = 	snop  }
0x6: {  	_ = 	snop  }
0x7: {  	_ = 	snop  }
__scs_overlays_trampoline_lowered:
0x8: {  	[smem:$0x3FAA] =	sst s0  }
0x9: {  	[smem:$0x3FAB] =	sst s1  }
0xa: {  	[smem:$0x3FAC] =	sst s2  }
0xb: {  	[smem:$0x3FAD] =	sst s3  }
0xc: {  	[smem:$0x3FAE] =	sst s4  }
0xd: {  	[smem:$0x3FAF] =	sst s5  }
0xe: {  	[smem:$0x3FB0] =	sst s6  }
0xf: {  	[smem:$0x3FB1] =	sst s7  }
0x10: {  	[smem:$0x3FB2] =	sst s8  }
0x11: {  	[smem:$0x3FB3] =	sst s9;
	s0 =	simm.s32 @!p0 $0x0  }
0x12: {  	s1 =	sld [smem:$0x3F99];
	s0 =	simm.s32 @p0 $0x1  }
0x13: {  	[smem:$0x3FB4] =	sst s0;
	s0 =	simm.s32 @!p1 $0x0  }
0x14: {  	s2 =	sld [smem:$0x3F98];
	s0 =	simm.s32 @p1 $0x1  }
0x15: {  	[smem:$0x3FB5] =	sst s0;
	s0 =	simm.s32 @!p2 $0x0  }
0x16: {  	s3 =	sld [smem:$0x3FDB];
	s0 =	simm.s32 @p2 $0x1  }
0x17: {  	s4 =	simm.s32 $0x1BF5;
	[smem:$0x3FB7] =	sst s0  }
0x18: {  	s0 =	sld [smem:$0x3F9A];
	_ =	swait.ge [sflag:s4], $0x0  }
0x19: {  	s7 =	sld [smem:$0x3F9B]  }
0x1a: {  	s8 =	sadd.s32 $0xFFFFE003, lr  }
0x1b: {  	s9 =	sadd.s32 $0xFFFFFEF7, lr;
	s5 =	simm.s32 $0xFFFFFFFF;
	p2 =	slt.u32 s8, $0xFFFFF086  }
0x1c: {  	p1 =	slt.u32 s9, $0xF7A;
	s5 =	simm.s32 @!p2 $0x0  }
0x1d: {  	s5 =	simm.s32 @p1 $0x1;
	p0 =	seq.s32 s7, s2  }
0x1e: {  	s7 =	smul.u32 @!p0 $0xF7A, s2;
	p2 =	seq.s32 @!p0 s5, $0x0  }
0x1f: {  	s9 =	smul.u32 $0xF7A, s1;
	s8 =	simm.s32 @!p0 $0x1BF5;
	p2 =	por !p2, p0  }
0x20: {  	[sflag:s8] =	ssyncset.s32 @!p0 $0xFFFFF086;
	s6 =	sadd.s32 @!p0 s3, s7;
	s7 =	simm.s32 @!p0 $0x108  }
0x21: {  	s3 =	sadd.s32 s3, s9;
	s6 =	sadd.s32 @!p0 $0x88, s6;
	s7 =	simm.s32 @p2 $0x1082  }
0x22: {  	[simem:s7], [sflag:s8] =	dma.local @!p0 [hbm:s6], $0xF7A  }
0x23: {  	s9 =	sor.u32 $0xD0000000, s2;
	s6 =	simm.s32 $0x108;
	_ =	swait.ge @!p0 [sflag:s8], $0x0  }
0x24: {  	s3 =	sadd.s32 $0x88, s3;
	s6 =	simm.s32 @!p1 $0x1082;
	[sflag:s4] =	ssyncset.s32 $0xFFFFF086  }
0x25: {  	[simem:s6], [sflag:s4] =	dma.local [hbm:s3], $0xF7A  }
0x26: {  	[smem:$0x3F9B] =	sst s1;
	(tag) =	ssettag s2;
	_ =	strace s9  }
0x27: {  	s1 =	sld [smem:$0x3FAB]  }
0x28: {  	s2 =	sld [smem:$0x3FAC]  }
0x29: {  	s4 =	sld [smem:$0x3FAE]  }
0x2a: {  	p0 =	seq.s32 s5, $0x0;
	s5 =	sld [smem:$0x3FAF]  }
0x2b: {  	s6 =	sld [smem:$0x3FB0]  }
0x2c: {  	s7 =	sld [smem:$0x3FB1]  }
0x2d: {  	s3 =	simm.s32 $0x108;
	s8 =	sld [smem:$0x3FB2]  }
0x2e: {  	s3 =	simm.s32 @!p0 $0x1082;
	s9 =	sld [smem:$0x3FB3]  }
0x2f: {  	lr =	sadd.s32 s0, s3;
	s0 =	sld [smem:$0x3FAA]  }
0x30: {  	s3 =	sld [smem:$0x3FAD]  }
0x31: {  	[smem:$0x3FB6] =	sst s10  }
0x32: {  	s10 =	sld [smem:$0x3FB4];
	_ =	sdelay $0x3  }
0x33: {  	p0 =	seq.s32 s10, $0x1;
	s10 =	sld [smem:$0x3FB6];
	_ =	sdelay $0x3  }
0x34: {  	[smem:$0x3FB6] =	sst s10  }
0x35: {  	s10 =	sld [smem:$0x3FB5];
	_ =	sdelay $0x3  }
0x36: {  	p1 =	seq.s32 s10, $0x1;
	s10 =	sld [smem:$0x3FB6];
	_ =	sdelay $0x3  }
0x37: {  	[smem:$0x3FB6] =	sst s10  }
0x38: {  	s10 =	sld [smem:$0x3FB7]  }
0x39: {  	_ = 	snop;
	(pc) =	sbr.ind lr, $3  }
0x3a: {  	_ = 	snop  }
0x3b: {  	_ = 	snop  }
0x3c: {  	p2 =	seq.s32 s10, $0x1;
	s10 =	sld [smem:$0x3FB6]  }
0x3d: {  	_ =	shalt  }
0x3e: {  	_ =	shalt  }
0x3f: {  	_ =	shalt  }
0x40: {  	_ =	shalt  }
0x41: {  	_ =	shalt  }
0x42: {  	_ =	shalt  }
0x43: {  	_ =	shalt  }
0x44: {  	_ =	shalt  }
0x45: {  	_ =	shalt  }
0x46: {  	_ =	shalt  }
0x47: {  	_ =	shalt  }
0x48: {  	_ =	shalt  }
0x49: {  	_ =	shalt  }
0x4a: {  	_ =	shalt  }
0x4b: {  	_ =	shalt  }
0x4c: {  	_ =	shalt  }
0x4d: {  	_ =	shalt  }
0x4e: {  	_ =	shalt  }
0x4f: {  	_ =	shalt  }
0x50: {  	_ =	shalt  }
0x51: {  	_ =	shalt  }
0x52: {  	_ =	shalt  }
0x53: {  	_ =	shalt  }
0x54: {  	_ =	shalt  }
0x55: {  	_ =	shalt  }
0x56: {  	_ =	shalt  }
0x57: {  	_ =	shalt  }
0x58: {  	_ =	shalt  }
0x59: {  	_ =	shalt  }
0x5a: {  	_ =	shalt  }
0x5b: {  	_ =	shalt  }
0x5c: {  	_ =	shalt  }
0x5d: {  	_ =	shalt  }
0x5e: {  	_ =	shalt  }
0x5f: {  	_ =	shalt  }
0x60: {  	_ =	shalt  }
0x61: {  	_ =	shalt  }
0x62: {  	_ =	shalt  }
0x63: {  	_ =	shalt  }
0x64: {  	_ =	shalt  }
0x65: {  	_ =	shalt  }
0x66: {  	_ =	shalt  }
0x67: {  	_ =	shalt  }
0x68: {  	_ =	shalt  }
0x69: {  	_ =	shalt  }
0x6a: {  	_ =	shalt  }
0x6b: {  	_ =	shalt  }
0x6c: {  	_ =	shalt  }
0x6d: {  	_ =	shalt  }
0x6e: {  	_ =	shalt  }
0x6f: {  	_ =	shalt  }
0x70: {  	_ =	shalt  }
0x71: {  	_ =	shalt  }
0x72: {  	_ =	shalt  }
0x73: {  	_ =	shalt  }
0x74: {  	_ =	shalt  }
0x75: {  	_ =	shalt  }
0x76: {  	_ =	shalt  }
0x77: {  	_ =	shalt  }
0x78: {  	_ =	shalt  }
0x79: {  	_ =	shalt  }
0x7a: {  	_ =	shalt  }
0x7b: {  	_ =	shalt  }
0x7c: {  	_ =	shalt  }
0x7d: {  	_ =	shalt  }
0x7e: {  	_ =	shalt  }
0x7f: {  	_ =	shalt  }
0x80: {  	_ =	shalt  }
0x81: {  	_ =	shalt  }
0x82: {  	_ =	shalt  }
0x83: {  	_ =	shalt  }
0x84: {  	_ =	shalt  }
0x85: {  	_ =	shalt  }
0x86: {  	_ =	shalt  }
0x87: {  	_ =	shalt  }
.Lfunc_end0:
.L_simem_size_0:
called_computation.4_lowered:
.L_overlay_start_0:
0x88: {  	s2 =	sld [smem:$0x3FD9]  }
0x89: {  	s3 =	sld [smem:$0x3FFE];
	_ =	sdelay $0x1  }
0x8a: {  	s1 =	srdreg.scid  }
0x8b: {  	s0 =	sand.u32 $0x1, s1  }
0x8c: {  	s17 =	sshll.u32 s0, $0xA;
	s2 =	sadd.s32 s3, s2  }
0x8d: {  	s2 =	sadd.s32 s2, s17  }
0x8e: {  	[smem:$0x3FC2] =	sst s2  }
0x8f: {  	_ = 	snop  }
0x90: {  	s18 =	sld [smem:$0x3FC9];
	(tm) =	ssettm $0x1  }
0x91: {  	s19 =	sld [smem:$0x3FFB];
	_ =	sdelay $0x3  }
0x92: {  	_ =	strace s19  }
0x93: {  	s2 =	sld [smem:$0x3FFC];
	_ =	sdelay $0x3  }
0x94: {  	_ =	strace s2  }
0x95: {  	s2 =	sld [smem:$0x3FFD];
	_ =	sdelay $0x3  }
0x96: {  	_ =	strace s2  }
0x97: {  	_ =	strace $0x8FFFFFFF  }
0x98: {  	s20 =	sld [smem:$0x3FDB];
	_ =	sdelay $0x1  }
0x99: {  	s4 =	simm.s32 $_scs_section_size  }
0x9a: {  	s5 =	simm.s32 $_size__tile_overlayer_lowered;
	s6 =	simm.s32 $_tile_overlayer_lowered  }
0x9b: {  	s7 =	simm.s32 $0x1BFF;
	s21 =	sshll.u32 s6, $0x1;
	s4 =	sadd.s32 s4, s20  }
0x9c: {  	s22 =	simm.s32 $0x0;
	s5 =	sshll.u32 s5, $0x1;
	s6 =	sadd.s32 s21, s4  }
0x9d: {  	[timem:s22], [sflag:s7] =	dma.local [hbm:s6], s5  }
0x9e: {  	_ =	swait.ge [sflag:s7], s5  }
0x9f: {  	s5 =	ssub.s32 $0x0, s5;
	[sflag:s7] =	ssyncset.done $0x0  }
0xa0: {  	[sflag:s7] =	ssyncadd.s32 s5;
	_ =	sdelay $0x1  }
0xa1: {  	s23 =	simm.s32 $0x1B8B  }
0xa2: {  	_ =	swait.ge [sflag:s23], $0x1  }
0xa3: {  	[sflag:s23] =	ssyncset.done $0x0  }
0xa4: {  	[sflag:s23] =	ssyncadd.s32 $0xFFFFFFFF  }
0xa5: {  	s5 =	sld [smem:$0x0]  }
0xa6: {  	s6 =	sand.u32 $0xFFFFFFFE, s1  }
0xa7: {  	p0 =	sne.s32 s1, s6  }
0xa8: {  	s6 =	sshll.u32 @p0 s6, $0xE  }
0xa9: {  	s6 =	sadd.s32 @p0 $0x11B8D, s6;
	s7 =	sshll.u32 @p0 s5, $0x11  }
0xaa: {  	s6 =	sor.u32 @p0 s7, s6  }
0xab: {  	[sflag:s6] =	ssyncadd.remote.s32 @p0 $0x1;
	_ =	sdelay $0x1  }
0xac: {  	s6 =	simm.s32 @p0 $0x1B8D  }
0xad: {  	_ =	swait.eq @p0 [sflag:s6], $0x1  }
0xae: {  	[sflag:s6] =	ssyncadd.s32 @p0 $0xFFFFFFFF  }
0xaf: {  	s7 =	sshll.u32 @!p0 s1, $0xE  }
0xb0: {  	s7 =	sor.u32 @!p0 $0x4000, s7;
	s6 =	simm.s32 @!p0 $0x1B8D  }
0xb1: {  	s5 =	sshll.u32 @!p0 s5, $0x11;
	s7 =	sadd.s32 @!p0 $0x11B8D, s7;
	_ =	swait.eq @!p0 [sflag:s6], $0x1  }
0xb2: {  	s5 =	sor.u32 @!p0 s5, s7;
	[sflag:s6] =	ssyncadd.s32 @!p0 $0xFFFFFFFF  }
0xb3: {  	s25 =	simm.s32 $0x1B8E;
	s24 =	sld [smem:$0x3FFE];
	[sflag:s5] =	ssyncadd.remote.s32 @!p0 $0x1  }
0xb4: {  	s26 =	simm.s32 $execute0_lowered;
	[smem:$0x3FD2] =	sst s25  }
0xb5: {  	s6 =	sshll.u32 s26, $0x1;
	_ =	strace $0x80000052;
	[dreg:$0x1] =	wrdreg $0xFFFFFFFF  }
0xb6: {  	s28 =	simm.s32 $_size_execute0_lowered;
	s4 =	sadd.s32 s4, s6;
	[dreg:$0x0] =	wrdreg $0x0  }
0xb7: {  	s6 =	sshll.u32 s28, $0x1;
	[dreg:$0x2] =	wrdreg s4  }
0xb8: {  	[dreg:$0x3] =	wrdreg s6  }
0xb9: {  	[dreg:$0x4] =	wrdreg $0xC0  }
0xba: {  	_ =	task [dreg:s22], $0x5FFFF  }
0xbb: {  	[dreg:$0x1] =	wrdreg $0xFFFFFFFF  }
0xbc: {  	[dreg:$0x0] =	wrdreg $0x60  }
0xbd: {  	[dreg:$0x2] =	wrdreg s18  }
0xbe: {  	[dreg:$0x3] =	wrdreg s24  }
0xbf: {  	[dreg:$0x4] =	wrdreg $0xB  }
0xc0: {  	_ =	task.clear_ibuf [dreg:s22], $0x5FFFF;
	_ =	strace $0x90000052  }
0xc1: {  	s29 =	simm.s32 $0xB;
	_ =	strace $0x80000054  }
0xc2: {  	_ =	swait.ge [sflag:s29], $0x1  }
0xc3: {  	[sflag:s29] =	ssyncadd.s32 $0xFFFFFFFF  }
0xc4: {  	_ =	strace $0x90000054  }
0xc5: {  	_ =	sfence  }
0xc6: {  	s30 =	sld [smem:$0x0];
	_ =	sdelay $0x2  }
0xc7: {  	s31 =	sshll.u32 s1, $0xD;
	s1 =	sshrl.u32 s1, $0x2  }
0xc8: {  	s4 =	sand.u32 $0x4000, s31;
	s1 =	sadd.s32 s1, s30  }
0xc9: {  	s0 =	sor.u32 s4, s0;
	s1 =	sshll.u32 s1, $0x11  }
0xca: {  	s0 =	sor.u32 s1, s0  }
0xcb: {  	s0 =	sadd.s32 $0x8F2B, s0  }
0xcc: {  	[sflag:s0] =	ssyncadd.remote.s32 $0x1  }
0xcd: {  	_ =	sfence.sel $0xFFFF  }
0xce: {  	[dreg:$0x0] =	wrdreg $0xFFFFFFFF;
	(pc) =	sbr.abs _section_cstart, $3  }
0xcf: {  	[dreg:$0x1] =	wrdreg $0xFFFFFFFF  }
0xd0: {  	_ =	task.clear_ibuf [dreg:s22], $0x2FFFF;
	_ =	strace $0x9FFFFFFF  }
0xd1: {  	(tm) =	ssettm $0x7FFFFFFF  }
tec
execute0_lowered:
.L_overlay_start_1:
0x0: {  	(tag) =	ssettag $0x1  }
0x1: {  	s1 =	srdreg.scid;
	s0 =	stileid.u32  }
0x2: {  	s2 =	rddreg [dreg:$0x0];
	s1 =	sand.u32 $0x1, s1;
	s3 =	sshll.u32 s0, $0x1  }
0x3: {  	s4 =	rddreg [dreg:$0x1];
	s5 =	sor.u32 s1, s3;
	s3 =	simm.s32 $0x0  }
0x4: {  	s25 =	simm.s32 $0x880;
	[smem:$0x7FF] =	sst s3  }
0x5: {  	s26 =	simm.s32 $0x1080;
	_ =	strace $0x80000053;
	[dreg:$0x5] =	wrdreg s25  }
0x6: {  	s0 =	simm.s32 $0x1880;
	[dreg:$0x6] =	wrdreg s26  }
0x7: {  	s7 =	simm.s32 $0x3080;
	[dreg:$0x7] =	wrdreg s0  }
0x8: {  	s8 =	simm.s32 $0x3880;
	[dreg:$0xa] =	wrdreg s7  }
0x9: {  	s9 =	simm.s32 $0x4080;
	[dreg:$0xb] =	wrdreg s8  }
0xa: {  	s10 =	simm.s32 $0x4880;
	[dreg:$0xc] =	wrdreg s9  }
0xb: {  	s11 =	simm.s32 $0x5080;
	[dreg:$0xd] =	wrdreg s10  }
0xc: {  	s12 =	simm.s32 $0x5880;
	[dreg:$0xe] =	wrdreg s11  }
0xd: {  	s13 =	simm.s32 $0x6080;
	[dreg:$0xf] =	wrdreg s12  }
0xe: {  	s14 =	simm.s32 $0x6880;
	s15 =	simm.s32 $0x7080;
	[dreg:$0x10] =	wrdreg s13  }
0xf: {  	s16 =	simm.s32 $0x7880;
	s17 =	simm.s32 $0x8080;
	[dreg:$0x11] =	wrdreg s14  }
0x10: {  	s18 =	simm.s32 $0x8880;
	s19 =	simm.s32 $0x9080;
	[dreg:$0x12] =	wrdreg s15  }
0x11: {  	s21 =	simm.s32 $0x9880;
	s22 =	simm.s32 $0xA080;
	[dreg:$0x13] =	wrdreg s16  }
0x12: {  	s23 =	simm.s32 $0xA880;
	s28 =	simm.s32 $0x16080;
	[dreg:$0x14] =	wrdreg s17  }
0x13: {  	s29 =	simm.s32 $0x16880;
	s30 =	simm.s32 $0x17080;
	[dreg:$0x15] =	wrdreg s18  }
0x14: {  	s31 =	simm.s32 $0x17880;
	s1 =	ssub.s32 $0x2, s1;
	[dreg:$0x16] =	wrdreg s19  }
0x15: {  	s6 =	sshll.u32 s5, $0x4;
	s5 =	smul.u32 $0x3000, s5;
	[dreg:$0x17] =	wrdreg s21  }
0x16: {  	s20 =	sshrl.u32 s1, $0x1;
	s6 =	sadd.s32 s6, s4;
	[dreg:$0x18] =	wrdreg s22  }
0x17: {  	s1 =	ssub.s32 s1, s20;
	[dreg:$0x19] =	wrdreg s23;
	s7 =	simm.s32 $0xB080  }
0x18: {  	s25 =	simm.s32 $0xC080;
	s8 =	simm.s32 $0x80;
	s26 =	simm.s32 $0xC880  }
0x19: {  	s10 =	simm.s32 $0xD880;
	s11 =	simm.s32 $0xE080;
	s12 =	simm.s32 $0xE880  }
0x1a: {  	s13 =	simm.s32 $0xF080;
	s14 =	simm.s32 $0xF880;
	s15 =	simm.s32 $0x10080  }
0x1b: {  	s16 =	simm.s32 $0x10880;
	s17 =	simm.s32 $0x11080;
	s18 =	simm.s32 $0x11880  }
0x1c: {  	s19 =	simm.s32 $0x12080;
	s20 =	simm.s32 $0x12880;
	s21 =	simm.s32 $0x13080  }
0x1d: {  	s22 =	simm.s32 $0x13880;
	s23 =	simm.s32 $0x14080;
	[dreg:$0x1a] =	wrdreg s7  }
0x1e: {  	s4 =	sadd.s32 s5, s4;
	s24 =	sadd.s32 $0xE00, s6;
	[dreg:$0x1c] =	wrdreg s25  }
0x1f: {  	s5 =	simm.s32 $0x2080;
	s6 =	simm.s32 $0x2880;
	[dreg:$0x1d] =	wrdreg s26  }
0x20: {  	s7 =	simm.s32 $0x2;
	s25 =	simm.s32 $0x15080;
	[dreg:$0x3] =	wrdreg s24  }
0x21: {  	s26 =	simm.s32 $0x15880;
	s4 =	sadd.s32 $0x62A00, s4;
	[dreg:$0x8] =	wrdreg s5  }
0x22: {  	v2 =	vlaneseq.u32;
	[dreg:$0x9] =	wrdreg s6;
	s5 =	sadd.s32 $0x200, s2;
	s6 =	smax.u32 s1, $0x1  }
0x23: {  	vm0 =	vmmov $0xffff;
	v1 =	vshrl.u32 v2, $0x3;
	s24 =	simm.s32 $0xB880;
	s1 =	simm.s32 $0x1;
	[dreg:$0x4] =	wrdreg s4  }
0x24: {  	v0 =	vand.u32 $0x7, v2;
	v2 =	vor.u32 $0x8, v2;
	v1 =	vmul.u32 $0x8, v1;
	s4 =	sadd.s32 $0x100, s2;
	[dreg:$0x1b] =	wrdreg s24;
	s24 =	simm.s32 $0x14880  }
.LBB2_1:
0x25: {  	s0 =	rddreg [dreg:$0x3]  }
0x26: {  	[tilespmem:s3], [sflag:$0x2] =	stream.linear.gather [hbm4b:s0+s3], $0x80, $0x38;
	[tilespmem:$0x18080] =	vst v63  }
0x27: {  	_ =	swait.ge [sflag:s7], $0x80  }
0x28: {  	[sflag:s7] =	ssyncset.done $0x0  }
0x29: {  	[sflag:s7] =	ssyncadd.s32 $0xFFFFFF80  }
0x2a: {  	v3 =	vld [tilespmem:$0x0];
	_ =	sdelay $0x4  }
0x2b: {  	v4 =	vshrl.u32 v3, $0x3  }
0x2c: {  	v4 =	vmul.u32 $0x30, v4  }
0x2d: {  	v3 =	vand.u32 $0x7, v3  }
0x2e: {  	v3 =	vor.u32 v3, v4  }
0x2f: {  	v4 =	vperm.xlane v3, v0;
	_ =	sdelay $0x1  }
0x30: {  	v4 =	vadd.s32 v1, v4;
	_ =	sdelay $0x3  }
0x31: {  	v3 =	vperm.xlane v3, v2  }
0x32: {  	[tilespmem:s8], [sflag:$0x1] =	stream.indirect_vreg.gather [hbm4b:s2+s3], $0x80, v4, vm0, $0xb8;
	[tilespmem:$0x18080] =	vst v63  }
0x33: {  	s0 =	rddreg [dreg:$0x5];
	v3 =	vadd.s32 v1, v3  }
0x34: {  	[tilespmem:s0], [sflag:$0x1] =	stream.indirect_vreg.gather [hbm4b:s4+s3], $0x80, v4, vm0, $0xb8;
	[tilespmem:$0x18080] =	vst v63  }
0x35: {  	s9 =	rddreg [dreg:$0x6]  }
0x36: {  	[tilespmem:s9], [sflag:$0x1] =	stream.indirect_vreg.gather [hbm4b:s5+s3], $0x80, v4, vm0, $0xb8;
	[tilespmem:$0x18080] =	vst v63  }
0x37: {  	s0 =	rddreg [dreg:$0x7]  }
0x38: {  	[tilespmem:s0], [sflag:$0x1] =	stream.indirect_vreg.gather [hbm4b:s2+s3], $0x80, v3, vm0, $0xb8;
	[tilespmem:$0x18080] =	vst v63  }
0x39: {  	s9 =	rddreg [dreg:$0x8]  }
0x3a: {  	[tilespmem:s9], [sflag:$0x1] =	stream.indirect_vreg.gather [hbm4b:s4+s3], $0x80, v3, vm0, $0xb8;
	[tilespmem:$0x18080] =	vst v63  }
0x3b: {  	s0 =	rddreg [dreg:$0x9]  }
0x3c: {  	[tilespmem:s0], [sflag:$0x1] =	stream.indirect_vreg.gather [hbm4b:s5+s3], $0x80, v3, vm0, $0xb8;
	[tilespmem:$0x18080] =	vst v63  }
0x3d: {  	v3 =	vld [tilespmem:$0x10];
	_ =	sdelay $0x4  }
0x3e: {  	v57 =	vshrl.u32 v3, $0x3  }
0x3f: {  	v4 =	vmul.u32 $0x30, v57  }
0x40: {  	v3 =	vand.u32 $0x7, v3  }
0x41: {  	v3 =	vor.u32 v3, v4  }
0x42: {  	v4 =	vperm.xlane v3, v0;
	_ =	sdelay $0x1  }
0x43: {  	v4 =	vadd.s32 v1, v4;
	_ =	sdelay $0x3  }
0x44: {  	s0 =	rddreg [dreg:$0xa];
	v3 =	vperm.xlane v3, v2  }
0x45: {  	[tilespmem:s0], [sflag:$0x1] =	stream.indirect_vreg.gather [hbm4b:s2+s3], $0x80, v4, vm0, $0xb8;
	[tilespmem:$0x18080] =	vst v63  }
0x46: {  	s9 =	rddreg [dreg:$0xb];
	v3 =	vadd.s32 v1, v3  }
0x47: {  	[tilespmem:s9], [sflag:$0x1] =	stream.indirect_vreg.gather [hbm4b:s4+s3], $0x80, v4, vm0, $0xb8;
	[tilespmem:$0x18080] =	vst v63  }
0x48: {  	s0 =	rddreg [dreg:$0xc]  }
0x49: {  	[tilespmem:s0], [sflag:$0x1] =	stream.indirect_vreg.gather [hbm4b:s5+s3], $0x80, v4, vm0, $0xb8;
	[tilespmem:$0x18080] =	vst v63  }
0x4a: {  	s9 =	rddreg [dreg:$0xd]  }
0x4b: {  	[tilespmem:s9], [sflag:$0x1] =	stream.indirect_vreg.gather [hbm4b:s2+s3], $0x80, v3, vm0, $0xb8;
	[tilespmem:$0x18080] =	vst v63  }
0x4c: {  	s0 =	rddreg [dreg:$0xe]  }
0x4d: {  	[tilespmem:s0], [sflag:$0x1] =	stream.indirect_vreg.gather [hbm4b:s4+s3], $0x80, v3, vm0, $0xb8;
	[tilespmem:$0x18080] =	vst v63  }
0x4e: {  	s9 =	rddreg [dreg:$0xf]  }
0x4f: {  	[tilespmem:s9], [sflag:$0x1] =	stream.indirect_vreg.gather [hbm4b:s5+s3], $0x80, v3, vm0, $0xb8;
	[tilespmem:$0x18080] =	vst v63  }
0x50: {  	v3 =	vld [tilespmem:$0x20];
	_ =	sdelay $0x4  }
0x51: {  	v58 =	vshrl.u32 v3, $0x3  }
0x52: {  	v4 =	vmul.u32 $0x30, v58  }
0x53: {  	v3 =	vand.u32 $0x7, v3  }
0x54: {  	v3 =	vor.u32 v3, v4  }
0x55: {  	v4 =	vperm.xlane v3, v0;
	_ =	sdelay $0x1  }
0x56: {  	v4 =	vadd.s32 v1, v4;
	_ =	sdelay $0x3  }
0x57: {  	s0 =	rddreg [dreg:$0x10];
	v3 =	vperm.xlane v3, v2  }
0x58: {  	[tilespmem:s0], [sflag:$0x1] =	stream.indirect_vreg.gather [hbm4b:s2+s3], $0x80, v4, vm0, $0xb8;
	[tilespmem:$0x18080] =	vst v63  }
0x59: {  	s9 =	rddreg [dreg:$0x11];
	v3 =	vadd.s32 v1, v3  }
0x5a: {  	[tilespmem:s9], [sflag:$0x1] =	stream.indirect_vreg.gather [hbm4b:s4+s3], $0x80, v4, vm0, $0xb8;
	[tilespmem:$0x18080] =	vst v63  }
0x5b: {  	s0 =	rddreg [dreg:$0x12]  }
0x5c: {  	[tilespmem:s0], [sflag:$0x1] =	stream.indirect_vreg.gather [hbm4b:s5+s3], $0x80, v4, vm0, $0xb8;
	[tilespmem:$0x18080] =	vst v63  }
0x5d: {  	s9 =	rddreg [dreg:$0x13]  }
0x5e: {  	[tilespmem:s9], [sflag:$0x1] =	stream.indirect_vreg.gather [hbm4b:s2+s3], $0x80, v3, vm0, $0xb8;
	[tilespmem:$0x18080] =	vst v63  }
0x5f: {  	s0 =	rddreg [dreg:$0x14]  }
0x60: {  	[tilespmem:s0], [sflag:$0x1] =	stream.indirect_vreg.gather [hbm4b:s4+s3], $0x80, v3, vm0, $0xb8;
	[tilespmem:$0x18080] =	vst v63  }
0x61: {  	s9 =	rddreg [dreg:$0x15]  }
0x62: {  	[tilespmem:s9], [sflag:$0x1] =	stream.indirect_vreg.gather [hbm4b:s5+s3], $0x80, v3, vm0, $0xb8;
	[tilespmem:$0x18080] =	vst v63  }
0x63: {  	v3 =	vld [tilespmem:$0x30];
	_ =	sdelay $0x4  }
0x64: {  	v59 =	vshrl.u32 v3, $0x3  }
0x65: {  	v4 =	vmul.u32 $0x30, v59  }
0x66: {  	v3 =	vand.u32 $0x7, v3  }
0x67: {  	v3 =	vor.u32 v3, v4  }
0x68: {  	v4 =	vperm.xlane v3, v0;
	_ =	sdelay $0x1  }
0x69: {  	v4 =	vadd.s32 v1, v4;
	_ =	sdelay $0x3  }
0x6a: {  	s0 =	rddreg [dreg:$0x16];
	v3 =	vperm.xlane v3, v2  }
0x6b: {  	[tilespmem:s0], [sflag:$0x1] =	stream.indirect_vreg.gather [hbm4b:s2+s3], $0x80, v4, vm0, $0xb8;
	[tilespmem:$0x18080] =	vst v63  }
0x6c: {  	s9 =	rddreg [dreg:$0x17];
	v3 =	vadd.s32 v1, v3  }
0x6d: {  	[tilespmem:s9], [sflag:$0x1] =	stream.indirect_vreg.gather [hbm4b:s4+s3], $0x80, v4, vm0, $0xb8;
	[tilespmem:$0x18080] =	vst v63  }
0x6e: {  	s0 =	rddreg [dreg:$0x18]  }
0x6f: {  	[tilespmem:s0], [sflag:$0x1] =	stream.indirect_vreg.gather [hbm4b:s5+s3], $0x80, v4, vm0, $0xb8;
	[tilespmem:$0x18080] =	vst v63  }
0x70: {  	s9 =	rddreg [dreg:$0x19]  }
0x71: {  	[tilespmem:s9], [sflag:$0x1] =	stream.indirect_vreg.gather [hbm4b:s2+s3], $0x80, v3, vm0, $0xb8;
	[tilespmem:$0x18080] =	vst v63  }
0x72: {  	s0 =	rddreg [dreg:$0x1a]  }
0x73: {  	[tilespmem:s0], [sflag:$0x1] =	stream.indirect_vreg.gather [hbm4b:s4+s3], $0x80, v3, vm0, $0xb8;
	[tilespmem:$0x18080] =	vst v63  }
0x74: {  	s9 =	rddreg [dreg:$0x1b]  }
0x75: {  	[tilespmem:s9], [sflag:$0x1] =	stream.indirect_vreg.gather [hbm4b:s5+s3], $0x80, v3, vm0, $0xb8;
	[tilespmem:$0x18080] =	vst v63  }
0x76: {  	v3 =	vld [tilespmem:$0x40];
	_ =	sdelay $0x4  }
0x77: {  	v60 =	vshrl.u32 v3, $0x3  }
0x78: {  	v4 =	vmul.u32 $0x30, v60  }
0x79: {  	v3 =	vand.u32 $0x7, v3  }
0x7a: {  	v3 =	vor.u32 v3, v4  }
0x7b: {  	v4 =	vperm.xlane v3, v0;
	_ =	sdelay $0x1  }
0x7c: {  	v4 =	vadd.s32 v1, v4;
	_ =	sdelay $0x3  }
0x7d: {  	s0 =	rddreg [dreg:$0x1c];
	v3 =	vperm.xlane v3, v2  }
0x7e: {  	[tilespmem:s0], [sflag:$0x1] =	stream.indirect_vreg.gather [hbm4b:s2+s3], $0x80, v4, vm0, $0xb8;
	[tilespmem:$0x18080] =	vst v63  }
0x7f: {  	s9 =	rddreg [dreg:$0x1d];
	v3 =	vadd.s32 v1, v3  }
0x80: {  	[tilespmem:s9], [sflag:$0x1] =	stream.indirect_vreg.gather [hbm4b:s4+s3], $0x80, v4, vm0, $0xb8;
	[tilespmem:$0x18080] =	vst v63  }
0x81: {  	s9 =	simm.s32 $0xD080  }
0x82: {  	[tilespmem:s9], [sflag:$0x1] =	stream.indirect_vreg.gather [hbm4b:s5+s3], $0x80, v4, vm0, $0xb8;
	[tilespmem:$0x18080] =	vst v63  }
0x83: {  	_ = 	snop  }
0x84: {  	[tilespmem:s10], [sflag:$0x1] =	stream.indirect_vreg.gather [hbm4b:s2+s3], $0x80, v3, vm0, $0xb8;
	[tilespmem:$0x18080] =	vst v63  }
0x85: {  	_ = 	snop  }
0x86: {  	[tilespmem:s11], [sflag:$0x1] =	stream.indirect_vreg.gather [hbm4b:s4+s3], $0x80, v3, vm0, $0xb8;
	[tilespmem:$0x18080] =	vst v63  }
0x87: {  	_ = 	snop  }
0x88: {  	[tilespmem:s12], [sflag:$0x1] =	stream.indirect_vreg.gather [hbm4b:s5+s3], $0x80, v3, vm0, $0xb8;
	[tilespmem:$0x18080] =	vst v63  }
0x89: {  	v3 =	vld [tilespmem:$0x50];
	_ =	sdelay $0x4  }
0x8a: {  	v61 =	vshrl.u32 v3, $0x3  }
0x8b: {  	v4 =	vmul.u32 $0x30, v61  }
0x8c: {  	v3 =	vand.u32 $0x7, v3  }
0x8d: {  	v3 =	vor.u32 v3, v4  }
0x8e: {  	v4 =	vperm.xlane v3, v0;
	_ =	sdelay $0x1  }
0x8f: {  	v4 =	vadd.s32 v1, v4;
	_ =	sdelay $0x3  }
0x90: {  	v3 =	vperm.xlane v3, v2  }
0x91: {  	[tilespmem:s13], [sflag:$0x1] =	stream.indirect_vreg.gather [hbm4b:s2+s3], $0x80, v4, vm0, $0xb8;
	[tilespmem:$0x18080] =	vst v63  }
0x92: {  	v3 =	vadd.s32 v1, v3  }
0x93: {  	[tilespmem:s14], [sflag:$0x1] =	stream.indirect_vreg.gather [hbm4b:s4+s3], $0x80, v4, vm0, $0xb8;
	[tilespmem:$0x18080] =	vst v63  }
0x94: {  	_ = 	snop  }
0x95: {  	[tilespmem:s15], [sflag:$0x1] =	stream.indirect_vreg.gather [hbm4b:s5+s3], $0x80, v4, vm0, $0xb8;
	[tilespmem:$0x18080] =	vst v63  }
0x96: {  	_ = 	snop  }
0x97: {  	[tilespmem:s16], [sflag:$0x1] =	stream.indirect_vreg.gather [hbm4b:s2+s3], $0x80, v3, vm0, $0xb8;
	[tilespmem:$0x18080] =	vst v63  }
0x98: {  	_ = 	snop  }
0x99: {  	[tilespmem:s17], [sflag:$0x1] =	stream.indirect_vreg.gather [hbm4b:s4+s3], $0x80, v3, vm0, $0xb8;
	[tilespmem:$0x18080] =	vst v63  }
0x9a: {  	_ = 	snop  }
0x9b: {  	[tilespmem:s18], [sflag:$0x1] =	stream.indirect_vreg.gather [hbm4b:s5+s3], $0x80, v3, vm0, $0xb8;
	[tilespmem:$0x18080] =	vst v63  }
0x9c: {  	v3 =	vld [tilespmem:$0x60];
	_ =	sdelay $0x4  }
0x9d: {  	v62 =	vshrl.u32 v3, $0x3  }
0x9e: {  	v4 =	vmul.u32 $0x30, v62  }
0x9f: {  	v3 =	vand.u32 $0x7, v3  }
0xa0: {  	v3 =	vor.u32 v3, v4  }
0xa1: {  	v4 =	vperm.xlane v3, v0;
	_ =	sdelay $0x1  }
0xa2: {  	v4 =	vadd.s32 v1, v4;
	_ =	sdelay $0x3  }
0xa3: {  	v3 =	vperm.xlane v3, v2  }
0xa4: {  	[tilespmem:s19], [sflag:$0x1] =	stream.indirect_vreg.gather [hbm4b:s2+s3], $0x80, v4, vm0, $0xb8;
	[tilespmem:$0x18080] =	vst v63  }
0xa5: {  	v3 =	vadd.s32 v1, v3  }
0xa6: {  	[tilespmem:s20], [sflag:$0x1] =	stream.indirect_vreg.gather [hbm4b:s4+s3], $0x80, v4, vm0, $0xb8;
	[tilespmem:$0x18080] =	vst v63  }
0xa7: {  	_ = 	snop  }
0xa8: {  	[tilespmem:s21], [sflag:$0x1] =	stream.indirect_vreg.gather [hbm4b:s5+s3], $0x80, v4, vm0, $0xb8;
	[tilespmem:$0x18080] =	vst v63  }
0xa9: {  	_ = 	snop  }
0xaa: {  	[tilespmem:s22], [sflag:$0x1] =	stream.indirect_vreg.gather [hbm4b:s2+s3], $0x80, v3, vm0, $0xb8;
	[tilespmem:$0x18080] =	vst v63  }
0xab: {  	_ = 	snop  }
0xac: {  	[tilespmem:s23], [sflag:$0x1] =	stream.indirect_vreg.gather [hbm4b:s4+s3], $0x80, v3, vm0, $0xb8;
	[tilespmem:$0x18080] =	vst v63  }
0xad: {  	_ = 	snop  }
0xae: {  	[tilespmem:s24], [sflag:$0x1] =	stream.indirect_vreg.gather [hbm4b:s5+s3], $0x80, v3, vm0, $0xb8;
	[tilespmem:$0x18080] =	vst v63  }
0xaf: {  	v3 =	vld [tilespmem:$0x70];
	_ =	sdelay $0x4  }
0xb0: {  	v63 =	vshrl.u32 v3, $0x3  }
0xb1: {  	v4 =	vmul.u32 $0x30, v63  }
0xb2: {  	v3 =	vand.u32 $0x7, v3  }
0xb3: {  	v3 =	vor.u32 v3, v4  }
0xb4: {  	v4 =	vperm.xlane v3, v0;
	_ =	sdelay $0x1  }
0xb5: {  	v4 =	vadd.s32 v1, v4;
	_ =	sdelay $0x3  }
0xb6: {  	v3 =	vperm.xlane v3, v2  }
0xb7: {  	[tilespmem:s25], [sflag:$0x1] =	stream.indirect_vreg.gather [hbm4b:s2+s3], $0x80, v4, vm0, $0xb8;
	[tilespmem:$0x18080] =	vst v63  }
0xb8: {  	v3 =	vadd.s32 v1, v3  }
0xb9: {  	[tilespmem:s26], [sflag:$0x1] =	stream.indirect_vreg.gather [hbm4b:s4+s3], $0x80, v4, vm0, $0xb8;
	[tilespmem:$0x18080] =	vst v63  }
0xba: {  	_ = 	snop  }
0xbb: {  	[tilespmem:s28], [sflag:$0x1] =	stream.indirect_vreg.gather [hbm4b:s5+s3], $0x80, v4, vm0, $0xb8;
	[tilespmem:$0x18080] =	vst v63  }
0xbc: {  	_ = 	snop  }
0xbd: {  	[tilespmem:s29], [sflag:$0x1] =	stream.indirect_vreg.gather [hbm4b:s2+s3], $0x80, v3, vm0, $0xb8;
	[tilespmem:$0x18080] =	vst v63  }
0xbe: {  	_ = 	snop  }
0xbf: {  	[tilespmem:s30], [sflag:$0x1] =	stream.indirect_vreg.gather [hbm4b:s4+s3], $0x80, v3, vm0, $0xb8;
	[tilespmem:$0x18080] =	vst v63  }
0xc0: {  	_ = 	snop  }
0xc1: {  	[tilespmem:s31], [sflag:$0x1] =	stream.indirect_vreg.gather [hbm4b:s5+s3], $0x80, v3, vm0, $0xb8;
	[tilespmem:$0x18080] =	vst v63  }
0xc2: {  	_ =	swait.ge [sflag:s1], $0x18000  }
0xc3: {  	p0 =	sne.s32 s6, $0x1;
	[sflag:s1] =	ssyncset.done $0x0  }
.Ltmp0:
0xc4: {  	s9 =	rddreg [dreg:$0x4];
	[sflag:s1] =	ssyncadd.s32 $0xFFFE8000;
	(pc) =	sbr.rel @p0 .LBB2_1-.Ltmp0, $4  }
0xc5: {  	[hbm4b:s9+s3] =	stream.linear.scatter [tilespmem:s8], [sflag:$0x2], $0x18000, $0x38;
	[tilespmem:$0x18080] =	vst v63  }
0xc6: {  	_ =	swait.ge [sflag:s7], $0x18000  }
0xc7: {  	[sflag:s7] =	ssyncset.done $0x0  }
0xc8: {  	s6 =	sadd.s32 $0xFFFFFFFF, s6;
	[sflag:s7] =	ssyncadd.s32 $0xFFFE8000  }
0xc9: {  	_ =	sfence.sel $0x180000  }
0xca: {  	[bflag:$0x0] =	sbarrier.arrive $0xFFFF  }
0xcb: {  	_ =	strace $0x90000053  }
0xcc: {  	s0 =	stileid.u32;
	[bflag:$0x2] =	sbarrier.arrive $0xFFFF  }
0xcd: {  	p0 =	sne.s32 s0, $0x0;
	s0 =	rddreg [dreg:$0x2]  }
0xce: {  	s0 =	sadd.s32 @!p0 $0x100000, s0  }
0xcf: {  	[sflag:s0] =	ssyncadd.tile.s32 @!p0 $0x1;
	_ =	shalt  }
.Lfunc_end2:
_tile_overlayer_lowered:
.L_overlay_start_2:
0xd0: {  	(tag) =	ssettag $0x2  }
0xd1: {  	s0 =	rddreg [dreg:$0x0];
	s2 =	stileid.u32  }
0xd2: {  	s1 =	rddreg [dreg:$0x1];
	p0 =	sne.s32 s2, $0x0  }
0xd3: {  	s3 =	rddreg [dreg:$0x2];
	[bflag:$0x3] =	sbarrier.arrive $0xFFFF;
	s2 =	simm.s32 @!p0 $0x1C02  }
0xd4: {  	[timem:s3], [sflag:s2] =	dma.local @!p0 [hbm:s0], s1  }
0xd5: {  	s0 =	simm.s32 @!p0 $0x2  }
0xd6: {  	_ =	swait.ge @!p0 [sflag:s0], s1  }
0xd7: {  	s1 =	ssub.s32 @!p0 $0x0, s1;
	[sflag:s0] =	ssyncset.done @!p0 $0x0  }
0xd8: {  	[sflag:s0] =	ssyncadd.s32 @!p0 s1  }
0xd9: {  	[bflag:$0x3] =	sbarrier.arrive $0xFFFF  }
0xda: {  	_ =	shalt  }

// kernel: kernel.14.cloned.1.call-start
scs
__scs_entry_jumppad:
0x0: {  	(pc) =	sbr.rel $0x88, $3  }
0x1: {  	(tag) =	ssettag $0x0;
	lr =	simm.s32 $0x1  }
0x2: {  	[smem:$0x3F9B] =	sst lr;
	_ =	strace $0xD0000000  }
0x3: {  	_ = 	snop  }
0x4: {  	_ = 	snop  }
0x5: {  	_ = 	snop  }
0x6: {  	_ = 	snop  }
0x7: {  	_ = 	snop  }
__scs_overlays_trampoline_lowered:
0x8: {  	[smem:$0x3FAA] =	sst s0  }
0x9: {  	[smem:$0x3FAB] =	sst s1  }
0xa: {  	[smem:$0x3FAC] =	sst s2  }
0xb: {  	[smem:$0x3FAD] =	sst s3  }
0xc: {  	[smem:$0x3FAE] =	sst s4  }
0xd: {  	[smem:$0x3FAF] =	sst s5  }
0xe: {  	[smem:$0x3FB0] =	sst s6  }
0xf: {  	[smem:$0x3FB1] =	sst s7  }
0x10: {  	[smem:$0x3FB2] =	sst s8  }
0x11: {  	[smem:$0x3FB3] =	sst s9;
	s0 =	simm.s32 @!p0 $0x0  }
0x12: {  	s1 =	sld [smem:$0x3F99];
	s0 =	simm.s32 @p0 $0x1  }
0x13: {  	[smem:$0x3FB4] =	sst s0;
	s0 =	simm.s32 @!p1 $0x0  }
0x14: {  	s2 =	sld [smem:$0x3F98];
	s0 =	simm.s32 @p1 $0x1  }
0x15: {  	[smem:$0x3FB5] =	sst s0;
	s0 =	simm.s32 @!p2 $0x0  }
0x16: {  	s3 =	sld [smem:$0x3FDB];
	s0 =	simm.s32 @p2 $0x1  }
0x17: {  	s4 =	simm.s32 $0x1BF5;
	[smem:$0x3FB7] =	sst s0  }
0x18: {  	s0 =	sld [smem:$0x3F9A];
	_ =	swait.ge [sflag:s4], $0x0  }
0x19: {  	s7 =	sld [smem:$0x3F9B]  }
0x1a: {  	s8 =	sadd.s32 $0xFFFFE003, lr  }
0x1b: {  	s9 =	sadd.s32 $0xFFFFFEF7, lr;
	s5 =	simm.s32 $0xFFFFFFFF;
	p2 =	slt.u32 s8, $0xFFFFF086  }
0x1c: {  	p1 =	slt.u32 s9, $0xF7A;
	s5 =	simm.s32 @!p2 $0x0  }
0x1d: {  	s5 =	simm.s32 @p1 $0x1;
	p0 =	seq.s32 s7, s2  }
0x1e: {  	s7 =	smul.u32 @!p0 $0xF7A, s2;
	p2 =	seq.s32 @!p0 s5, $0x0  }
0x1f: {  	s9 =	smul.u32 $0xF7A, s1;
	s8 =	simm.s32 @!p0 $0x1BF5;
	p2 =	por !p2, p0  }
0x20: {  	[sflag:s8] =	ssyncset.s32 @!p0 $0xFFFFF086;
	s6 =	sadd.s32 @!p0 s3, s7;
	s7 =	simm.s32 @!p0 $0x108  }
0x21: {  	s3 =	sadd.s32 s3, s9;
	s6 =	sadd.s32 @!p0 $0x88, s6;
	s7 =	simm.s32 @p2 $0x1082  }
0x22: {  	[simem:s7], [sflag:s8] =	dma.local @!p0 [hbm:s6], $0xF7A  }
0x23: {  	s9 =	sor.u32 $0xD0000000, s2;
	s6 =	simm.s32 $0x108;
	_ =	swait.ge @!p0 [sflag:s8], $0x0  }
0x24: {  	s3 =	sadd.s32 $0x88, s3;
	s6 =	simm.s32 @!p1 $0x1082;
	[sflag:s4] =	ssyncset.s32 $0xFFFFF086  }
0x25: {  	[simem:s6], [sflag:s4] =	dma.local [hbm:s3], $0xF7A  }
0x26: {  	[smem:$0x3F9B] =	sst s1;
	(tag) =	ssettag s2;
	_ =	strace s9  }
0x27: {  	s1 =	sld [smem:$0x3FAB]  }
0x28: {  	s2 =	sld [smem:$0x3FAC]  }
0x29: {  	s4 =	sld [smem:$0x3FAE]  }
0x2a: {  	p0 =	seq.s32 s5, $0x0;
	s5 =	sld [smem:$0x3FAF]  }
0x2b: {  	s6 =	sld [smem:$0x3FB0]  }
0x2c: {  	s7 =	sld [smem:$0x3FB1]  }
0x2d: {  	s3 =	simm.s32 $0x108;
	s8 =	sld [smem:$0x3FB2]  }
0x2e: {  	s3 =	simm.s32 @!p0 $0x1082;
	s9 =	sld [smem:$0x3FB3]  }
0x2f: {  	lr =	sadd.s32 s0, s3;
	s0 =	sld [smem:$0x3FAA]  }
0x30: {  	s3 =	sld [smem:$0x3FAD]  }
0x31: {  	[smem:$0x3FB6] =	sst s10  }
0x32: {  	s10 =	sld [smem:$0x3FB4];
	_ =	sdelay $0x3  }
0x33: {  	p0 =	seq.s32 s10, $0x1;
	s10 =	sld [smem:$0x3FB6];
	_ =	sdelay $0x3  }
0x34: {  	[smem:$0x3FB6] =	sst s10  }
0x35: {  	s10 =	sld [smem:$0x3FB5];
	_ =	sdelay $0x3  }
0x36: {  	p1 =	seq.s32 s10, $0x1;
	s10 =	sld [smem:$0x3FB6];
	_ =	sdelay $0x3  }
0x37: {  	[smem:$0x3FB6] =	sst s10  }
0x38: {  	s10 =	sld [smem:$0x3FB7]  }
0x39: {  	_ = 	snop;
	(pc) =	sbr.ind lr, $3  }
0x3a: {  	_ = 	snop  }
0x3b: {  	_ = 	snop  }
0x3c: {  	p2 =	seq.s32 s10, $0x1;
	s10 =	sld [smem:$0x3FB6]  }
0x3d: {  	_ =	shalt  }
0x3e: {  	_ =	shalt  }
0x3f: {  	_ =	shalt  }
0x40: {  	_ =	shalt  }
0x41: {  	_ =	shalt  }
0x42: {  	_ =	shalt  }
0x43: {  	_ =	shalt  }
0x44: {  	_ =	shalt  }
0x45: {  	_ =	shalt  }
0x46: {  	_ =	shalt  }
0x47: {  	_ =	shalt  }
0x48: {  	_ =	shalt  }
0x49: {  	_ =	shalt  }
0x4a: {  	_ =	shalt  }
0x4b: {  	_ =	shalt  }
0x4c: {  	_ =	shalt  }
0x4d: {  	_ =	shalt  }
0x4e: {  	_ =	shalt  }
0x4f: {  	_ =	shalt  }
0x50: {  	_ =	shalt  }
0x51: {  	_ =	shalt  }
0x52: {  	_ =	shalt  }
0x53: {  	_ =	shalt  }
0x54: {  	_ =	shalt  }
0x55: {  	_ =	shalt  }
0x56: {  	_ =	shalt  }
0x57: {  	_ =	shalt  }
0x58: {  	_ =	shalt  }
0x59: {  	_ =	shalt  }
0x5a: {  	_ =	shalt  }
0x5b: {  	_ =	shalt  }
0x5c: {  	_ =	shalt  }
0x5d: {  	_ =	shalt  }
0x5e: {  	_ =	shalt  }
0x5f: {  	_ =	shalt  }
0x60: {  	_ =	shalt  }
0x61: {  	_ =	shalt  }
0x62: {  	_ =	shalt  }
0x63: {  	_ =	shalt  }
0x64: {  	_ =	shalt  }
0x65: {  	_ =	shalt  }
0x66: {  	_ =	shalt  }
0x67: {  	_ =	shalt  }
0x68: {  	_ =	shalt  }
0x69: {  	_ =	shalt  }
0x6a: {  	_ =	shalt  }
0x6b: {  	_ =	shalt  }
0x6c: {  	_ =	shalt  }
0x6d: {  	_ =	shalt  }
0x6e: {  	_ =	shalt  }
0x6f: {  	_ =	shalt  }
0x70: {  	_ =	shalt  }
0x71: {  	_ =	shalt  }
0x72: {  	_ =	shalt  }
0x73: {  	_ =	shalt  }
0x74: {  	_ =	shalt  }
0x75: {  	_ =	shalt  }
0x76: {  	_ =	shalt  }
0x77: {  	_ =	shalt  }
0x78: {  	_ =	shalt  }
0x79: {  	_ =	shalt  }
0x7a: {  	_ =	shalt  }
0x7b: {  	_ =	shalt  }
0x7c: {  	_ =	shalt  }
0x7d: {  	_ =	shalt  }
0x7e: {  	_ =	shalt  }
0x7f: {  	_ =	shalt  }
0x80: {  	_ =	shalt  }
0x81: {  	_ =	shalt  }
0x82: {  	_ =	shalt  }
0x83: {  	_ =	shalt  }
0x84: {  	_ =	shalt  }
0x85: {  	_ =	shalt  }
0x86: {  	_ =	shalt  }
0x87: {  	_ =	shalt  }
.Lfunc_end0:
.L_simem_size_0:
called_computation.5_lowered:
.L_overlay_start_0:
0x88: {  	s2 =	sld [smem:$0x3FD9]  }
0x89: {  	s3 =	sld [smem:$0x3FFE];
	_ =	sdelay $0x1  }
0x8a: {  	s1 =	srdreg.scid  }
0x8b: {  	s0 =	sand.u32 $0x1, s1  }
0x8c: {  	s14 =	sshll.u32 s0, $0xA;
	s2 =	sadd.s32 s3, s2  }
0x8d: {  	s2 =	sadd.s32 s2, s14  }
0x8e: {  	[smem:$0x3FC2] =	sst s2  }
0x8f: {  	_ = 	snop  }
0x90: {  	s2 =	sld [smem:$0x3FD0];
	_ =	sdelay $0x2  }
0x91: {  	s15 =	simm.s32 $0xC;
	s4 =	simm.s32 $0x10  }
0x92: {  	[smem:s4], [sflag:s15] =	dma.local [hbm:s2], $0x1  }
0x93: {  	_ =	swait.eq [sflag:s15], $0x1  }
0x94: {  	[sflag:s15] =	ssyncset.done $0x0  }
0x95: {  	[sflag:s15] =	ssyncadd.s32 $0xFFFFFFFF  }
0x96: {  	s16 =	sld [smem:$0x10];
	(tm) =	ssettm $0x1  }
0x97: {  	s17 =	sld [smem:$0x3FFB];
	_ =	sdelay $0x3  }
0x98: {  	_ =	strace s17  }
0x99: {  	s3 =	sld [smem:$0x3FFC];
	_ =	sdelay $0x3  }
0x9a: {  	_ =	strace s3  }
0x9b: {  	s3 =	sld [smem:$0x3FFD];
	_ =	sdelay $0x3  }
0x9c: {  	_ =	strace s3  }
0x9d: {  	_ =	strace $0x8FFFFFFF  }
0x9e: {  	s18 =	sld [smem:$0x3FDB];
	_ =	sdelay $0x1  }
0x9f: {  	s19 =	simm.s32 $_scs_section_size  }
0xa0: {  	s5 =	simm.s32 $_size__tile_overlayer_lowered;
	s6 =	simm.s32 $_tile_overlayer_lowered  }
0xa1: {  	s22 =	simm.s32 $0x1BFF;
	s21 =	sshll.u32 s6, $0x1;
	s3 =	sadd.s32 s19, s18  }
0xa2: {  	s7 =	simm.s32 $0x0;
	s20 =	sshll.u32 s5, $0x1;
	s5 =	sadd.s32 s21, s3  }
0xa3: {  	[timem:s7], [sflag:s22] =	dma.local [hbm:s5], s20  }
0xa4: {  	_ =	swait.ge [sflag:s22], s20  }
0xa5: {  	s4 =	ssub.s32 $0x0, s20;
	[sflag:s22] =	ssyncset.done $0x0  }
0xa6: {  	[sflag:s22] =	ssyncadd.s32 s4;
	_ =	sdelay $0x1  }
0xa7: {  	s23 =	simm.s32 $0x1B8B  }
0xa8: {  	_ =	swait.ge [sflag:s23], $0x1  }
0xa9: {  	[sflag:s23] =	ssyncset.done $0x0  }
0xaa: {  	s25 =	simm.s32 $0x1B8E;
	s24 =	sld [smem:$0x3FFE];
	[sflag:s23] =	ssyncadd.s32 $0xFFFFFFFF  }
0xab: {  	s26 =	simm.s32 $execute0_lowered;
	[smem:$0x3FD2] =	sst s25  }
0xac: {  	s5 =	sshll.u32 s26, $0x1;
	_ =	strace $0x80000055;
	[dreg:$0x1] =	wrdreg $0xFFFFFFFF  }
0xad: {  	s28 =	simm.s32 $_size_execute0_lowered;
	s3 =	sadd.s32 s3, s5;
	[dreg:$0x0] =	wrdreg $0x0  }
0xae: {  	s5 =	sshll.u32 s28, $0x1;
	[dreg:$0x2] =	wrdreg s3  }
0xaf: {  	[dreg:$0x3] =	wrdreg s5  }
0xb0: {  	[dreg:$0x4] =	wrdreg $0xC0  }
0xb1: {  	_ =	task [dreg:s7], $0x5FFFF  }
0xb2: {  	[dreg:$0x1] =	wrdreg $0xFFFFFFFF  }
0xb3: {  	[dreg:$0x0] =	wrdreg $0x60  }
0xb4: {  	[dreg:$0x2] =	wrdreg s24  }
0xb5: {  	[dreg:$0x3] =	wrdreg s16  }
0xb6: {  	[dreg:$0x4] =	wrdreg $0x9  }
0xb7: {  	_ =	task.clear_ibuf [dreg:s7], $0x5FFFF;
	_ =	strace $0x90000055  }
0xb8: {  	s29 =	simm.s32 $0x9;
	_ =	strace $0x80000057  }
0xb9: {  	_ =	swait.ge [sflag:s29], $0x1  }
0xba: {  	[sflag:s29] =	ssyncadd.s32 $0xFFFFFFFF  }
0xbb: {  	_ =	strace $0x90000057  }
0xbc: {  	_ =	sfence  }
0xbd: {  	s30 =	sld [smem:$0x0];
	_ =	sdelay $0x2  }
0xbe: {  	s31 =	sshll.u32 s1, $0xD;
	s1 =	sshrl.u32 s1, $0x2  }
0xbf: {  	s3 =	sand.u32 $0x4000, s31;
	s1 =	sadd.s32 s1, s30  }
0xc0: {  	s0 =	sor.u32 s3, s0;
	s1 =	sshll.u32 s1, $0x11  }
0xc1: {  	s0 =	sor.u32 s1, s0  }
0xc2: {  	s0 =	sadd.s32 $0x8F2B, s0  }
0xc3: {  	[sflag:s0] =	ssyncadd.remote.s32 $0x1  }
0xc4: {  	_ =	sfence.sel $0xFFFF  }
0xc5: {  	[dreg:$0x0] =	wrdreg $0xFFFFFFFF;
	(pc) =	sbr.abs _section_cstart, $3  }
0xc6: {  	[dreg:$0x1] =	wrdreg $0xFFFFFFFF  }
0xc7: {  	_ =	task.clear_ibuf [dreg:s7], $0x2FFFF;
	_ =	strace $0x9FFFFFFF  }
0xc8: {  	(tm) =	ssettm $0x7FFFFFFF  }
0xc9: {  	_ =	shalt  }
tec
execute0_lowered:
.L_overlay_start_1:
0x0: {  	(tag) =	ssettag $0x1  }
0x1: {  	s0 =	rddreg [dreg:$0x0]  }
0x2: {  	s2 =	rddreg [dreg:$0x1];
	s1 =	simm.s32 $0x0;
	s4 =	srdreg.scid  }
0x3: {  	s6 =	stileid.u32;
	s13 =	simm.s32 $0x2;
	s28 =	simm.s32 $0x1  }
0x4: {  	s30 =	simm.s32 $0x6900;
	s31 =	simm.s32 $0x7100;
	s14 =	simm.s32 $0x8900  }
0x5: {  	s15 =	simm.s32 $0x9100;
	s16 =	simm.s32 $0x9900;
	s17 =	simm.s32 $0xA100  }
0x6: {  	s18 =	simm.s32 $0xA900;
	s19 =	simm.s32 $0xB100;
	s20 =	simm.s32 $0xB900  }
0x7: {  	s21 =	simm.s32 $0xC100;
	s22 =	simm.s32 $0x0;
	[smem:$0x7FF] =	sst s1  }
0x8: {  	s3 =	sadd.s32 $0x800, s0;
	s4 =	sand.u32 $0x1, s4;
	s6 =	sshll.u32 s6, $0x4  }
0x9: {  	s9 =	sadd.s32 $0x600, s0;
	s5 =	ssub.s32 $0x2, s4;
	s4 =	sshll.u32 s4, $0x3  }
0xa: {  	_ =	strace $0x80000056;
	s7 =	sshrl.u32 s5, $0x1;
	s6 =	sor.u32 s4, s6  }
0xb: {  	s4 =	sadd.s32 s9, s6;
	s8 =	smul.u32 $0x300, s6;
	s10 =	sor.u32 $0x4, s6  }
0xc: {  	s12 =	ssub.s32 s5, s7;
	s6 =	sadd.s32 $0x900, s0;
	s7 =	sadd.s32 $0xA00, s0  }
0xd: {  	v2 =	vlaneseq.u32;
	s0 =	simm.s32 $0x7900;
	s5 =	sadd.s32 $0x100, s4;
	s11 =	smul.u32 $0x300, s10  }
0xe: {  	vm0 =	vmmov $0xffff;
	v1 =	vshrl.u32 v2, $0x3;
	s9 =	sadd.s32 s9, s10;
	s10 =	sadd.s32 $0x104, s4;
	s12 =	smax.u32 s12, $0x1  }
0xf: {  	v0 =	vand.u32 $0x7, v2;
	v2 =	vor.u32 $0x8, v2;
	v1 =	vmul.u32 $0x8, v1;
	s8 =	sadd.s32 s2, s8;
	s11 =	sadd.s32 s2, s11;
	s2 =	simm.s32 $0x8100  }
.LBB2_1:
0x10: {  	[tilespmem:s1], [sflag:$0x2] =	stream.linear.gather [hbm4b:s4+s1], $0x20, $0x38;
	[tilespmem:$0x12100] =	vst v63  }
0x11: {  	_ =	swait.ge [sflag:s13], $0x20  }
0x12: {  	[sflag:s13] =	ssyncset.done $0x0  }
0x13: {  	s23 =	simm.s32 $0x80;
	[sflag:s13] =	ssyncadd.s32 $0xFFFFFFE0  }
0x14: {  	[tilespmem:s23], [sflag:$0x2] =	stream.linear.gather [hbm4b:s5+s1], $0x20, $0x38;
	[tilespmem:$0x12100] =	vst v63  }
0x15: {  	_ =	swait.ge [sflag:s13], $0x20  }
0x16: {  	[sflag:s13] =	ssyncset.done $0x0  }
0x17: {  	[sflag:s13] =	ssyncadd.s32 $0xFFFFFFE0  }
0x18: {  	v3 =	vld [tilespmem:$0x0];
	_ =	sdelay $0x4  }
0x19: {  	v4 =	vshrl.u32 v3, $0x3  }
0x1a: {  	v4 =	vmul.u32 $0x30, v4  }
0x1b: {  	v3 =	vand.u32 $0x7, v3  }
0x1c: {  	v3 =	vor.u32 v3, v4  }
0x1d: {  	v4 =	vperm.xlane v3, v0;
	_ =	sdelay $0x1  }
0x1e: {  	v4 =	vadd.s32 v1, v4;
	_ =	sdelay $0x3  }
0x1f: {  	s25 =	simm.s32 $0x100;
	v3 =	vperm.xlane v3, v2  }
0x20: {  	[tilespmem:s25], [sflag:$0x1] =	stream.indirect_vreg.gather [hbm4b:s3+s1], $0x80, v4, vm0, $0xb8;
	[tilespmem:$0x12100] =	vst v63  }
0x21: {  	s26 =	simm.s32 $0x900;
	v3 =	vadd.s32 v1, v3  }
0x22: {  	[tilespmem:s26], [sflag:$0x1] =	stream.indirect_vreg.gather [hbm4b:s6+s1], $0x80, v4, vm0, $0xb8;
	[tilespmem:$0x12100] =	vst v63  }
0x23: {  	s29 =	simm.s32 $0x1100  }
0x24: {  	[tilespmem:s29], [sflag:$0x1] =	stream.indirect_vreg.gather [hbm4b:s7+s1], $0x80, v4, vm0, $0xb8;
	[tilespmem:$0x12100] =	vst v63  }
0x25: {  	s24 =	simm.s32 $0x1900  }
0x26: {  	[tilespmem:s24], [sflag:$0x1] =	stream.indirect_vreg.gather [hbm4b:s3+s1], $0x80, v3, vm0, $0xb8;
	[tilespmem:$0x12100] =	vst v63  }
0x27: {  	s25 =	simm.s32 $0x2100  }
0x28: {  	[tilespmem:s25], [sflag:$0x1] =	stream.indirect_vreg.gather [hbm4b:s6+s1], $0x80, v3, vm0, $0xb8;
	[tilespmem:$0x12100] =	vst v63  }
0x29: {  	s26 =	simm.s32 $0x2900  }
0x2a: {  	[tilespmem:s26], [sflag:$0x1] =	stream.indirect_vreg.gather [hbm4b:s7+s1], $0x80, v3, vm0, $0xb8;
	[tilespmem:$0x12100] =	vst v63  }
0x2b: {  	v3 =	vld [tilespmem:$0x10];
	_ =	sdelay $0x4  }
0x2c: {  	v4 =	vshrl.u32 v3, $0x3  }
0x2d: {  	v4 =	vmul.u32 $0x30, v4  }
0x2e: {  	v3 =	vand.u32 $0x7, v3  }
0x2f: {  	v3 =	vor.u32 v3, v4  }
0x30: {  	v4 =	vperm.xlane v3, v0;
	_ =	sdelay $0x1  }
0x31: {  	v4 =	vadd.s32 v1, v4;
	_ =	sdelay $0x3  }
0x32: {  	s29 =	simm.s32 $0x3100;
	v3 =	vperm.xlane v3, v2  }
0x33: {  	[tilespmem:s29], [sflag:$0x1] =	stream.indirect_vreg.gather [hbm4b:s3+s1], $0x80, v4, vm0, $0xb8;
	[tilespmem:$0x12100] =	vst v63  }
0x34: {  	s24 =	simm.s32 $0x3900;
	v3 =	vadd.s32 v1, v3  }
0x35: {  	[tilespmem:s24], [sflag:$0x1] =	stream.indirect_vreg.gather [hbm4b:s6+s1], $0x80, v4, vm0, $0xb8;
	[tilespmem:$0x12100] =	vst v63  }
0x36: {  	s25 =	simm.s32 $0x4100  }
0x37: {  	[tilespmem:s25], [sflag:$0x1] =	stream.indirect_vreg.gather [hbm4b:s7+s1], $0x80, v4, vm0, $0xb8;
	[tilespmem:$0x12100] =	vst v63  }
0x38: {  	s26 =	simm.s32 $0x4900  }
0x39: {  	[tilespmem:s26], [sflag:$0x1] =	stream.indirect_vreg.gather [hbm4b:s3+s1], $0x80, v3, vm0, $0xb8;
	[tilespmem:$0x12100] =	vst v63  }
0x3a: {  	s29 =	simm.s32 $0x5100  }
0x3b: {  	[tilespmem:s29], [sflag:$0x1] =	stream.indirect_vreg.gather [hbm4b:s6+s1], $0x80, v3, vm0, $0xb8;
	[tilespmem:$0x12100] =	vst v63  }
0x3c: {  	s24 =	simm.s32 $0x5900  }
0x3d: {  	[tilespmem:s24], [sflag:$0x1] =	stream.indirect_vreg.gather [hbm4b:s7+s1], $0x80, v3, vm0, $0xb8;
	[tilespmem:$0x12100] =	vst v63  }
0x3e: {  	_ =	swait.ge [sflag:s28], $0x6000  }
0x3f: {  	[sflag:s28] =	ssyncset.done $0x0  }
0x40: {  	[sflag:s28] =	ssyncadd.s32 $0xFFFFA000  }
0x41: {  	v3 =	vld [tilespmem:$0x80];
	_ =	sdelay $0x4  }
0x42: {  	v4 =	vshrl.u32 v3, $0x3  }
0x43: {  	v4 =	vmul.u32 $0x30, v4  }
0x44: {  	v3 =	vand.u32 $0x7, v3  }
0x45: {  	v3 =	vor.u32 v3, v4  }
0x46: {  	v4 =	vperm.xlane v3, v0;
	_ =	sdelay $0x1  }
0x47: {  	v4 =	vadd.s32 v1, v4;
	_ =	sdelay $0x3  }
0x48: {  	s25 =	simm.s32 $0x6100;
	v3 =	vperm.xlane v3, v2  }
0x49: {  	[tilespmem:s25], [sflag:$0x1] =	stream.indirect_vreg.gather [hbm4b:s3+s1], $0x80, v4, vm0, $0xb8;
	[tilespmem:$0x12100] =	vst v63  }
0x4a: {  	v3 =	vadd.s32 v1, v3  }
0x4b: {  	[tilespmem:s30], [sflag:$0x1] =	stream.indirect_vreg.gather [hbm4b:s6+s1], $0x80, v4, vm0, $0xb8;
	[tilespmem:$0x12100] =	vst v63  }
0x4c: {  	_ = 	snop  }
0x4d: {  	[tilespmem:s31], [sflag:$0x1] =	stream.indirect_vreg.gather [hbm4b:s7+s1], $0x80, v4, vm0, $0xb8;
	[tilespmem:$0x12100] =	vst v63  }
0x4e: {  	_ = 	snop  }
0x4f: {  	[tilespmem:s0], [sflag:$0x1] =	stream.indirect_vreg.gather [hbm4b:s3+s1], $0x80, v3, vm0, $0xb8;
	[tilespmem:$0x12100] =	vst v63  }
0x50: {  	_ = 	snop  }
0x51: {  	[tilespmem:s2], [sflag:$0x1] =	stream.indirect_vreg.gather [hbm4b:s6+s1], $0x80, v3, vm0, $0xb8;
	[tilespmem:$0x12100] =	vst v63  }
0x52: {  	_ = 	snop  }
0x53: {  	[tilespmem:s14], [sflag:$0x1] =	stream.indirect_vreg.gather [hbm4b:s7+s1], $0x80, v3, vm0, $0xb8;
	[tilespmem:$0x12100] =	vst v63  }
0x54: {  	v3 =	vld [tilespmem:$0x90];
	_ =	sdelay $0x4  }
0x55: {  	v4 =	vshrl.u32 v3, $0x3  }
0x56: {  	v4 =	vmul.u32 $0x30, v4  }
0x57: {  	v3 =	vand.u32 $0x7, v3  }
0x58: {  	v3 =	vor.u32 v3, v4  }
0x59: {  	v4 =	vperm.xlane v3, v0;
	_ =	sdelay $0x1  }
0x5a: {  	v4 =	vadd.s32 v1, v4;
	_ =	sdelay $0x3  }
0x5b: {  	v3 =	vperm.xlane v3, v2  }
0x5c: {  	[tilespmem:s15], [sflag:$0x1] =	stream.indirect_vreg.gather [hbm4b:s3+s1], $0x80, v4, vm0, $0xb8;
	[tilespmem:$0x12100] =	vst v63  }
0x5d: {  	v3 =	vadd.s32 v1, v3  }
0x5e: {  	[tilespmem:s16], [sflag:$0x1] =	stream.indirect_vreg.gather [hbm4b:s6+s1], $0x80, v4, vm0, $0xb8;
	[tilespmem:$0x12100] =	vst v63  }
0x5f: {  	_ = 	snop  }
0x60: {  	[tilespmem:s17], [sflag:$0x1] =	stream.indirect_vreg.gather [hbm4b:s7+s1], $0x80, v4, vm0, $0xb8;
	[tilespmem:$0x12100] =	vst v63  }
0x61: {  	_ = 	snop  }
0x62: {  	[tilespmem:s18], [sflag:$0x1] =	stream.indirect_vreg.gather [hbm4b:s3+s1], $0x80, v3, vm0, $0xb8;
	[tilespmem:$0x12100] =	vst v63  }
0x63: {  	_ = 	snop  }
0x64: {  	[tilespmem:s19], [sflag:$0x1] =	stream.indirect_vreg.gather [hbm4b:s6+s1], $0x80, v3, vm0, $0xb8;
	[tilespmem:$0x12100] =	vst v63  }
0x65: {  	s26 =	simm.s32 $0x0  }
0x66: {  	[tilespmem:s20], [sflag:$0x1] =	stream.indirect_vreg.gather [hbm4b:s7+s1], $0x80, v3, vm0, $0xb8;
	[tilespmem:$0x12100] =	vst v63  }
0x67: {  	s23 =	smul.u32 $0x1800, s26;
	_ =	swait.ge [sflag:s28], $0x6000  }
0x68: {  	s24 =	sand.u32 $0x380, s1;
	[sflag:s28] =	ssyncset.done $0x0  }
0x69: {  	s23 =	sor.u32 s24, s23;
	[sflag:s28] =	ssyncadd.s32 $0xFFFFA000  }
0x6a: {  	v3 =	vld [tilespmem:s23+$0x1570]  }
0x6b: {  	v4 =	vld [tilespmem:s23+$0x7570]  }
0x6c: {  	v5 =	vld [tilespmem:s23+$0x100]  }
0x6d: {  	v6 =	vld [tilespmem:s23+$0x6100]  }
0x6e: {  	v7 =	vld [tilespmem:s23+$0x110]  }
0x6f: {  	v8 =	vld [tilespmem:s23+$0x6110]  }
0x70: {  	v9 =	vld [tilespmem:s23+$0x120]  }
0x71: {  	v10 =	vld [tilespmem:s23+$0x130]  }
0x72: {  	v11 =	vld [tilespmem:s23+$0x7520];
	v3 =	vadd.f32 v4, v3  }
0x73: {  	v4 =	vld [tilespmem:s23+$0x6120]  }
0x74: {  	v5 =	vadd.f32 v6, v5;
	[tilespmem:s23+$0xD570] =	vst v3;
	v3 =	vld [tilespmem:s23+$0x6130]  }
0x75: {  	v6 =	vld [tilespmem:s23+$0x140]  }
0x76: {  	[tilespmem:s23+$0xC100] =	vst v5;
	v5 =	vadd.f32 v8, v7;
	v7 =	vld [tilespmem:s23+$0x6140]  }
0x77: {  	v8 =	vld [tilespmem:s23+$0x6150]  }
0x78: {  	[tilespmem:s23+$0xC110] =	vst v5;
	v5 =	vld [tilespmem:s23+$0x150];
	v4 =	vadd.f32 v4, v9  }
0x79: {  	v9 =	vld [tilespmem:s23+$0x6160];
	v3 =	vadd.f32 v3, v10  }
0x7a: {  	[tilespmem:s23+$0xC120] =	vst v4;
	v4 =	vld [tilespmem:s23+$0x160]  }
0x7b: {  	[tilespmem:s23+$0xC130] =	vst v3;
	v3 =	vadd.f32 v7, v6;
	v6 =	vld [tilespmem:s23+$0x170]  }
0x7c: {  	v7 =	vld [tilespmem:s23+$0x6170]  }
0x7d: {  	[tilespmem:s23+$0xC140] =	vst v3;
	v3 =	vadd.f32 v8, v5;
	v5 =	vld [tilespmem:s23+$0x500]  }
0x7e: {  	v8 =	vld [tilespmem:s23+$0x6500]  }
0x7f: {  	[tilespmem:s23+$0xC150] =	vst v3;
	v3 =	vadd.f32 v9, v4;
	v4 =	vld [tilespmem:s23+$0x510]  }
0x80: {  	v9 =	vld [tilespmem:s23+$0x6510]  }
0x81: {  	[tilespmem:s23+$0xC160] =	vst v3;
	v3 =	vadd.f32 v7, v6;
	v6 =	vld [tilespmem:s23+$0x520]  }
0x82: {  	v7 =	vld [tilespmem:s23+$0x6520]  }
0x83: {  	[tilespmem:s23+$0xC170] =	vst v3;
	v3 =	vadd.f32 v8, v5;
	v5 =	vld [tilespmem:s23+$0x530]  }
0x84: {  	v8 =	vld [tilespmem:s23+$0x6530]  }
0x85: {  	[tilespmem:s23+$0xC500] =	vst v3;
	v3 =	vadd.f32 v9, v4;
	v4 =	vld [tilespmem:s23+$0x540]  }
0x86: {  	v9 =	vld [tilespmem:s23+$0x6540]  }
0x87: {  	[tilespmem:s23+$0xC510] =	vst v3;
	v3 =	vadd.f32 v7, v6;
	v6 =	vld [tilespmem:s23+$0x550]  }
0x88: {  	v7 =	vld [tilespmem:s23+$0x6550]  }
0x89: {  	[tilespmem:s23+$0xC520] =	vst v3;
	v3 =	vadd.f32 v8, v5;
	v5 =	vld [tilespmem:s23+$0x560]  }
0x8a: {  	v8 =	vld [tilespmem:s23+$0x6560]  }
0x8b: {  	[tilespmem:s23+$0xC530] =	vst v3;
	v3 =	vadd.f32 v9, v4;
	v4 =	vld [tilespmem:s23+$0x570]  }
0x8c: {  	v9 =	vld [tilespmem:s23+$0x6570]  }
0x8d: {  	[tilespmem:s23+$0xC540] =	vst v3;
	v3 =	vadd.f32 v7, v6;
	v6 =	vld [tilespmem:s23+$0x900]  }
0x8e: {  	v7 =	vld [tilespmem:s23+$0x6900]  }
0x8f: {  	[tilespmem:s23+$0xC550] =	vst v3;
	v3 =	vadd.f32 v8, v5;
	v5 =	vld [tilespmem:s23+$0x910]  }
0x90: {  	v8 =	vld [tilespmem:s23+$0x6910]  }
0x91: {  	[tilespmem:s23+$0xC560] =	vst v3;
	v3 =	vadd.f32 v9, v4;
	v4 =	vld [tilespmem:s23+$0x920]  }
0x92: {  	v9 =	vld [tilespmem:s23+$0x6920]  }
0x93: {  	[tilespmem:s23+$0xC570] =	vst v3;
	v3 =	vadd.f32 v7, v6;
	v6 =	vld [tilespmem:s23+$0x930]  }
0x94: {  	v7 =	vld [tilespmem:s23+$0x6930]  }
0x95: {  	[tilespmem:s23+$0xC900] =	vst v3;
	v3 =	vadd.f32 v8, v5;
	v5 =	vld [tilespmem:s23+$0x940]  }
0x96: {  	v8 =	vld [tilespmem:s23+$0x6940]  }
0x97: {  	[tilespmem:s23+$0xC910] =	vst v3;
	v3 =	vadd.f32 v9, v4;
	v4 =	vld [tilespmem:s23+$0x950]  }
0x98: {  	v9 =	vld [tilespmem:s23+$0x6950]  }
0x99: {  	[tilespmem:s23+$0xC920] =	vst v3;
	v3 =	vadd.f32 v7, v6;
	v6 =	vld [tilespmem:s23+$0x960]  }
0x9a: {  	v7 =	vld [tilespmem:s23+$0x6960]  }
0x9b: {  	[tilespmem:s23+$0xC930] =	vst v3;
	v3 =	vadd.f32 v8, v5;
	v5 =	vld [tilespmem:s23+$0x970]  }
0x9c: {  	v8 =	vld [tilespmem:s23+$0x6970]  }
0x9d: {  	[tilespmem:s23+$0xC940] =	vst v3;
	v3 =	vadd.f32 v9, v4;
	v4 =	vld [tilespmem:s23+$0xD00]  }
0x9e: {  	v9 =	vld [tilespmem:s23+$0x6D00]  }
0x9f: {  	[tilespmem:s23+$0xC950] =	vst v3;
	v3 =	vadd.f32 v7, v6;
	v6 =	vld [tilespmem:s23+$0xD10]  }
0xa0: {  	v7 =	vld [tilespmem:s23+$0x6D10]  }
0xa1: {  	[tilespmem:s23+$0xC960] =	vst v3;
	v3 =	vadd.f32 v8, v5;
	v5 =	vld [tilespmem:s23+$0xD20]  }
0xa2: {  	v8 =	vld [tilespmem:s23+$0x6D20]  }
0xa3: {  	[tilespmem:s23+$0xC970] =	vst v3;
	v3 =	vadd.f32 v9, v4;
	v4 =	vld [tilespmem:s23+$0xD30]  }
0xa4: {  	v9 =	vld [tilespmem:s23+$0x6D30]  }
0xa5: {  	[tilespmem:s23+$0xCD00] =	vst v3;
	v3 =	vadd.f32 v7, v6;
	v6 =	vld [tilespmem:s23+$0xD40]  }
0xa6: {  	v7 =	vld [tilespmem:s23+$0x6D40]  }
0xa7: {  	[tilespmem:s23+$0xCD10] =	vst v3;
	v3 =	vadd.f32 v8, v5;
	v5 =	vld [tilespmem:s23+$0xD50]  }
0xa8: {  	v8 =	vld [tilespmem:s23+$0x6D50]  }
0xa9: {  	[tilespmem:s23+$0xCD20] =	vst v3;
	v3 =	vadd.f32 v9, v4;
	v4 =	vld [tilespmem:s23+$0xD60]  }
0xaa: {  	v9 =	vld [tilespmem:s23+$0x6D60]  }
0xab: {  	[tilespmem:s23+$0xCD30] =	vst v3;
	v3 =	vadd.f32 v7, v6;
	v6 =	vld [tilespmem:s23+$0xD70]  }
0xac: {  	v7 =	vld [tilespmem:s23+$0x6D70]  }
0xad: {  	[tilespmem:s23+$0xCD40] =	vst v3;
	v3 =	vadd.f32 v8, v5;
	v5 =	vld [tilespmem:s23+$0x1100]  }
0xae: {  	v8 =	vld [tilespmem:s23+$0x7100]  }
0xaf: {  	[tilespmem:s23+$0xCD50] =	vst v3;
	v3 =	vadd.f32 v9, v4;
	v4 =	vld [tilespmem:s23+$0x1110]  }
0xb0: {  	v9 =	vld [tilespmem:s23+$0x7110]  }
0xb1: {  	[tilespmem:s23+$0xCD60] =	vst v3;
	v3 =	vadd.f32 v7, v6;
	v6 =	vld [tilespmem:s23+$0x1120]  }
0xb2: {  	v7 =	vld [tilespmem:s23+$0x7120]  }
0xb3: {  	[tilespmem:s23+$0xCD70] =	vst v3;
	v3 =	vadd.f32 v8, v5;
	v5 =	vld [tilespmem:s23+$0x1130]  }
0xb4: {  	v8 =	vld [tilespmem:s23+$0x7130]  }
0xb5: {  	[tilespmem:s23+$0xD100] =	vst v3;
	v3 =	vadd.f32 v9, v4;
	v4 =	vld [tilespmem:s23+$0x1140]  }
0xb6: {  	v9 =	vld [tilespmem:s23+$0x7140]  }
0xb7: {  	[tilespmem:s23+$0xD110] =	vst v3;
	v3 =	vadd.f32 v7, v6;
	v6 =	vld [tilespmem:s23+$0x1150]  }
0xb8: {  	v7 =	vld [tilespmem:s23+$0x7150]  }
0xb9: {  	[tilespmem:s23+$0xD120] =	vst v3;
	v3 =	vadd.f32 v8, v5;
	v5 =	vld [tilespmem:s23+$0x1160]  }
0xba: {  	v8 =	vld [tilespmem:s23+$0x7160]  }
0xbb: {  	[tilespmem:s23+$0xD130] =	vst v3;
	v3 =	vadd.f32 v9, v4;
	v4 =	vld [tilespmem:s23+$0x1170]  }
0xbc: {  	v9 =	vld [tilespmem:s23+$0x7170]  }
0xbd: {  	[tilespmem:s23+$0xD140] =	vst v3;
	v3 =	vadd.f32 v7, v6;
	v6 =	vld [tilespmem:s23+$0x1500]  }
0xbe: {  	v7 =	vld [tilespmem:s23+$0x7500]  }
0xbf: {  	v10 =	vld [tilespmem:s23+$0x7510];
	[tilespmem:s23+$0xD150] =	vst v3;
	v3 =	vadd.f32 v8, v5  }
0xc0: {  	v8 =	vld [tilespmem:s23+$0x1510]  }
0xc1: {  	[tilespmem:s23+$0xD160] =	vst v3;
	v3 =	vadd.f32 v9, v4;
	v9 =	vld [tilespmem:s23+$0x1520]  }
0xc2: {  	v5 =	vld [tilespmem:s23+$0x1530]  }
0xc3: {  	[tilespmem:s23+$0xD170] =	vst v3;
	v3 =	vadd.f32 v7, v6;
	v7 =	vld [tilespmem:s23+$0x7530]  }
0xc4: {  	v6 =	vld [tilespmem:s23+$0x7540]  }
0xc5: {  	v4 =	vadd.f32 v10, v8;
	[tilespmem:s23+$0xD500] =	vst v3;
	v3 =	vld [tilespmem:s23+$0x1540]  }
0xc6: {  	s29 =	simm.s32 $0x0;
	v8 =	vld [tilespmem:s23+$0x7550];
	v9 =	vadd.f32 v11, v9  }
0xc7: {  	s26 =	smul.u32 $0x1800, s29;
	s24 =	simm.s32 $0x80;
	s25 =	simm.s32 $0x2;
	[tilespmem:s23+$0xD510] =	vst v4;
	v4 =	vld [tilespmem:s23+$0x1550]  }
.LBB2_2:
0xc8: {  	p0 =	sne.s32 s25, $0x1F;
	s29 =	sand.u32 $0x380, s24;
	[tilespmem:s23+$0xD520] =	vst v9;
	v5 =	vadd.f32 v7, v5;
	v7 =	vld [tilespmem:s23+$0x1560]  }
0xc9: {  	s26 =	sor.u32 s29, s26;
	v9 =	vld [tilespmem:s23+$0x7560]  }
0xca: {  	v10 =	vld [tilespmem:s26+$0x1570];
	[tilespmem:s23+$0xD530] =	vst v5;
	v3 =	vadd.f32 v6, v3  }
0xcb: {  	v5 =	vld [tilespmem:s26+$0x7570]  }
0xcc: {  	v6 =	vld [tilespmem:s26+$0x100];
	[tilespmem:s23+$0xD540] =	vst v3;
	v3 =	vadd.f32 v8, v4  }
0xcd: {  	v4 =	vld [tilespmem:s26+$0x6100]  }
0xce: {  	v8 =	vld [tilespmem:s26+$0x110];
	[tilespmem:s23+$0xD550] =	vst v3;
	v3 =	vadd.f32 v9, v7  }
0xcf: {  	v7 =	vld [tilespmem:s26+$0x6110]  }
0xd0: {  	v9 =	vld [tilespmem:s26+$0x120];
	v5 =	vadd.f32 v5, v10;
	[tilespmem:s23+$0xD560] =	vst v3;
	s23 =	smov.u32 s26  }
0xd1: {  	v3 =	vld [tilespmem:s23+$0x6120]  }
0xd2: {  	v4 =	vadd.f32 v4, v6;
	v6 =	vld [tilespmem:s23+$0x130];
	[tilespmem:s23+$0xD570] =	vst v5  }
0xd3: {  	v5 =	vld [tilespmem:s23+$0x6130]  }
0xd4: {  	[tilespmem:s23+$0xC100] =	vst v4;
	v4 =	vadd.f32 v7, v8;
	v7 =	vld [tilespmem:s23+$0x140]  }
0xd5: {  	v8 =	vld [tilespmem:s23+$0x6140]  }
0xd6: {  	[tilespmem:s23+$0xC110] =	vst v4;
	v3 =	vadd.f32 v3, v9;
	v4 =	vld [tilespmem:s23+$0x150]  }
0xd7: {  	v9 =	vld [tilespmem:s23+$0x6150]  }
0xd8: {  	[tilespmem:s23+$0xC120] =	vst v3;
	v3 =	vadd.f32 v5, v6;
	v5 =	vld [tilespmem:s23+$0x160]  }
0xd9: {  	v6 =	vld [tilespmem:s23+$0x6160]  }
0xda: {  	[tilespmem:s23+$0xC130] =	vst v3;
	v3 =	vadd.f32 v8, v7;
	v7 =	vld [tilespmem:s23+$0x170]  }
0xdb: {  	v8 =	vld [tilespmem:s23+$0x6170]  }
0xdc: {  	[tilespmem:s23+$0xC140] =	vst v3;
	v3 =	vadd.f32 v9, v4;
	v4 =	vld [tilespmem:s23+$0x500]  }
0xdd: {  	v9 =	vld [tilespmem:s23+$0x6500]  }
0xde: {  	[tilespmem:s23+$0xC150] =	vst v3;
	v3 =	vadd.f32 v6, v5;
	v5 =	vld [tilespmem:s23+$0x510]  }
0xdf: {  	v6 =	vld [tilespmem:s23+$0x6510]  }
0xe0: {  	[tilespmem:s23+$0xC160] =	vst v3;
	v3 =	vadd.f32 v8, v7;
	v7 =	vld [tilespmem:s23+$0x520]  }
0xe1: {  	v8 =	vld [tilespmem:s23+$0x6520]  }
0xe2: {  	[tilespmem:s23+$0xC170] =	vst v3;
	v3 =	vadd.f32 v9, v4;
	v4 =	vld [tilespmem:s23+$0x530]  }
0xe3: {  	v9 =	vld [tilespmem:s23+$0x6530]  }
0xe4: {  	[tilespmem:s23+$0xC500] =	vst v3;
	v3 =	vadd.f32 v6, v5;
	v5 =	vld [tilespmem:s23+$0x540]  }
0xe5: {  	v6 =	vld [tilespmem:s23+$0x6540]  }
0xe6: {  	[tilespmem:s23+$0xC510] =	vst v3;
	v3 =	vadd.f32 v8, v7;
	v7 =	vld [tilespmem:s23+$0x550]  }
0xe7: {  	v8 =	vld [tilespmem:s23+$0x6550]  }
0xe8: {  	[tilespmem:s23+$0xC520] =	vst v3;
	v3 =	vadd.f32 v9, v4;
	v4 =	vld [tilespmem:s23+$0x560]  }
0xe9: {  	v9 =	vld [tilespmem:s23+$0x6560]  }
0xea: {  	[tilespmem:s23+$0xC530] =	vst v3;
	v3 =	vadd.f32 v6, v5;
	v5 =	vld [tilespmem:s23+$0x570]  }
0xeb: {  	v6 =	vld [tilespmem:s23+$0x6570]  }
0xec: {  	[tilespmem:s23+$0xC540] =	vst v3;
	v3 =	vadd.f32 v8, v7;
	v7 =	vld [tilespmem:s23+$0x900]  }
0xed: {  	v8 =	vld [tilespmem:s23+$0x6900]  }
0xee: {  	[tilespmem:s23+$0xC550] =	vst v3;
	v3 =	vadd.f32 v9, v4;
	v4 =	vld [tilespmem:s23+$0x910]  }
0xef: {  	v9 =	vld [tilespmem:s23+$0x6910]  }
0xf0: {  	[tilespmem:s23+$0xC560] =	vst v3;
	v3 =	vadd.f32 v6, v5;
	v5 =	vld [tilespmem:s23+$0x920]  }
0xf1: {  	v6 =	vld [tilespmem:s23+$0x6920]  }
0xf2: {  	[tilespmem:s23+$0xC570] =	vst v3;
	v3 =	vadd.f32 v8, v7;
	v7 =	vld [tilespmem:s23+$0x930]  }
0xf3: {  	v8 =	vld [tilespmem:s23+$0x6930]  }
0xf4: {  	[tilespmem:s23+$0xC900] =	vst v3;
	v3 =	vadd.f32 v9, v4;
	v4 =	vld [tilespmem:s23+$0x940]  }
0xf5: {  	v9 =	vld [tilespmem:s23+$0x6940]  }
0xf6: {  	[tilespmem:s23+$0xC910] =	vst v3;
	v3 =	vadd.f32 v6, v5;
	v5 =	vld [tilespmem:s23+$0x950]  }
0xf7: {  	v6 =	vld [tilespmem:s23+$0x6950]  }
0xf8: {  	[tilespmem:s23+$0xC920] =	vst v3;
	v3 =	vadd.f32 v8, v7;
	v7 =	vld [tilespmem:s23+$0x960]  }
0xf9: {  	v8 =	vld [tilespmem:s23+$0x6960]  }
0xfa: {  	[tilespmem:s23+$0xC930] =	vst v3;
	v3 =	vadd.f32 v9, v4;
	v4 =	vld [tilespmem:s23+$0x970]  }
0xfb: {  	v9 =	vld [tilespmem:s23+$0x6970]  }
0xfc: {  	[tilespmem:s23+$0xC940] =	vst v3;
	v3 =	vadd.f32 v6, v5;
	v5 =	vld [tilespmem:s23+$0xD00]  }
0xfd: {  	v6 =	vld [tilespmem:s23+$0x6D00]  }
0xfe: {  	[tilespmem:s23+$0xC950] =	vst v3;
	v3 =	vadd.f32 v8, v7;
	v7 =	vld [tilespmem:s23+$0xD10]  }
0xff: {  	v8 =	vld [tilespmem:s23+$0x6D10]  }
0x100: {  	[tilespmem:s23+$0xC960] =	vst v3;
	v3 =	vadd.f32 v9, v4;
	v4 =	vld [tilespmem:s23+$0xD20]  }
0x101: {  	v9 =	vld [tilespmem:s23+$0x6D20]  }
0x102: {  	[tilespmem:s23+$0xC970] =	vst v3;
	v3 =	vadd.f32 v6, v5;
	v5 =	vld [tilespmem:s23+$0xD30]  }
0x103: {  	v6 =	vld [tilespmem:s23+$0x6D30]  }
0x104: {  	[tilespmem:s23+$0xCD00] =	vst v3;
	v3 =	vadd.f32 v8, v7;
	v7 =	vld [tilespmem:s23+$0xD40]  }
0x105: {  	v8 =	vld [tilespmem:s23+$0x6D40]  }
0x106: {  	[tilespmem:s23+$0xCD10] =	vst v3;
	v3 =	vadd.f32 v9, v4;
	v4 =	vld [tilespmem:s23+$0xD50]  }
0x107: {  	v9 =	vld [tilespmem:s23+$0x6D50]  }
0x108: {  	[tilespmem:s23+$0xCD20] =	vst v3;
	v3 =	vadd.f32 v6, v5;
	v5 =	vld [tilespmem:s23+$0xD60]  }
0x109: {  	v6 =	vld [tilespmem:s23+$0x6D60]  }
0x10a: {  	[tilespmem:s23+$0xCD30] =	vst v3;
	v3 =	vadd.f32 v8, v7;
	v7 =	vld [tilespmem:s23+$0xD70]  }
0x10b: {  	v8 =	vld [tilespmem:s23+$0x6D70]  }
0x10c: {  	[tilespmem:s23+$0xCD40] =	vst v3;
	v3 =	vadd.f32 v9, v4;
	v4 =	vld [tilespmem:s23+$0x1100]  }
0x10d: {  	v9 =	vld [tilespmem:s23+$0x7100]  }
0x10e: {  	[tilespmem:s23+$0xCD50] =	vst v3;
	v3 =	vadd.f32 v6, v5;
	v5 =	vld [tilespmem:s23+$0x1110]  }
0x10f: {  	v6 =	vld [tilespmem:s23+$0x7110]  }
0x110: {  	[tilespmem:s23+$0xCD60] =	vst v3;
	v3 =	vadd.f32 v8, v7;
	v7 =	vld [tilespmem:s23+$0x1120]  }
0x111: {  	v8 =	vld [tilespmem:s23+$0x7120]  }
0x112: {  	[tilespmem:s23+$0xCD70] =	vst v3;
	v3 =	vadd.f32 v9, v4;
	v4 =	vld [tilespmem:s23+$0x1130]  }
0x113: {  	v9 =	vld [tilespmem:s23+$0x7130]  }
0x114: {  	[tilespmem:s23+$0xD100] =	vst v3;
	v3 =	vadd.f32 v6, v5;
	v5 =	vld [tilespmem:s23+$0x1140]  }
0x115: {  	v6 =	vld [tilespmem:s23+$0x7140]  }
0x116: {  	[tilespmem:s23+$0xD110] =	vst v3;
	v3 =	vadd.f32 v8, v7;
	v7 =	vld [tilespmem:s23+$0x1150]  }
0x117: {  	v8 =	vld [tilespmem:s23+$0x7150]  }
0x118: {  	[tilespmem:s23+$0xD120] =	vst v3;
	v3 =	vadd.f32 v9, v4;
	v4 =	vld [tilespmem:s23+$0x1160]  }
0x119: {  	v9 =	vld [tilespmem:s23+$0x7160]  }
0x11a: {  	[tilespmem:s23+$0xD130] =	vst v3;
	v3 =	vadd.f32 v6, v5;
	v5 =	vld [tilespmem:s23+$0x1170]  }
0x11b: {  	v6 =	vld [tilespmem:s23+$0x7170]  }
0x11c: {  	[tilespmem:s23+$0xD140] =	vst v3;
	v3 =	vadd.f32 v8, v7;
	v7 =	vld [tilespmem:s23+$0x1500]  }
0x11d: {  	v8 =	vld [tilespmem:s23+$0x7500]  }
0x11e: {  	[tilespmem:s23+$0xD150] =	vst v3;
	v3 =	vadd.f32 v9, v4;
	v4 =	vld [tilespmem:s23+$0x1510]  }
0x11f: {  	v9 =	vld [tilespmem:s23+$0x7510]  }
0x120: {  	[tilespmem:s23+$0xD160] =	vst v3;
	v3 =	vadd.f32 v6, v5;
	v10 =	vld [tilespmem:s23+$0x1520]  }
0x121: {  	v11 =	vld [tilespmem:s23+$0x7520]  }
0x122: {  	[tilespmem:s23+$0xD170] =	vst v3;
	v3 =	vadd.f32 v8, v7;
	v5 =	vld [tilespmem:s23+$0x1530]  }
.Ltmp0:
0x123: {  	v7 =	vld [tilespmem:s23+$0x7530];
	(pc) =	sbr.rel @p0 .LBB2_2-.Ltmp0, $4  }
0x124: {  	[tilespmem:s23+$0xD500] =	vst v3;
	v4 =	vadd.f32 v9, v4;
	v3 =	vld [tilespmem:s23+$0x1540]  }
0x125: {  	v6 =	vld [tilespmem:s23+$0x7540]  }
0x126: {  	s26 =	sshrl.u32 s25, $0x3;
	[tilespmem:s23+$0xD510] =	vst v4;
	v9 =	vadd.f32 v11, v10;
	v4 =	vld [tilespmem:s23+$0x1550]  }
0x127: {  	s24 =	sadd.s32 $0x80, s24;
	s25 =	sadd.s32 $0x1, s25;
	s26 =	smul.u32 $0x1800, s26;
	v8 =	vld [tilespmem:s23+$0x7550]  }
0x128: {  	[tilespmem:s23+$0xD520] =	vst v9;
	s24 =	sand.u32 $0x380, s24;
	v9 =	vld [tilespmem:s23+$0x1560];
	v5 =	vadd.f32 v7, v5  }
0x129: {  	v7 =	vld [tilespmem:s23+$0x7560];
	s24 =	sor.u32 s24, s26  }
0x12a: {  	v10 =	vld [tilespmem:s24+$0x1570];
	[tilespmem:s23+$0xD530] =	vst v5;
	v3 =	vadd.f32 v6, v3  }
0x12b: {  	v5 =	vld [tilespmem:s24+$0x7570]  }
0x12c: {  	v6 =	vld [tilespmem:s24+$0x100];
	[tilespmem:s23+$0xD540] =	vst v3;
	v3 =	vadd.f32 v8, v4  }
0x12d: {  	v4 =	vld [tilespmem:s24+$0x6100]  }
0x12e: {  	v8 =	vld [tilespmem:s24+$0x110];
	[tilespmem:s23+$0xD550] =	vst v3;
	v3 =	vadd.f32 v7, v9  }
0x12f: {  	v7 =	vld [tilespmem:s24+$0x6110]  }
0x130: {  	v9 =	vld [tilespmem:s24+$0x120];
	[tilespmem:s23+$0xD560] =	vst v3  }
0x131: {  	v3 =	vld [tilespmem:s24+$0x6120]  }
0x132: {  	v11 =	vld [tilespmem:s24+$0x130]  }
0x133: {  	v12 =	vld [tilespmem:s24+$0x6130]  }
0x134: {  	v13 =	vld [tilespmem:s24+$0x140]  }
0x135: {  	v14 =	vld [tilespmem:s24+$0x6140]  }
0x136: {  	v15 =	vld [tilespmem:s24+$0x150]  }
0x137: {  	v16 =	vld [tilespmem:s24+$0x6150]  }
0x138: {  	v17 =	vld [tilespmem:s24+$0x160]  }
0x139: {  	v18 =	vld [tilespmem:s24+$0x6160]  }
0x13a: {  	v19 =	vld [tilespmem:s24+$0x170]  }
0x13b: {  	v20 =	vld [tilespmem:s24+$0x6170]  }
0x13c: {  	v21 =	vld [tilespmem:s24+$0x500]  }
0x13d: {  	v22 =	vld [tilespmem:s24+$0x6500]  }
0x13e: {  	v23 =	vld [tilespmem:s24+$0x510]  }
0x13f: {  	v24 =	vld [tilespmem:s24+$0x6510]  }
0x140: {  	v25 =	vld [tilespmem:s24+$0x520]  }
0x141: {  	v26 =	vld [tilespmem:s24+$0x6520]  }
0x142: {  	v27 =	vld [tilespmem:s24+$0x530]  }
0x143: {  	v28 =	vld [tilespmem:s24+$0x6530]  }
0x144: {  	v29 =	vld [tilespmem:s24+$0x540]  }
0x145: {  	v30 =	vld [tilespmem:s24+$0x6540]  }
0x146: {  	v31 =	vld [tilespmem:s24+$0x550]  }
0x147: {  	v32 =	vld [tilespmem:s24+$0x6550]  }
0x148: {  	v33 =	vld [tilespmem:s24+$0x560]  }
0x149: {  	v34 =	vld [tilespmem:s24+$0x6560]  }
0x14a: {  	v35 =	vld [tilespmem:s24+$0x570]  }
0x14b: {  	v36 =	vld [tilespmem:s24+$0x6570]  }
0x14c: {  	v37 =	vld [tilespmem:s24+$0x900]  }
0x14d: {  	v38 =	vld [tilespmem:s24+$0x6900]  }
0x14e: {  	v39 =	vld [tilespmem:s24+$0x910]  }
0x14f: {  	v40 =	vld [tilespmem:s24+$0x6910]  }
0x150: {  	v41 =	vld [tilespmem:s24+$0x920]  }
0x151: {  	v42 =	vld [tilespmem:s24+$0x6920]  }
0x152: {  	v43 =	vld [tilespmem:s24+$0x930]  }
0x153: {  	v44 =	vld [tilespmem:s24+$0x6930]  }
0x154: {  	v45 =	vld [tilespmem:s24+$0x940]  }
0x155: {  	v46 =	vld [tilespmem:s24+$0x6940]  }
0x156: {  	v47 =	vld [tilespmem:s24+$0x950]  }
0x157: {  	v48 =	vld [tilespmem:s24+$0x6950]  }
0x158: {  	v49 =	vld [tilespmem:s24+$0x960]  }
0x159: {  	v50 =	vld [tilespmem:s24+$0x6960]  }
0x15a: {  	v51 =	vld [tilespmem:s24+$0x970]  }
0x15b: {  	v52 =	vld [tilespmem:s24+$0x6970]  }
0x15c: {  	v53 =	vld [tilespmem:s24+$0xD00];
	v4 =	vadd.f32 v4, v6  }
0x15d: {  	v5 =	vadd.f32 v5, v10;
	v54 =	vld [tilespmem:s24+$0x6D00]  }
0x15e: {  	[tilespmem:s24+$0xC100] =	vst v4;
	v4 =	vld [tilespmem:s24+$0xD30]  }
0x15f: {  	[tilespmem:s24+$0xD570] =	vst v5;
	v5 =	vadd.f32 v7, v8;
	v8 =	vld [tilespmem:s24+$0x6D30]  }
0x160: {  	v55 =	vld [tilespmem:s24+$0xD10];
	v3 =	vadd.f32 v3, v9  }
0x161: {  	v10 =	vld [tilespmem:s24+$0x6D10];
	[tilespmem:s24+$0xC110] =	vst v5;
	v5 =	vadd.f32 v12, v11  }
0x162: {  	v58 =	vld [tilespmem:s24+$0xD60];
	[tilespmem:s24+$0xC120] =	vst v3;
	v3 =	vadd.f32 v14, v13  }
0x163: {  	v12 =	vld [tilespmem:s24+$0xD50];
	[tilespmem:s24+$0xC130] =	vst v5;
	v5 =	vadd.f32 v16, v15  }
0x164: {  	v13 =	vld [tilespmem:s24+$0x6D50];
	v4 =	vadd.f32 v8, v4;
	[tilespmem:s24+$0xC140] =	vst v3  }
0x165: {  	v59 =	vld [tilespmem:s24+$0x6D60];
	v3 =	vadd.f32 v18, v17;
	[tilespmem:s24+$0xC150] =	vst v5  }
0x166: {  	v60 =	vld [tilespmem:s24+$0xD70];
	v5 =	vadd.f32 v20, v19;
	[tilespmem:s24+$0xCD30] =	vst v4  }
0x167: {  	v61 =	vld [tilespmem:s24+$0x6D70];
	[tilespmem:s24+$0xC160] =	vst v3;
	v3 =	vadd.f32 v22, v21  }
0x168: {  	v62 =	vld [tilespmem:s24+$0x1100];
	[tilespmem:s24+$0xC170] =	vst v5;
	v5 =	vadd.f32 v24, v23  }
0x169: {  	v63 =	vld [tilespmem:s24+$0x7100];
	v4 =	vadd.f32 v13, v12;
	[tilespmem:s24+$0xC500] =	vst v3  }
0x16a: {  	v56 =	vld [tilespmem:s24+$0x7150];
	v3 =	vadd.f32 v26, v25;
	[tilespmem:s24+$0xC510] =	vst v5  }
0x16b: {  	v57 =	vld [tilespmem:s24+$0x1160];
	v5 =	vadd.f32 v28, v27;
	[tilespmem:s24+$0xCD50] =	vst v4  }
0x16c: {  	v6 =	vld [tilespmem:s24+$0xD20];
	[tilespmem:s24+$0xC520] =	vst v3;
	v3 =	vadd.f32 v30, v29  }
0x16d: {  	v7 =	vld [tilespmem:s24+$0x6D20];
	v4 =	vadd.f32 v61, v60;
	[tilespmem:s24+$0xC530] =	vst v5  }
0x16e: {  	v9 =	vld [tilespmem:s24+$0xD40];
	[tilespmem:s24+$0xC540] =	vst v3;
	v3 =	vadd.f32 v34, v33  }
0x16f: {  	v11 =	vld [tilespmem:s24+$0x6D40];
	v5 =	vadd.f32 v32, v31;
	[tilespmem:s24+$0xCD70] =	vst v4  }
0x170: {  	v8 =	vld [tilespmem:s24+$0x7500];
	[tilespmem:s24+$0xC560] =	vst v3;
	v3 =	vadd.f32 v38, v37  }
0x171: {  	v60 =	vld [tilespmem:s24+$0x1530];
	[tilespmem:s24+$0xC550] =	vst v5;
	v5 =	vadd.f32 v36, v35  }
0x172: {  	v61 =	vld [tilespmem:s24+$0x7530];
	[tilespmem:s24+$0xC900] =	vst v3;
	v3 =	vadd.f32 v42, v41  }
0x173: {  	v34 =	vld [tilespmem:s24+$0x1110];
	[tilespmem:s24+$0xC570] =	vst v5;
	v5 =	vadd.f32 v40, v39  }
0x174: {  	v36 =	vld [tilespmem:s24+$0x7110];
	[tilespmem:s24+$0xC920] =	vst v3;
	v3 =	vadd.f32 v46, v45  }
0x175: {  	v38 =	vld [tilespmem:s24+$0x1120];
	[tilespmem:s24+$0xC910] =	vst v5;
	v5 =	vadd.f32 v44, v43  }
0x176: {  	v40 =	vld [tilespmem:s24+$0x7120];
	[tilespmem:s24+$0xC940] =	vst v3;
	v3 =	vadd.f32 v50, v49  }
0x177: {  	v42 =	vld [tilespmem:s24+$0x1130];
	[tilespmem:s24+$0xC930] =	vst v5;
	v5 =	vadd.f32 v48, v47  }
0x178: {  	v44 =	vld [tilespmem:s24+$0x7130];
	[tilespmem:s24+$0xC960] =	vst v3;
	v3 =	vadd.f32 v54, v53  }
0x179: {  	v46 =	vld [tilespmem:s24+$0x1140];
	[tilespmem:s24+$0xC950] =	vst v5;
	v5 =	vadd.f32 v52, v51  }
0x17a: {  	v48 =	vld [tilespmem:s24+$0x7140];
	[tilespmem:s24+$0xCD00] =	vst v3;
	v3 =	vadd.f32 v7, v6  }
0x17b: {  	v50 =	vld [tilespmem:s24+$0x1150];
	[tilespmem:s24+$0xC970] =	vst v5;
	v5 =	vadd.f32 v10, v55  }
0x17c: {  	v10 =	vld [tilespmem:s24+$0x7160];
	[tilespmem:s24+$0xCD20] =	vst v3;
	v3 =	vadd.f32 v11, v9  }
0x17d: {  	v4 =	vadd.f32 v36, v34;
	v6 =	vld [tilespmem:s24+$0x1170];
	[tilespmem:s24+$0xCD10] =	vst v5  }
0x17e: {  	v5 =	vld [tilespmem:s24+$0x7170];
	[tilespmem:s24+$0xCD40] =	vst v3;
	v3 =	vadd.f32 v59, v58  }
0x17f: {  	[tilespmem:s24+$0xD110] =	vst v4;
	v4 =	vadd.f32 v44, v42;
	v7 =	vld [tilespmem:s24+$0x1500]  }
0x180: {  	v9 =	vld [tilespmem:s24+$0x1510];
	[tilespmem:s24+$0xCD60] =	vst v3;
	v3 =	vadd.f32 v63, v62  }
0x181: {  	[tilespmem:s24+$0xD130] =	vst v4;
	v4 =	vadd.f32 v56, v50;
	v11 =	vld [tilespmem:s24+$0x7510]  }
0x182: {  	v58 =	vld [tilespmem:s24+$0x1520];
	[tilespmem:s24+$0xD100] =	vst v3;
	v3 =	vadd.f32 v40, v38  }
0x183: {  	[tilespmem:s24+$0xD150] =	vst v4;
	v59 =	vld [tilespmem:s24+$0x7520]  }
0x184: {  	v4 =	vadd.f32 v5, v6;
	v5 =	vld [tilespmem:s24+$0x7550];
	[tilespmem:s24+$0xD120] =	vst v3;
	v3 =	vadd.f32 v48, v46  }
0x185: {  	v6 =	vld [tilespmem:s24+$0x1560]  }
0x186: {  	v62 =	vld [tilespmem:s24+$0x1540];
	[tilespmem:s24+$0xD140] =	vst v3;
	v3 =	vadd.f32 v10, v57  }
0x187: {  	v63 =	vld [tilespmem:s24+$0x7540]  }
0x188: {  	v10 =	vld [tilespmem:s24+$0x1550];
	[tilespmem:s24+$0xD160] =	vst v3;
	v3 =	vadd.f32 v8, v7  }
0x189: {  	[tilespmem:s24+$0xD170] =	vst v4;
	v4 =	vadd.f32 v11, v9;
	v7 =	vld [tilespmem:s24+$0x7560]  }
0x18a: {  	[tilespmem:s24+$0xD500] =	vst v3;
	v3 =	vadd.f32 v59, v58  }
0x18b: {  	[tilespmem:s24+$0xD510] =	vst v4;
	v4 =	vadd.f32 v61, v60  }
0x18c: {  	[tilespmem:s24+$0xD520] =	vst v3;
	v3 =	vadd.f32 v63, v62  }
0x18d: {  	[tilespmem:s24+$0xD530] =	vst v4;
	v4 =	vadd.f32 v5, v10  }
0x18e: {  	[tilespmem:s24+$0xD540] =	vst v3;
	v3 =	vadd.f32 v7, v6  }
0x18f: {  	[tilespmem:s24+$0xD550] =	vst v4  }
0x190: {  	s23 =	simm.s32 $0x0;
	[tilespmem:s24+$0xD560] =	vst v3  }
0x191: {  	[hbm4b:s8+s23] =	stream.linear.scatter [tilespmem:s21], [sflag:$0x2], $0x6000, $0x38;
	[tilespmem:$0x12100] =	vst v63  }
0x192: {  	_ =	swait.ge [sflag:s13], $0x6000  }
0x193: {  	[sflag:s13] =	ssyncset.done $0x0  }
0x194: {  	[sflag:s13] =	ssyncadd.s32 $0xFFFFA000  }
0x195: {  	[tilespmem:s23], [sflag:$0x2] =	stream.linear.gather [hbm4b:s9+s23], $0x20, $0x38;
	[tilespmem:$0x12100] =	vst v63  }
0x196: {  	_ =	swait.ge [sflag:s13], $0x20  }
0x197: {  	[sflag:s13] =	ssyncset.done $0x0  }
0x198: {  	s29 =	simm.s32 $0x80;
	[sflag:s13] =	ssyncadd.s32 $0xFFFFFFE0  }
0x199: {  	[tilespmem:s29], [sflag:$0x2] =	stream.linear.gather [hbm4b:s10+s23], $0x20, $0x38;
	[tilespmem:$0x12100] =	vst v63  }
0x19a: {  	_ =	swait.ge [sflag:s13], $0x20  }
0x19b: {  	[sflag:s13] =	ssyncset.done $0x0  }
0x19c: {  	[sflag:s13] =	ssyncadd.s32 $0xFFFFFFE0  }
0x19d: {  	v3 =	vld [tilespmem:$0x0];
	_ =	sdelay $0x4  }
0x19e: {  	v4 =	vshrl.u32 v3, $0x3  }
0x19f: {  	v4 =	vmul.u32 $0x30, v4  }
0x1a0: {  	v3 =	vand.u32 $0x7, v3  }
0x1a1: {  	v3 =	vor.u32 v3, v4  }
0x1a2: {  	v4 =	vperm.xlane v3, v0;
	_ =	sdelay $0x1  }
0x1a3: {  	v4 =	vadd.s32 v1, v4;
	_ =	sdelay $0x3  }
0x1a4: {  	s25 =	simm.s32 $0x100;
	v3 =	vperm.xlane v3, v2  }
0x1a5: {  	[tilespmem:s25], [sflag:$0x1] =	stream.indirect_vreg.gather [hbm4b:s3+s23], $0x80, v4, vm0, $0xb8;
	[tilespmem:$0x12100] =	vst v63  }
0x1a6: {  	s26 =	simm.s32 $0x900;
	v3 =	vadd.s32 v1, v3  }
0x1a7: {  	[tilespmem:s26], [sflag:$0x1] =	stream.indirect_vreg.gather [hbm4b:s6+s23], $0x80, v4, vm0, $0xb8;
	[tilespmem:$0x12100] =	vst v63  }
0x1a8: {  	s29 =	simm.s32 $0x1100  }
0x1a9: {  	[tilespmem:s29], [sflag:$0x1] =	stream.indirect_vreg.gather [hbm4b:s7+s23], $0x80, v4, vm0, $0xb8;
	[tilespmem:$0x12100] =	vst v63  }
0x1aa: {  	s25 =	simm.s32 $0x1900  }
0x1ab: {  	[tilespmem:s25], [sflag:$0x1] =	stream.indirect_vreg.gather [hbm4b:s3+s23], $0x80, v3, vm0, $0xb8;
	[tilespmem:$0x12100] =	vst v63  }
0x1ac: {  	s26 =	simm.s32 $0x2100  }
0x1ad: {  	[tilespmem:s26], [sflag:$0x1] =	stream.indirect_vreg.gather [hbm4b:s6+s23], $0x80, v3, vm0, $0xb8;
	[tilespmem:$0x12100] =	vst v63  }
0x1ae: {  	s29 =	simm.s32 $0x2900  }
0x1af: {  	[tilespmem:s29], [sflag:$0x1] =	stream.indirect_vreg.gather [hbm4b:s7+s23], $0x80, v3, vm0, $0xb8;
	[tilespmem:$0x12100] =	vst v63  }
0x1b0: {  	v3 =	vld [tilespmem:$0x10];
	_ =	sdelay $0x4  }
0x1b1: {  	v4 =	vshrl.u32 v3, $0x3  }
0x1b2: {  	v4 =	vmul.u32 $0x30, v4  }
0x1b3: {  	v3 =	vand.u32 $0x7, v3  }
0x1b4: {  	v3 =	vor.u32 v3, v4  }
0x1b5: {  	v4 =	vperm.xlane v3, v0;
	_ =	sdelay $0x1  }
0x1b6: {  	v4 =	vadd.s32 v1, v4;
	_ =	sdelay $0x3  }
0x1b7: {  	s25 =	simm.s32 $0x3100;
	v3 =	vperm.xlane v3, v2  }
0x1b8: {  	[tilespmem:s25], [sflag:$0x1] =	stream.indirect_vreg.gather [hbm4b:s3+s23], $0x80, v4, vm0, $0xb8;
	[tilespmem:$0x12100] =	vst v63  }
0x1b9: {  	s26 =	simm.s32 $0x3900;
	v3 =	vadd.s32 v1, v3  }
0x1ba: {  	[tilespmem:s26], [sflag:$0x1] =	stream.indirect_vreg.gather [hbm4b:s6+s23], $0x80, v4, vm0, $0xb8;
	[tilespmem:$0x12100] =	vst v63  }
0x1bb: {  	s29 =	simm.s32 $0x4100  }
0x1bc: {  	[tilespmem:s29], [sflag:$0x1] =	stream.indirect_vreg.gather [hbm4b:s7+s23], $0x80, v4, vm0, $0xb8;
	[tilespmem:$0x12100] =	vst v63  }
0x1bd: {  	s25 =	simm.s32 $0x4900  }
0x1be: {  	[tilespmem:s25], [sflag:$0x1] =	stream.indirect_vreg.gather [hbm4b:s3+s23], $0x80, v3, vm0, $0xb8;
	[tilespmem:$0x12100] =	vst v63  }
0x1bf: {  	s26 =	simm.s32 $0x5100  }
0x1c0: {  	[tilespmem:s26], [sflag:$0x1] =	stream.indirect_vreg.gather [hbm4b:s6+s23], $0x80, v3, vm0, $0xb8;
	[tilespmem:$0x12100] =	vst v63  }
0x1c1: {  	s29 =	simm.s32 $0x5900  }
0x1c2: {  	[tilespmem:s29], [sflag:$0x1] =	stream.indirect_vreg.gather [hbm4b:s7+s23], $0x80, v3, vm0, $0xb8;
	[tilespmem:$0x12100] =	vst v63  }
0x1c3: {  	_ =	swait.ge [sflag:s28], $0x6000  }
0x1c4: {  	[sflag:s28] =	ssyncset.done $0x0  }
0x1c5: {  	[sflag:s28] =	ssyncadd.s32 $0xFFFFA000  }
0x1c6: {  	v3 =	vld [tilespmem:$0x80];
	_ =	sdelay $0x4  }
0x1c7: {  	v4 =	vshrl.u32 v3, $0x3  }
0x1c8: {  	v4 =	vmul.u32 $0x30, v4  }
0x1c9: {  	v3 =	vand.u32 $0x7, v3  }
0x1ca: {  	v3 =	vor.u32 v3, v4  }
0x1cb: {  	v4 =	vperm.xlane v3, v0;
	_ =	sdelay $0x1  }
0x1cc: {  	v4 =	vadd.s32 v1, v4;
	_ =	sdelay $0x3  }
0x1cd: {  	s25 =	simm.s32 $0x6100;
	v3 =	vperm.xlane v3, v2  }
0x1ce: {  	[tilespmem:s25], [sflag:$0x1] =	stream.indirect_vreg.gather [hbm4b:s3+s23], $0x80, v4, vm0, $0xb8;
	[tilespmem:$0x12100] =	vst v63  }
0x1cf: {  	v3 =	vadd.s32 v1, v3  }
0x1d0: {  	[tilespmem:s30], [sflag:$0x1] =	stream.indirect_vreg.gather [hbm4b:s6+s23], $0x80, v4, vm0, $0xb8;
	[tilespmem:$0x12100] =	vst v63  }
0x1d1: {  	_ = 	snop  }
0x1d2: {  	[tilespmem:s31], [sflag:$0x1] =	stream.indirect_vreg.gather [hbm4b:s7+s23], $0x80, v4, vm0, $0xb8;
	[tilespmem:$0x12100] =	vst v63  }
0x1d3: {  	_ = 	snop  }
0x1d4: {  	[tilespmem:s0], [sflag:$0x1] =	stream.indirect_vreg.gather [hbm4b:s3+s23], $0x80, v3, vm0, $0xb8;
	[tilespmem:$0x12100] =	vst v63  }
0x1d5: {  	_ = 	snop  }
0x1d6: {  	[tilespmem:s2], [sflag:$0x1] =	stream.indirect_vreg.gather [hbm4b:s6+s23], $0x80, v3, vm0, $0xb8;
	[tilespmem:$0x12100] =	vst v63  }
0x1d7: {  	_ = 	snop  }
0x1d8: {  	[tilespmem:s14], [sflag:$0x1] =	stream.indirect_vreg.gather [hbm4b:s7+s23], $0x80, v3, vm0, $0xb8;
	[tilespmem:$0x12100] =	vst v63  }
0x1d9: {  	v3 =	vld [tilespmem:$0x90];
	_ =	sdelay $0x4  }
0x1da: {  	v4 =	vshrl.u32 v3, $0x3  }
0x1db: {  	v4 =	vmul.u32 $0x30, v4  }
0x1dc: {  	v3 =	vand.u32 $0x7, v3  }
0x1dd: {  	v3 =	vor.u32 v3, v4  }
0x1de: {  	v4 =	vperm.xlane v3, v0;
	_ =	sdelay $0x1  }
0x1df: {  	v4 =	vadd.s32 v1, v4;
	_ =	sdelay $0x3  }
0x1e0: {  	v3 =	vperm.xlane v3, v2  }
0x1e1: {  	[tilespmem:s15], [sflag:$0x1] =	stream.indirect_vreg.gather [hbm4b:s3+s23], $0x80, v4, vm0, $0xb8;
	[tilespmem:$0x12100] =	vst v63  }
0x1e2: {  	v3 =	vadd.s32 v1, v3  }
0x1e3: {  	[tilespmem:s16], [sflag:$0x1] =	stream.indirect_vreg.gather [hbm4b:s6+s23], $0x80, v4, vm0, $0xb8;
	[tilespmem:$0x12100] =	vst v63  }
0x1e4: {  	_ = 	snop  }
0x1e5: {  	[tilespmem:s17], [sflag:$0x1] =	stream.indirect_vreg.gather [hbm4b:s7+s23], $0x80, v4, vm0, $0xb8;
	[tilespmem:$0x12100] =	vst v63  }
0x1e6: {  	_ = 	snop  }
0x1e7: {  	[tilespmem:s18], [sflag:$0x1] =	stream.indirect_vreg.gather [hbm4b:s3+s23], $0x80, v3, vm0, $0xb8;
	[tilespmem:$0x12100] =	vst v63  }
0x1e8: {  	_ = 	snop  }
0x1e9: {  	[tilespmem:s19], [sflag:$0x1] =	stream.indirect_vreg.gather [hbm4b:s6+s23], $0x80, v3, vm0, $0xb8;
	[tilespmem:$0x12100] =	vst v63  }
0x1ea: {  	s26 =	simm.s32 $0x0  }
0x1eb: {  	[tilespmem:s20], [sflag:$0x1] =	stream.indirect_vreg.gather [hbm4b:s7+s23], $0x80, v3, vm0, $0xb8;
	[tilespmem:$0x12100] =	vst v63  }
0x1ec: {  	s24 =	smul.u32 $0x1800, s26;
	_ =	swait.ge [sflag:s28], $0x6000  }
0x1ed: {  	s23 =	sand.u32 $0x380, s23;
	[sflag:s28] =	ssyncset.done $0x0  }
0x1ee: {  	s23 =	sor.u32 s23, s24;
	[sflag:s28] =	ssyncadd.s32 $0xFFFFA000  }
0x1ef: {  	v3 =	vld [tilespmem:s23+$0x1570]  }
0x1f0: {  	v4 =	vld [tilespmem:s23+$0x7570]  }
0x1f1: {  	v5 =	vld [tilespmem:s23+$0x100]  }
0x1f2: {  	v6 =	vld [tilespmem:s23+$0x6100]  }
0x1f3: {  	v7 =	vld [tilespmem:s23+$0x110]  }
0x1f4: {  	v8 =	vld [tilespmem:s23+$0x6110]  }
0x1f5: {  	v9 =	vld [tilespmem:s23+$0x120]  }
0x1f6: {  	v10 =	vld [tilespmem:s23+$0x130]  }
0x1f7: {  	v11 =	vld [tilespmem:s23+$0x7520];
	v3 =	vadd.f32 v4, v3  }
0x1f8: {  	v4 =	vld [tilespmem:s23+$0x6120]  }
0x1f9: {  	v5 =	vadd.f32 v6, v5;
	[tilespmem:s23+$0xD570] =	vst v3;
	v3 =	vld [tilespmem:s23+$0x6130]  }
0x1fa: {  	v6 =	vld [tilespmem:s23+$0x140]  }
0x1fb: {  	[tilespmem:s23+$0xC100] =	vst v5;
	v5 =	vadd.f32 v8, v7;
	v7 =	vld [tilespmem:s23+$0x6140]  }
0x1fc: {  	v8 =	vld [tilespmem:s23+$0x6150]  }
0x1fd: {  	[tilespmem:s23+$0xC110] =	vst v5;
	v5 =	vld [tilespmem:s23+$0x150];
	v4 =	vadd.f32 v4, v9  }
0x1fe: {  	v9 =	vld [tilespmem:s23+$0x6160];
	v3 =	vadd.f32 v3, v10  }
0x1ff: {  	[tilespmem:s23+$0xC120] =	vst v4;
	v4 =	vld [tilespmem:s23+$0x160]  }
0x200: {  	[tilespmem:s23+$0xC130] =	vst v3;
	v3 =	vadd.f32 v7, v6;
	v6 =	vld [tilespmem:s23+$0x170]  }
0x201: {  	v7 =	vld [tilespmem:s23+$0x6170]  }
0x202: {  	[tilespmem:s23+$0xC140] =	vst v3;
	v3 =	vadd.f32 v8, v5;
	v5 =	vld [tilespmem:s23+$0x500]  }
0x203: {  	v8 =	vld [tilespmem:s23+$0x6500]  }
0x204: {  	[tilespmem:s23+$0xC150] =	vst v3;
	v3 =	vadd.f32 v9, v4;
	v4 =	vld [tilespmem:s23+$0x510]  }
0x205: {  	v9 =	vld [tilespmem:s23+$0x6510]  }
0x206: {  	[tilespmem:s23+$0xC160] =	vst v3;
	v3 =	vadd.f32 v7, v6;
	v6 =	vld [tilespmem:s23+$0x520]  }
0x207: {  	v7 =	vld [tilespmem:s23+$0x6520]  }
0x208: {  	[tilespmem:s23+$0xC170] =	vst v3;
	v3 =	vadd.f32 v8, v5;
	v5 =	vld [tilespmem:s23+$0x530]  }
0x209: {  	v8 =	vld [tilespmem:s23+$0x6530]  }
0x20a: {  	[tilespmem:s23+$0xC500] =	vst v3;
	v3 =	vadd.f32 v9, v4;
	v4 =	vld [tilespmem:s23+$0x540]  }
0x20b: {  	v9 =	vld [tilespmem:s23+$0x6540]  }
0x20c: {  	[tilespmem:s23+$0xC510] =	vst v3;
	v3 =	vadd.f32 v7, v6;
	v6 =	vld [tilespmem:s23+$0x550]  }
0x20d: {  	v7 =	vld [tilespmem:s23+$0x6550]  }
0x20e: {  	[tilespmem:s23+$0xC520] =	vst v3;
	v3 =	vadd.f32 v8, v5;
	v5 =	vld [tilespmem:s23+$0x560]  }
0x20f: {  	v8 =	vld [tilespmem:s23+$0x6560]  }
0x210: {  	[tilespmem:s23+$0xC530] =	vst v3;
	v3 =	vadd.f32 v9, v4;
	v4 =	vld [tilespmem:s23+$0x570]  }
0x211: {  	v9 =	vld [tilespmem:s23+$0x6570]  }
0x212: {  	[tilespmem:s23+$0xC540] =	vst v3;
	v3 =	vadd.f32 v7, v6;
	v6 =	vld [tilespmem:s23+$0x900]  }
0x213: {  	v7 =	vld [tilespmem:s23+$0x6900]  }
0x214: {  	[tilespmem:s23+$0xC550] =	vst v3;
	v3 =	vadd.f32 v8, v5;
	v5 =	vld [tilespmem:s23+$0x910]  }
0x215: {  	v8 =	vld [tilespmem:s23+$0x6910]  }
0x216: {  	[tilespmem:s23+$0xC560] =	vst v3;
	v3 =	vadd.f32 v9, v4;
	v4 =	vld [tilespmem:s23+$0x920]  }
0x217: {  	v9 =	vld [tilespmem:s23+$0x6920]  }
0x218: {  	[tilespmem:s23+$0xC570] =	vst v3;
	v3 =	vadd.f32 v7, v6;
	v6 =	vld [tilespmem:s23+$0x930]  }
0x219: {  	v7 =	vld [tilespmem:s23+$0x6930]  }
0x21a: {  	[tilespmem:s23+$0xC900] =	vst v3;
	v3 =	vadd.f32 v8, v5;
	v5 =	vld [tilespmem:s23+$0x940]  }
0x21b: {  	v8 =	vld [tilespmem:s23+$0x6940]  }
0x21c: {  	[tilespmem:s23+$0xC910] =	vst v3;
	v3 =	vadd.f32 v9, v4;
	v4 =	vld [tilespmem:s23+$0x950]  }
0x21d: {  	v9 =	vld [tilespmem:s23+$0x6950]  }
0x21e: {  	[tilespmem:s23+$0xC920] =	vst v3;
	v3 =	vadd.f32 v7, v6;
	v6 =	vld [tilespmem:s23+$0x960]  }
0x21f: {  	v7 =	vld [tilespmem:s23+$0x6960]  }
0x220: {  	[tilespmem:s23+$0xC930] =	vst v3;
	v3 =	vadd.f32 v8, v5;
	v5 =	vld [tilespmem:s23+$0x970]  }
0x221: {  	v8 =	vld [tilespmem:s23+$0x6970]  }
0x222: {  	[tilespmem:s23+$0xC940] =	vst v3;
	v3 =	vadd.f32 v9, v4;
	v4 =	vld [tilespmem:s23+$0xD00]  }
0x223: {  	v9 =	vld [tilespmem:s23+$0x6D00]  }
0x224: {  	[tilespmem:s23+$0xC950] =	vst v3;
	v3 =	vadd.f32 v7, v6;
	v6 =	vld [tilespmem:s23+$0xD10]  }
0x225: {  	v7 =	vld [tilespmem:s23+$0x6D10]  }
0x226: {  	[tilespmem:s23+$0xC960] =	vst v3;
	v3 =	vadd.f32 v8, v5;
	v5 =	vld [tilespmem:s23+$0xD20]  }
0x227: {  	v8 =	vld [tilespmem:s23+$0x6D20]  }
0x228: {  	[tilespmem:s23+$0xC970] =	vst v3;
	v3 =	vadd.f32 v9, v4;
	v4 =	vld [tilespmem:s23+$0xD30]  }
0x229: {  	v9 =	vld [tilespmem:s23+$0x6D30]  }
0x22a: {  	[tilespmem:s23+$0xCD00] =	vst v3;
	v3 =	vadd.f32 v7, v6;
	v6 =	vld [tilespmem:s23+$0xD40]  }
0x22b: {  	v7 =	vld [tilespmem:s23+$0x6D40]  }
0x22c: {  	[tilespmem:s23+$0xCD10] =	vst v3;
	v3 =	vadd.f32 v8, v5;
	v5 =	vld [tilespmem:s23+$0xD50]  }
0x22d: {  	v8 =	vld [tilespmem:s23+$0x6D50]  }
0x22e: {  	[tilespmem:s23+$0xCD20] =	vst v3;
	v3 =	vadd.f32 v9, v4;
	v4 =	vld [tilespmem:s23+$0xD60]  }
0x22f: {  	v9 =	vld [tilespmem:s23+$0x6D60]  }
0x230: {  	[tilespmem:s23+$0xCD30] =	vst v3;
	v3 =	vadd.f32 v7, v6;
	v6 =	vld [tilespmem:s23+$0xD70]  }
0x231: {  	v7 =	vld [tilespmem:s23+$0x6D70]  }
0x232: {  	[tilespmem:s23+$0xCD40] =	vst v3;
	v3 =	vadd.f32 v8, v5;
	v5 =	vld [tilespmem:s23+$0x1100]  }
0x233: {  	v8 =	vld [tilespmem:s23+$0x7100]  }
0x234: {  	[tilespmem:s23+$0xCD50] =	vst v3;
	v3 =	vadd.f32 v9, v4;
	v4 =	vld [tilespmem:s23+$0x1110]  }
0x235: {  	v9 =	vld [tilespmem:s23+$0x7110]  }
0x236: {  	[tilespmem:s23+$0xCD60] =	vst v3;
	v3 =	vadd.f32 v7, v6;
	v6 =	vld [tilespmem:s23+$0x1120]  }
0x237: {  	v7 =	vld [tilespmem:s23+$0x7120]  }
0x238: {  	[tilespmem:s23+$0xCD70] =	vst v3;
	v3 =	vadd.f32 v8, v5;
	v5 =	vld [tilespmem:s23+$0x1130]  }
0x239: {  	v8 =	vld [tilespmem:s23+$0x7130]  }
0x23a: {  	[tilespmem:s23+$0xD100] =	vst v3;
	v3 =	vadd.f32 v9, v4;
	v4 =	vld [tilespmem:s23+$0x1140]  }
0x23b: {  	v9 =	vld [tilespmem:s23+$0x7140]  }
0x23c: {  	[tilespmem:s23+$0xD110] =	vst v3;
	v3 =	vadd.f32 v7, v6;
	v6 =	vld [tilespmem:s23+$0x1150]  }
0x23d: {  	v7 =	vld [tilespmem:s23+$0x7150]  }
0x23e: {  	[tilespmem:s23+$0xD120] =	vst v3;
	v3 =	vadd.f32 v8, v5;
	v5 =	vld [tilespmem:s23+$0x1160]  }
0x23f: {  	v8 =	vld [tilespmem:s23+$0x7160]  }
0x240: {  	[tilespmem:s23+$0xD130] =	vst v3;
	v3 =	vadd.f32 v9, v4;
	v4 =	vld [tilespmem:s23+$0x1170]  }
0x241: {  	v9 =	vld [tilespmem:s23+$0x7170]  }
0x242: {  	[tilespmem:s23+$0xD140] =	vst v3;
	v3 =	vadd.f32 v7, v6;
	v6 =	vld [tilespmem:s23+$0x1500]  }
0x243: {  	v7 =	vld [tilespmem:s23+$0x7500]  }
0x244: {  	v10 =	vld [tilespmem:s23+$0x7510];
	[tilespmem:s23+$0xD150] =	vst v3;
	v3 =	vadd.f32 v8, v5  }
0x245: {  	v8 =	vld [tilespmem:s23+$0x1510]  }
0x246: {  	[tilespmem:s23+$0xD160] =	vst v3;
	v3 =	vadd.f32 v9, v4;
	v9 =	vld [tilespmem:s23+$0x1520]  }
0x247: {  	v5 =	vld [tilespmem:s23+$0x1530]  }
0x248: {  	[tilespmem:s23+$0xD170] =	vst v3;
	v3 =	vadd.f32 v7, v6;
	v7 =	vld [tilespmem:s23+$0x7530]  }
0x249: {  	v6 =	vld [tilespmem:s23+$0x7540]  }
0x24a: {  	v4 =	vadd.f32 v10, v8;
	[tilespmem:s23+$0xD500] =	vst v3;
	v3 =	vld [tilespmem:s23+$0x1540]  }
0x24b: {  	s29 =	simm.s32 $0x0;
	v8 =	vld [tilespmem:s23+$0x7550];
	v9 =	vadd.f32 v11, v9  }
0x24c: {  	s26 =	smul.u32 $0x1800, s29;
	s25 =	simm.s32 $0x2;
	s24 =	simm.s32 $0x80;
	[tilespmem:s23+$0xD510] =	vst v4;
	v4 =	vld [tilespmem:s23+$0x1550]  }
.LBB2_4:
0x24d: {  	p0 =	sne.s32 s25, $0x1F;
	s29 =	sand.u32 $0x380, s24;
	[tilespmem:s23+$0xD520] =	vst v9;
	v5 =	vadd.f32 v7, v5;
	v7 =	vld [tilespmem:s23+$0x1560]  }
0x24e: {  	s26 =	sor.u32 s29, s26;
	v9 =	vld [tilespmem:s23+$0x7560]  }
0x24f: {  	v10 =	vld [tilespmem:s26+$0x1570];
	[tilespmem:s23+$0xD530] =	vst v5;
	v3 =	vadd.f32 v6, v3  }
0x250: {  	v5 =	vld [tilespmem:s26+$0x7570]  }
0x251: {  	v6 =	vld [tilespmem:s26+$0x100];
	[tilespmem:s23+$0xD540] =	vst v3;
	v3 =	vadd.f32 v8, v4  }
0x252: {  	v4 =	vld [tilespmem:s26+$0x6100]  }
0x253: {  	v8 =	vld [tilespmem:s26+$0x110];
	[tilespmem:s23+$0xD550] =	vst v3;
	v3 =	vadd.f32 v9, v7  }
0x254: {  	v7 =	vld [tilespmem:s26+$0x6110]  }
0x255: {  	v9 =	vld [tilespmem:s26+$0x120];
	v5 =	vadd.f32 v5, v10;
	[tilespmem:s23+$0xD560] =	vst v3;
	s23 =	smov.u32 s26  }
0x256: {  	v3 =	vld [tilespmem:s23+$0x6120]  }
0x257: {  	v4 =	vadd.f32 v4, v6;
	v6 =	vld [tilespmem:s23+$0x130];
	[tilespmem:s23+$0xD570] =	vst v5  }
0x258: {  	v5 =	vld [tilespmem:s23+$0x6130]  }
0x259: {  	[tilespmem:s23+$0xC100] =	vst v4;
	v4 =	vadd.f32 v7, v8;
	v7 =	vld [tilespmem:s23+$0x140]  }
0x25a: {  	v8 =	vld [tilespmem:s23+$0x6140]  }
0x25b: {  	[tilespmem:s23+$0xC110] =	vst v4;
	v3 =	vadd.f32 v3, v9;
	v4 =	vld [tilespmem:s23+$0x150]  }
0x25c: {  	v9 =	vld [tilespmem:s23+$0x6150]  }
0x25d: {  	[tilespmem:s23+$0xC120] =	vst v3;
	v3 =	vadd.f32 v5, v6;
	v5 =	vld [tilespmem:s23+$0x160]  }
0x25e: {  	v6 =	vld [tilespmem:s23+$0x6160]  }
0x25f: {  	[tilespmem:s23+$0xC130] =	vst v3;
	v3 =	vadd.f32 v8, v7;
	v7 =	vld [tilespmem:s23+$0x170]  }
0x260: {  	v8 =	vld [tilespmem:s23+$0x6170]  }
0x261: {  	[tilespmem:s23+$0xC140] =	vst v3;
	v3 =	vadd.f32 v9, v4;
	v4 =	vld [tilespmem:s23+$0x500]  }
0x262: {  	v9 =	vld [tilespmem:s23+$0x6500]  }
0x263: {  	[tilespmem:s23+$0xC150] =	vst v3;
	v3 =	vadd.f32 v6, v5;
	v5 =	vld [tilespmem:s23+$0x510]  }
0x264: {  	v6 =	vld [tilespmem:s23+$0x6510]  }
0x265: {  	[tilespmem:s23+$0xC160] =	vst v3;
	v3 =	vadd.f32 v8, v7;
	v7 =	vld [tilespmem:s23+$0x520]  }
0x266: {  	v8 =	vld [tilespmem:s23+$0x6520]  }
0x267: {  	[tilespmem:s23+$0xC170] =	vst v3;
	v3 =	vadd.f32 v9, v4;
	v4 =	vld [tilespmem:s23+$0x530]  }
0x268: {  	v9 =	vld [tilespmem:s23+$0x6530]  }
0x269: {  	[tilespmem:s23+$0xC500] =	vst v3;
	v3 =	vadd.f32 v6, v5;
	v5 =	vld [tilespmem:s23+$0x540]  }
0x26a: {  	v6 =	vld [tilespmem:s23+$0x6540]  }
0x26b: {  	[tilespmem:s23+$0xC510] =	vst v3;
	v3 =	vadd.f32 v8, v7;
	v7 =	vld [tilespmem:s23+$0x550]  }
0x26c: {  	v8 =	vld [tilespmem:s23+$0x6550]  }
0x26d: {  	[tilespmem:s23+$0xC520] =	vst v3;
	v3 =	vadd.f32 v9, v4;
	v4 =	vld [tilespmem:s23+$0x560]  }
0x26e: {  	v9 =	vld [tilespmem:s23+$0x6560]  }
0x26f: {  	[tilespmem:s23+$0xC530] =	vst v3;
	v3 =	vadd.f32 v6, v5;
	v5 =	vld [tilespmem:s23+$0x570]  }
0x270: {  	v6 =	vld [tilespmem:s23+$0x6570]  }
0x271: {  	[tilespmem:s23+$0xC540] =	vst v3;
	v3 =	vadd.f32 v8, v7;
	v7 =	vld [tilespmem:s23+$0x900]  }
0x272: {  	v8 =	vld [tilespmem:s23+$0x6900]  }
0x273: {  	[tilespmem:s23+$0xC550] =	vst v3;
	v3 =	vadd.f32 v9, v4;
	v4 =	vld [tilespmem:s23+$0x910]  }
0x274: {  	v9 =	vld [tilespmem:s23+$0x6910]  }
0x275: {  	[tilespmem:s23+$0xC560] =	vst v3;
	v3 =	vadd.f32 v6, v5;
	v5 =	vld [tilespmem:s23+$0x920]  }
0x276: {  	v6 =	vld [tilespmem:s23+$0x6920]  }
0x277: {  	[tilespmem:s23+$0xC570] =	vst v3;
	v3 =	vadd.f32 v8, v7;
	v7 =	vld [tilespmem:s23+$0x930]  }
0x278: {  	v8 =	vld [tilespmem:s23+$0x6930]  }
0x279: {  	[tilespmem:s23+$0xC900] =	vst v3;
	v3 =	vadd.f32 v9, v4;
	v4 =	vld [tilespmem:s23+$0x940]  }
0x27a: {  	v9 =	vld [tilespmem:s23+$0x6940]  }
0x27b: {  	[tilespmem:s23+$0xC910] =	vst v3;
	v3 =	vadd.f32 v6, v5;
	v5 =	vld [tilespmem:s23+$0x950]  }
0x27c: {  	v6 =	vld [tilespmem:s23+$0x6950]  }
0x27d: {  	[tilespmem:s23+$0xC920] =	vst v3;
	v3 =	vadd.f32 v8, v7;
	v7 =	vld [tilespmem:s23+$0x960]  }
0x27e: {  	v8 =	vld [tilespmem:s23+$0x6960]  }
0x27f: {  	[tilespmem:s23+$0xC930] =	vst v3;
	v3 =	vadd.f32 v9, v4;
	v4 =	vld [tilespmem:s23+$0x970]  }
0x280: {  	v9 =	vld [tilespmem:s23+$0x6970]  }
0x281: {  	[tilespmem:s23+$0xC940] =	vst v3;
	v3 =	vadd.f32 v6, v5;
	v5 =	vld [tilespmem:s23+$0xD00]  }
0x282: {  	v6 =	vld [tilespmem:s23+$0x6D00]  }
0x283: {  	[tilespmem:s23+$0xC950] =	vst v3;
	v3 =	vadd.f32 v8, v7;
	v7 =	vld [tilespmem:s23+$0xD10]  }
0x284: {  	v8 =	vld [tilespmem:s23+$0x6D10]  }
0x285: {  	[tilespmem:s23+$0xC960] =	vst v3;
	v3 =	vadd.f32 v9, v4;
	v4 =	vld [tilespmem:s23+$0xD20]  }
0x286: {  	v9 =	vld [tilespmem:s23+$0x6D20]  }
0x287: {  	[tilespmem:s23+$0xC970] =	vst v3;
	v3 =	vadd.f32 v6, v5;
	v5 =	vld [tilespmem:s23+$0xD30]  }
0x288: {  	v6 =	vld [tilespmem:s23+$0x6D30]  }
0x289: {  	[tilespmem:s23+$0xCD00] =	vst v3;
	v3 =	vadd.f32 v8, v7;
	v7 =	vld [tilespmem:s23+$0xD40]  }
0x28a: {  	v8 =	vld [tilespmem:s23+$0x6D40]  }
0x28b: {  	[tilespmem:s23+$0xCD10] =	vst v3;
	v3 =	vadd.f32 v9, v4;
	v4 =	vld [tilespmem:s23+$0xD50]  }
0x28c: {  	v9 =	vld [tilespmem:s23+$0x6D50]  }
0x28d: {  	[tilespmem:s23+$0xCD20] =	vst v3;
	v3 =	vadd.f32 v6, v5;
	v5 =	vld [tilespmem:s23+$0xD60]  }
0x28e: {  	v6 =	vld [tilespmem:s23+$0x6D60]  }
0x28f: {  	[tilespmem:s23+$0xCD30] =	vst v3;
	v3 =	vadd.f32 v8, v7;
	v7 =	vld [tilespmem:s23+$0xD70]  }
0x290: {  	v8 =	vld [tilespmem:s23+$0x6D70]  }
0x291: {  	[tilespmem:s23+$0xCD40] =	vst v3;
	v3 =	vadd.f32 v9, v4;
	v4 =	vld [tilespmem:s23+$0x1100]  }
0x292: {  	v9 =	vld [tilespmem:s23+$0x7100]  }
0x293: {  	[tilespmem:s23+$0xCD50] =	vst v3;
	v3 =	vadd.f32 v6, v5;
	v5 =	vld [tilespmem:s23+$0x1110]  }
0x294: {  	v6 =	vld [tilespmem:s23+$0x7110]  }
0x295: {  	[tilespmem:s23+$0xCD60] =	vst v3;
	v3 =	vadd.f32 v8, v7;
	v7 =	vld [tilespmem:s23+$0x1120]  }
0x296: {  	v8 =	vld [tilespmem:s23+$0x7120]  }
0x297: {  	[tilespmem:s23+$0xCD70] =	vst v3;
	v3 =	vadd.f32 v9, v4;
	v4 =	vld [tilespmem:s23+$0x1130]  }
0x298: {  	v9 =	vld [tilespmem:s23+$0x7130]  }
0x299: {  	[tilespmem:s23+$0xD100] =	vst v3;
	v3 =	vadd.f32 v6, v5;
	v5 =	vld [tilespmem:s23+$0x1140]  }
0x29a: {  	v6 =	vld [tilespmem:s23+$0x7140]  }
0x29b: {  	[tilespmem:s23+$0xD110] =	vst v3;
	v3 =	vadd.f32 v8, v7;
	v7 =	vld [tilespmem:s23+$0x1150]  }
0x29c: {  	v8 =	vld [tilespmem:s23+$0x7150]  }
0x29d: {  	[tilespmem:s23+$0xD120] =	vst v3;
	v3 =	vadd.f32 v9, v4;
	v4 =	vld [tilespmem:s23+$0x1160]  }
0x29e: {  	v9 =	vld [tilespmem:s23+$0x7160]  }
0x29f: {  	[tilespmem:s23+$0xD130] =	vst v3;
	v3 =	vadd.f32 v6, v5;
	v5 =	vld [tilespmem:s23+$0x1170]  }
0x2a0: {  	v6 =	vld [tilespmem:s23+$0x7170]  }
0x2a1: {  	[tilespmem:s23+$0xD140] =	vst v3;
	v3 =	vadd.f32 v8, v7;
	v7 =	vld [tilespmem:s23+$0x1500]  }
0x2a2: {  	v8 =	vld [tilespmem:s23+$0x7500]  }
0x2a3: {  	[tilespmem:s23+$0xD150] =	vst v3;
	v3 =	vadd.f32 v9, v4;
	v4 =	vld [tilespmem:s23+$0x1510]  }
0x2a4: {  	v9 =	vld [tilespmem:s23+$0x7510]  }
0x2a5: {  	[tilespmem:s23+$0xD160] =	vst v3;
	v3 =	vadd.f32 v6, v5;
	v10 =	vld [tilespmem:s23+$0x1520]  }
0x2a6: {  	v11 =	vld [tilespmem:s23+$0x7520]  }
0x2a7: {  	[tilespmem:s23+$0xD170] =	vst v3;
	v3 =	vadd.f32 v8, v7;
	v5 =	vld [tilespmem:s23+$0x1530]  }
.Ltmp1:
0x2a8: {  	v7 =	vld [tilespmem:s23+$0x7530];
	(pc) =	sbr.rel @p0 .LBB2_4-.Ltmp1, $4  }
0x2a9: {  	[tilespmem:s23+$0xD500] =	vst v3;
	v4 =	vadd.f32 v9, v4;
	v3 =	vld [tilespmem:s23+$0x1540]  }
0x2aa: {  	v6 =	vld [tilespmem:s23+$0x7540]  }
0x2ab: {  	s26 =	sshrl.u32 s25, $0x3;
	[tilespmem:s23+$0xD510] =	vst v4;
	v9 =	vadd.f32 v11, v10;
	v4 =	vld [tilespmem:s23+$0x1550]  }
0x2ac: {  	s24 =	sadd.s32 $0x80, s24;
	s25 =	sadd.s32 $0x1, s25;
	s26 =	smul.u32 $0x1800, s26;
	v8 =	vld [tilespmem:s23+$0x7550]  }
0x2ad: {  	s24 =	sand.u32 $0x380, s24;
	v56 =	vld [tilespmem:s23+$0x1560];
	v5 =	vadd.f32 v7, v5  }
0x2ae: {  	[tilespmem:s23+$0xD520] =	vst v9;
	v57 =	vld [tilespmem:s23+$0x7560];
	s24 =	sor.u32 s24, s26  }
0x2af: {  	v10 =	vld [tilespmem:s24+$0x1570];
	[tilespmem:s23+$0xD530] =	vst v5;
	v3 =	vadd.f32 v6, v3  }
0x2b0: {  	v5 =	vld [tilespmem:s24+$0x7570]  }
0x2b1: {  	v58 =	vld [tilespmem:s24+$0x100];
	[tilespmem:s23+$0xD540] =	vst v3;
	v3 =	vadd.f32 v8, v4  }
0x2b2: {  	v59 =	vld [tilespmem:s24+$0x6100]  }
0x2b3: {  	v60 =	vld [tilespmem:s24+$0x110];
	[tilespmem:s23+$0xD550] =	vst v3;
	v3 =	vadd.f32 v57, v56  }
0x2b4: {  	v61 =	vld [tilespmem:s24+$0x6110]  }
0x2b5: {  	v62 =	vld [tilespmem:s24+$0x120];
	[tilespmem:s23+$0xD560] =	vst v3  }
0x2b6: {  	v3 =	vld [tilespmem:s24+$0x6120]  }
0x2b7: {  	v11 =	vld [tilespmem:s24+$0x130]  }
0x2b8: {  	v12 =	vld [tilespmem:s24+$0x6130]  }
0x2b9: {  	v13 =	vld [tilespmem:s24+$0x140]  }
0x2ba: {  	v14 =	vld [tilespmem:s24+$0x6140]  }
0x2bb: {  	v15 =	vld [tilespmem:s24+$0x150]  }
0x2bc: {  	v16 =	vld [tilespmem:s24+$0x6150]  }
0x2bd: {  	v17 =	vld [tilespmem:s24+$0x160]  }
0x2be: {  	v18 =	vld [tilespmem:s24+$0x6160]  }
0x2bf: {  	v19 =	vld [tilespmem:s24+$0x170]  }
0x2c0: {  	v20 =	vld [tilespmem:s24+$0x6170]  }
0x2c1: {  	v21 =	vld [tilespmem:s24+$0x500]  }
0x2c2: {  	v22 =	vld [tilespmem:s24+$0x6500]  }
0x2c3: {  	v23 =	vld [tilespmem:s24+$0x510]  }
0x2c4: {  	v24 =	vld [tilespmem:s24+$0x6510]  }
0x2c5: {  	v25 =	vld [tilespmem:s24+$0x520]  }
0x2c6: {  	v26 =	vld [tilespmem:s24+$0x6520]  }
0x2c7: {  	v27 =	vld [tilespmem:s24+$0x530]  }
0x2c8: {  	v28 =	vld [tilespmem:s24+$0x6530]  }
0x2c9: {  	v29 =	vld [tilespmem:s24+$0x540]  }
0x2ca: {  	v30 =	vld [tilespmem:s24+$0x6540]  }
0x2cb: {  	v31 =	vld [tilespmem:s24+$0x550]  }
0x2cc: {  	v32 =	vld [tilespmem:s24+$0x6550]  }
0x2cd: {  	v33 =	vld [tilespmem:s24+$0x560]  }
0x2ce: {  	v34 =	vld [tilespmem:s24+$0x6560]  }
0x2cf: {  	v35 =	vld [tilespmem:s24+$0x570]  }
0x2d0: {  	v36 =	vld [tilespmem:s24+$0x6570]  }
0x2d1: {  	v37 =	vld [tilespmem:s24+$0x900]  }
0x2d2: {  	v38 =	vld [tilespmem:s24+$0x6900]  }
0x2d3: {  	v39 =	vld [tilespmem:s24+$0x910]  }
0x2d4: {  	v40 =	vld [tilespmem:s24+$0x6910]  }
0x2d5: {  	v41 =	vld [tilespmem:s24+$0x920]  }
0x2d6: {  	v42 =	vld [tilespmem:s24+$0x6920]  }
0x2d7: {  	v43 =	vld [tilespmem:s24+$0x930]  }
0x2d8: {  	v44 =	vld [tilespmem:s24+$0x6930]  }
0x2d9: {  	v45 =	vld [tilespmem:s24+$0x940]  }
0x2da: {  	v46 =	vld [tilespmem:s24+$0x6940]  }
0x2db: {  	v47 =	vld [tilespmem:s24+$0x950]  }
0x2dc: {  	v48 =	vld [tilespmem:s24+$0x6950]  }
0x2dd: {  	v49 =	vld [tilespmem:s24+$0x960]  }
0x2de: {  	v50 =	vld [tilespmem:s24+$0x6960]  }
0x2df: {  	v51 =	vld [tilespmem:s24+$0x970]  }
0x2e0: {  	v52 =	vld [tilespmem:s24+$0x6970]  }
0x2e1: {  	v53 =	vld [tilespmem:s24+$0xD00]  }
0x2e2: {  	v54 =	vld [tilespmem:s24+$0x6D00]  }
0x2e3: {  	v55 =	vld [tilespmem:s24+$0xD10]  }
0x2e4: {  	v5 =	vadd.f32 v5, v10;
	v10 =	vld [tilespmem:s24+$0x6D10]  }
0x2e5: {  	v6 =	vld [tilespmem:s24+$0xD20];
	v4 =	vadd.f32 v59, v58  }
0x2e6: {  	v7 =	vld [tilespmem:s24+$0x6D20];
	[tilespmem:s24+$0xD570] =	vst v5;
	v63 =	vadd.f32 v61, v60  }
0x2e7: {  	v8 =	vld [tilespmem:s24+$0x6D30];
	[tilespmem:s24+$0xC100] =	vst v4;
	v3 =	vadd.f32 v3, v62  }
0x2e8: {  	v9 =	vld [tilespmem:s24+$0xD40];
	[tilespmem:s24+$0xC110] =	vst v63;
	v12 =	vadd.f32 v12, v11  }
0x2e9: {  	v57 =	vld [tilespmem:s24+$0x7120];
	[tilespmem:s24+$0xC120] =	vst v3;
	v3 =	vadd.f32 v14, v13  }
0x2ea: {  	v58 =	vld [tilespmem:s24+$0x1130];
	v16 =	vadd.f32 v16, v15;
	[tilespmem:s24+$0xC130] =	vst v12  }
0x2eb: {  	v4 =	vld [tilespmem:s24+$0xD30];
	[tilespmem:s24+$0xC140] =	vst v3;
	v3 =	vadd.f32 v18, v17  }
0x2ec: {  	v60 =	vld [tilespmem:s24+$0x7130];
	v20 =	vadd.f32 v20, v19;
	[tilespmem:s24+$0xC150] =	vst v16  }
0x2ed: {  	v61 =	vld [tilespmem:s24+$0x1140];
	[tilespmem:s24+$0xC160] =	vst v3;
	v3 =	vadd.f32 v22, v21  }
0x2ee: {  	v11 =	vld [tilespmem:s24+$0x6D40];
	v24 =	vadd.f32 v24, v23;
	[tilespmem:s24+$0xC170] =	vst v20  }
0x2ef: {  	v15 =	vld [tilespmem:s24+$0x6D60];
	[tilespmem:s24+$0xC500] =	vst v3;
	v3 =	vadd.f32 v26, v25  }
0x2f0: {  	v28 =	vadd.f32 v28, v27;
	v19 =	vld [tilespmem:s24+$0x7100];
	[tilespmem:s24+$0xC510] =	vst v24  }
0x2f1: {  	v63 =	vld [tilespmem:s24+$0x7140];
	[tilespmem:s24+$0xC520] =	vst v3;
	v3 =	vadd.f32 v30, v29  }
0x2f2: {  	v32 =	vadd.f32 v32, v31;
	v36 =	vadd.f32 v36, v35;
	v35 =	vld [tilespmem:s24+$0x7150];
	[tilespmem:s24+$0xC530] =	vst v28  }
0x2f3: {  	v56 =	vadd.f32 v40, v39;
	v39 =	vld [tilespmem:s24+$0x1170];
	[tilespmem:s24+$0xC540] =	vst v3;
	v3 =	vadd.f32 v34, v33  }
0x2f4: {  	v40 =	vld [tilespmem:s24+$0x7170];
	[tilespmem:s24+$0xC550] =	vst v32  }
0x2f5: {  	v59 =	vadd.f32 v44, v43;
	v43 =	vld [tilespmem:s24+$0x7500];
	[tilespmem:s24+$0xC560] =	vst v3;
	v3 =	vadd.f32 v38, v37  }
0x2f6: {  	v44 =	vld [tilespmem:s24+$0x1510];
	[tilespmem:s24+$0xC570] =	vst v36  }
0x2f7: {  	v62 =	vadd.f32 v48, v47;
	v47 =	vld [tilespmem:s24+$0x1520];
	[tilespmem:s24+$0xC900] =	vst v3;
	v3 =	vadd.f32 v42, v41  }
0x2f8: {  	v20 =	vld [tilespmem:s24+$0x1110];
	[tilespmem:s24+$0xC910] =	vst v56  }
0x2f9: {  	v21 =	vld [tilespmem:s24+$0x7110];
	[tilespmem:s24+$0xC920] =	vst v3;
	v3 =	vadd.f32 v46, v45  }
0x2fa: {  	v12 =	vld [tilespmem:s24+$0xD50];
	[tilespmem:s24+$0xC930] =	vst v59  }
0x2fb: {  	v13 =	vld [tilespmem:s24+$0x6D50];
	[tilespmem:s24+$0xC940] =	vst v3;
	v3 =	vadd.f32 v50, v49  }
0x2fc: {  	v14 =	vld [tilespmem:s24+$0xD60];
	[tilespmem:s24+$0xC950] =	vst v62;
	v4 =	vadd.f32 v8, v4  }
0x2fd: {  	v16 =	vld [tilespmem:s24+$0xD70];
	[tilespmem:s24+$0xC960] =	vst v3;
	v3 =	vadd.f32 v54, v53  }
0x2fe: {  	v36 =	vld [tilespmem:s24+$0x1160];
	[tilespmem:s24+$0xCD30] =	vst v4;
	v48 =	vadd.f32 v21, v20  }
0x2ff: {  	v56 =	vld [tilespmem:s24+$0x1550];
	[tilespmem:s24+$0xCD00] =	vst v3;
	v3 =	vadd.f32 v7, v6  }
0x300: {  	v18 =	vld [tilespmem:s24+$0x1100];
	v34 =	vadd.f32 v52, v51;
	[tilespmem:s24+$0xD110] =	vst v48  }
0x301: {  	v59 =	vld [tilespmem:s24+$0x1560];
	[tilespmem:s24+$0xCD20] =	vst v3;
	v3 =	vadd.f32 v11, v9  }
0x302: {  	v22 =	vld [tilespmem:s24+$0x1120];
	v51 =	vadd.f32 v60, v58;
	[tilespmem:s24+$0xC970] =	vst v34  }
0x303: {  	v17 =	vld [tilespmem:s24+$0x6D70];
	[tilespmem:s24+$0xCD40] =	vst v3;
	v3 =	vadd.f32 v15, v14  }
0x304: {  	v33 =	vld [tilespmem:s24+$0x1150];
	v37 =	vadd.f32 v10, v55;
	[tilespmem:s24+$0xD130] =	vst v51  }
0x305: {  	v52 =	vld [tilespmem:s24+$0x7530];
	[tilespmem:s24+$0xCD60] =	vst v3;
	v3 =	vadd.f32 v19, v18  }
0x306: {  	v38 =	vld [tilespmem:s24+$0x7160];
	[tilespmem:s24+$0xCD10] =	vst v37;
	v42 =	vadd.f32 v13, v12  }
0x307: {  	v46 =	vld [tilespmem:s24+$0x7510];
	[tilespmem:s24+$0xD100] =	vst v3;
	v3 =	vadd.f32 v57, v22  }
0x308: {  	v41 =	vld [tilespmem:s24+$0x1500];
	[tilespmem:s24+$0xCD50] =	vst v42;
	v45 =	vadd.f32 v17, v16  }
0x309: {  	v50 =	vld [tilespmem:s24+$0x1530];
	[tilespmem:s24+$0xD120] =	vst v3;
	v3 =	vadd.f32 v63, v61  }
0x30a: {  	[tilespmem:s24+$0xCD70] =	vst v45;
	v49 =	vld [tilespmem:s24+$0x7520];
	v54 =	vadd.f32 v35, v33  }
0x30b: {  	v55 =	vld [tilespmem:s24+$0x7540];
	[tilespmem:s24+$0xD140] =	vst v3;
	v3 =	vadd.f32 v38, v36  }
0x30c: {  	v53 =	vld [tilespmem:s24+$0x1540];
	v60 =	vadd.f32 v46, v44;
	[tilespmem:s24+$0xD150] =	vst v54  }
0x30d: {  	v58 =	vld [tilespmem:s24+$0x7550];
	[tilespmem:s24+$0xD160] =	vst v3;
	v3 =	vadd.f32 v43, v41  }
0x30e: {  	[tilespmem:s24+$0xD510] =	vst v60;
	v62 =	vadd.f32 v52, v50;
	v61 =	vld [tilespmem:s24+$0x7560]  }
0x30f: {  	[tilespmem:s24+$0xD500] =	vst v3;
	v3 =	vadd.f32 v49, v47  }
0x310: {  	[tilespmem:s24+$0xD530] =	vst v62;
	v57 =	vadd.f32 v40, v39  }
0x311: {  	[tilespmem:s24+$0xD520] =	vst v3;
	v3 =	vadd.f32 v55, v53  }
0x312: {  	[tilespmem:s24+$0xD170] =	vst v57;
	v63 =	vadd.f32 v58, v56  }
0x313: {  	s22 =	sadd.s32 $0x1, s22;
	[tilespmem:s24+$0xD540] =	vst v3;
	v3 =	vadd.f32 v61, v59  }
0x314: {  	p0 =	sne.s32 s22, s12;
	[tilespmem:s24+$0xD550] =	vst v63  }
.Ltmp2:
0x315: {  	[tilespmem:s24+$0xD560] =	vst v3;
	(pc) =	sbr.rel @p0 .LBB2_1-.Ltmp2, $4  }
0x316: {  	[hbm4b:s11+s1] =	stream.linear.scatter [tilespmem:s21], [sflag:$0x2], $0x6000, $0x38;
	[tilespmem:$0x12100] =	vst v63  }
0x317: {  	_ =	swait.ge [sflag:s13], $0x6000  }
0x318: {  	[sflag:s13] =	ssyncset.done $0x0  }
0x319: {  	[sflag:s13] =	ssyncadd.s32 $0xFFFFA000  }
0x31a: {  	_ =	sfence.sel $0x180000  }
0x31b: {  	[bflag:$0x0] =	sbarrier.arrive $0xFFFF  }
0x31c: {  	_ =	strace $0x90000056  }
0x31d: {  	s0 =	stileid.u32;
	[bflag:$0x2] =	sbarrier.arrive $0xFFFF  }
0x31e: {  	p0 =	sne.s32 s0, $0x0;
	s0 =	rddreg [dreg:$0x2]  }
0x31f: {  	s0 =	sadd.s32 @!p0 $0x100000, s0  }
0x320: {  	[sflag:s0] =	ssyncadd.tile.s32 @!p0 $0x1;
	_ =	shalt  }
.Lfunc_end2:
_tile_overlayer_lowered:
.L_overlay_start_2:
0x321: {  	(tag) =	ssettag $0x2  }
0x322: {  	s0 =	rddreg [dreg:$0x0];
	s2 =	stileid.u32  }
0x323: {  	s1 =	rddreg [dreg:$0x1];
	p0 =	sne.s32 s2, $0x0  }
0x324: {  	s3 =	rddreg [dreg:$0x2];
	[bflag:$0x3] =	sbarrier.arrive $0xFFFF;
	s2 =	simm.s32 @!p0 $0x1C02  }
0x325: {  	[timem:s3], [sflag:s2] =	dma.local @!p0 [hbm:s0], s1  }
0x326: {  	s0 =	simm.s32 @!p0 $0x2  }
0x327: {  	_ =	swait.ge @!p0 [sflag:s0], s1  }
0x328: {  	s1 =	ssub.s32 @!p0 $0x0, s1;
	[sflag:s0] =	ssyncset.done @!p0 $0x0  }
0x329: {  	[sflag:s0] =	ssyncadd.s32 @!p0 s1  }
0x32a: {  	[bflag:$0x3] =	sbarrier.arrive $0xFFFF  }
0x32b: {  	_ =	shalt  }

// kernel: kernel.8.cloned.1.call-start
scs
__scs_entry_jumppad:
0x0: {  	(pc) =	sbr.rel $0x88, $3  }
0x1: {  	(tag) =	ssettag $0x0;
	lr =	simm.s32 $0x1  }
0x2: {  	[smem:$0x3F9B] =	sst lr;
	_ =	strace $0xD0000000  }
0x3: {  	_ = 	snop  }
0x4: {  	_ = 	snop  }
0x5: {  	_ = 	snop  }
0x6: {  	_ = 	snop  }
0x7: {  	_ = 	snop  }
__scs_overlays_trampoline_lowered:
0x8: {  	[smem:$0x3FAA] =	sst s0  }
0x9: {  	[smem:$0x3FAB] =	sst s1  }
0xa: {  	[smem:$0x3FAC] =	sst s2  }
0xb: {  	[smem:$0x3FAD] =	sst s3  }
0xc: {  	[smem:$0x3FAE] =	sst s4  }
0xd: {  	[smem:$0x3FAF] =	sst s5  }
0xe: {  	[smem:$0x3FB0] =	sst s6  }
0xf: {  	[smem:$0x3FB1] =	sst s7  }
0x10: {  	[smem:$0x3FB2] =	sst s8  }
0x11: {  	[smem:$0x3FB3] =	sst s9;
	s0 =	simm.s32 @!p0 $0x0  }
0x12: {  	s1 =	sld [smem:$0x3F99];
	s0 =	simm.s32 @p0 $0x1  }
0x13: {  	[smem:$0x3FB4] =	sst s0;
	s0 =	simm.s32 @!p1 $0x0  }
0x14: {  	s2 =	sld [smem:$0x3F98];
	s0 =	simm.s32 @p1 $0x1  }
0x15: {  	[smem:$0x3FB5] =	sst s0;
	s0 =	simm.s32 @!p2 $0x0  }
0x16: {  	s3 =	sld [smem:$0x3FDB];
	s0 =	simm.s32 @p2 $0x1  }
0x17: {  	s4 =	simm.s32 $0x1BF5;
	[smem:$0x3FB7] =	sst s0  }
0x18: {  	s0 =	sld [smem:$0x3F9A];
	_ =	swait.ge [sflag:s4], $0x0  }
0x19: {  	s7 =	sld [smem:$0x3F9B]  }
0x1a: {  	s8 =	sadd.s32 $0xFFFFE003, lr  }
0x1b: {  	s9 =	sadd.s32 $0xFFFFFEF7, lr;
	s5 =	simm.s32 $0xFFFFFFFF;
	p2 =	slt.u32 s8, $0xFFFFF086  }
0x1c: {  	p1 =	slt.u32 s9, $0xF7A;
	s5 =	simm.s32 @!p2 $0x0  }
0x1d: {  	s5 =	simm.s32 @p1 $0x1;
	p0 =	seq.s32 s7, s2  }
0x1e: {  	s7 =	smul.u32 @!p0 $0xF7A, s2;
	p2 =	seq.s32 @!p0 s5, $0x0  }
0x1f: {  	s9 =	smul.u32 $0xF7A, s1;
	s8 =	simm.s32 @!p0 $0x1BF5;
	p2 =	por !p2, p0  }
0x20: {  	[sflag:s8] =	ssyncset.s32 @!p0 $0xFFFFF086;
	s6 =	sadd.s32 @!p0 s3, s7;
	s7 =	simm.s32 @!p0 $0x108  }
0x21: {  	s3 =	sadd.s32 s3, s9;
	s6 =	sadd.s32 @!p0 $0x88, s6;
	s7 =	simm.s32 @p2 $0x1082  }
0x22: {  	[simem:s7], [sflag:s8] =	dma.local @!p0 [hbm:s6], $0xF7A  }
0x23: {  	s9 =	sor.u32 $0xD0000000, s2;
	s6 =	simm.s32 $0x108;
	_ =	swait.ge @!p0 [sflag:s8], $0x0  }
0x24: {  	s3 =	sadd.s32 $0x88, s3;
	s6 =	simm.s32 @!p1 $0x1082;
	[sflag:s4] =	ssyncset.s32 $0xFFFFF086  }
0x25: {  	[simem:s6], [sflag:s4] =	dma.local [hbm:s3], $0xF7A  }
0x26: {  	[smem:$0x3F9B] =	sst s1;
	(tag) =	ssettag s2;
	_ =	strace s9  }
0x27: {  	s1 =	sld [smem:$0x3FAB]  }
0x28: {  	s2 =	sld [smem:$0x3FAC]  }
0x29: {  	s4 =	sld [smem:$0x3FAE]  }
0x2a: {  	p0 =	seq.s32 s5, $0x0;
	s5 =	sld [smem:$0x3FAF]  }
0x2b: {  	s6 =	sld [smem:$0x3FB0]  }
0x2c: {  	s7 =	sld [smem:$0x3FB1]  }
0x2d: {  	s3 =	simm.s32 $0x108;
	s8 =	sld [smem:$0x3FB2]  }
0x2e: {  	s3 =	simm.s32 @!p0 $0x1082;
	s9 =	sld [smem:$0x3FB3]  }
0x2f: {  	lr =	sadd.s32 s0, s3;
	s0 =	sld [smem:$0x3FAA]  }
0x30: {  	s3 =	sld [smem:$0x3FAD]  }
0x31: {  	[smem:$0x3FB6] =	sst s10  }
0x32: {  	s10 =	sld [smem:$0x3FB4];
	_ =	sdelay $0x3  }
0x33: {  	p0 =	seq.s32 s10, $0x1;
	s10 =	sld [smem:$0x3FB6];
	_ =	sdelay $0x3  }
0x34: {  	[smem:$0x3FB6] =	sst s10  }
0x35: {  	s10 =	sld [smem:$0x3FB5];
	_ =	sdelay $0x3  }
0x36: {  	p1 =	seq.s32 s10, $0x1;
	s10 =	sld [smem:$0x3FB6];
	_ =	sdelay $0x3  }
0x37: {  	[smem:$0x3FB6] =	sst s10  }
0x38: {  	s10 =	sld [smem:$0x3FB7]  }
0x39: {  	_ = 	snop;
	(pc) =	sbr.ind lr, $3  }
0x3a: {  	_ = 	snop  }
0x3b: {  	_ = 	snop  }
0x3c: {  	p2 =	seq.s32 s10, $0x1;
	s10 =	sld [smem:$0x3FB6]  }
0x3d: {  	_ =	shalt  }
0x3e: {  	_ =	shalt  }
0x3f: {  	_ =	shalt  }
0x40: {  	_ =	shalt  }
0x41: {  	_ =	shalt  }
0x42: {  	_ =	shalt  }
0x43: {  	_ =	shalt  }
0x44: {  	_ =	shalt  }
0x45: {  	_ =	shalt  }
0x46: {  	_ =	shalt  }
0x47: {  	_ =	shalt  }
0x48: {  	_ =	shalt  }
0x49: {  	_ =	shalt  }
0x4a: {  	_ =	shalt  }
0x4b: {  	_ =	shalt  }
0x4c: {  	_ =	shalt  }
0x4d: {  	_ =	shalt  }
0x4e: {  	_ =	shalt  }
0x4f: {  	_ =	shalt  }
0x50: {  	_ =	shalt  }
0x51: {  	_ =	shalt  }
0x52: {  	_ =	shalt  }
0x53: {  	_ =	shalt  }
0x54: {  	_ =	shalt  }
0x55: {  	_ =	shalt  }
0x56: {  	_ =	shalt  }
0x57: {  	_ =	shalt  }
0x58: {  	_ =	shalt  }
0x59: {  	_ =	shalt  }
0x5a: {  	_ =	shalt  }
0x5b: {  	_ =	shalt  }
0x5c: {  	_ =	shalt  }
0x5d: {  	_ =	shalt  }
0x5e: {  	_ =	shalt  }
0x5f: {  	_ =	shalt  }
0x60: {  	_ =	shalt  }
0x61: {  	_ =	shalt  }
0x62: {  	_ =	shalt  }
0x63: {  	_ =	shalt  }
0x64: {  	_ =	shalt  }
0x65: {  	_ =	shalt  }
0x66: {  	_ =	shalt  }
0x67: {  	_ =	shalt  }
0x68: {  	_ =	shalt  }
0x69: {  	_ =	shalt  }
0x6a: {  	_ =	shalt  }
0x6b: {  	_ =	shalt  }
0x6c: {  	_ =	shalt  }
0x6d: {  	_ =	shalt  }
0x6e: {  	_ =	shalt  }
0x6f: {  	_ =	shalt  }
0x70: {  	_ =	shalt  }
0x71: {  	_ =	shalt  }
0x72: {  	_ =	shalt  }
0x73: {  	_ =	shalt  }
0x74: {  	_ =	shalt  }
0x75: {  	_ =	shalt  }
0x76: {  	_ =	shalt  }
0x77: {  	_ =	shalt  }
0x78: {  	_ =	shalt  }
0x79: {  	_ =	shalt  }
0x7a: {  	_ =	shalt  }
0x7b: {  	_ =	shalt  }
0x7c: {  	_ =	shalt  }
0x7d: {  	_ =	shalt  }
0x7e: {  	_ =	shalt  }
0x7f: {  	_ =	shalt  }
0x80: {  	_ =	shalt  }
0x81: {  	_ =	shalt  }
0x82: {  	_ =	shalt  }
0x83: {  	_ =	shalt  }
0x84: {  	_ =	shalt  }
0x85: {  	_ =	shalt  }
0x86: {  	_ =	shalt  }
0x87: {  	_ =	shalt  }
.Lfunc_end0:
.L_simem_size_0:
called_computation.3_lowered:
.L_overlay_start_0:
0x88: {  	s2 =	sld [smem:$0x3FD9]  }
0x89: {  	s3 =	sld [smem:$0x3FFE];
	_ =	sdelay $0x1  }
0x8a: {  	s1 =	srdreg.scid  }
0x8b: {  	s0 =	sand.u32 $0x1, s1  }
0x8c: {  	s17 =	sshll.u32 s0, $0xA;
	s2 =	sadd.s32 s3, s2  }
0x8d: {  	s2 =	sadd.s32 s2, s17  }
0x8e: {  	[smem:$0x3FC2] =	sst s2  }
0x8f: {  	_ = 	snop  }
0x90: {  	s18 =	sld [smem:$0x3FC9];
	(tm) =	ssettm $0x1  }
0x91: {  	s19 =	sld [smem:$0x3FFB];
	_ =	sdelay $0x3  }
0x92: {  	_ =	strace s19  }
0x93: {  	s2 =	sld [smem:$0x3FFC];
	_ =	sdelay $0x3  }
0x94: {  	_ =	strace s2  }
0x95: {  	s2 =	sld [smem:$0x3FFD];
	_ =	sdelay $0x3  }
0x96: {  	_ =	strace s2  }
0x97: {  	_ =	strace $0x8FFFFFFF  }
0x98: {  	s20 =	sld [smem:$0x3FDB];
	_ =	sdelay $0x1  }
0x99: {  	s4 =	simm.s32 $_scs_section_size  }
0x9a: {  	s5 =	simm.s32 $_size__tile_overlayer_lowered;
	s6 =	simm.s32 $_tile_overlayer_lowered  }
0x9b: {  	s7 =	simm.s32 $0x1BFF;
	s21 =	sshll.u32 s6, $0x1;
	s4 =	sadd.s32 s4, s20  }
0x9c: {  	s22 =	simm.s32 $0x0;
	s5 =	sshll.u32 s5, $0x1;
	s6 =	sadd.s32 s21, s4  }
0x9d: {  	[timem:s22], [sflag:s7] =	dma.local [hbm:s6], s5  }
0x9e: {  	_ =	swait.ge [sflag:s7], s5  }
0x9f: {  	s5 =	ssub.s32 $0x0, s5;
	[sflag:s7] =	ssyncset.done $0x0  }
0xa0: {  	[sflag:s7] =	ssyncadd.s32 s5;
	_ =	sdelay $0x1  }
0xa1: {  	s23 =	simm.s32 $0x1B8B  }
0xa2: {  	_ =	swait.ge [sflag:s23], $0x1  }
0xa3: {  	[sflag:s23] =	ssyncset.done $0x0  }
0xa4: {  	[sflag:s23] =	ssyncadd.s32 $0xFFFFFFFF  }
0xa5: {  	s5 =	sld [smem:$0x0]  }
0xa6: {  	s6 =	sand.u32 $0xFFFFFFFE, s1  }
0xa7: {  	p0 =	sne.s32 s1, s6  }
0xa8: {  	s6 =	sshll.u32 @p0 s6, $0xE  }
0xa9: {  	s6 =	sadd.s32 @p0 $0x11B8D, s6;
	s7 =	sshll.u32 @p0 s5, $0x11  }
0xaa: {  	s6 =	sor.u32 @p0 s7, s6  }
0xab: {  	[sflag:s6] =	ssyncadd.remote.s32 @p0 $0x1;
	_ =	sdelay $0x1  }
0xac: {  	s6 =	simm.s32 @p0 $0x1B8D  }
0xad: {  	_ =	swait.eq @p0 [sflag:s6], $0x1  }
0xae: {  	[sflag:s6] =	ssyncadd.s32 @p0 $0xFFFFFFFF  }
0xaf: {  	s7 =	sshll.u32 @!p0 s1, $0xE  }
0xb0: {  	s7 =	sor.u32 @!p0 $0x4000, s7;
	s6 =	simm.s32 @!p0 $0x1B8D  }
0xb1: {  	s5 =	sshll.u32 @!p0 s5, $0x11;
	s7 =	sadd.s32 @!p0 $0x11B8D, s7;
	_ =	swait.eq @!p0 [sflag:s6], $0x1  }
0xb2: {  	s5 =	sor.u32 @!p0 s5, s7;
	[sflag:s6] =	ssyncadd.s32 @!p0 $0xFFFFFFFF  }
0xb3: {  	s25 =	simm.s32 $0x1B8E;
	s24 =	sld [smem:$0x3FFE];
	[sflag:s5] =	ssyncadd.remote.s32 @!p0 $0x1  }
0xb4: {  	s26 =	simm.s32 $execute0_lowered;
	[smem:$0x3FD2] =	sst s25  }
0xb5: {  	s6 =	sshll.u32 s26, $0x1;
	_ =	strace $0x8000004F;
	[dreg:$0x1] =	wrdreg $0xFFFFFFFF  }
0xb6: {  	s28 =	simm.s32 $_size_execute0_lowered;
	s4 =	sadd.s32 s4, s6;
	[dreg:$0x0] =	wrdreg $0x0  }
0xb7: {  	s6 =	sshll.u32 s28, $0x1;
	[dreg:$0x2] =	wrdreg s4  }
0xb8: {  	[dreg:$0x3] =	wrdreg s6  }
0xb9: {  	[dreg:$0x4] =	wrdreg $0xC0  }
0xba: {  	_ =	task [dreg:s22], $0x5FFFF  }
0xbb: {  	[dreg:$0x1] =	wrdreg $0xFFFFFFFF  }
0xbc: {  	[dreg:$0x0] =	wrdreg $0x60  }
0xbd: {  	[dreg:$0x2] =	wrdreg s18  }
0xbe: {  	[dreg:$0x3] =	wrdreg s24  }
0xbf: {  	[dreg:$0x4] =	wrdreg $0xA  }
0xc0: {  	_ =	task.clear_ibuf [dreg:s22], $0x5FFFF;
	_ =	strace $0x9000004F  }
0xc1: {  	s29 =	simm.s32 $0xA;
	_ =	strace $0x80000051  }
0xc2: {  	_ =	swait.ge [sflag:s29], $0x1  }
0xc3: {  	[sflag:s29] =	ssyncadd.s32 $0xFFFFFFFF  }
0xc4: {  	_ =	strace $0x90000051  }
0xc5: {  	_ =	sfence  }
0xc6: {  	s30 =	sld [smem:$0x0];
	_ =	sdelay $0x2  }
0xc7: {  	s31 =	sshll.u32 s1, $0xD;
	s1 =	sshrl.u32 s1, $0x2  }
0xc8: {  	s4 =	sand.u32 $0x4000, s31;
	s1 =	sadd.s32 s1, s30  }
0xc9: {  	s0 =	sor.u32 s4, s0;
	s1 =	sshll.u32 s1, $0x11  }
0xca: {  	s0 =	sor.u32 s1, s0  }
0xcb: {  	s0 =	sadd.s32 $0x8F2B, s0  }
0xcc: {  	[sflag:s0] =	ssyncadd.remote.s32 $0x1  }
0xcd: {  	_ =	sfence.sel $0xFFFF  }
0xce: {  	[dreg:$0x0] =	wrdreg $0xFFFFFFFF;
	(pc) =	sbr.abs _section_cstart, $3  }
0xcf: {  	[dreg:$0x1] =	wrdreg $0xFFFFFFFF  }
0xd0: {  	_ =	task.clear_ibuf [dreg:s22], $0x2FFFF;
	_ =	strace $0x9FFFFFFF  }
0xd1: {  	(tm) =	ssettm $0x7FFFFFFF  }
tec
execute0_lowered:
.L_overlay_start_1:
0x0: {  	(tag) =	ssettag $0x1  }
0x1: {  	s1 =	srdreg.scid;
	s0 =	stileid.u32  }
0x2: {  	s2 =	rddreg [dreg:$0x0];
	s1 =	sand.u32 $0x1, s1;
	s3 =	sshll.u32 s0, $0x1  }
0x3: {  	s4 =	rddreg [dreg:$0x1];
	s5 =	sor.u32 s1, s3;
	s3 =	simm.s32 $0x0  }
0x4: {  	s25 =	simm.s32 $0x880;
	[smem:$0x7FF] =	sst s3  }
0x5: {  	s26 =	simm.s32 $0x1080;
	_ =	strace $0x80000050;
	[dreg:$0x5] =	wrdreg s25  }
0x6: {  	s0 =	simm.s32 $0x1880;
	[dreg:$0x6] =	wrdreg s26  }
0x7: {  	s7 =	simm.s32 $0x3080;
	[dreg:$0x7] =	wrdreg s0  }
0x8: {  	s8 =	simm.s32 $0x3880;
	[dreg:$0xa] =	wrdreg s7  }
0x9: {  	s9 =	simm.s32 $0x4080;
	[dreg:$0xb] =	wrdreg s8  }
0xa: {  	s10 =	simm.s32 $0x4880;
	[dreg:$0xc] =	wrdreg s9  }
0xb: {  	s11 =	simm.s32 $0x5080;
	[dreg:$0xd] =	wrdreg s10  }
0xc: {  	s12 =	simm.s32 $0x5880;
	[dreg:$0xe] =	wrdreg s11  }
0xd: {  	s13 =	simm.s32 $0x6080;
	[dreg:$0xf] =	wrdreg s12  }
0xe: {  	s14 =	simm.s32 $0x6880;
	s15 =	simm.s32 $0x7080;
	[dreg:$0x10] =	wrdreg s13  }
0xf: {  	s16 =	simm.s32 $0x7880;
	s17 =	simm.s32 $0x8080;
	[dreg:$0x11] =	wrdreg s14  }
0x10: {  	s18 =	simm.s32 $0x8880;
	s19 =	simm.s32 $0x9080;
	[dreg:$0x12] =	wrdreg s15  }
0x11: {  	s21 =	simm.s32 $0x9880;
	s22 =	simm.s32 $0xA080;
	[dreg:$0x13] =	wrdreg s16  }
0x12: {  	s23 =	simm.s32 $0xA880;
	s28 =	simm.s32 $0x16080;
	[dreg:$0x14] =	wrdreg s17  }
0x13: {  	s29 =	simm.s32 $0x16880;
	s30 =	simm.s32 $0x17080;
	[dreg:$0x15] =	wrdreg s18  }
0x14: {  	s31 =	simm.s32 $0x17880;
	s1 =	ssub.s32 $0x2, s1;
	[dreg:$0x16] =	wrdreg s19  }
0x15: {  	s6 =	sshll.u32 s5, $0x4;
	s5 =	smul.u32 $0x3000, s5;
	[dreg:$0x17] =	wrdreg s21  }
0x16: {  	s20 =	sshrl.u32 s1, $0x1;
	s6 =	sadd.s32 s6, s4;
	[dreg:$0x18] =	wrdreg s22  }
0x17: {  	s1 =	ssub.s32 s1, s20;
	[dreg:$0x19] =	wrdreg s23;
	s7 =	simm.s32 $0xB080  }
0x18: {  	s25 =	simm.s32 $0xC080;
	s8 =	simm.s32 $0x80;
	s26 =	simm.s32 $0xC880  }
0x19: {  	s10 =	simm.s32 $0xD880;
	s11 =	simm.s32 $0xE080;
	s12 =	simm.s32 $0xE880  }
0x1a: {  	s13 =	simm.s32 $0xF080;
	s14 =	simm.s32 $0xF880;
	s15 =	simm.s32 $0x10080  }
0x1b: {  	s16 =	simm.s32 $0x10880;
	s17 =	simm.s32 $0x11080;
	s18 =	simm.s32 $0x11880  }
0x1c: {  	s19 =	simm.s32 $0x12080;
	s20 =	simm.s32 $0x12880;
	s21 =	simm.s32 $0x13080  }
0x1d: {  	s22 =	simm.s32 $0x13880;
	s23 =	simm.s32 $0x14080;
	[dreg:$0x1a] =	wrdreg s7  }
0x1e: {  	s4 =	sadd.s32 s5, s4;
	s24 =	sadd.s32 $0xC00, s6;
	[dreg:$0x1c] =	wrdreg s25  }
0x1f: {  	s5 =	simm.s32 $0x2080;
	s6 =	simm.s32 $0x2880;
	[dreg:$0x1d] =	wrdreg s26  }
0x20: {  	s7 =	simm.s32 $0x2;
	s25 =	simm.s32 $0x15080;
	[dreg:$0x3] =	wrdreg s24  }
0x21: {  	s26 =	simm.s32 $0x15880;
	s4 =	sadd.s32 $0x2A00, s4;
	[dreg:$0x8] =	wrdreg s5  }
0x22: {  	v2 =	vlaneseq.u32;
	[dreg:$0x9] =	wrdreg s6;
	s5 =	sadd.s32 $0x200, s2;
	s6 =	smax.u32 s1, $0x1  }
0x23: {  	vm0 =	vmmov $0xffff;
	v1 =	vshrl.u32 v2, $0x3;
	s24 =	simm.s32 $0xB880;
	s1 =	simm.s32 $0x1;
	[dreg:$0x4] =	wrdreg s4  }
0x24: {  	v0 =	vand.u32 $0x7, v2;
	v2 =	vor.u32 $0x8, v2;
	v1 =	vmul.u32 $0x8, v1;
	s4 =	sadd.s32 $0x100, s2;
	[dreg:$0x1b] =	wrdreg s24;
	s24 =	simm.s32 $0x14880  }
.LBB2_1:
0x25: {  	s0 =	rddreg [dreg:$0x3]  }
0x26: {  	[tilespmem:s3], [sflag:$0x2] =	stream.linear.gather [hbm4b:s0+s3], $0x80, $0x38;
	[tilespmem:$0x18080] =	vst v63  }
0x27: {  	_ =	swait.ge [sflag:s7], $0x80  }
0x28: {  	[sflag:s7] =	ssyncset.done $0x0  }
0x29: {  	[sflag:s7] =	ssyncadd.s32 $0xFFFFFF80  }
0x2a: {  	v3 =	vld [tilespmem:$0x0];
	_ =	sdelay $0x4  }
0x2b: {  	v4 =	vshrl.u32 v3, $0x3  }
0x2c: {  	v4 =	vmul.u32 $0x30, v4  }
0x2d: {  	v3 =	vand.u32 $0x7, v3  }
0x2e: {  	v3 =	vor.u32 v3, v4  }
0x2f: {  	v4 =	vperm.xlane v3, v0;
	_ =	sdelay $0x1  }
0x30: {  	v4 =	vadd.s32 v1, v4;
	_ =	sdelay $0x3  }
0x31: {  	v3 =	vperm.xlane v3, v2  }
0x32: {  	[tilespmem:s8], [sflag:$0x1] =	stream.indirect_vreg.gather [hbm4b:s2+s3], $0x80, v4, vm0, $0xb8;
	[tilespmem:$0x18080] =	vst v63  }
0x33: {  	s0 =	rddreg [dreg:$0x5];
	v3 =	vadd.s32 v1, v3  }
0x34: {  	[tilespmem:s0], [sflag:$0x1] =	stream.indirect_vreg.gather [hbm4b:s4+s3], $0x80, v4, vm0, $0xb8;
	[tilespmem:$0x18080] =	vst v63  }
0x35: {  	s9 =	rddreg [dreg:$0x6]  }
0x36: {  	[tilespmem:s9], [sflag:$0x1] =	stream.indirect_vreg.gather [hbm4b:s5+s3], $0x80, v4, vm0, $0xb8;
	[tilespmem:$0x18080] =	vst v63  }
0x37: {  	s0 =	rddreg [dreg:$0x7]  }
0x38: {  	[tilespmem:s0], [sflag:$0x1] =	stream.indirect_vreg.gather [hbm4b:s2+s3], $0x80, v3, vm0, $0xb8;
	[tilespmem:$0x18080] =	vst v63  }
0x39: {  	s9 =	rddreg [dreg:$0x8]  }
0x3a: {  	[tilespmem:s9], [sflag:$0x1] =	stream.indirect_vreg.gather [hbm4b:s4+s3], $0x80, v3, vm0, $0xb8;
	[tilespmem:$0x18080] =	vst v63  }
0x3b: {  	s0 =	rddreg [dreg:$0x9]  }
0x3c: {  	[tilespmem:s0], [sflag:$0x1] =	stream.indirect_vreg.gather [hbm4b:s5+s3], $0x80, v3, vm0, $0xb8;
	[tilespmem:$0x18080] =	vst v63  }
0x3d: {  	v3 =	vld [tilespmem:$0x10];
	_ =	sdelay $0x4  }
0x3e: {  	v57 =	vshrl.u32 v3, $0x3  }
0x3f: {  	v4 =	vmul.u32 $0x30, v57  }
0x40: {  	v3 =	vand.u32 $0x7, v3  }
0x41: {  	v3 =	vor.u32 v3, v4  }
0x42: {  	v4 =	vperm.xlane v3, v0;
	_ =	sdelay $0x1  }
0x43: {  	v4 =	vadd.s32 v1, v4;
	_ =	sdelay $0x3  }
0x44: {  	s0 =	rddreg [dreg:$0xa];
	v3 =	vperm.xlane v3, v2  }
0x45: {  	[tilespmem:s0], [sflag:$0x1] =	stream.indirect_vreg.gather [hbm4b:s2+s3], $0x80, v4, vm0, $0xb8;
	[tilespmem:$0x18080] =	vst v63  }
0x46: {  	s9 =	rddreg [dreg:$0xb];
	v3 =	vadd.s32 v1, v3  }
0x47: {  	[tilespmem:s9], [sflag:$0x1] =	stream.indirect_vreg.gather [hbm4b:s4+s3], $0x80, v4, vm0, $0xb8;
	[tilespmem:$0x18080] =	vst v63  }
0x48: {  	s0 =	rddreg [dreg:$0xc]  }
0x49: {  	[tilespmem:s0], [sflag:$0x1] =	stream.indirect_vreg.gather [hbm4b:s5+s3], $0x80, v4, vm0, $0xb8;
	[tilespmem:$0x18080] =	vst v63  }
0x4a: {  	s9 =	rddreg [dreg:$0xd]  }
0x4b: {  	[tilespmem:s9], [sflag:$0x1] =	stream.indirect_vreg.gather [hbm4b:s2+s3], $0x80, v3, vm0, $0xb8;
	[tilespmem:$0x18080] =	vst v63  }
0x4c: {  	s0 =	rddreg [dreg:$0xe]  }
0x4d: {  	[tilespmem:s0], [sflag:$0x1] =	stream.indirect_vreg.gather [hbm4b:s4+s3], $0x80, v3, vm0, $0xb8;
	[tilespmem:$0x18080] =	vst v63  }
0x4e: {  	s9 =	rddreg [dreg:$0xf]  }
0x4f: {  	[tilespmem:s9], [sflag:$0x1] =	stream.indirect_vreg.gather [hbm4b:s5+s3], $0x80, v3, vm0, $0xb8;
	[tilespmem:$0x18080] =	vst v63  }
0x50: {  	v3 =	vld [tilespmem:$0x20];
	_ =	sdelay $0x4  }
0x51: {  	v58 =	vshrl.u32 v3, $0x3  }
0x52: {  	v4 =	vmul.u32 $0x30, v58  }
0x53: {  	v3 =	vand.u32 $0x7, v3  }
0x54: {  	v3 =	vor.u32 v3, v4  }
0x55: {  	v4 =	vperm.xlane v3, v0;
	_ =	sdelay $0x1  }
0x56: {  	v4 =	vadd.s32 v1, v4;
	_ =	sdelay $0x3  }
0x57: {  	s0 =	rddreg [dreg:$0x10];
	v3 =	vperm.xlane v3, v2  }
0x58: {  	[tilespmem:s0], [sflag:$0x1] =	stream.indirect_vreg.gather [hbm4b:s2+s3], $0x80, v4, vm0, $0xb8;
	[tilespmem:$0x18080] =	vst v63  }
0x59: {  	s9 =	rddreg [dreg:$0x11];
	v3 =	vadd.s32 v1, v3  }
0x5a: {  	[tilespmem:s9], [sflag:$0x1] =	stream.indirect_vreg.gather [hbm4b:s4+s3], $0x80, v4, vm0, $0xb8;
	[tilespmem:$0x18080] =	vst v63  }
0x5b: {  	s0 =	rddreg [dreg:$0x12]  }
0x5c: {  	[tilespmem:s0], [sflag:$0x1] =	stream.indirect_vreg.gather [hbm4b:s5+s3], $0x80, v4, vm0, $0xb8;
	[tilespmem:$0x18080] =	vst v63  }
0x5d: {  	s9 =	rddreg [dreg:$0x13]  }
0x5e: {  	[tilespmem:s9], [sflag:$0x1] =	stream.indirect_vreg.gather [hbm4b:s2+s3], $0x80, v3, vm0, $0xb8;
	[tilespmem:$0x18080] =	vst v63  }
0x5f: {  	s0 =	rddreg [dreg:$0x14]  }
0x60: {  	[tilespmem:s0], [sflag:$0x1] =	stream.indirect_vreg.gather [hbm4b:s4+s3], $0x80, v3, vm0, $0xb8;
	[tilespmem:$0x18080] =	vst v63  }
0x61: {  	s9 =	rddreg [dreg:$0x15]  }
0x62: {  	[tilespmem:s9], [sflag:$0x1] =	stream.indirect_vreg.gather [hbm4b:s5+s3], $0x80, v3, vm0, $0xb8;
	[tilespmem:$0x18080] =	vst v63  }
0x63: {  	v3 =	vld [tilespmem:$0x30];
	_ =	sdelay $0x4  }
0x64: {  	v59 =	vshrl.u32 v3, $0x3  }
0x65: {  	v4 =	vmul.u32 $0x30, v59  }
0x66: {  	v3 =	vand.u32 $0x7, v3  }
0x67: {  	v3 =	vor.u32 v3, v4  }
0x68: {  	v4 =	vperm.xlane v3, v0;
	_ =	sdelay $0x1  }
0x69: {  	v4 =	vadd.s32 v1, v4;
	_ =	sdelay $0x3  }
0x6a: {  	s0 =	rddreg [dreg:$0x16];
	v3 =	vperm.xlane v3, v2  }
0x6b: {  	[tilespmem:s0], [sflag:$0x1] =	stream.indirect_vreg.gather [hbm4b:s2+s3], $0x80, v4, vm0, $0xb8;
	[tilespmem:$0x18080] =	vst v63  }
0x6c: {  	s9 =	rddreg [dreg:$0x17];
	v3 =	vadd.s32 v1, v3  }
0x6d: {  	[tilespmem:s9], [sflag:$0x1] =	stream.indirect_vreg.gather [hbm4b:s4+s3], $0x80, v4, vm0, $0xb8;
	[tilespmem:$0x18080] =	vst v63  }
0x6e: {  	s0 =	rddreg [dreg:$0x18]  }
0x6f: {  	[tilespmem:s0], [sflag:$0x1] =	stream.indirect_vreg.gather [hbm4b:s5+s3], $0x80, v4, vm0, $0xb8;
	[tilespmem:$0x18080] =	vst v63  }
0x70: {  	s9 =	rddreg [dreg:$0x19]  }
0x71: {  	[tilespmem:s9], [sflag:$0x1] =	stream.indirect_vreg.gather [hbm4b:s2+s3], $0x80, v3, vm0, $0xb8;
	[tilespmem:$0x18080] =	vst v63  }
0x72: {  	s0 =	rddreg [dreg:$0x1a]  }
0x73: {  	[tilespmem:s0], [sflag:$0x1] =	stream.indirect_vreg.gather [hbm4b:s4+s3], $0x80, v3, vm0, $0xb8;
	[tilespmem:$0x18080] =	vst v63  }
0x74: {  	s9 =	rddreg [dreg:$0x1b]  }
0x75: {  	[tilespmem:s9], [sflag:$0x1] =	stream.indirect_vreg.gather [hbm4b:s5+s3], $0x80, v3, vm0, $0xb8;
	[tilespmem:$0x18080] =	vst v63  }
0x76: {  	v3 =	vld [tilespmem:$0x40];
	_ =	sdelay $0x4  }
0x77: {  	v60 =	vshrl.u32 v3, $0x3  }
0x78: {  	v4 =	vmul.u32 $0x30, v60  }
0x79: {  	v3 =	vand.u32 $0x7, v3  }
0x7a: {  	v3 =	vor.u32 v3, v4  }
0x7b: {  	v4 =	vperm.xlane v3, v0;
	_ =	sdelay $0x1  }
0x7c: {  	v4 =	vadd.s32 v1, v4;
	_ =	sdelay $0x3  }
0x7d: {  	s0 =	rddreg [dreg:$0x1c];
	v3 =	vperm.xlane v3, v2  }
0x7e: {  	[tilespmem:s0], [sflag:$0x1] =	stream.indirect_vreg.gather [hbm4b:s2+s3], $0x80, v4, vm0, $0xb8;
	[tilespmem:$0x18080] =	vst v63  }
0x7f: {  	s9 =	rddreg [dreg:$0x1d];
	v3 =	vadd.s32 v1, v3  }
0x80: {  	[tilespmem:s9], [sflag:$0x1] =	stream.indirect_vreg.gather [hbm4b:s4+s3], $0x80, v4, vm0, $0xb8;
	[tilespmem:$0x18080] =	vst v63  }
0x81: {  	s9 =	simm.s32 $0xD080  }
0x82: {  	[tilespmem:s9], [sflag:$0x1] =	stream.indirect_vreg.gather [hbm4b:s5+s3], $0x80, v4, vm0, $0xb8;
	[tilespmem:$0x18080] =	vst v63  }
0x83: {  	_ = 	snop  }
0x84: {  	[tilespmem:s10], [sflag:$0x1] =	stream.indirect_vreg.gather [hbm4b:s2+s3], $0x80, v3, vm0, $0xb8;
	[tilespmem:$0x18080] =	vst v63  }
0x85: {  	_ = 	snop  }
0x86: {  	[tilespmem:s11], [sflag:$0x1] =	stream.indirect_vreg.gather [hbm4b:s4+s3], $0x80, v3, vm0, $0xb8;
	[tilespmem:$0x18080] =	vst v63  }
0x87: {  	_ = 	snop  }
0x88: {  	[tilespmem:s12], [sflag:$0x1] =	stream.indirect_vreg.gather [hbm4b:s5+s3], $0x80, v3, vm0, $0xb8;
	[tilespmem:$0x18080] =	vst v63  }
0x89: {  	v3 =	vld [tilespmem:$0x50];
	_ =	sdelay $0x4  }
0x8a: {  	v61 =	vshrl.u32 v3, $0x3  }
0x8b: {  	v4 =	vmul.u32 $0x30, v61  }
0x8c: {  	v3 =	vand.u32 $0x7, v3  }
0x8d: {  	v3 =	vor.u32 v3, v4  }
0x8e: {  	v4 =	vperm.xlane v3, v0;
	_ =	sdelay $0x1  }
0x8f: {  	v4 =	vadd.s32 v1, v4;
	_ =	sdelay $0x3  }
0x90: {  	v3 =	vperm.xlane v3, v2  }
0x91: {  	[tilespmem:s13], [sflag:$0x1] =	stream.indirect_vreg.gather [hbm4b:s2+s3], $0x80, v4, vm0, $0xb8;
	[tilespmem:$0x18080] =	vst v63  }
0x92: {  	v3 =	vadd.s32 v1, v3  }
0x93: {  	[tilespmem:s14], [sflag:$0x1] =	stream.indirect_vreg.gather [hbm4b:s4+s3], $0x80, v4, vm0, $0xb8;
	[tilespmem:$0x18080] =	vst v63  }
0x94: {  	_ = 	snop  }
0x95: {  	[tilespmem:s15], [sflag:$0x1] =	stream.indirect_vreg.gather [hbm4b:s5+s3], $0x80, v4, vm0, $0xb8;
	[tilespmem:$0x18080] =	vst v63  }
0x96: {  	_ = 	snop  }
0x97: {  	[tilespmem:s16], [sflag:$0x1] =	stream.indirect_vreg.gather [hbm4b:s2+s3], $0x80, v3, vm0, $0xb8;
	[tilespmem:$0x18080] =	vst v63  }
0x98: {  	_ = 	snop  }
0x99: {  	[tilespmem:s17], [sflag:$0x1] =	stream.indirect_vreg.gather [hbm4b:s4+s3], $0x80, v3, vm0, $0xb8;
	[tilespmem:$0x18080] =	vst v63  }
0x9a: {  	_ = 	snop  }
0x9b: {  	[tilespmem:s18], [sflag:$0x1] =	stream.indirect_vreg.gather [hbm4b:s5+s3], $0x80, v3, vm0, $0xb8;
	[tilespmem:$0x18080] =	vst v63  }
0x9c: {  	v3 =	vld [tilespmem:$0x60];
	_ =	sdelay $0x4  }
0x9d: {  	v62 =	vshrl.u32 v3, $0x3  }
0x9e: {  	v4 =	vmul.u32 $0x30, v62  }
0x9f: {  	v3 =	vand.u32 $0x7, v3  }
0xa0: {  	v3 =	vor.u32 v3, v4  }
0xa1: {  	v4 =	vperm.xlane v3, v0;
	_ =	sdelay $0x1  }
0xa2: {  	v4 =	vadd.s32 v1, v4;
	_ =	sdelay $0x3  }
0xa3: {  	v3 =	vperm.xlane v3, v2  }
0xa4: {  	[tilespmem:s19], [sflag:$0x1] =	stream.indirect_vreg.gather [hbm4b:s2+s3], $0x80, v4, vm0, $0xb8;
	[tilespmem:$0x18080] =	vst v63  }
0xa5: {  	v3 =	vadd.s32 v1, v3  }
0xa6: {  	[tilespmem:s20], [sflag:$0x1] =	stream.indirect_vreg.gather [hbm4b:s4+s3], $0x80, v4, vm0, $0xb8;
	[tilespmem:$0x18080] =	vst v63  }
0xa7: {  	_ = 	snop  }
0xa8: {  	[tilespmem:s21], [sflag:$0x1] =	stream.indirect_vreg.gather [hbm4b:s5+s3], $0x80, v4, vm0, $0xb8;
	[tilespmem:$0x18080] =	vst v63  }
0xa9: {  	_ = 	snop  }
0xaa: {  	[tilespmem:s22], [sflag:$0x1] =	stream.indirect_vreg.gather [hbm4b:s2+s3], $0x80, v3, vm0, $0xb8;
	[tilespmem:$0x18080] =	vst v63  }
0xab: {  	_ = 	snop  }
0xac: {  	[tilespmem:s23], [sflag:$0x1] =	stream.indirect_vreg.gather [hbm4b:s4+s3], $0x80, v3, vm0, $0xb8;
	[tilespmem:$0x18080] =	vst v63  }
0xad: {  	_ = 	snop  }
0xae: {  	[tilespmem:s24], [sflag:$0x1] =	stream.indirect_vreg.gather [hbm4b:s5+s3], $0x80, v3, vm0, $0xb8;
	[tilespmem:$0x18080] =	vst v63  }
0xaf: {  	v3 =	vld [tilespmem:$0x70];
	_ =	sdelay $0x4  }
0xb0: {  	v63 =	vshrl.u32 v3, $0x3  }
0xb1: {  	v4 =	vmul.u32 $0x30, v63  }
0xb2: {  	v3 =	vand.u32 $0x7, v3  }
0xb3: {  	v3 =	vor.u32 v3, v4  }
0xb4: {  	v4 =	vperm.xlane v3, v0;
	_ =	sdelay $0x1  }
0xb5: {  	v4 =	vadd.s32 v1, v4;
	_ =	sdelay $0x3  }
0xb6: {  	v3 =	vperm.xlane v3, v2  }
0xb7: {  	[tilespmem:s25], [sflag:$0x1] =	stream.indirect_vreg.gather [hbm4b:s2+s3], $0x80, v4, vm0, $0xb8;
	[tilespmem:$0x18080] =	vst v63  }
0xb8: {  	v3 =	vadd.s32 v1, v3  }
0xb9: {  	[tilespmem:s26], [sflag:$0x1] =	stream.indirect_vreg.gather [hbm4b:s4+s3], $0x80, v4, vm0, $0xb8;
	[tilespmem:$0x18080] =	vst v63  }
0xba: {  	_ = 	snop  }
0xbb: {  	[tilespmem:s28], [sflag:$0x1] =	stream.indirect_vreg.gather [hbm4b:s5+s3], $0x80, v4, vm0, $0xb8;
	[tilespmem:$0x18080] =	vst v63  }
0xbc: {  	_ = 	snop  }
0xbd: {  	[tilespmem:s29], [sflag:$0x1] =	stream.indirect_vreg.gather [hbm4b:s2+s3], $0x80, v3, vm0, $0xb8;
	[tilespmem:$0x18080] =	vst v63  }
0xbe: {  	_ = 	snop  }
0xbf: {  	[tilespmem:s30], [sflag:$0x1] =	stream.indirect_vreg.gather [hbm4b:s4+s3], $0x80, v3, vm0, $0xb8;
	[tilespmem:$0x18080] =	vst v63  }
0xc0: {  	_ = 	snop  }
0xc1: {  	[tilespmem:s31], [sflag:$0x1] =	stream.indirect_vreg.gather [hbm4b:s5+s3], $0x80, v3, vm0, $0xb8;
	[tilespmem:$0x18080] =	vst v63  }
0xc2: {  	_ =	swait.ge [sflag:s1], $0x18000  }
0xc3: {  	p0 =	sne.s32 s6, $0x1;
	[sflag:s1] =	ssyncset.done $0x0  }
.Ltmp0:
0xc4: {  	s9 =	rddreg [dreg:$0x4];
	[sflag:s1] =	ssyncadd.s32 $0xFFFE8000;
	(pc) =	sbr.rel @p0 .LBB2_1-.Ltmp0, $4  }
0xc5: {  	[hbm4b:s9+s3] =	stream.linear.scatter [tilespmem:s8], [sflag:$0x2], $0x18000, $0x38;
	[tilespmem:$0x18080] =	vst v63  }
0xc6: {  	_ =	swait.ge [sflag:s7], $0x18000  }
0xc7: {  	[sflag:s7] =	ssyncset.done $0x0  }
0xc8: {  	s6 =	sadd.s32 $0xFFFFFFFF, s6;
	[sflag:s7] =	ssyncadd.s32 $0xFFFE8000  }
0xc9: {  	_ =	sfence.sel $0x180000  }
0xca: {  	[bflag:$0x0] =	sbarrier.arrive $0xFFFF  }
0xcb: {  	_ =	strace $0x90000050  }
0xcc: {  	s0 =	stileid.u32;
	[bflag:$0x2] =	sbarrier.arrive $0xFFFF  }
0xcd: {  	p0 =	sne.s32 s0, $0x0;
	s0 =	rddreg [dreg:$0x2]  }
0xce: {  	s0 =	sadd.s32 @!p0 $0x100000, s0  }
0xcf: {  	[sflag:s0] =	ssyncadd.tile.s32 @!p0 $0x1;
	_ =	shalt  }
.Lfunc_end2:
_tile_overlayer_lowered:
.L_overlay_start_2:
0xd0: {  	(tag) =	ssettag $0x2  }
0xd1: {  	s0 =	rddreg [dreg:$0x0];
	s2 =	stileid.u32  }
0xd2: {  	s1 =	rddreg [dreg:$0x1];
	p0 =	sne.s32 s2, $0x0  }
0xd3: {  	s3 =	rddreg [dreg:$0x2];
	[bflag:$0x3] =	sbarrier.arrive $0xFFFF;
	s2 =	simm.s32 @!p0 $0x1C02  }
0xd4: {  	[timem:s3], [sflag:s2] =	dma.local @!p0 [hbm:s0], s1  }
0xd5: {  	s0 =	simm.s32 @!p0 $0x2  }
0xd6: {  	_ =	swait.ge @!p0 [sflag:s0], s1  }
0xd7: {  	s1 =	ssub.s32 @!p0 $0x0, s1;
	[sflag:s0] =	ssyncset.done @!p0 $0x0  }
0xd8: {  	[sflag:s0] =	ssyncadd.s32 @!p0 s1  }
0xd9: {  	[bflag:$0x3] =	sbarrier.arrive $0xFFFF  }
0xda: {  	_ =	shalt  }

// kernel: scatter_offload_async_start
scs
__scs_entry_jumppad:
0x0: {  	(pc) =	sbr.rel $0x88, $3  }
0x1: {  	(tag) =	ssettag $0x0;
	lr =	simm.s32 $0x1  }
0x2: {  	[smem:$0x3F9B] =	sst lr;
	_ =	strace $0xD0000000  }
0x3: {  	_ = 	snop  }
0x4: {  	_ = 	snop  }
0x5: {  	_ = 	snop  }
0x6: {  	_ = 	snop  }
0x7: {  	_ = 	snop  }
__scs_overlays_trampoline_lowered:
0x8: {  	[smem:$0x3FAA] =	sst s0  }
0x9: {  	[smem:$0x3FAB] =	sst s1  }
0xa: {  	[smem:$0x3FAC] =	sst s2  }
0xb: {  	[smem:$0x3FAD] =	sst s3  }
0xc: {  	[smem:$0x3FAE] =	sst s4  }
0xd: {  	[smem:$0x3FAF] =	sst s5  }
0xe: {  	[smem:$0x3FB0] =	sst s6  }
0xf: {  	[smem:$0x3FB1] =	sst s7  }
0x10: {  	[smem:$0x3FB2] =	sst s8  }
0x11: {  	[smem:$0x3FB3] =	sst s9;
	s0 =	simm.s32 @!p0 $0x0  }
0x12: {  	s1 =	sld [smem:$0x3F99];
	s0 =	simm.s32 @p0 $0x1  }
0x13: {  	[smem:$0x3FB4] =	sst s0;
	s0 =	simm.s32 @!p1 $0x0  }
0x14: {  	s2 =	sld [smem:$0x3F98];
	s0 =	simm.s32 @p1 $0x1  }
0x15: {  	[smem:$0x3FB5] =	sst s0;
	s0 =	simm.s32 @!p2 $0x0  }
0x16: {  	s3 =	sld [smem:$0x3FDB];
	s0 =	simm.s32 @p2 $0x1  }
0x17: {  	s4 =	simm.s32 $0x1BF5;
	[smem:$0x3FB7] =	sst s0  }
0x18: {  	s0 =	sld [smem:$0x3F9A];
	_ =	swait.ge [sflag:s4], $0x0  }
0x19: {  	s7 =	sld [smem:$0x3F9B]  }
0x1a: {  	s8 =	sadd.s32 $0xFFFFE003, lr  }
0x1b: {  	s9 =	sadd.s32 $0xFFFFFEF7, lr;
	s5 =	simm.s32 $0xFFFFFFFF;
	p2 =	slt.u32 s8, $0xFFFFF086  }
0x1c: {  	p1 =	slt.u32 s9, $0xF7A;
	s5 =	simm.s32 @!p2 $0x0  }
0x1d: {  	s5 =	simm.s32 @p1 $0x1;
	p0 =	seq.s32 s7, s2  }
0x1e: {  	s7 =	smul.u32 @!p0 $0xF7A, s2;
	p2 =	seq.s32 @!p0 s5, $0x0  }
0x1f: {  	s9 =	smul.u32 $0xF7A, s1;
	s8 =	simm.s32 @!p0 $0x1BF5;
	p2 =	por !p2, p0  }
0x20: {  	[sflag:s8] =	ssyncset.s32 @!p0 $0xFFFFF086;
	s6 =	sadd.s32 @!p0 s3, s7;
	s7 =	simm.s32 @!p0 $0x108  }
0x21: {  	s3 =	sadd.s32 s3, s9;
	s6 =	sadd.s32 @!p0 $0x88, s6;
	s7 =	simm.s32 @p2 $0x1082  }
0x22: {  	[simem:s7], [sflag:s8] =	dma.local @!p0 [hbm:s6], $0xF7A  }
0x23: {  	s9 =	sor.u32 $0xD0000000, s2;
	s6 =	simm.s32 $0x108;
	_ =	swait.ge @!p0 [sflag:s8], $0x0  }
0x24: {  	s3 =	sadd.s32 $0x88, s3;
	s6 =	simm.s32 @!p1 $0x1082;
	[sflag:s4] =	ssyncset.s32 $0xFFFFF086  }
0x25: {  	[simem:s6], [sflag:s4] =	dma.local [hbm:s3], $0xF7A  }
0x26: {  	[smem:$0x3F9B] =	sst s1;
	(tag) =	ssettag s2;
	_ =	strace s9  }
0x27: {  	s1 =	sld [smem:$0x3FAB]  }
0x28: {  	s2 =	sld [smem:$0x3FAC]  }
0x29: {  	s4 =	sld [smem:$0x3FAE]  }
0x2a: {  	p0 =	seq.s32 s5, $0x0;
	s5 =	sld [smem:$0x3FAF]  }
0x2b: {  	s6 =	sld [smem:$0x3FB0]  }
0x2c: {  	s7 =	sld [smem:$0x3FB1]  }
0x2d: {  	s3 =	simm.s32 $0x108;
	s8 =	sld [smem:$0x3FB2]  }
0x2e: {  	s3 =	simm.s32 @!p0 $0x1082;
	s9 =	sld [smem:$0x3FB3]  }
0x2f: {  	lr =	sadd.s32 s0, s3;
	s0 =	sld [smem:$0x3FAA]  }
0x30: {  	s3 =	sld [smem:$0x3FAD]  }
0x31: {  	[smem:$0x3FB6] =	sst s10  }
0x32: {  	s10 =	sld [smem:$0x3FB4];
	_ =	sdelay $0x3  }
0x33: {  	p0 =	seq.s32 s10, $0x1;
	s10 =	sld [smem:$0x3FB6];
	_ =	sdelay $0x3  }
0x34: {  	[smem:$0x3FB6] =	sst s10  }
0x35: {  	s10 =	sld [smem:$0x3FB5];
	_ =	sdelay $0x3  }
0x36: {  	p1 =	seq.s32 s10, $0x1;
	s10 =	sld [smem:$0x3FB6];
	_ =	sdelay $0x3  }
0x37: {  	[smem:$0x3FB6] =	sst s10  }
0x38: {  	s10 =	sld [smem:$0x3FB7]  }
0x39: {  	_ = 	snop;
	(pc) =	sbr.ind lr, $3  }
0x3a: {  	_ = 	snop  }
0x3b: {  	_ = 	snop  }
0x3c: {  	p2 =	seq.s32 s10, $0x1;
	s10 =	sld [smem:$0x3FB6]  }
0x3d: {  	_ =	shalt  }
0x3e: {  	_ =	shalt  }
0x3f: {  	_ =	shalt  }
0x40: {  	_ =	shalt  }
0x41: {  	_ =	shalt  }
0x42: {  	_ =	shalt  }
0x43: {  	_ =	shalt  }
0x44: {  	_ =	shalt  }
0x45: {  	_ =	shalt  }
0x46: {  	_ =	shalt  }
0x47: {  	_ =	shalt  }
0x48: {  	_ =	shalt  }
0x49: {  	_ =	shalt  }
0x4a: {  	_ =	shalt  }
0x4b: {  	_ =	shalt  }
0x4c: {  	_ =	shalt  }
0x4d: {  	_ =	shalt  }
0x4e: {  	_ =	shalt  }
0x4f: {  	_ =	shalt  }
0x50: {  	_ =	shalt  }
0x51: {  	_ =	shalt  }
0x52: {  	_ =	shalt  }
0x53: {  	_ =	shalt  }
0x54: {  	_ =	shalt  }
0x55: {  	_ =	shalt  }
0x56: {  	_ =	shalt  }
0x57: {  	_ =	shalt  }
0x58: {  	_ =	shalt  }
0x59: {  	_ =	shalt  }
0x5a: {  	_ =	shalt  }
0x5b: {  	_ =	shalt  }
0x5c: {  	_ =	shalt  }
0x5d: {  	_ =	shalt  }
0x5e: {  	_ =	shalt  }
0x5f: {  	_ =	shalt  }
0x60: {  	_ =	shalt  }
0x61: {  	_ =	shalt  }
0x62: {  	_ =	shalt  }
0x63: {  	_ =	shalt  }
0x64: {  	_ =	shalt  }
0x65: {  	_ =	shalt  }
0x66: {  	_ =	shalt  }
0x67: {  	_ =	shalt  }
0x68: {  	_ =	shalt  }
0x69: {  	_ =	shalt  }
0x6a: {  	_ =	shalt  }
0x6b: {  	_ =	shalt  }
0x6c: {  	_ =	shalt  }
0x6d: {  	_ =	shalt  }
0x6e: {  	_ =	shalt  }
0x6f: {  	_ =	shalt  }
0x70: {  	_ =	shalt  }
0x71: {  	_ =	shalt  }
0x72: {  	_ =	shalt  }
0x73: {  	_ =	shalt  }
0x74: {  	_ =	shalt  }
0x75: {  	_ =	shalt  }
0x76: {  	_ =	shalt  }
0x77: {  	_ =	shalt  }
0x78: {  	_ =	shalt  }
0x79: {  	_ =	shalt  }
0x7a: {  	_ =	shalt  }
0x7b: {  	_ =	shalt  }
0x7c: {  	_ =	shalt  }
0x7d: {  	_ =	shalt  }
0x7e: {  	_ =	shalt  }
0x7f: {  	_ =	shalt  }
0x80: {  	_ =	shalt  }
0x81: {  	_ =	shalt  }
0x82: {  	_ =	shalt  }
0x83: {  	_ =	shalt  }
0x84: {  	_ =	shalt  }
0x85: {  	_ =	shalt  }
0x86: {  	_ =	shalt  }
0x87: {  	_ =	shalt  }
.Lfunc_end0:
.L_simem_size_0:
called_computation_lowered:
.L_overlay_start_0:
0x88: {  	s0 =	sld [smem:$0x3FD9]  }
0x89: {  	s1 =	sld [smem:$0x3FFE];
	_ =	sdelay $0x3  }
0x8a: {  	s0 =	sadd.s32 s1, s0  }
0x8b: {  	[smem:$0x3FC2] =	sst s0  }
0x8c: {  	_ = 	snop  }
0x8d: {  	s0 =	sld [smem:$0x3FD0];
	_ =	sdelay $0x2  }
0x8e: {  	s13 =	simm.s32 $0xC;
	s2 =	simm.s32 $0x10  }
0x8f: {  	[smem:s2], [sflag:s13] =	dma.local [hbm:s0], $0x1  }
0x90: {  	_ =	swait.eq [sflag:s13], $0x1  }
0x91: {  	[sflag:s13] =	ssyncset.done $0x0  }
0x92: {  	[sflag:s13] =	ssyncadd.s32 $0xFFFFFFFF  }
0x93: {  	s14 =	sld [smem:$0x10];
	(tm) =	ssettm $0x1  }
0x94: {  	s15 =	sld [smem:$0x3FFB];
	_ =	sdelay $0x3  }
0x95: {  	_ =	strace s15  }
0x96: {  	s1 =	sld [smem:$0x3FFC];
	_ =	sdelay $0x3  }
0x97: {  	_ =	strace s1  }
0x98: {  	s1 =	sld [smem:$0x3FFD];
	_ =	sdelay $0x3  }
0x99: {  	_ =	strace s1  }
0x9a: {  	_ =	strace $0x8FFFFFFF  }
0x9b: {  	s16 =	sld [smem:$0x3FDB];
	_ =	sdelay $0x1  }
0x9c: {  	s17 =	simm.s32 $_scs_section_size  }
0x9d: {  	s3 =	simm.s32 $_size__tile_overlayer_lowered;
	s4 =	simm.s32 $_tile_overlayer_lowered  }
0x9e: {  	s20 =	simm.s32 $0x1BFF;
	s19 =	sshll.u32 s4, $0x1;
	s1 =	sadd.s32 s17, s16  }
0x9f: {  	s5 =	simm.s32 $0x0;
	s18 =	sshll.u32 s3, $0x1;
	s3 =	sadd.s32 s19, s1  }
0xa0: {  	[timem:s5], [sflag:s20] =	dma.local [hbm:s3], s18  }
0xa1: {  	_ =	swait.ge [sflag:s20], s18  }
0xa2: {  	s2 =	ssub.s32 $0x0, s18;
	[sflag:s20] =	ssyncset.done $0x0  }
0xa3: {  	[sflag:s20] =	ssyncadd.s32 s2;
	_ =	sdelay $0x1  }
0xa4: {  	s21 =	simm.s32 $0x1B8B  }
0xa5: {  	_ =	swait.ge [sflag:s21], $0x1  }
0xa6: {  	[sflag:s21] =	ssyncset.done $0x0  }
0xa7: {  	s23 =	simm.s32 $0x1B8E;
	s22 =	sld [smem:$0x3FFE];
	[sflag:s21] =	ssyncadd.s32 $0xFFFFFFFF  }
0xa8: {  	s24 =	simm.s32 $execute0_lowered;
	[smem:$0x3FD2] =	sst s23  }
0xa9: {  	s3 =	sshll.u32 s24, $0x1;
	_ =	strace $0x80000046;
	[dreg:$0x1] =	wrdreg $0xFFFFFFFF  }
0xaa: {  	s25 =	simm.s32 $_size_execute0_lowered;
	s1 =	sadd.s32 s1, s3;
	[dreg:$0x0] =	wrdreg $0x0  }
0xab: {  	s3 =	sshll.u32 s25, $0x1;
	[dreg:$0x2] =	wrdreg s1  }
0xac: {  	[dreg:$0x3] =	wrdreg s3  }
0xad: {  	[dreg:$0x4] =	wrdreg $0xC0  }
0xae: {  	_ =	task [dreg:s5], $0x5FFFF  }
0xaf: {  	[dreg:$0x1] =	wrdreg $0xFFFFFFFF  }
0xb0: {  	[dreg:$0x0] =	wrdreg $0x60  }
0xb1: {  	[dreg:$0x2] =	wrdreg s22  }
0xb2: {  	[dreg:$0x3] =	wrdreg s14  }
0xb3: {  	[dreg:$0x4] =	wrdreg $0x9  }
0xb4: {  	_ =	task.clear_ibuf [dreg:s5], $0x5FFFF;
	_ =	strace $0x90000046  }
0xb5: {  	s26 =	simm.s32 $0x9;
	_ =	strace $0x80000048  }
0xb6: {  	_ =	swait.ge [sflag:s26], $0x1  }
0xb7: {  	[sflag:s26] =	ssyncadd.s32 $0xFFFFFFFF  }
0xb8: {  	_ =	strace $0x90000048  }
0xb9: {  	_ =	sfence  }
0xba: {  	s28 =	sld [smem:$0x0];
	_ =	sdelay $0x1  }
0xbb: {  	s29 =	srdreg.scid  }
0xbc: {  	s30 =	sshll.u32 s29, $0xD;
	s31 =	sshrl.u32 s29, $0x2  }
0xbd: {  	s2 =	sand.u32 $0x4000, s30;
	s1 =	sand.u32 $0x1, s29;
	s0 =	sadd.s32 s31, s28  }
0xbe: {  	s1 =	sor.u32 s2, s1;
	s0 =	sshll.u32 s0, $0x11  }
0xbf: {  	s0 =	sor.u32 s0, s1  }
0xc0: {  	s0 =	sadd.s32 $0x8F2B, s0  }
0xc1: {  	[sflag:s0] =	ssyncadd.remote.s32 $0x1  }
0xc2: {  	_ =	sfence.sel $0xFFFF  }
0xc3: {  	[dreg:$0x0] =	wrdreg $0xFFFFFFFF;
	(pc) =	sbr.abs _section_cstart, $3  }
0xc4: {  	[dreg:$0x1] =	wrdreg $0xFFFFFFFF  }
0xc5: {  	_ =	task.clear_ibuf [dreg:s5], $0x2FFFF;
	_ =	strace $0x9FFFFFFF  }
0xc6: {  	(tm) =	ssettm $0x7FFFFFFF  }
0xc7: {  	_ =	shalt  }
tec
execute0_lowered:
.L_overlay_start_1:
0x0: {  	(tag) =	ssettag $0x1  }
0x1: {  	s5 =	rddreg [dreg:$0x0]  }
0x2: {  	s6 =	rddreg [dreg:$0x1]  }
0x3: {  	s0 =	rddreg [dreg:$0x2];
	_ =	strace $0x80000047;
	s7 =	stileid.u32  }
0x4: {  	s3 =	simm.s32 $0x3E;
	s1 =	sadd.s32 $0x800, s5;
	p0 =	sne.s32 s7, $0x0  }
0x5: {  	[sflag:s3] =	ssyncpa.u1 $0x0;
	s4 =	simm.s32 @!p0 $0x1C3E;
	s2 =	simm.s32 @!p0 $0x0  }
0x6: {  	[spmem:s2], [sflag:s4] =	dma.local @!p0 [hbm:s1], $0x10  }
0x7: {  	s4 =	simm.s32 @!p0 $0x3E  }
0x8: {  	_ =	swait.ge @!p0 [sflag:s4], $0x10  }
0x9: {  	[sflag:s4] =	ssyncset.done @!p0 $0x0  }
0xa: {  	[sflag:s4] =	ssyncadd.s32 @!p0 $0xFFFFFFF0  }
0xb: {  	s9 =	simm.s32 $0x108;
	s8 =	sadd.s32 $0x600, s5;
	[bflag:$0x0] =	sbarrier.arrive $0xFFFF  }
0xc: {  	s7 =	sshll.u32 s7, $0x5;
	[sflag:s3] =	ssyncpa.u1 $0x1;
	s3 =	simm.s32 $0x1  }
0xd: {  	s5 =	simm.s32 $0x0;
	s4 =	simm.s32 $0x2;
	[sflag:s3] =	ssyncpa.u1 $0x0  }
0xe: {  	s6 =	sadd.s32 s6, s7;
	(ifvalue) =	ssetifvalue $0x80;
	[sflag:s4] =	ssyncpa.u1 $0x0  }
0xf: {  	[tilespmem:s9], [sflag:$0x2] =	stream.linear.gather [hbm4b:s6+s5], $0x100, $0x38;
	[tilespmem:$0x408] =	vst v63  }
0x10: {  	s23 =	simm.s32 $0x308;
	s22 =	sadd.s32 s8, s7  }
0x11: {  	[tilespmem:s23], [sflag:$0x2] =	stream.linear.gather [hbm4b:s22+s5], $0x100, $0x38;
	[tilespmem:$0x408] =	vst v63  }
0x12: {  	_ =	swait.ge [sflag:s4], $0x200  }
0x13: {  	[sflag:s4] =	ssyncset.done $0x0  }
0x14: {  	[sflag:s4] =	ssyncadd.s32 $0xFFFFFE00  }
0x15: {  	v0 =	vld.msk [tilespmem:s9+$0x0 ss:$0x1], $0xffff;
	_ =	sdelay $0x4  }
0x16: {  	v0 =	vmin.u32 v0, $0x80;
	_ =	sdelay $0x3  }
0x17: {  	vm0 =	vmmov $0xffff;
	s24 =	simm.s32 $0x118  }
0x18: {  	[spmem:s5] =	stream.indirect_vreg.scatter.add.s32 [tilespmem:s23], [sflag:$0x1], $0x1, v0, vm0, $0x4038;
	[tilespmem:$0x408] =	vst v63  }
0x19: {  	v0 =	vld.msk [tilespmem:s24+$0x0 ss:$0x1], $0xffff;
	_ =	sdelay $0x4  }
0x1a: {  	v0 =	vmin.u32 v0, $0x80;
	_ =	sdelay $0x3  }
0x1b: {  	s25 =	simm.s32 $0x318;
	s26 =	simm.s32 $0x128  }
0x1c: {  	[spmem:s5] =	stream.indirect_vreg.scatter.add.s32 [tilespmem:s25], [sflag:$0x1], $0x1, v0, vm0, $0x4038;
	[tilespmem:$0x408] =	vst v63  }
0x1d: {  	v0 =	vld.msk [tilespmem:s26+$0x0 ss:$0x1], $0xffff;
	_ =	sdelay $0x4  }
0x1e: {  	v0 =	vmin.u32 v0, $0x80;
	_ =	sdelay $0x3  }
0x1f: {  	s28 =	simm.s32 $0x328;
	s29 =	simm.s32 $0x138  }
0x20: {  	[spmem:s5] =	stream.indirect_vreg.scatter.add.s32 [tilespmem:s28], [sflag:$0x1], $0x1, v0, vm0, $0x4038;
	[tilespmem:$0x408] =	vst v63  }
0x21: {  	v0 =	vld.msk [tilespmem:s29+$0x0 ss:$0x1], $0xffff;
	_ =	sdelay $0x4  }
0x22: {  	v0 =	vmin.u32 v0, $0x80;
	_ =	sdelay $0x3  }
0x23: {  	s30 =	simm.s32 $0x338;
	s31 =	simm.s32 $0x148  }
0x24: {  	[spmem:s5] =	stream.indirect_vreg.scatter.add.s32 [tilespmem:s30], [sflag:$0x1], $0x1, v0, vm0, $0x4038;
	[tilespmem:$0x408] =	vst v63  }
0x25: {  	v0 =	vld.msk [tilespmem:s31+$0x0 ss:$0x1], $0xffff;
	_ =	sdelay $0x4  }
0x26: {  	v0 =	vmin.u32 v0, $0x80;
	_ =	sdelay $0x3  }
0x27: {  	s7 =	simm.s32 $0x348;
	s8 =	simm.s32 $0x158  }
0x28: {  	[spmem:s5] =	stream.indirect_vreg.scatter.add.s32 [tilespmem:s7], [sflag:$0x1], $0x1, v0, vm0, $0x4038;
	[tilespmem:$0x408] =	vst v63  }
0x29: {  	v0 =	vld.msk [tilespmem:s8+$0x0 ss:$0x1], $0xffff;
	_ =	sdelay $0x4  }
0x2a: {  	v0 =	vmin.u32 v0, $0x80;
	_ =	sdelay $0x3  }
0x2b: {  	s10 =	simm.s32 $0x168;
	s9 =	simm.s32 $0x358  }
0x2c: {  	[spmem:s5] =	stream.indirect_vreg.scatter.add.s32 [tilespmem:s9], [sflag:$0x1], $0x1, v0, vm0, $0x4038;
	[tilespmem:$0x408] =	vst v63  }
0x2d: {  	v0 =	vld.msk [tilespmem:s10+$0x0 ss:$0x1], $0xffff;
	_ =	sdelay $0x4  }
0x2e: {  	v0 =	vmin.u32 v0, $0x80;
	_ =	sdelay $0x3  }
0x2f: {  	s11 =	simm.s32 $0x368;
	s12 =	simm.s32 $0x178  }
0x30: {  	[spmem:s5] =	stream.indirect_vreg.scatter.add.s32 [tilespmem:s11], [sflag:$0x1], $0x1, v0, vm0, $0x4038;
	[tilespmem:$0x408] =	vst v63  }
0x31: {  	v0 =	vld.msk [tilespmem:s12+$0x0 ss:$0x1], $0xffff;
	_ =	sdelay $0x4  }
0x32: {  	v0 =	vmin.u32 v0, $0x80;
	_ =	sdelay $0x3  }
0x33: {  	s13 =	simm.s32 $0x378;
	s14 =	simm.s32 $0x188  }
0x34: {  	[spmem:s5] =	stream.indirect_vreg.scatter.add.s32 [tilespmem:s13], [sflag:$0x1], $0x1, v0, vm0, $0x4038;
	[tilespmem:$0x408] =	vst v63  }
0x35: {  	v0 =	vld.msk [tilespmem:s14+$0x0 ss:$0x1], $0xffff;
	_ =	sdelay $0x4  }
0x36: {  	v0 =	vmin.u32 v0, $0x80;
	_ =	sdelay $0x3  }
0x37: {  	s15 =	simm.s32 $0x388;
	s16 =	simm.s32 $0x198  }
0x38: {  	[spmem:s5] =	stream.indirect_vreg.scatter.add.s32 [tilespmem:s15], [sflag:$0x1], $0x1, v0, vm0, $0x4038;
	[tilespmem:$0x408] =	vst v63  }
0x39: {  	v0 =	vld.msk [tilespmem:s16+$0x0 ss:$0x1], $0xffff;
	_ =	sdelay $0x4  }
0x3a: {  	v0 =	vmin.u32 v0, $0x80;
	_ =	sdelay $0x3  }
0x3b: {  	s17 =	simm.s32 $0x398;
	s18 =	simm.s32 $0x1A8  }
0x3c: {  	[spmem:s5] =	stream.indirect_vreg.scatter.add.s32 [tilespmem:s17], [sflag:$0x1], $0x1, v0, vm0, $0x4038;
	[tilespmem:$0x408] =	vst v63  }
0x3d: {  	v0 =	vld.msk [tilespmem:s18+$0x0 ss:$0x1], $0xffff;
	_ =	sdelay $0x4  }
0x3e: {  	v0 =	vmin.u32 v0, $0x80;
	_ =	sdelay $0x3  }
0x3f: {  	s19 =	simm.s32 $0x3A8;
	s20 =	simm.s32 $0x1B8  }
0x40: {  	[spmem:s5] =	stream.indirect_vreg.scatter.add.s32 [tilespmem:s19], [sflag:$0x1], $0x1, v0, vm0, $0x4038;
	[tilespmem:$0x408] =	vst v63  }
0x41: {  	v0 =	vld.msk [tilespmem:s20+$0x0 ss:$0x1], $0xffff;
	_ =	sdelay $0x4  }
0x42: {  	v0 =	vmin.u32 v0, $0x80;
	_ =	sdelay $0x3  }
0x43: {  	s21 =	simm.s32 $0x3B8;
	s22 =	simm.s32 $0x1C8  }
0x44: {  	[spmem:s5] =	stream.indirect_vreg.scatter.add.s32 [tilespmem:s21], [sflag:$0x1], $0x1, v0, vm0, $0x4038;
	[tilespmem:$0x408] =	vst v63  }
0x45: {  	v0 =	vld.msk [tilespmem:s22+$0x0 ss:$0x1], $0xffff;
	_ =	sdelay $0x4  }
0x46: {  	v0 =	vmin.u32 v0, $0x80;
	_ =	sdelay $0x3  }
0x47: {  	s23 =	simm.s32 $0x3C8;
	s24 =	simm.s32 $0x1D8  }
0x48: {  	[spmem:s5] =	stream.indirect_vreg.scatter.add.s32 [tilespmem:s23], [sflag:$0x1], $0x1, v0, vm0, $0x4038;
	[tilespmem:$0x408] =	vst v63  }
0x49: {  	v0 =	vld.msk [tilespmem:s24+$0x0 ss:$0x1], $0xffff;
	_ =	sdelay $0x4  }
0x4a: {  	v0 =	vmin.u32 v0, $0x80;
	_ =	sdelay $0x3  }
0x4b: {  	s25 =	simm.s32 $0x3D8;
	s26 =	simm.s32 $0x1E8  }
0x4c: {  	[spmem:s5] =	stream.indirect_vreg.scatter.add.s32 [tilespmem:s25], [sflag:$0x1], $0x1, v0, vm0, $0x4038;
	[tilespmem:$0x408] =	vst v63  }
0x4d: {  	v0 =	vld.msk [tilespmem:s26+$0x0 ss:$0x1], $0xffff;
	_ =	sdelay $0x4  }
0x4e: {  	v0 =	vmin.u32 v0, $0x80;
	_ =	sdelay $0x3  }
0x4f: {  	s28 =	simm.s32 $0x3E8;
	s29 =	simm.s32 $0x1F8  }
0x50: {  	[spmem:s5] =	stream.indirect_vreg.scatter.add.s32 [tilespmem:s28], [sflag:$0x1], $0x1, v0, vm0, $0x4038;
	[tilespmem:$0x408] =	vst v63  }
0x51: {  	v0 =	vld.msk [tilespmem:s29+$0x0 ss:$0x1], $0xffff;
	_ =	sdelay $0x4  }
0x52: {  	v0 =	vmin.u32 v0, $0x80;
	_ =	sdelay $0x3  }
0x53: {  	s30 =	simm.s32 $0x3F8  }
0x54: {  	[spmem:s5] =	stream.indirect_vreg.scatter.add.s32 [tilespmem:s30], [sflag:$0x1], $0x1, v0, vm0, $0x4038;
	[tilespmem:$0x408] =	vst v63  }
0x55: {  	_ =	swait.ge [sflag:s3], $0x100  }
0x56: {  	[sflag:s3] =	ssyncset.done $0x0  }
0x57: {  	[sflag:s3] =	ssyncadd.s32 $0xFFFFFF00  }
0x58: {  	_ =	sfence.sel $0x180000  }
0x59: {  	[bflag:$0x0] =	sbarrier.arrive $0xFFFF  }
0x5a: {  	[sflag:s4] =	ssyncpa.u1 $0x1  }
0x5b: {  	[sflag:s3] =	ssyncpa.u1 $0x1  }
0x5c: {  	_ =	sfence.stream.spmem  }
0x5d: {  	s31 =	simm.s32 $0x3D;
	[bflag:$0x0] =	sbarrier.arrive $0xFFFF  }
0x5e: {  	s3 =	simm.s32 @p0 $0x3D;
	[sflag:s31] =	ssyncpa.u1 $0x0  }
0x5f: {  	[sflag:s3] =	ssyncpa.u1 @p0 $0x1  }
0x60: {  	[bflag:$0x0] =	sbarrier.arrive @p0 $0xFFFF  }
0x61: {  	_ =	strace @p0 $0x90000047  }
0x62: {  	s3 =	simm.s32 @!p0 $0x1C3D;
	[bflag:$0x2] =	sbarrier.arrive @p0 $0xFFFF  }
0x63: {  	[hbm:s1], [sflag:s3] =	dma.local @!p0 [spmem:s2], $0x10  }
0x64: {  	s1 =	simm.s32 @!p0 $0x3D  }
0x65: {  	_ =	swait.ge @!p0 [sflag:s1], $0x10  }
0x66: {  	[sflag:s1] =	ssyncset.done @!p0 $0x0  }
0x67: {  	[sflag:s1] =	ssyncadd.s32 @!p0 $0xFFFFFFF0  }
0x68: {  	[sflag:s1] =	ssyncpa.u1 @!p0 $0x1  }
0x69: {  	[bflag:$0x0] =	sbarrier.arrive @!p0 $0xFFFF  }
0x6a: {  	_ =	strace @!p0 $0x90000047  }
0x6b: {  	s0 =	sadd.s32 @!p0 $0x100000, s0;
	[bflag:$0x2] =	sbarrier.arrive @!p0 $0xFFFF  }
0x6c: {  	[sflag:s0] =	ssyncadd.tile.s32 @!p0 $0x1;
	_ =	shalt  }
.Lfunc_end2:
_tile_overlayer_lowered:
.L_overlay_start_2:
0x6d: {  	(tag) =	ssettag $0x2  }
0x6e: {  	s0 =	rddreg [dreg:$0x0];
	s2 =	stileid.u32  }
0x6f: {  	s1 =	rddreg [dreg:$0x1];
	p0 =	sne.s32 s2, $0x0  }
0x70: {  	s3 =	rddreg [dreg:$0x2];
	[bflag:$0x3] =	sbarrier.arrive $0xFFFF;
	s2 =	simm.s32 @!p0 $0x1C01  }
0x71: {  	[timem:s3], [sflag:s2] =	dma.local @!p0 [hbm:s0], s1  }
0x72: {  	s0 =	simm.s32 @!p0 $0x1  }
0x73: {  	_ =	swait.ge @!p0 [sflag:s0], s1  }
0x74: {  	s1 =	ssub.s32 @!p0 $0x0, s1;
	[sflag:s0] =	ssyncset.done @!p0 $0x0  }
0x75: {  	[sflag:s0] =	ssyncadd.s32 @!p0 s1  }
0x76: {  	[bflag:$0x3] =	sbarrier.arrive $0xFFFF  }
0x77: {  	_ =	shalt  }

</sc_bundles>
